<compile_context>
chip_gen: v7x
topology: tpu7x:2x2x1
jax: 0.10.2.dev20260603
libtpu: 0.0.44.dev20260713+nightly
codegen_flags: <defaults>
</compile_context>

<pallas_src>
import jax
import jax.numpy as jnp
from jax import lax
from jax.experimental import pallas as pl
from jax.experimental.pallas import tpu as pltpu
from jax.experimental.pallas import tpu_sc as plsc

_B = 16384
_PG_D, _CG_D, _IN_D = 64, 128, 32
_OUT_D = _PG_D + _CG_D + _IN_D
_NROW = _OUT_D // 8
_CHUNK = 2048
_NCHUNK = _B // _CHUNK
_NTASK = _NROW * _NCHUNK


def _build(nc, ns):
    nw = nc * ns
    tpw = _NTASK // nw

    def body(pg_i, cg_i, in_i, tab, out,
             idxv0, idxv1, tv0, tv1, stage0, stage1,
             isem0, isem1, osem0, osem1):
        wid = lax.axis_index("s") * nc + lax.axis_index("c")
        idxv = (idxv0, idxv1)
        tv = (tv0, tv1)
        stage = (stage0, stage1)
        isem = (isem0, isem1)
        osem = (osem0, osem1)
        idx_refs = (pg_i, cg_i, in_i)

        def params(j):
            t = j * nw + wid
            r = t // _NCHUNK
            c0 = (t % _NCHUNK) * _CHUNK
            tid = (r >= 8).astype(jnp.int32) + (r >= 24).astype(jnp.int32)
            return r, c0, tid

        def issue_in(j, b):
            r, c0, tid = params(j)
            for t in range(3):
                @pl.when(tid == t)
                def _():
                    pltpu.async_copy(
                        idx_refs[t].at[pl.ds(c0, _CHUNK)], idxv[b], isem[b])
            for q in range(8):
                pltpu.async_copy(
                    tab.at[pl.ds(r * 8, 8), pl.ds(q * 128, 128)],
                    tv[b].at[q], isem[b])

        def wait_in(b):
            pltpu.make_async_copy(
                pg_i.at[pl.ds(0, _CHUNK)], idxv[b], isem[b]).wait()
            for q in range(8):
                pltpu.make_async_copy(
                    tab.at[pl.ds(0, 8), pl.ds(0, 128)], tv[b].at[q],
                    isem[b]).wait()

        def compute(b):
            @plsc.parallel_loop(0, _CHUNK // 16, unroll=8)
            def gather_groups(g):
                i = lax.shift_right_logical(g, 3)
                s0 = lax.bitwise_and(g, 7) * 16
                idx16 = idxv[b][pl.ds(g * 16, 16)]
                q = lax.shift_right_logical(idx16, 7)
                l = lax.bitwise_and(idx16, 127)
                for k in range(8):
                    kv = jnp.full((16,), k, jnp.int32)
                    v = plsc.load_gather(tv[b], [q, kv, l])
                    stage[b][i, k, pl.ds(s0, 16)] = v

        def fire_out(j, b):
            r, c0, _ = params(j)
            for i in range(_CHUNK // 128):
                pltpu.async_copy(
                    stage[b].at[i],
                    out.at[pl.ds(r * 8, 8), pl.ds(c0 + i * 128, 128)],
                    osem[b])

        def wait_out(b):
            for i in range(_CHUNK // 128):
                pltpu.make_async_copy(
                    stage[b].at[i],
                    out.at[pl.ds(0, 8), pl.ds(i * 128, 128)],
                    osem[b]).wait()

        issue_in(0, 0)

        def pair(jj, carry):
            issue_in(2 * jj + 1, 1)
            wait_in(0)

            @pl.when(jj > 0)
            def _():
                wait_out(0)
            compute(0)
            fire_out(2 * jj, 0)

            issue_in(2 * jj + 2, 0)
            wait_in(1)

            @pl.when(jj > 0)
            def _():
                wait_out(1)
            compute(1)
            fire_out(2 * jj + 1, 1)
            return carry

        lax.fori_loop(0, (tpw - 1) // 2, pair, 0)
        wait_in(0)
        wait_out(0)
        compute(0)
        fire_out(tpw - 1, 0)
        wait_out(0)
        wait_out(1)

    mesh = plsc.VectorSubcoreMesh(core_axis_name="c", subcore_axis_name="s")
    return pl.kernel(
        body,
        out_type=jax.ShapeDtypeStruct((_OUT_D, _B), jnp.float32),
        mesh=mesh,
        compiler_params=pltpu.CompilerParams(
            use_tc_tiling_on_sc=True, needs_layout_passes=False),
        scratch_types=[
            pltpu.VMEM((_CHUNK,), jnp.int32),
            pltpu.VMEM((_CHUNK,), jnp.int32),
            pltpu.VMEM((8, 8, 128), jnp.float32),
            pltpu.VMEM((8, 8, 128), jnp.float32),
            pltpu.VMEM((_CHUNK // 128, 8, 128), jnp.float32),
            pltpu.VMEM((_CHUNK // 128, 8, 128), jnp.float32),
            pltpu.SemaphoreType.DMA,
            pltpu.SemaphoreType.DMA,
            pltpu.SemaphoreType.DMA,
            pltpu.SemaphoreType.DMA,
        ],
    )


def kernel(product_groups, color_groups, index_name,
           product_group_table, color_group_table, index_name_table):
    info = plsc.get_sparse_core_info()
    k = _build(info.num_cores, info.num_subcores)
    tab = jnp.pad(
        jnp.concatenate([product_group_table.T, color_group_table.T,
                         index_name_table.T], axis=0),
        ((0, 0), (0, 24)))
    out = k(product_groups.astype(jnp.int32),
            color_groups.astype(jnp.int32),
            index_name.astype(jnp.int32), tab)
    return out.T

# --- scband reference (transcript-rebuilt; emitter-appended) ---
"""Pipeline reference for scband-products-nn-29824252903501 (READ-ONLY COPY).

The authoritative reference and input builder live on the scoring server;
editing this copy changes nothing except your own understanding.
"""

import jax, jax.numpy as jnp
import numpy as np


def setup_inputs(seed: int = 0) -> dict:
    key = jax.random.key(seed)
    k1, k2, k3, k4, k5, k6 = jax.random.split(key, 6)
    B = 16384
    num_product_groups = 1000
    num_color_groups = 1000
    num_index_name = 1000
    pg_dim, cg_dim, in_dim = 64, 128, 32
    product_groups = jax.random.randint(k1, (B,), 0, num_product_groups, dtype=jnp.int64 if jax.config.jax_enable_x64 else jnp.int32)
    color_groups = jax.random.randint(k2, (B,), 0, num_color_groups, dtype=jnp.int64 if jax.config.jax_enable_x64 else jnp.int32)
    index_name = jax.random.randint(k3, (B,), 0, num_index_name, dtype=jnp.int64 if jax.config.jax_enable_x64 else jnp.int32)
    product_group_table = jax.random.normal(k4, (num_product_groups, pg_dim), dtype=jnp.float32)
    color_group_table = jax.random.normal(k5, (num_color_groups, cg_dim), dtype=jnp.float32)
    index_name_table = jax.random.normal(k6, (num_index_name, in_dim), dtype=jnp.float32)
    return {
        "product_groups": product_groups,
        "color_groups": color_groups,
        "index_name": index_name,
        "product_group_table": product_group_table,
        "color_group_table": color_group_table,
        "index_name_table": index_name_table,
    }


def reference(product_groups, color_groups, index_name, product_group_table, color_group_table, index_name_table):
    product_group_embedding = jnp.take(product_group_table, product_groups, axis=0)
    color_group_embedding = jnp.take(color_group_table, color_groups, axis=0)
    index_name_embedding = jnp.take(index_name_table, index_name, axis=0)
    latent_vec = jnp.concatenate([product_group_embedding, color_group_embedding, index_name_embedding], axis=-1)
    return latent_vec

if __name__ == "__main__":
    import jax
    _d = setup_inputs()
    print(jax.jit(kernel)(*tuple(_d.values())))

</pallas_src>

<mosaic_0001>
#map = affine_map<(d0, d1) -> (0)>
#map1 = affine_map<(d0, d1) -> (0, 0)>
module attributes {stable_mosaic.version = 14 : i64} {
  func.func @body(%arg0: i32, %arg1: i32, %arg2: memref<16384xi32, #tpu.memory_space<hbm>>, %arg3: memref<16384xi32, #tpu.memory_space<hbm>>, %arg4: memref<16384xi32, #tpu.memory_space<hbm>>, %arg5: memref<224x1024xf32, #tpu.memory_space<hbm>>, %arg6: memref<224x16384xf32, #tpu.memory_space<hbm>>, %arg7: memref<2048xi32, #tpu.memory_space<vmem>>, %arg8: memref<2048xi32, #tpu.memory_space<vmem>>, %arg9: memref<8x8x128xf32, #tpu.memory_space<vmem>>, %arg10: memref<8x8x128xf32, #tpu.memory_space<vmem>>, %arg11: memref<16x8x128xf32, #tpu.memory_space<vmem>>, %arg12: memref<16x8x128xf32, #tpu.memory_space<vmem>>, %arg13: memref<!tpu.dma_semaphore, #tpu.memory_space<semaphore_mem>>, %arg14: memref<!tpu.dma_semaphore, #tpu.memory_space<semaphore_mem>>, %arg15: memref<!tpu.dma_semaphore, #tpu.memory_space<semaphore_mem>>, %arg16: memref<!tpu.dma_semaphore, #tpu.memory_space<semaphore_mem>>) attributes {dimension_semantics = [#tpu.dimension_semantics<core_parallel>, #tpu.dimension_semantics<subcore_parallel>], iteration_bounds = array<i64: 2, 16>, scalar_prefetch = 0 : i64, scratch_operands = 10 : i64, tpu.core_type = #tpu.core_type<sc_vector_subcore>, window_params = [{transform_indices = #map}, {transform_indices = #map}, {transform_indices = #map}, {transform_indices = #map1}, {transform_indices = #map1}]} {
    %mul3A = arith.constant 2 : i32
    %mul3A_0 = arith.muli %arg1, %mul3A : i32
    %add3A = arith.addi %mul3A_0, %arg0 : i32
    %add3A_1 = arith.constant 0 : i32
    %add3A_2 = arith.addi %add3A_1, %add3A : i32
    %jit3A = arith.constant 8 : i32
    %div3A = arith.divsi %add3A_2, %jit3A : i32
    %sign3A = arith.constant 0 : i32
    %sign3A_3 = arith.cmpi sgt, %add3A_2, %sign3A : i32
    %sign3A_4 = arith.extui %sign3A_3 : i1 to i32
    %sign3A_5 = arith.constant 0 : i32
    %sign3A_6 = arith.cmpi slt, %add3A_2, %sign3A_5 : i32
    %sign3A_7 = arith.extui %sign3A_6 : i1 to i32
    %sign3A_8 = arith.subi %sign3A_4, %sign3A_7 : i32
    %sign3A_9 = arith.constant 0 : i32
    %sign3A_10 = arith.cmpi sgt, %jit3A, %sign3A_9 : i32
    %sign3A_11 = arith.extui %sign3A_10 : i1 to i32
    %sign3A_12 = arith.constant 0 : i32
    %sign3A_13 = arith.cmpi slt, %jit3A, %sign3A_12 : i32
    %sign3A_14 = arith.extui %sign3A_13 : i1 to i32
    %sign3A_15 = arith.subi %sign3A_11, %sign3A_14 : i32
    %ne3A = arith.cmpi ne, %sign3A_8, %sign3A_15 : i32
    %rem3A = arith.remsi %add3A_2, %jit3A : i32
    %ne3A_16 = arith.constant 0 : i32
    %ne3A_17 = arith.cmpi ne, %rem3A, %ne3A_16 : i32
    %and3A = arith.andi %ne3A, %ne3A_17 : i1
    %sub3A = arith.constant 1 : i32
    %sub3A_18 = arith.subi %div3A, %sub3A : i32
    %select_n3A = arith.select %and3A, %sub3A_18, %div3A : i32
    %jit3A_19 = arith.constant 8 : i32
    %eq3A = arith.constant 0 : i32
    %eq3A_20 = arith.cmpi eq, %jit3A_19, %eq3A : i32
    %jit3A_21 = arith.constant 1 : i32
    %select_n3A_22 = arith.select %eq3A_20, %jit3A_21, %jit3A_19 : i32
    %rem3A_23 = arith.remsi %add3A_2, %select_n3A_22 : i32
    %ne3A_24 = arith.constant 0 : i32
    %ne3A_25 = arith.cmpi ne, %rem3A_23, %ne3A_24 : i32
    %lt3A = arith.constant 0 : i32
    %lt3A_26 = arith.cmpi slt, %rem3A_23, %lt3A : i32
    %lt3A_27 = arith.constant 0 : i32
    %lt3A_28 = arith.cmpi slt, %select_n3A_22, %lt3A_27 : i32
    %ne3A_29 = arith.xori %lt3A_26, %lt3A_28 : i1
    %and3A_30 = arith.andi %ne3A_29, %ne3A_25 : i1
    %add3A_31 = arith.addi %rem3A_23, %select_n3A_22 : i32
    %select_n3A_32 = arith.select %and3A_30, %add3A_31, %rem3A_23 : i32
    %mul3A_33 = arith.constant 2048 : i32
    %mul3A_34 = arith.muli %select_n3A_32, %mul3A_33 : i32
    %ge3A = arith.constant 8 : i32
    %ge3A_35 = arith.cmpi sge, %select_n3A, %ge3A : i32
    %convert_element_type3A = arith.extui %ge3A_35 : i1 to i32
    %ge3A_36 = arith.constant 24 : i32
    %ge3A_37 = arith.cmpi sge, %select_n3A, %ge3A_36 : i32
    %convert_element_type3A_38 = arith.extui %ge3A_37 : i1 to i32
    %add3A_39 = arith.addi %convert_element_type3A, %convert_element_type3A_38 : i32
    %eq3A_40 = arith.constant 0 : i32
    %eq3A_41 = arith.cmpi eq, %add3A_39, %eq3A_40 : i32
    %convert_element_type3A_42 = arith.extui %eq3A_41 : i1 to i32
    %cond3A = arith.constant 0 : i32
    %cond3A_43 = arith.cmpi ne, %convert_element_type3A_42, %cond3A : i32
    scf.if %cond3A_43 {
      %dma_start3A_1314 = tpu.memref_slice %arg2[%mul3A_34] : memref<16384xi32, #tpu.memory_space<hbm>> -> memref<2048xi32, #tpu.memory_space<hbm>>
      %dma_start3A_1315 = tpu.memref_slice %arg2[%mul3A_34] : memref<16384xi32, #tpu.memory_space<hbm>> -> memref<2048xi32, #tpu.memory_space<hbm>>
      tpu.enqueue_dma source(%dma_start3A_1315 : memref<2048xi32, #tpu.memory_space<hbm>>) target(%arg7 : memref<2048xi32, #tpu.memory_space<vmem>>) target_semaphore(%arg13 : memref<!tpu.dma_semaphore, #tpu.memory_space<semaphore_mem>>)
    } else {
    }
    %eq3A_44 = arith.constant 1 : i32
    %eq3A_45 = arith.cmpi eq, %add3A_39, %eq3A_44 : i32
    %convert_element_type3A_46 = arith.extui %eq3A_45 : i1 to i32
    %cond3A_47 = arith.constant 0 : i32
    %cond3A_48 = arith.cmpi ne, %convert_element_type3A_46, %cond3A_47 : i32
    scf.if %cond3A_48 {
      %dma_start3A_1314 = tpu.memref_slice %arg3[%mul3A_34] : memref<16384xi32, #tpu.memory_space<hbm>> -> memref<2048xi32, #tpu.memory_space<hbm>>
      %dma_start3A_1315 = tpu.memref_slice %arg3[%mul3A_34] : memref<16384xi32, #tpu.memory_space<hbm>> -> memref<2048xi32, #tpu.memory_space<hbm>>
      tpu.enqueue_dma source(%dma_start3A_1315 : memref<2048xi32, #tpu.memory_space<hbm>>) target(%arg7 : memref<2048xi32, #tpu.memory_space<vmem>>) target_semaphore(%arg13 : memref<!tpu.dma_semaphore, #tpu.memory_space<semaphore_mem>>)
    } else {
    }
    %eq3A_49 = arith.constant 2 : i32
    %eq3A_50 = arith.cmpi eq, %add3A_39, %eq3A_49 : i32
    %convert_element_type3A_51 = arith.extui %eq3A_50 : i1 to i32
    %cond3A_52 = arith.constant 0 : i32
    %cond3A_53 = arith.cmpi ne, %convert_element_type3A_51, %cond3A_52 : i32
    scf.if %cond3A_53 {
      %dma_start3A_1314 = tpu.memref_slice %arg4[%mul3A_34] : memref<16384xi32, #tpu.memory_space<hbm>> -> memref<2048xi32, #tpu.memory_space<hbm>>
      %dma_start3A_1315 = tpu.memref_slice %arg4[%mul3A_34] : memref<16384xi32, #tpu.memory_space<hbm>> -> memref<2048xi32, #tpu.memory_space<hbm>>
      tpu.enqueue_dma source(%dma_start3A_1315 : memref<2048xi32, #tpu.memory_space<hbm>>) target(%arg7 : memref<2048xi32, #tpu.memory_space<vmem>>) target_semaphore(%arg13 : memref<!tpu.dma_semaphore, #tpu.memory_space<semaphore_mem>>)
    } else {
    }
    %mul3A_54 = arith.constant 8 : i32
    %mul3A_55 = arith.muli %select_n3A, %mul3A_54 : i32
    %dma_start3A = arith.constant 0 : i32
    %dma_start3A_56 = arith.constant 0 : i32
    %dma_start3A_57 = arith.constant 0 : i32
    %dma_start3A_58 = tpu.memref_slice %arg9[%dma_start3A, %dma_start3A_56, %dma_start3A_57] : memref<8x8x128xf32, #tpu.memory_space<vmem>> -> memref<1x8x128xf32, #tpu.memory_space<vmem>>
    %dma_start3A_59 = tpu.memref_squeeze %dma_start3A_58 : memref<1x8x128xf32, #tpu.memory_space<vmem>> -> memref<8x128xf32, #tpu.memory_space<vmem>>
    %dma_start3A_60 = arith.constant 0 : i32
    %dma_start3A_61 = tpu.memref_slice %arg5[%mul3A_55, %dma_start3A_60] : memref<224x1024xf32, #tpu.memory_space<hbm>> -> memref<8x128xf32, #tpu.memory_space<hbm>>
    %dma_start3A_62 = arith.constant 0 : i32
    %dma_start3A_63 = arith.constant 0 : i32
    %dma_start3A_64 = tpu.memref_slice %arg9[%dma_start3A, %dma_start3A_62, %dma_start3A_63] : memref<8x8x128xf32, #tpu.memory_space<vmem>> -> memref<1x8x128xf32, #tpu.memory_space<vmem>>
    %dma_start3A_65 = tpu.memref_squeeze %dma_start3A_64 : memref<1x8x128xf32, #tpu.memory_space<vmem>> -> memref<8x128xf32, #tpu.memory_space<vmem>>
    %dma_start3A_66 = arith.constant 0 : i32
    %dma_start3A_67 = tpu.memref_slice %arg5[%mul3A_55, %dma_start3A_66] : memref<224x1024xf32, #tpu.memory_space<hbm>> -> memref<8x128xf32, #tpu.memory_space<hbm>>
    tpu.enqueue_dma source(%dma_start3A_67 : memref<8x128xf32, #tpu.memory_space<hbm>>) target(%dma_start3A_65 : memref<8x128xf32, #tpu.memory_space<vmem>>) target_semaphore(%arg13 : memref<!tpu.dma_semaphore, #tpu.memory_space<semaphore_mem>>)
    %mul3A_68 = arith.constant 8 : i32
    %mul3A_69 = arith.muli %select_n3A, %mul3A_68 : i32
    %dma_start3A_70 = arith.constant 1 : i32
    %dma_start3A_71 = arith.constant 0 : i32
    %dma_start3A_72 = arith.constant 0 : i32
    %dma_start3A_73 = tpu.memref_slice %arg9[%dma_start3A_70, %dma_start3A_71, %dma_start3A_72] : memref<8x8x128xf32, #tpu.memory_space<vmem>> -> memref<1x8x128xf32, #tpu.memory_space<vmem>>
    %dma_start3A_74 = tpu.memref_squeeze %dma_start3A_73 : memref<1x8x128xf32, #tpu.memory_space<vmem>> -> memref<8x128xf32, #tpu.memory_space<vmem>>
    %dma_start3A_75 = arith.constant 128 : i32
    %dma_start3A_76 = tpu.memref_slice %arg5[%mul3A_69, %dma_start3A_75] : memref<224x1024xf32, #tpu.memory_space<hbm>> -> memref<8x128xf32, #tpu.memory_space<hbm>>
    %dma_start3A_77 = arith.constant 0 : i32
    %dma_start3A_78 = arith.constant 0 : i32
    %dma_start3A_79 = tpu.memref_slice %arg9[%dma_start3A_70, %dma_start3A_77, %dma_start3A_78] : memref<8x8x128xf32, #tpu.memory_space<vmem>> -> memref<1x8x128xf32, #tpu.memory_space<vmem>>
    %dma_start3A_80 = tpu.memref_squeeze %dma_start3A_79 : memref<1x8x128xf32, #tpu.memory_space<vmem>> -> memref<8x128xf32, #tpu.memory_space<vmem>>
    %dma_start3A_81 = arith.constant 128 : i32
    %dma_start3A_82 = tpu.memref_slice %arg5[%mul3A_69, %dma_start3A_81] : memref<224x1024xf32, #tpu.memory_space<hbm>> -> memref<8x128xf32, #tpu.memory_space<hbm>>
    tpu.enqueue_dma source(%dma_start3A_82 : memref<8x128xf32, #tpu.memory_space<hbm>>) target(%dma_start3A_80 : memref<8x128xf32, #tpu.memory_space<vmem>>) target_semaphore(%arg13 : memref<!tpu.dma_semaphore, #tpu.memory_space<semaphore_mem>>)
    %mul3A_83 = arith.constant 8 : i32
    %mul3A_84 = arith.muli %select_n3A, %mul3A_83 : i32
    %dma_start3A_85 = arith.constant 2 : i32
    %dma_start3A_86 = arith.constant 0 : i32
    %dma_start3A_87 = arith.constant 0 : i32
    %dma_start3A_88 = tpu.memref_slice %arg9[%dma_start3A_85, %dma_start3A_86, %dma_start3A_87] : memref<8x8x128xf32, #tpu.memory_space<vmem>> -> memref<1x8x128xf32, #tpu.memory_space<vmem>>
    %dma_start3A_89 = tpu.memref_squeeze %dma_start3A_88 : memref<1x8x128xf32, #tpu.memory_space<vmem>> -> memref<8x128xf32, #tpu.memory_space<vmem>>
    %dma_start3A_90 = arith.constant 256 : i32
    %dma_start3A_91 = tpu.memref_slice %arg5[%mul3A_84, %dma_start3A_90] : memref<224x1024xf32, #tpu.memory_space<hbm>> -> memref<8x128xf32, #tpu.memory_space<hbm>>
    %dma_start3A_92 = arith.constant 0 : i32
    %dma_start3A_93 = arith.constant 0 : i32
    %dma_start3A_94 = tpu.memref_slice %arg9[%dma_start3A_85, %dma_start3A_92, %dma_start3A_93] : memref<8x8x128xf32, #tpu.memory_space<vmem>> -> memref<1x8x128xf32, #tpu.memory_space<vmem>>
    %dma_start3A_95 = tpu.memref_squeeze %dma_start3A_94 : memref<1x8x128xf32, #tpu.memory_space<vmem>> -> memref<8x128xf32, #tpu.memory_space<vmem>>
    %dma_start3A_96 = arith.constant 256 : i32
    %dma_start3A_97 = tpu.memref_slice %arg5[%mul3A_84, %dma_start3A_96] : memref<224x1024xf32, #tpu.memory_space<hbm>> -> memref<8x128xf32, #tpu.memory_space<hbm>>
    tpu.enqueue_dma source(%dma_start3A_97 : memref<8x128xf32, #tpu.memory_space<hbm>>) target(%dma_start3A_95 : memref<8x128xf32, #tpu.memory_space<vmem>>) target_semaphore(%arg13 : memref<!tpu.dma_semaphore, #tpu.memory_space<semaphore_mem>>)
    %mul3A_98 = arith.constant 8 : i32
    %mul3A_99 = arith.muli %select_n3A, %mul3A_98 : i32
    %dma_start3A_100 = arith.constant 3 : i32
    %dma_start3A_101 = arith.constant 0 : i32
    %dma_start3A_102 = arith.constant 0 : i32
    %dma_start3A_103 = tpu.memref_slice %arg9[%dma_start3A_100, %dma_start3A_101, %dma_start3A_102] : memref<8x8x128xf32, #tpu.memory_space<vmem>> -> memref<1x8x128xf32, #tpu.memory_space<vmem>>
    %dma_start3A_104 = tpu.memref_squeeze %dma_start3A_103 : memref<1x8x128xf32, #tpu.memory_space<vmem>> -> memref<8x128xf32, #tpu.memory_space<vmem>>
    %dma_start3A_105 = arith.constant 384 : i32
    %dma_start3A_106 = tpu.memref_slice %arg5[%mul3A_99, %dma_start3A_105] : memref<224x1024xf32, #tpu.memory_space<hbm>> -> memref<8x128xf32, #tpu.memory_space<hbm>>
    %dma_start3A_107 = arith.constant 0 : i32
    %dma_start3A_108 = arith.constant 0 : i32
    %dma_start3A_109 = tpu.memref_slice %arg9[%dma_start3A_100, %dma_start3A_107, %dma_start3A_108] : memref<8x8x128xf32, #tpu.memory_space<vmem>> -> memref<1x8x128xf32, #tpu.memory_space<vmem>>
    %dma_start3A_110 = tpu.memref_squeeze %dma_start3A_109 : memref<1x8x128xf32, #tpu.memory_space<vmem>> -> memref<8x128xf32, #tpu.memory_space<vmem>>
    %dma_start3A_111 = arith.constant 384 : i32
    %dma_start3A_112 = tpu.memref_slice %arg5[%mul3A_99, %dma_start3A_111] : memref<224x1024xf32, #tpu.memory_space<hbm>> -> memref<8x128xf32, #tpu.memory_space<hbm>>
    tpu.enqueue_dma source(%dma_start3A_112 : memref<8x128xf32, #tpu.memory_space<hbm>>) target(%dma_start3A_110 : memref<8x128xf32, #tpu.memory_space<vmem>>) target_semaphore(%arg13 : memref<!tpu.dma_semaphore, #tpu.memory_space<semaphore_mem>>)
    %mul3A_113 = arith.constant 8 : i32
    %mul3A_114 = arith.muli %select_n3A, %mul3A_113 : i32
    %dma_start3A_115 = arith.constant 4 : i32
    %dma_start3A_116 = arith.constant 0 : i32
    %dma_start3A_117 = arith.constant 0 : i32
    %dma_start3A_118 = tpu.memref_slice %arg9[%dma_start3A_115, %dma_start3A_116, %dma_start3A_117] : memref<8x8x128xf32, #tpu.memory_space<vmem>> -> memref<1x8x128xf32, #tpu.memory_space<vmem>>
    %dma_start3A_119 = tpu.memref_squeeze %dma_start3A_118 : memref<1x8x128xf32, #tpu.memory_space<vmem>> -> memref<8x128xf32, #tpu.memory_space<vmem>>
    %dma_start3A_120 = arith.constant 512 : i32
    %dma_start3A_121 = tpu.memref_slice %arg5[%mul3A_114, %dma_start3A_120] : memref<224x1024xf32, #tpu.memory_space<hbm>> -> memref<8x128xf32, #tpu.memory_space<hbm>>
    %dma_start3A_122 = arith.constant 0 : i32
    %dma_start3A_123 = arith.constant 0 : i32
    %dma_start3A_124 = tpu.memref_slice %arg9[%dma_start3A_115, %dma_start3A_122, %dma_start3A_123] : memref<8x8x128xf32, #tpu.memory_space<vmem>> -> memref<1x8x128xf32, #tpu.memory_space<vmem>>
    %dma_start3A_125 = tpu.memref_squeeze %dma_start3A_124 : memref<1x8x128xf32, #tpu.memory_space<vmem>> -> memref<8x128xf32, #tpu.memory_space<vmem>>
    %dma_start3A_126 = arith.constant 512 : i32
    %dma_start3A_127 = tpu.memref_slice %arg5[%mul3A_114, %dma_start3A_126] : memref<224x1024xf32, #tpu.memory_space<hbm>> -> memref<8x128xf32, #tpu.memory_space<hbm>>
    tpu.enqueue_dma source(%dma_start3A_127 : memref<8x128xf32, #tpu.memory_space<hbm>>) target(%dma_start3A_125 : memref<8x128xf32, #tpu.memory_space<vmem>>) target_semaphore(%arg13 : memref<!tpu.dma_semaphore, #tpu.memory_space<semaphore_mem>>)
    %mul3A_128 = arith.constant 8 : i32
    %mul3A_129 = arith.muli %select_n3A, %mul3A_128 : i32
    %dma_start3A_130 = arith.constant 5 : i32
    %dma_start3A_131 = arith.constant 0 : i32
    %dma_start3A_132 = arith.constant 0 : i32
    %dma_start3A_133 = tpu.memref_slice %arg9[%dma_start3A_130, %dma_start3A_131, %dma_start3A_132] : memref<8x8x128xf32, #tpu.memory_space<vmem>> -> memref<1x8x128xf32, #tpu.memory_space<vmem>>
    %dma_start3A_134 = tpu.memref_squeeze %dma_start3A_133 : memref<1x8x128xf32, #tpu.memory_space<vmem>> -> memref<8x128xf32, #tpu.memory_space<vmem>>
    %dma_start3A_135 = arith.constant 640 : i32
    %dma_start3A_136 = tpu.memref_slice %arg5[%mul3A_129, %dma_start3A_135] : memref<224x1024xf32, #tpu.memory_space<hbm>> -> memref<8x128xf32, #tpu.memory_space<hbm>>
    %dma_start3A_137 = arith.constant 0 : i32
    %dma_start3A_138 = arith.constant 0 : i32
    %dma_start3A_139 = tpu.memref_slice %arg9[%dma_start3A_130, %dma_start3A_137, %dma_start3A_138] : memref<8x8x128xf32, #tpu.memory_space<vmem>> -> memref<1x8x128xf32, #tpu.memory_space<vmem>>
    %dma_start3A_140 = tpu.memref_squeeze %dma_start3A_139 : memref<1x8x128xf32, #tpu.memory_space<vmem>> -> memref<8x128xf32, #tpu.memory_space<vmem>>
    %dma_start3A_141 = arith.constant 640 : i32
    %dma_start3A_142 = tpu.memref_slice %arg5[%mul3A_129, %dma_start3A_141] : memref<224x1024xf32, #tpu.memory_space<hbm>> -> memref<8x128xf32, #tpu.memory_space<hbm>>
    tpu.enqueue_dma source(%dma_start3A_142 : memref<8x128xf32, #tpu.memory_space<hbm>>) target(%dma_start3A_140 : memref<8x128xf32, #tpu.memory_space<vmem>>) target_semaphore(%arg13 : memref<!tpu.dma_semaphore, #tpu.memory_space<semaphore_mem>>)
    %mul3A_143 = arith.constant 8 : i32
    %mul3A_144 = arith.muli %select_n3A, %mul3A_143 : i32
    %dma_start3A_145 = arith.constant 6 : i32
    %dma_start3A_146 = arith.constant 0 : i32
    %dma_start3A_147 = arith.constant 0 : i32
    %dma_start3A_148 = tpu.memref_slice %arg9[%dma_start3A_145, %dma_start3A_146, %dma_start3A_147] : memref<8x8x128xf32, #tpu.memory_space<vmem>> -> memref<1x8x128xf32, #tpu.memory_space<vmem>>
    %dma_start3A_149 = tpu.memref_squeeze %dma_start3A_148 : memref<1x8x128xf32, #tpu.memory_space<vmem>> -> memref<8x128xf32, #tpu.memory_space<vmem>>
    %dma_start3A_150 = arith.constant 768 : i32
    %dma_start3A_151 = tpu.memref_slice %arg5[%mul3A_144, %dma_start3A_150] : memref<224x1024xf32, #tpu.memory_space<hbm>> -> memref<8x128xf32, #tpu.memory_space<hbm>>
    %dma_start3A_152 = arith.constant 0 : i32
    %dma_start3A_153 = arith.constant 0 : i32
    %dma_start3A_154 = tpu.memref_slice %arg9[%dma_start3A_145, %dma_start3A_152, %dma_start3A_153] : memref<8x8x128xf32, #tpu.memory_space<vmem>> -> memref<1x8x128xf32, #tpu.memory_space<vmem>>
    %dma_start3A_155 = tpu.memref_squeeze %dma_start3A_154 : memref<1x8x128xf32, #tpu.memory_space<vmem>> -> memref<8x128xf32, #tpu.memory_space<vmem>>
    %dma_start3A_156 = arith.constant 768 : i32
    %dma_start3A_157 = tpu.memref_slice %arg5[%mul3A_144, %dma_start3A_156] : memref<224x1024xf32, #tpu.memory_space<hbm>> -> memref<8x128xf32, #tpu.memory_space<hbm>>
    tpu.enqueue_dma source(%dma_start3A_157 : memref<8x128xf32, #tpu.memory_space<hbm>>) target(%dma_start3A_155 : memref<8x128xf32, #tpu.memory_space<vmem>>) target_semaphore(%arg13 : memref<!tpu.dma_semaphore, #tpu.memory_space<semaphore_mem>>)
    %mul3A_158 = arith.constant 8 : i32
    %mul3A_159 = arith.muli %select_n3A, %mul3A_158 : i32
    %dma_start3A_160 = arith.constant 7 : i32
    %dma_start3A_161 = arith.constant 0 : i32
    %dma_start3A_162 = arith.constant 0 : i32
    %dma_start3A_163 = tpu.memref_slice %arg9[%dma_start3A_160, %dma_start3A_161, %dma_start3A_162] : memref<8x8x128xf32, #tpu.memory_space<vmem>> -> memref<1x8x128xf32, #tpu.memory_space<vmem>>
    %dma_start3A_164 = tpu.memref_squeeze %dma_start3A_163 : memref<1x8x128xf32, #tpu.memory_space<vmem>> -> memref<8x128xf32, #tpu.memory_space<vmem>>
    %dma_start3A_165 = arith.constant 896 : i32
    %dma_start3A_166 = tpu.memref_slice %arg5[%mul3A_159, %dma_start3A_165] : memref<224x1024xf32, #tpu.memory_space<hbm>> -> memref<8x128xf32, #tpu.memory_space<hbm>>
    %dma_start3A_167 = arith.constant 0 : i32
    %dma_start3A_168 = arith.constant 0 : i32
    %dma_start3A_169 = tpu.memref_slice %arg9[%dma_start3A_160, %dma_start3A_167, %dma_start3A_168] : memref<8x8x128xf32, #tpu.memory_space<vmem>> -> memref<1x8x128xf32, #tpu.memory_space<vmem>>
    %dma_start3A_170 = tpu.memref_squeeze %dma_start3A_169 : memref<1x8x128xf32, #tpu.memory_space<vmem>> -> memref<8x128xf32, #tpu.memory_space<vmem>>
    %dma_start3A_171 = arith.constant 896 : i32
    %dma_start3A_172 = tpu.memref_slice %arg5[%mul3A_159, %dma_start3A_171] : memref<224x1024xf32, #tpu.memory_space<hbm>> -> memref<8x128xf32, #tpu.memory_space<hbm>>
    tpu.enqueue_dma source(%dma_start3A_172 : memref<8x128xf32, #tpu.memory_space<hbm>>) target(%dma_start3A_170 : memref<8x128xf32, #tpu.memory_space<vmem>>) target_semaphore(%arg13 : memref<!tpu.dma_semaphore, #tpu.memory_space<semaphore_mem>>)
    %scan3A = arith.constant 0 : i32
    %scan3A_173 = arith.constant 0 : i32
    %scan3A_174 = arith.constant 3 : i32
    %scan3A_175 = arith.addi %scan3A_173, %scan3A_174 : i32
    %scan3A_176 = arith.constant 1 : i32
    scf.for %scan3A_1314 = %scan3A_173 to %scan3A_175 step %scan3A_176  : i32 {
      %mul3A_1315 = arith.constant 2 : i32
      %mul3A_1316 = arith.muli %mul3A_1315, %scan3A_1314 : i32
      %add3A_1317 = arith.constant 1 : i32
      %add3A_1318 = arith.addi %mul3A_1316, %add3A_1317 : i32
      %mul3A_1319 = arith.constant 32 : i32
      %mul3A_1320 = arith.muli %add3A_1318, %mul3A_1319 : i32
      %add3A_1321 = arith.addi %mul3A_1320, %add3A : i32
      %jit3A_1322 = arith.constant 8 : i32
      %div3A_1323 = arith.divsi %add3A_1321, %jit3A_1322 : i32
      %sign3A_1324 = arith.constant 0 : i32
      %sign3A_1325 = arith.cmpi sgt, %add3A_1321, %sign3A_1324 : i32
      %sign3A_1326 = arith.extui %sign3A_1325 : i1 to i32
      %sign3A_1327 = arith.constant 0 : i32
      %sign3A_1328 = arith.cmpi slt, %add3A_1321, %sign3A_1327 : i32
      %sign3A_1329 = arith.extui %sign3A_1328 : i1 to i32
      %sign3A_1330 = arith.subi %sign3A_1326, %sign3A_1329 : i32
      %sign3A_1331 = arith.constant 0 : i32
      %sign3A_1332 = arith.cmpi sgt, %jit3A_1322, %sign3A_1331 : i32
      %sign3A_1333 = arith.extui %sign3A_1332 : i1 to i32
      %sign3A_1334 = arith.constant 0 : i32
      %sign3A_1335 = arith.cmpi slt, %jit3A_1322, %sign3A_1334 : i32
      %sign3A_1336 = arith.extui %sign3A_1335 : i1 to i32
      %sign3A_1337 = arith.subi %sign3A_1333, %sign3A_1336 : i32
      %ne3A_1338 = arith.cmpi ne, %sign3A_1330, %sign3A_1337 : i32
      %rem3A_1339 = arith.remsi %add3A_1321, %jit3A_1322 : i32
      %ne3A_1340 = arith.constant 0 : i32
      %ne3A_1341 = arith.cmpi ne, %rem3A_1339, %ne3A_1340 : i32
      %and3A_1342 = arith.andi %ne3A_1338, %ne3A_1341 : i1
      %sub3A_1343 = arith.constant 1 : i32
      %sub3A_1344 = arith.subi %div3A_1323, %sub3A_1343 : i32
      %select_n3A_1345 = arith.select %and3A_1342, %sub3A_1344, %div3A_1323 : i32
      %jit3A_1346 = arith.constant 8 : i32
      %eq3A_1347 = arith.constant 0 : i32
      %eq3A_1348 = arith.cmpi eq, %jit3A_1346, %eq3A_1347 : i32
      %jit3A_1349 = arith.constant 1 : i32
      %select_n3A_1350 = arith.select %eq3A_1348, %jit3A_1349, %jit3A_1346 : i32
      %rem3A_1351 = arith.remsi %add3A_1321, %select_n3A_1350 : i32
      %ne3A_1352 = arith.constant 0 : i32
      %ne3A_1353 = arith.cmpi ne, %rem3A_1351, %ne3A_1352 : i32
      %lt3A_1354 = arith.constant 0 : i32
      %lt3A_1355 = arith.cmpi slt, %rem3A_1351, %lt3A_1354 : i32
      %lt3A_1356 = arith.constant 0 : i32
      %lt3A_1357 = arith.cmpi slt, %select_n3A_1350, %lt3A_1356 : i32
      %ne3A_1358 = arith.xori %lt3A_1355, %lt3A_1357 : i1
      %and3A_1359 = arith.andi %ne3A_1358, %ne3A_1353 : i1
      %add3A_1360 = arith.addi %rem3A_1351, %select_n3A_1350 : i32
      %select_n3A_1361 = arith.select %and3A_1359, %add3A_1360, %rem3A_1351 : i32
      %mul3A_1362 = arith.constant 2048 : i32
      %mul3A_1363 = arith.muli %select_n3A_1361, %mul3A_1362 : i32
      %ge3A_1364 = arith.constant 8 : i32
      %ge3A_1365 = arith.cmpi sge, %select_n3A_1345, %ge3A_1364 : i32
      %convert_element_type3A_1366 = arith.extui %ge3A_1365 : i1 to i32
      %ge3A_1367 = arith.constant 24 : i32
      %ge3A_1368 = arith.cmpi sge, %select_n3A_1345, %ge3A_1367 : i32
      %convert_element_type3A_1369 = arith.extui %ge3A_1368 : i1 to i32
      %add3A_1370 = arith.addi %convert_element_type3A_1366, %convert_element_type3A_1369 : i32
      %eq3A_1371 = arith.constant 0 : i32
      %eq3A_1372 = arith.cmpi eq, %add3A_1370, %eq3A_1371 : i32
      %convert_element_type3A_1373 = arith.extui %eq3A_1372 : i1 to i32
      %cond3A_1374 = arith.constant 0 : i32
      %cond3A_1375 = arith.cmpi ne, %convert_element_type3A_1373, %cond3A_1374 : i32
      scf.if %cond3A_1375 {
        %dma_start3A_2550 = tpu.memref_slice %arg2[%mul3A_1363] : memref<16384xi32, #tpu.memory_space<hbm>> -> memref<2048xi32, #tpu.memory_space<hbm>>
        %dma_start3A_2551 = tpu.memref_slice %arg2[%mul3A_1363] : memref<16384xi32, #tpu.memory_space<hbm>> -> memref<2048xi32, #tpu.memory_space<hbm>>
        tpu.enqueue_dma source(%dma_start3A_2551 : memref<2048xi32, #tpu.memory_space<hbm>>) target(%arg8 : memref<2048xi32, #tpu.memory_space<vmem>>) target_semaphore(%arg14 : memref<!tpu.dma_semaphore, #tpu.memory_space<semaphore_mem>>)
      } else {
      }
      %eq3A_1376 = arith.constant 1 : i32
      %eq3A_1377 = arith.cmpi eq, %add3A_1370, %eq3A_1376 : i32
      %convert_element_type3A_1378 = arith.extui %eq3A_1377 : i1 to i32
      %cond3A_1379 = arith.constant 0 : i32
      %cond3A_1380 = arith.cmpi ne, %convert_element_type3A_1378, %cond3A_1379 : i32
      scf.if %cond3A_1380 {
        %dma_start3A_2550 = tpu.memref_slice %arg3[%mul3A_1363] : memref<16384xi32, #tpu.memory_space<hbm>> -> memref<2048xi32, #tpu.memory_space<hbm>>
        %dma_start3A_2551 = tpu.memref_slice %arg3[%mul3A_1363] : memref<16384xi32, #tpu.memory_space<hbm>> -> memref<2048xi32, #tpu.memory_space<hbm>>
        tpu.enqueue_dma source(%dma_start3A_2551 : memref<2048xi32, #tpu.memory_space<hbm>>) target(%arg8 : memref<2048xi32, #tpu.memory_space<vmem>>) target_semaphore(%arg14 : memref<!tpu.dma_semaphore, #tpu.memory_space<semaphore_mem>>)
      } else {
      }
      %eq3A_1381 = arith.constant 2 : i32
      %eq3A_1382 = arith.cmpi eq, %add3A_1370, %eq3A_1381 : i32
      %convert_element_type3A_1383 = arith.extui %eq3A_1382 : i1 to i32
      %cond3A_1384 = arith.constant 0 : i32
      %cond3A_1385 = arith.cmpi ne, %convert_element_type3A_1383, %cond3A_1384 : i32
      scf.if %cond3A_1385 {
        %dma_start3A_2550 = tpu.memref_slice %arg4[%mul3A_1363] : memref<16384xi32, #tpu.memory_space<hbm>> -> memref<2048xi32, #tpu.memory_space<hbm>>
        %dma_start3A_2551 = tpu.memref_slice %arg4[%mul3A_1363] : memref<16384xi32, #tpu.memory_space<hbm>> -> memref<2048xi32, #tpu.memory_space<hbm>>
        tpu.enqueue_dma source(%dma_start3A_2551 : memref<2048xi32, #tpu.memory_space<hbm>>) target(%arg8 : memref<2048xi32, #tpu.memory_space<vmem>>) target_semaphore(%arg14 : memref<!tpu.dma_semaphore, #tpu.memory_space<semaphore_mem>>)
      } else {
      }
      %mul3A_1386 = arith.constant 8 : i32
      %mul3A_1387 = arith.muli %select_n3A_1345, %mul3A_1386 : i32
      %dma_start3A_1388 = arith.constant 0 : i32
      %dma_start3A_1389 = arith.constant 0 : i32
      %dma_start3A_1390 = arith.constant 0 : i32
      %dma_start3A_1391 = tpu.memref_slice %arg10[%dma_start3A_1388, %dma_start3A_1389, %dma_start3A_1390] : memref<8x8x128xf32, #tpu.memory_space<vmem>> -> memref<1x8x128xf32, #tpu.memory_space<vmem>>
      %dma_start3A_1392 = tpu.memref_squeeze %dma_start3A_1391 : memref<1x8x128xf32, #tpu.memory_space<vmem>> -> memref<8x128xf32, #tpu.memory_space<vmem>>
      %dma_start3A_1393 = arith.constant 0 : i32
      %dma_start3A_1394 = tpu.memref_slice %arg5[%mul3A_1387, %dma_start3A_1393] : memref<224x1024xf32, #tpu.memory_space<hbm>> -> memref<8x128xf32, #tpu.memory_space<hbm>>
      %dma_start3A_1395 = arith.constant 0 : i32
      %dma_start3A_1396 = arith.constant 0 : i32
      %dma_start3A_1397 = tpu.memref_slice %arg10[%dma_start3A_1388, %dma_start3A_1395, %dma_start3A_1396] : memref<8x8x128xf32, #tpu.memory_space<vmem>> -> memref<1x8x128xf32, #tpu.memory_space<vmem>>
      %dma_start3A_1398 = tpu.memref_squeeze %dma_start3A_1397 : memref<1x8x128xf32, #tpu.memory_space<vmem>> -> memref<8x128xf32, #tpu.memory_space<vmem>>
      %dma_start3A_1399 = arith.constant 0 : i32
      %dma_start3A_1400 = tpu.memref_slice %arg5[%mul3A_1387, %dma_start3A_1399] : memref<224x1024xf32, #tpu.memory_space<hbm>> -> memref<8x128xf32, #tpu.memory_space<hbm>>
      tpu.enqueue_dma source(%dma_start3A_1400 : memref<8x128xf32, #tpu.memory_space<hbm>>) target(%dma_start3A_1398 : memref<8x128xf32, #tpu.memory_space<vmem>>) target_semaphore(%arg14 : memref<!tpu.dma_semaphore, #tpu.memory_space<semaphore_mem>>)
      %mul3A_1401 = arith.constant 8 : i32
      %mul3A_1402 = arith.muli %select_n3A_1345, %mul3A_1401 : i32
      %dma_start3A_1403 = arith.constant 1 : i32
      %dma_start3A_1404 = arith.constant 0 : i32
      %dma_start3A_1405 = arith.constant 0 : i32
      %dma_start3A_1406 = tpu.memref_slice %arg10[%dma_start3A_1403, %dma_start3A_1404, %dma_start3A_1405] : memref<8x8x128xf32, #tpu.memory_space<vmem>> -> memref<1x8x128xf32, #tpu.memory_space<vmem>>
      %dma_start3A_1407 = tpu.memref_squeeze %dma_start3A_1406 : memref<1x8x128xf32, #tpu.memory_space<vmem>> -> memref<8x128xf32, #tpu.memory_space<vmem>>
      %dma_start3A_1408 = arith.constant 128 : i32
      %dma_start3A_1409 = tpu.memref_slice %arg5[%mul3A_1402, %dma_start3A_1408] : memref<224x1024xf32, #tpu.memory_space<hbm>> -> memref<8x128xf32, #tpu.memory_space<hbm>>
      %dma_start3A_1410 = arith.constant 0 : i32
      %dma_start3A_1411 = arith.constant 0 : i32
      %dma_start3A_1412 = tpu.memref_slice %arg10[%dma_start3A_1403, %dma_start3A_1410, %dma_start3A_1411] : memref<8x8x128xf32, #tpu.memory_space<vmem>> -> memref<1x8x128xf32, #tpu.memory_space<vmem>>
      %dma_start3A_1413 = tpu.memref_squeeze %dma_start3A_1412 : memref<1x8x128xf32, #tpu.memory_space<vmem>> -> memref<8x128xf32, #tpu.memory_space<vmem>>
      %dma_start3A_1414 = arith.constant 128 : i32
      %dma_start3A_1415 = tpu.memref_slice %arg5[%mul3A_1402, %dma_start3A_1414] : memref<224x1024xf32, #tpu.memory_space<hbm>> -> memref<8x128xf32, #tpu.memory_space<hbm>>
      tpu.enqueue_dma source(%dma_start3A_1415 : memref<8x128xf32, #tpu.memory_space<hbm>>) target(%dma_start3A_1413 : memref<8x128xf32, #tpu.memory_space<vmem>>) target_semaphore(%arg14 : memref<!tpu.dma_semaphore, #tpu.memory_space<semaphore_mem>>)
      %mul3A_1416 = arith.constant 8 : i32
      %mul3A_1417 = arith.muli %select_n3A_1345, %mul3A_1416 : i32
      %dma_start3A_1418 = arith.constant 2 : i32
      %dma_start3A_1419 = arith.constant 0 : i32
      %dma_start3A_1420 = arith.constant 0 : i32
      %dma_start3A_1421 = tpu.memref_slice %arg10[%dma_start3A_1418, %dma_start3A_1419, %dma_start3A_1420] : memref<8x8x128xf32, #tpu.memory_space<vmem>> -> memref<1x8x128xf32, #tpu.memory_space<vmem>>
      %dma_start3A_1422 = tpu.memref_squeeze %dma_start3A_1421 : memref<1x8x128xf32, #tpu.memory_space<vmem>> -> memref<8x128xf32, #tpu.memory_space<vmem>>
      %dma_start3A_1423 = arith.constant 256 : i32
      %dma_start3A_1424 = tpu.memref_slice %arg5[%mul3A_1417, %dma_start3A_1423] : memref<224x1024xf32, #tpu.memory_space<hbm>> -> memref<8x128xf32, #tpu.memory_space<hbm>>
      %dma_start3A_1425 = arith.constant 0 : i32
      %dma_start3A_1426 = arith.constant 0 : i32
      %dma_start3A_1427 = tpu.memref_slice %arg10[%dma_start3A_1418, %dma_start3A_1425, %dma_start3A_1426] : memref<8x8x128xf32, #tpu.memory_space<vmem>> -> memref<1x8x128xf32, #tpu.memory_space<vmem>>
      %dma_start3A_1428 = tpu.memref_squeeze %dma_start3A_1427 : memref<1x8x128xf32, #tpu.memory_space<vmem>> -> memref<8x128xf32, #tpu.memory_space<vmem>>
      %dma_start3A_1429 = arith.constant 256 : i32
      %dma_start3A_1430 = tpu.memref_slice %arg5[%mul3A_1417, %dma_start3A_1429] : memref<224x1024xf32, #tpu.memory_space<hbm>> -> memref<8x128xf32, #tpu.memory_space<hbm>>
      tpu.enqueue_dma source(%dma_start3A_1430 : memref<8x128xf32, #tpu.memory_space<hbm>>) target(%dma_start3A_1428 : memref<8x128xf32, #tpu.memory_space<vmem>>) target_semaphore(%arg14 : memref<!tpu.dma_semaphore, #tpu.memory_space<semaphore_mem>>)
      %mul3A_1431 = arith.constant 8 : i32
      %mul3A_1432 = arith.muli %select_n3A_1345, %mul3A_1431 : i32
      %dma_start3A_1433 = arith.constant 3 : i32
      %dma_start3A_1434 = arith.constant 0 : i32
      %dma_start3A_1435 = arith.constant 0 : i32
      %dma_start3A_1436 = tpu.memref_slice %arg10[%dma_start3A_1433, %dma_start3A_1434, %dma_start3A_1435] : memref<8x8x128xf32, #tpu.memory_space<vmem>> -> memref<1x8x128xf32, #tpu.memory_space<vmem>>
      %dma_start3A_1437 = tpu.memref_squeeze %dma_start3A_1436 : memref<1x8x128xf32, #tpu.memory_space<vmem>> -> memref<8x128xf32, #tpu.memory_space<vmem>>
      %dma_start3A_1438 = arith.constant 384 : i32
      %dma_start3A_1439 = tpu.memref_slice %arg5[%mul3A_1432, %dma_start3A_1438] : memref<224x1024xf32, #tpu.memory_space<hbm>> -> memref<8x128xf32, #tpu.memory_space<hbm>>
      %dma_start3A_1440 = arith.constant 0 : i32
      %dma_start3A_1441 = arith.constant 0 : i32
      %dma_start3A_1442 = tpu.memref_slice %arg10[%dma_start3A_1433, %dma_start3A_1440, %dma_start3A_1441] : memref<8x8x128xf32, #tpu.memory_space<vmem>> -> memref<1x8x128xf32, #tpu.memory_space<vmem>>
      %dma_start3A_1443 = tpu.memref_squeeze %dma_start3A_1442 : memref<1x8x128xf32, #tpu.memory_space<vmem>> -> memref<8x128xf32, #tpu.memory_space<vmem>>
      %dma_start3A_1444 = arith.constant 384 : i32
      %dma_start3A_1445 = tpu.memref_slice %arg5[%mul3A_1432, %dma_start3A_1444] : memref<224x1024xf32, #tpu.memory_space<hbm>> -> memref<8x128xf32, #tpu.memory_space<hbm>>
      tpu.enqueue_dma source(%dma_start3A_1445 : memref<8x128xf32, #tpu.memory_space<hbm>>) target(%dma_start3A_1443 : memref<8x128xf32, #tpu.memory_space<vmem>>) target_semaphore(%arg14 : memref<!tpu.dma_semaphore, #tpu.memory_space<semaphore_mem>>)
      %mul3A_1446 = arith.constant 8 : i32
      %mul3A_1447 = arith.muli %select_n3A_1345, %mul3A_1446 : i32
      %dma_start3A_1448 = arith.constant 4 : i32
      %dma_start3A_1449 = arith.constant 0 : i32
      %dma_start3A_1450 = arith.constant 0 : i32
      %dma_start3A_1451 = tpu.memref_slice %arg10[%dma_start3A_1448, %dma_start3A_1449, %dma_start3A_1450] : memref<8x8x128xf32, #tpu.memory_space<vmem>> -> memref<1x8x128xf32, #tpu.memory_space<vmem>>
      %dma_start3A_1452 = tpu.memref_squeeze %dma_start3A_1451 : memref<1x8x128xf32, #tpu.memory_space<vmem>> -> memref<8x128xf32, #tpu.memory_space<vmem>>
      %dma_start3A_1453 = arith.constant 512 : i32
      %dma_start3A_1454 = tpu.memref_slice %arg5[%mul3A_1447, %dma_start3A_1453] : memref<224x1024xf32, #tpu.memory_space<hbm>> -> memref<8x128xf32, #tpu.memory_space<hbm>>
      %dma_start3A_1455 = arith.constant 0 : i32
      %dma_start3A_1456 = arith.constant 0 : i32
      %dma_start3A_1457 = tpu.memref_slice %arg10[%dma_start3A_1448, %dma_start3A_1455, %dma_start3A_1456] : memref<8x8x128xf32, #tpu.memory_space<vmem>> -> memref<1x8x128xf32, #tpu.memory_space<vmem>>
      %dma_start3A_1458 = tpu.memref_squeeze %dma_start3A_1457 : memref<1x8x128xf32, #tpu.memory_space<vmem>> -> memref<8x128xf32, #tpu.memory_space<vmem>>
      %dma_start3A_1459 = arith.constant 512 : i32
      %dma_start3A_1460 = tpu.memref_slice %arg5[%mul3A_1447, %dma_start3A_1459] : memref<224x1024xf32, #tpu.memory_space<hbm>> -> memref<8x128xf32, #tpu.memory_space<hbm>>
      tpu.enqueue_dma source(%dma_start3A_1460 : memref<8x128xf32, #tpu.memory_space<hbm>>) target(%dma_start3A_1458 : memref<8x128xf32, #tpu.memory_space<vmem>>) target_semaphore(%arg14 : memref<!tpu.dma_semaphore, #tpu.memory_space<semaphore_mem>>)
      %mul3A_1461 = arith.constant 8 : i32
      %mul3A_1462 = arith.muli %select_n3A_1345, %mul3A_1461 : i32
      %dma_start3A_1463 = arith.constant 5 : i32
      %dma_start3A_1464 = arith.constant 0 : i32
      %dma_start3A_1465 = arith.constant 0 : i32
      %dma_start3A_1466 = tpu.memref_slice %arg10[%dma_start3A_1463, %dma_start3A_1464, %dma_start3A_1465] : memref<8x8x128xf32, #tpu.memory_space<vmem>> -> memref<1x8x128xf32, #tpu.memory_space<vmem>>
      %dma_start3A_1467 = tpu.memref_squeeze %dma_start3A_1466 : memref<1x8x128xf32, #tpu.memory_space<vmem>> -> memref<8x128xf32, #tpu.memory_space<vmem>>
      %dma_start3A_1468 = arith.constant 640 : i32
      %dma_start3A_1469 = tpu.memref_slice %arg5[%mul3A_1462, %dma_start3A_1468] : memref<224x1024xf32, #tpu.memory_space<hbm>> -> memref<8x128xf32, #tpu.memory_space<hbm>>
      %dma_start3A_1470 = arith.constant 0 : i32
      %dma_start3A_1471 = arith.constant 0 : i32
      %dma_start3A_1472 = tpu.memref_slice %arg10[%dma_start3A_1463, %dma_start3A_1470, %dma_start3A_1471] : memref<8x8x128xf32, #tpu.memory_space<vmem>> -> memref<1x8x128xf32, #tpu.memory_space<vmem>>
      %dma_start3A_1473 = tpu.memref_squeeze %dma_start3A_1472 : memref<1x8x128xf32, #tpu.memory_space<vmem>> -> memref<8x128xf32, #tpu.memory_space<vmem>>
      %dma_start3A_1474 = arith.constant 640 : i32
      %dma_start3A_1475 = tpu.memref_slice %arg5[%mul3A_1462, %dma_start3A_1474] : memref<224x1024xf32, #tpu.memory_space<hbm>> -> memref<8x128xf32, #tpu.memory_space<hbm>>
      tpu.enqueue_dma source(%dma_start3A_1475 : memref<8x128xf32, #tpu.memory_space<hbm>>) target(%dma_start3A_1473 : memref<8x128xf32, #tpu.memory_space<vmem>>) target_semaphore(%arg14 : memref<!tpu.dma_semaphore, #tpu.memory_space<semaphore_mem>>)
      %mul3A_1476 = arith.constant 8 : i32
      %mul3A_1477 = arith.muli %select_n3A_1345, %mul3A_1476 : i32
      %dma_start3A_1478 = arith.constant 6 : i32
      %dma_start3A_1479 = arith.constant 0 : i32
      %dma_start3A_1480 = arith.constant 0 : i32
      %dma_start3A_1481 = tpu.memref_slice %arg10[%dma_start3A_1478, %dma_start3A_1479, %dma_start3A_1480] : memref<8x8x128xf32, #tpu.memory_space<vmem>> -> memref<1x8x128xf32, #tpu.memory_space<vmem>>
      %dma_start3A_1482 = tpu.memref_squeeze %dma_start3A_1481 : memref<1x8x128xf32, #tpu.memory_space<vmem>> -> memref<8x128xf32, #tpu.memory_space<vmem>>
      %dma_start3A_1483 = arith.constant 768 : i32
      %dma_start3A_1484 = tpu.memref_slice %arg5[%mul3A_1477, %dma_start3A_1483] : memref<224x1024xf32, #tpu.memory_space<hbm>> -> memref<8x128xf32, #tpu.memory_space<hbm>>
      %dma_start3A_1485 = arith.constant 0 : i32
      %dma_start3A_1486 = arith.constant 0 : i32
      %dma_start3A_1487 = tpu.memref_slice %arg10[%dma_start3A_1478, %dma_start3A_1485, %dma_start3A_1486] : memref<8x8x128xf32, #tpu.memory_space<vmem>> -> memref<1x8x128xf32, #tpu.memory_space<vmem>>
      %dma_start3A_1488 = tpu.memref_squeeze %dma_start3A_1487 : memref<1x8x128xf32, #tpu.memory_space<vmem>> -> memref<8x128xf32, #tpu.memory_space<vmem>>
      %dma_start3A_1489 = arith.constant 768 : i32
      %dma_start3A_1490 = tpu.memref_slice %arg5[%mul3A_1477, %dma_start3A_1489] : memref<224x1024xf32, #tpu.memory_space<hbm>> -> memref<8x128xf32, #tpu.memory_space<hbm>>
      tpu.enqueue_dma source(%dma_start3A_1490 : memref<8x128xf32, #tpu.memory_space<hbm>>) target(%dma_start3A_1488 : memref<8x128xf32, #tpu.memory_space<vmem>>) target_semaphore(%arg14 : memref<!tpu.dma_semaphore, #tpu.memory_space<semaphore_mem>>)
      %mul3A_1491 = arith.constant 8 : i32
      %mul3A_1492 = arith.muli %select_n3A_1345, %mul3A_1491 : i32
      %dma_start3A_1493 = arith.constant 7 : i32
      %dma_start3A_1494 = arith.constant 0 : i32
      %dma_start3A_1495 = arith.constant 0 : i32
      %dma_start3A_1496 = tpu.memref_slice %arg10[%dma_start3A_1493, %dma_start3A_1494, %dma_start3A_1495] : memref<8x8x128xf32, #tpu.memory_space<vmem>> -> memref<1x8x128xf32, #tpu.memory_space<vmem>>
      %dma_start3A_1497 = tpu.memref_squeeze %dma_start3A_1496 : memref<1x8x128xf32, #tpu.memory_space<vmem>> -> memref<8x128xf32, #tpu.memory_space<vmem>>
      %dma_start3A_1498 = arith.constant 896 : i32
      %dma_start3A_1499 = tpu.memref_slice %arg5[%mul3A_1492, %dma_start3A_1498] : memref<224x1024xf32, #tpu.memory_space<hbm>> -> memref<8x128xf32, #tpu.memory_space<hbm>>
      %dma_start3A_1500 = arith.constant 0 : i32
      %dma_start3A_1501 = arith.constant 0 : i32
      %dma_start3A_1502 = tpu.memref_slice %arg10[%dma_start3A_1493, %dma_start3A_1500, %dma_start3A_1501] : memref<8x8x128xf32, #tpu.memory_space<vmem>> -> memref<1x8x128xf32, #tpu.memory_space<vmem>>
      %dma_start3A_1503 = tpu.memref_squeeze %dma_start3A_1502 : memref<1x8x128xf32, #tpu.memory_space<vmem>> -> memref<8x128xf32, #tpu.memory_space<vmem>>
      %dma_start3A_1504 = arith.constant 896 : i32
      %dma_start3A_1505 = tpu.memref_slice %arg5[%mul3A_1492, %dma_start3A_1504] : memref<224x1024xf32, #tpu.memory_space<hbm>> -> memref<8x128xf32, #tpu.memory_space<hbm>>
      tpu.enqueue_dma source(%dma_start3A_1505 : memref<8x128xf32, #tpu.memory_space<hbm>>) target(%dma_start3A_1503 : memref<8x128xf32, #tpu.memory_space<vmem>>) target_semaphore(%arg14 : memref<!tpu.dma_semaphore, #tpu.memory_space<semaphore_mem>>)
      %dma_wait3A_1506 = arith.constant 0 : i32
      %dma_wait3A_1507 = tpu.memref_slice %arg2[%dma_wait3A_1506] : memref<16384xi32, #tpu.memory_space<hbm>> -> memref<2048xi32, #tpu.memory_space<hbm>>
      %dma_wait3A_1508 = arith.constant 0 : i32
      %dma_wait3A_1509 = tpu.memref_slice %arg2[%dma_wait3A_1508] : memref<16384xi32, #tpu.memory_space<hbm>> -> memref<2048xi32, #tpu.memory_space<hbm>>
      tpu.wait_dma2 semaphore(%arg13 : memref<!tpu.dma_semaphore, #tpu.memory_space<semaphore_mem>>) src(%dma_wait3A_1509 : memref<2048xi32, #tpu.memory_space<hbm>>) dst(%arg7 : memref<2048xi32, #tpu.memory_space<vmem>>)
      %dma_wait3A_1510 = arith.constant 0 : i32
      %dma_wait3A_1511 = arith.constant 0 : i32
      %dma_wait3A_1512 = arith.constant 0 : i32
      %dma_wait3A_1513 = tpu.memref_slice %arg9[%dma_wait3A_1510, %dma_wait3A_1511, %dma_wait3A_1512] : memref<8x8x128xf32, #tpu.memory_space<vmem>> -> memref<1x8x128xf32, #tpu.memory_space<vmem>>
      %dma_wait3A_1514 = tpu.memref_squeeze %dma_wait3A_1513 : memref<1x8x128xf32, #tpu.memory_space<vmem>> -> memref<8x128xf32, #tpu.memory_space<vmem>>
      %dma_wait3A_1515 = arith.constant 0 : i32
      %dma_wait3A_1516 = arith.constant 0 : i32
      %dma_wait3A_1517 = tpu.memref_slice %arg5[%dma_wait3A_1515, %dma_wait3A_1516] : memref<224x1024xf32, #tpu.memory_space<hbm>> -> memref<8x128xf32, #tpu.memory_space<hbm>>
      %dma_wait3A_1518 = arith.constant 0 : i32
      %dma_wait3A_1519 = arith.constant 0 : i32
      %dma_wait3A_1520 = tpu.memref_slice %arg9[%dma_wait3A_1510, %dma_wait3A_1518, %dma_wait3A_1519] : memref<8x8x128xf32, #tpu.memory_space<vmem>> -> memref<1x8x128xf32, #tpu.memory_space<vmem>>
      %dma_wait3A_1521 = tpu.memref_squeeze %dma_wait3A_1520 : memref<1x8x128xf32, #tpu.memory_space<vmem>> -> memref<8x128xf32, #tpu.memory_space<vmem>>
      %dma_wait3A_1522 = arith.constant 0 : i32
      %dma_wait3A_1523 = arith.constant 0 : i32
      %dma_wait3A_1524 = tpu.memref_slice %arg5[%dma_wait3A_1522, %dma_wait3A_1523] : memref<224x1024xf32, #tpu.memory_space<hbm>> -> memref<8x128xf32, #tpu.memory_space<hbm>>
      tpu.wait_dma2 semaphore(%arg13 : memref<!tpu.dma_semaphore, #tpu.memory_space<semaphore_mem>>) src(%dma_wait3A_1524 : memref<8x128xf32, #tpu.memory_space<hbm>>) dst(%dma_wait3A_1521 : memref<8x128xf32, #tpu.memory_space<vmem>>)
      %dma_wait3A_1525 = arith.constant 1 : i32
      %dma_wait3A_1526 = arith.constant 0 : i32
      %dma_wait3A_1527 = arith.constant 0 : i32
      %dma_wait3A_1528 = tpu.memref_slice %arg9[%dma_wait3A_1525, %dma_wait3A_1526, %dma_wait3A_1527] : memref<8x8x128xf32, #tpu.memory_space<vmem>> -> memref<1x8x128xf32, #tpu.memory_space<vmem>>
      %dma_wait3A_1529 = tpu.memref_squeeze %dma_wait3A_1528 : memref<1x8x128xf32, #tpu.memory_space<vmem>> -> memref<8x128xf32, #tpu.memory_space<vmem>>
      %dma_wait3A_1530 = arith.constant 0 : i32
      %dma_wait3A_1531 = arith.constant 0 : i32
      %dma_wait3A_1532 = tpu.memref_slice %arg5[%dma_wait3A_1530, %dma_wait3A_1531] : memref<224x1024xf32, #tpu.memory_space<hbm>> -> memref<8x128xf32, #tpu.memory_space<hbm>>
      %dma_wait3A_1533 = arith.constant 0 : i32
      %dma_wait3A_1534 = arith.constant 0 : i32
      %dma_wait3A_1535 = tpu.memref_slice %arg9[%dma_wait3A_1525, %dma_wait3A_1533, %dma_wait3A_1534] : memref<8x8x128xf32, #tpu.memory_space<vmem>> -> memref<1x8x128xf32, #tpu.memory_space<vmem>>
      %dma_wait3A_1536 = tpu.memref_squeeze %dma_wait3A_1535 : memref<1x8x128xf32, #tpu.memory_space<vmem>> -> memref<8x128xf32, #tpu.memory_space<vmem>>
      %dma_wait3A_1537 = arith.constant 0 : i32
      %dma_wait3A_1538 = arith.constant 0 : i32
      %dma_wait3A_1539 = tpu.memref_slice %arg5[%dma_wait3A_1537, %dma_wait3A_1538] : memref<224x1024xf32, #tpu.memory_space<hbm>> -> memref<8x128xf32, #tpu.memory_space<hbm>>
      tpu.wait_dma2 semaphore(%arg13 : memref<!tpu.dma_semaphore, #tpu.memory_space<semaphore_mem>>) src(%dma_wait3A_1539 : memref<8x128xf32, #tpu.memory_space<hbm>>) dst(%dma_wait3A_1536 : memref<8x128xf32, #tpu.memory_space<vmem>>)
      %dma_wait3A_1540 = arith.constant 2 : i32
      %dma_wait3A_1541 = arith.constant 0 : i32
      %dma_wait3A_1542 = arith.constant 0 : i32
      %dma_wait3A_1543 = tpu.memref_slice %arg9[%dma_wait3A_1540, %dma_wait3A_1541, %dma_wait3A_1542] : memref<8x8x128xf32, #tpu.memory_space<vmem>> -> memref<1x8x128xf32, #tpu.memory_space<vmem>>
      %dma_wait3A_1544 = tpu.memref_squeeze %dma_wait3A_1543 : memref<1x8x128xf32, #tpu.memory_space<vmem>> -> memref<8x128xf32, #tpu.memory_space<vmem>>
      %dma_wait3A_1545 = arith.constant 0 : i32
      %dma_wait3A_1546 = arith.constant 0 : i32
      %dma_wait3A_1547 = tpu.memref_slice %arg5[%dma_wait3A_1545, %dma_wait3A_1546] : memref<224x1024xf32, #tpu.memory_space<hbm>> -> memref<8x128xf32, #tpu.memory_space<hbm>>
      %dma_wait3A_1548 = arith.constant 0 : i32
      %dma_wait3A_1549 = arith.constant 0 : i32
      %dma_wait3A_1550 = tpu.memref_slice %arg9[%dma_wait3A_1540, %dma_wait3A_1548, %dma_wait3A_1549] : memref<8x8x128xf32, #tpu.memory_space<vmem>> -> memref<1x8x128xf32, #tpu.memory_space<vmem>>
      %dma_wait3A_1551 = tpu.memref_squeeze %dma_wait3A_1550 : memref<1x8x128xf32, #tpu.memory_space<vmem>> -> memref<8x128xf32, #tpu.memory_space<vmem>>
      %dma_wait3A_1552 = arith.constant 0 : i32
      %dma_wait3A_1553 = arith.constant 0 : i32
      %dma_wait3A_1554 = tpu.memref_slice %arg5[%dma_wait3A_1552, %dma_wait3A_1553] : memref<224x1024xf32, #tpu.memory_space<hbm>> -> memref<8x128xf32, #tpu.memory_space<hbm>>
      tpu.wait_dma2 semaphore(%arg13 : memref<!tpu.dma_semaphore, #tpu.memory_space<semaphore_mem>>) src(%dma_wait3A_1554 : memref<8x128xf32, #tpu.memory_space<hbm>>) dst(%dma_wait3A_1551 : memref<8x128xf32, #tpu.memory_space<vmem>>)
      %dma_wait3A_1555 = arith.constant 3 : i32
      %dma_wait3A_1556 = arith.constant 0 : i32
      %dma_wait3A_1557 = arith.constant 0 : i32
      %dma_wait3A_1558 = tpu.memref_slice %arg9[%dma_wait3A_1555, %dma_wait3A_1556, %dma_wait3A_1557] : memref<8x8x128xf32, #tpu.memory_space<vmem>> -> memref<1x8x128xf32, #tpu.memory_space<vmem>>
      %dma_wait3A_1559 = tpu.memref_squeeze %dma_wait3A_1558 : memref<1x8x128xf32, #tpu.memory_space<vmem>> -> memref<8x128xf32, #tpu.memory_space<vmem>>
      %dma_wait3A_1560 = arith.constant 0 : i32
      %dma_wait3A_1561 = arith.constant 0 : i32
      %dma_wait3A_1562 = tpu.memref_slice %arg5[%dma_wait3A_1560, %dma_wait3A_1561] : memref<224x1024xf32, #tpu.memory_space<hbm>> -> memref<8x128xf32, #tpu.memory_space<hbm>>
      %dma_wait3A_1563 = arith.constant 0 : i32
      %dma_wait3A_1564 = arith.constant 0 : i32
      %dma_wait3A_1565 = tpu.memref_slice %arg9[%dma_wait3A_1555, %dma_wait3A_1563, %dma_wait3A_1564] : memref<8x8x128xf32, #tpu.memory_space<vmem>> -> memref<1x8x128xf32, #tpu.memory_space<vmem>>
      %dma_wait3A_1566 = tpu.memref_squeeze %dma_wait3A_1565 : memref<1x8x128xf32, #tpu.memory_space<vmem>> -> memref<8x128xf32, #tpu.memory_space<vmem>>
      %dma_wait3A_1567 = arith.constant 0 : i32
      %dma_wait3A_1568 = arith.constant 0 : i32
      %dma_wait3A_1569 = tpu.memref_slice %arg5[%dma_wait3A_1567, %dma_wait3A_1568] : memref<224x1024xf32, #tpu.memory_space<hbm>> -> memref<8x128xf32, #tpu.memory_space<hbm>>
      tpu.wait_dma2 semaphore(%arg13 : memref<!tpu.dma_semaphore, #tpu.memory_space<semaphore_mem>>) src(%dma_wait3A_1569 : memref<8x128xf32, #tpu.memory_space<hbm>>) dst(%dma_wait3A_1566 : memref<8x128xf32, #tpu.memory_space<vmem>>)
      %dma_wait3A_1570 = arith.constant 4 : i32
      %dma_wait3A_1571 = arith.constant 0 : i32
      %dma_wait3A_1572 = arith.constant 0 : i32
      %dma_wait3A_1573 = tpu.memref_slice %arg9[%dma_wait3A_1570, %dma_wait3A_1571, %dma_wait3A_1572] : memref<8x8x128xf32, #tpu.memory_space<vmem>> -> memref<1x8x128xf32, #tpu.memory_space<vmem>>
      %dma_wait3A_1574 = tpu.memref_squeeze %dma_wait3A_1573 : memref<1x8x128xf32, #tpu.memory_space<vmem>> -> memref<8x128xf32, #tpu.memory_space<vmem>>
      %dma_wait3A_1575 = arith.constant 0 : i32
      %dma_wait3A_1576 = arith.constant 0 : i32
      %dma_wait3A_1577 = tpu.memref_slice %arg5[%dma_wait3A_1575, %dma_wait3A_1576] : memref<224x1024xf32, #tpu.memory_space<hbm>> -> memref<8x128xf32, #tpu.memory_space<hbm>>
      %dma_wait3A_1578 = arith.constant 0 : i32
      %dma_wait3A_1579 = arith.constant 0 : i32
      %dma_wait3A_1580 = tpu.memref_slice %arg9[%dma_wait3A_1570, %dma_wait3A_1578, %dma_wait3A_1579] : memref<8x8x128xf32, #tpu.memory_space<vmem>> -> memref<1x8x128xf32, #tpu.memory_space<vmem>>
      %dma_wait3A_1581 = tpu.memref_squeeze %dma_wait3A_1580 : memref<1x8x128xf32, #tpu.memory_space<vmem>> -> memref<8x128xf32, #tpu.memory_space<vmem>>
      %dma_wait3A_1582 = arith.constant 0 : i32
      %dma_wait3A_1583 = arith.constant 0 : i32
      %dma_wait3A_1584 = tpu.memref_slice %arg5[%dma_wait3A_1582, %dma_wait3A_1583] : memref<224x1024xf32, #tpu.memory_space<hbm>> -> memref<8x128xf32, #tpu.memory_space<hbm>>
      tpu.wait_dma2 semaphore(%arg13 : memref<!tpu.dma_semaphore, #tpu.memory_space<semaphore_mem>>) src(%dma_wait3A_1584 : memref<8x128xf32, #tpu.memory_space<hbm>>) dst(%dma_wait3A_1581 : memref<8x128xf32, #tpu.memory_space<vmem>>)
      %dma_wait3A_1585 = arith.constant 5 : i32
      %dma_wait3A_1586 = arith.constant 0 : i32
      %dma_wait3A_1587 = arith.constant 0 : i32
      %dma_wait3A_1588 = tpu.memref_slice %arg9[%dma_wait3A_1585, %dma_wait3A_1586, %dma_wait3A_1587] : memref<8x8x128xf32, #tpu.memory_space<vmem>> -> memref<1x8x128xf32, #tpu.memory_space<vmem>>
      %dma_wait3A_1589 = tpu.memref_squeeze %dma_wait3A_1588 : memref<1x8x128xf32, #tpu.memory_space<vmem>> -> memref<8x128xf32, #tpu.memory_space<vmem>>
      %dma_wait3A_1590 = arith.constant 0 : i32
      %dma_wait3A_1591 = arith.constant 0 : i32
      %dma_wait3A_1592 = tpu.memref_slice %arg5[%dma_wait3A_1590, %dma_wait3A_1591] : memref<224x1024xf32, #tpu.memory_space<hbm>> -> memref<8x128xf32, #tpu.memory_space<hbm>>
      %dma_wait3A_1593 = arith.constant 0 : i32
      %dma_wait3A_1594 = arith.constant 0 : i32
      %dma_wait3A_1595 = tpu.memref_slice %arg9[%dma_wait3A_1585, %dma_wait3A_1593, %dma_wait3A_1594] : memref<8x8x128xf32, #tpu.memory_space<vmem>> -> memref<1x8x128xf32, #tpu.memory_space<vmem>>
      %dma_wait3A_1596 = tpu.memref_squeeze %dma_wait3A_1595 : memref<1x8x128xf32, #tpu.memory_space<vmem>> -> memref<8x128xf32, #tpu.memory_space<vmem>>
      %dma_wait3A_1597 = arith.constant 0 : i32
      %dma_wait3A_1598 = arith.constant 0 : i32
      %dma_wait3A_1599 = tpu.memref_slice %arg5[%dma_wait3A_1597, %dma_wait3A_1598] : memref<224x1024xf32, #tpu.memory_space<hbm>> -> memref<8x128xf32, #tpu.memory_space<hbm>>
      tpu.wait_dma2 semaphore(%arg13 : memref<!tpu.dma_semaphore, #tpu.memory_space<semaphore_mem>>) src(%dma_wait3A_1599 : memref<8x128xf32, #tpu.memory_space<hbm>>) dst(%dma_wait3A_1596 : memref<8x128xf32, #tpu.memory_space<vmem>>)
      %dma_wait3A_1600 = arith.constant 6 : i32
      %dma_wait3A_1601 = arith.constant 0 : i32
      %dma_wait3A_1602 = arith.constant 0 : i32
      %dma_wait3A_1603 = tpu.memref_slice %arg9[%dma_wait3A_1600, %dma_wait3A_1601, %dma_wait3A_1602] : memref<8x8x128xf32, #tpu.memory_space<vmem>> -> memref<1x8x128xf32, #tpu.memory_space<vmem>>
      %dma_wait3A_1604 = tpu.memref_squeeze %dma_wait3A_1603 : memref<1x8x128xf32, #tpu.memory_space<vmem>> -> memref<8x128xf32, #tpu.memory_space<vmem>>
      %dma_wait3A_1605 = arith.constant 0 : i32
      %dma_wait3A_1606 = arith.constant 0 : i32
      %dma_wait3A_1607 = tpu.memref_slice %arg5[%dma_wait3A_1605, %dma_wait3A_1606] : memref<224x1024xf32, #tpu.memory_space<hbm>> -> memref<8x128xf32, #tpu.memory_space<hbm>>
      %dma_wait3A_1608 = arith.constant 0 : i32
      %dma_wait3A_1609 = arith.constant 0 : i32
      %dma_wait3A_1610 = tpu.memref_slice %arg9[%dma_wait3A_1600, %dma_wait3A_1608, %dma_wait3A_1609] : memref<8x8x128xf32, #tpu.memory_space<vmem>> -> memref<1x8x128xf32, #tpu.memory_space<vmem>>
      %dma_wait3A_1611 = tpu.memref_squeeze %dma_wait3A_1610 : memref<1x8x128xf32, #tpu.memory_space<vmem>> -> memref<8x128xf32, #tpu.memory_space<vmem>>
      %dma_wait3A_1612 = arith.constant 0 : i32
      %dma_wait3A_1613 = arith.constant 0 : i32
      %dma_wait3A_1614 = tpu.memref_slice %arg5[%dma_wait3A_1612, %dma_wait3A_1613] : memref<224x1024xf32, #tpu.memory_space<hbm>> -> memref<8x128xf32, #tpu.memory_space<hbm>>
      tpu.wait_dma2 semaphore(%arg13 : memref<!tpu.dma_semaphore, #tpu.memory_space<semaphore_mem>>) src(%dma_wait3A_1614 : memref<8x128xf32, #tpu.memory_space<hbm>>) dst(%dma_wait3A_1611 : memref<8x128xf32, #tpu.memory_space<vmem>>)
      %dma_wait3A_1615 = arith.constant 7 : i32
      %dma_wait3A_1616 = arith.constant 0 : i32
      %dma_wait3A_1617 = arith.constant 0 : i32
      %dma_wait3A_1618 = tpu.memref_slice %arg9[%dma_wait3A_1615, %dma_wait3A_1616, %dma_wait3A_1617] : memref<8x8x128xf32, #tpu.memory_space<vmem>> -> memref<1x8x128xf32, #tpu.memory_space<vmem>>
      %dma_wait3A_1619 = tpu.memref_squeeze %dma_wait3A_1618 : memref<1x8x128xf32, #tpu.memory_space<vmem>> -> memref<8x128xf32, #tpu.memory_space<vmem>>
      %dma_wait3A_1620 = arith.constant 0 : i32
      %dma_wait3A_1621 = arith.constant 0 : i32
      %dma_wait3A_1622 = tpu.memref_slice %arg5[%dma_wait3A_1620, %dma_wait3A_1621] : memref<224x1024xf32, #tpu.memory_space<hbm>> -> memref<8x128xf32, #tpu.memory_space<hbm>>
      %dma_wait3A_1623 = arith.constant 0 : i32
      %dma_wait3A_1624 = arith.constant 0 : i32
      %dma_wait3A_1625 = tpu.memref_slice %arg9[%dma_wait3A_1615, %dma_wait3A_1623, %dma_wait3A_1624] : memref<8x8x128xf32, #tpu.memory_space<vmem>> -> memref<1x8x128xf32, #tpu.memory_space<vmem>>
      %dma_wait3A_1626 = tpu.memref_squeeze %dma_wait3A_1625 : memref<1x8x128xf32, #tpu.memory_space<vmem>> -> memref<8x128xf32, #tpu.memory_space<vmem>>
      %dma_wait3A_1627 = arith.constant 0 : i32
      %dma_wait3A_1628 = arith.constant 0 : i32
      %dma_wait3A_1629 = tpu.memref_slice %arg5[%dma_wait3A_1627, %dma_wait3A_1628] : memref<224x1024xf32, #tpu.memory_space<hbm>> -> memref<8x128xf32, #tpu.memory_space<hbm>>
      tpu.wait_dma2 semaphore(%arg13 : memref<!tpu.dma_semaphore, #tpu.memory_space<semaphore_mem>>) src(%dma_wait3A_1629 : memref<8x128xf32, #tpu.memory_space<hbm>>) dst(%dma_wait3A_1626 : memref<8x128xf32, #tpu.memory_space<vmem>>)
      %gt3A = arith.constant 0 : i32
      %gt3A_1630 = arith.cmpi sgt, %scan3A_1314, %gt3A : i32
      %convert_element_type3A_1631 = arith.extui %gt3A_1630 : i1 to i32
      %cond3A_1632 = arith.constant 0 : i32
      %cond3A_1633 = arith.cmpi ne, %convert_element_type3A_1631, %cond3A_1632 : i32
      scf.if %cond3A_1633 {
        %dma_wait3A_2550 = arith.constant 0 : i32
        %dma_wait3A_2551 = arith.constant 0 : i32
        %dma_wait3A_2552 = arith.constant 0 : i32
        %dma_wait3A_2553 = tpu.memref_slice %arg11[%dma_wait3A_2550, %dma_wait3A_2551, %dma_wait3A_2552] : memref<16x8x128xf32, #tpu.memory_space<vmem>> -> memref<1x8x128xf32, #tpu.memory_space<vmem>>
        %dma_wait3A_2554 = tpu.memref_squeeze %dma_wait3A_2553 : memref<1x8x128xf32, #tpu.memory_space<vmem>> -> memref<8x128xf32, #tpu.memory_space<vmem>>
        %dma_wait3A_2555 = arith.constant 0 : i32
        %dma_wait3A_2556 = arith.constant 0 : i32
        %dma_wait3A_2557 = tpu.memref_slice %arg6[%dma_wait3A_2555, %dma_wait3A_2556] : memref<224x16384xf32, #tpu.memory_space<hbm>> -> memref<8x128xf32, #tpu.memory_space<hbm>>
        %dma_wait3A_2558 = arith.constant 0 : i32
        %dma_wait3A_2559 = arith.constant 0 : i32
        %dma_wait3A_2560 = tpu.memref_slice %arg6[%dma_wait3A_2558, %dma_wait3A_2559] : memref<224x16384xf32, #tpu.memory_space<hbm>> -> memref<8x128xf32, #tpu.memory_space<hbm>>
        %dma_wait3A_2561 = arith.constant 0 : i32
        %dma_wait3A_2562 = arith.constant 0 : i32
        %dma_wait3A_2563 = tpu.memref_slice %arg11[%dma_wait3A_2550, %dma_wait3A_2561, %dma_wait3A_2562] : memref<16x8x128xf32, #tpu.memory_space<vmem>> -> memref<1x8x128xf32, #tpu.memory_space<vmem>>
        %dma_wait3A_2564 = tpu.memref_squeeze %dma_wait3A_2563 : memref<1x8x128xf32, #tpu.memory_space<vmem>> -> memref<8x128xf32, #tpu.memory_space<vmem>>
        tpu.wait_dma2 semaphore(%arg15 : memref<!tpu.dma_semaphore, #tpu.memory_space<semaphore_mem>>) src(%dma_wait3A_2564 : memref<8x128xf32, #tpu.memory_space<vmem>>) dst(%dma_wait3A_2560 : memref<8x128xf32, #tpu.memory_space<hbm>>)
        %dma_wait3A_2565 = arith.constant 1 : i32
        %dma_wait3A_2566 = arith.constant 0 : i32
        %dma_wait3A_2567 = arith.constant 0 : i32
        %dma_wait3A_2568 = tpu.memref_slice %arg11[%dma_wait3A_2565, %dma_wait3A_2566, %dma_wait3A_2567] : memref<16x8x128xf32, #tpu.memory_space<vmem>> -> memref<1x8x128xf32, #tpu.memory_space<vmem>>
        %dma_wait3A_2569 = tpu.memref_squeeze %dma_wait3A_2568 : memref<1x8x128xf32, #tpu.memory_space<vmem>> -> memref<8x128xf32, #tpu.memory_space<vmem>>
        %dma_wait3A_2570 = arith.constant 0 : i32
        %dma_wait3A_2571 = arith.constant 128 : i32
        %dma_wait3A_2572 = tpu.memref_slice %arg6[%dma_wait3A_2570, %dma_wait3A_2571] : memref<224x16384xf32, #tpu.memory_space<hbm>> -> memref<8x128xf32, #tpu.memory_space<hbm>>
        %dma_wait3A_2573 = arith.constant 0 : i32
        %dma_wait3A_2574 = arith.constant 128 : i32
        %dma_wait3A_2575 = tpu.memref_slice %arg6[%dma_wait3A_2573, %dma_wait3A_2574] : memref<224x16384xf32, #tpu.memory_space<hbm>> -> memref<8x128xf32, #tpu.memory_space<hbm>>
        %dma_wait3A_2576 = arith.constant 0 : i32
        %dma_wait3A_2577 = arith.constant 0 : i32
        %dma_wait3A_2578 = tpu.memref_slice %arg11[%dma_wait3A_2565, %dma_wait3A_2576, %dma_wait3A_2577] : memref<16x8x128xf32, #tpu.memory_space<vmem>> -> memref<1x8x128xf32, #tpu.memory_space<vmem>>
        %dma_wait3A_2579 = tpu.memref_squeeze %dma_wait3A_2578 : memref<1x8x128xf32, #tpu.memory_space<vmem>> -> memref<8x128xf32, #tpu.memory_space<vmem>>
        tpu.wait_dma2 semaphore(%arg15 : memref<!tpu.dma_semaphore, #tpu.memory_space<semaphore_mem>>) src(%dma_wait3A_2579 : memref<8x128xf32, #tpu.memory_space<vmem>>) dst(%dma_wait3A_2575 : memref<8x128xf32, #tpu.memory_space<hbm>>)
        %dma_wait3A_2580 = arith.constant 2 : i32
        %dma_wait3A_2581 = arith.constant 0 : i32
        %dma_wait3A_2582 = arith.constant 0 : i32
        %dma_wait3A_2583 = tpu.memref_slice %arg11[%dma_wait3A_2580, %dma_wait3A_2581, %dma_wait3A_2582] : memref<16x8x128xf32, #tpu.memory_space<vmem>> -> memref<1x8x128xf32, #tpu.memory_space<vmem>>
        %dma_wait3A_2584 = tpu.memref_squeeze %dma_wait3A_2583 : memref<1x8x128xf32, #tpu.memory_space<vmem>> -> memref<8x128xf32, #tpu.memory_space<vmem>>
        %dma_wait3A_2585 = arith.constant 0 : i32
        %dma_wait3A_2586 = arith.constant 256 : i32
        %dma_wait3A_2587 = tpu.memref_slice %arg6[%dma_wait3A_2585, %dma_wait3A_2586] : memref<224x16384xf32, #tpu.memory_space<hbm>> -> memref<8x128xf32, #tpu.memory_space<hbm>>
        %dma_wait3A_2588 = arith.constant 0 : i32
        %dma_wait3A_2589 = arith.constant 256 : i32
        %dma_wait3A_2590 = tpu.memref_slice %arg6[%dma_wait3A_2588, %dma_wait3A_2589] : memref<224x16384xf32, #tpu.memory_space<hbm>> -> memref<8x128xf32, #tpu.memory_space<hbm>>
        %dma_wait3A_2591 = arith.constant 0 : i32
        %dma_wait3A_2592 = arith.constant 0 : i32
        %dma_wait3A_2593 = tpu.memref_slice %arg11[%dma_wait3A_2580, %dma_wait3A_2591, %dma_wait3A_2592] : memref<16x8x128xf32, #tpu.memory_space<vmem>> -> memref<1x8x128xf32, #tpu.memory_space<vmem>>
        %dma_wait3A_2594 = tpu.memref_squeeze %dma_wait3A_2593 : memref<1x8x128xf32, #tpu.memory_space<vmem>> -> memref<8x128xf32, #tpu.memory_space<vmem>>
        tpu.wait_dma2 semaphore(%arg15 : memref<!tpu.dma_semaphore, #tpu.memory_space<semaphore_mem>>) src(%dma_wait3A_2594 : memref<8x128xf32, #tpu.memory_space<vmem>>) dst(%dma_wait3A_2590 : memref<8x128xf32, #tpu.memory_space<hbm>>)
        %dma_wait3A_2595 = arith.constant 3 : i32
        %dma_wait3A_2596 = arith.constant 0 : i32
        %dma_wait3A_2597 = arith.constant 0 : i32
        %dma_wait3A_2598 = tpu.memref_slice %arg11[%dma_wait3A_2595, %dma_wait3A_2596, %dma_wait3A_2597] : memref<16x8x128xf32, #tpu.memory_space<vmem>> -> memref<1x8x128xf32, #tpu.memory_space<vmem>>
        %dma_wait3A_2599 = tpu.memref_squeeze %dma_wait3A_2598 : memref<1x8x128xf32, #tpu.memory_space<vmem>> -> memref<8x128xf32, #tpu.memory_space<vmem>>
        %dma_wait3A_2600 = arith.constant 0 : i32
        %dma_wait3A_2601 = arith.constant 384 : i32
        %dma_wait3A_2602 = tpu.memref_slice %arg6[%dma_wait3A_2600, %dma_wait3A_2601] : memref<224x16384xf32, #tpu.memory_space<hbm>> -> memref<8x128xf32, #tpu.memory_space<hbm>>
        %dma_wait3A_2603 = arith.constant 0 : i32
        %dma_wait3A_2604 = arith.constant 384 : i32
        %dma_wait3A_2605 = tpu.memref_slice %arg6[%dma_wait3A_2603, %dma_wait3A_2604] : memref<224x16384xf32, #tpu.memory_space<hbm>> -> memref<8x128xf32, #tpu.memory_space<hbm>>
        %dma_wait3A_2606 = arith.constant 0 : i32
        %dma_wait3A_2607 = arith.constant 0 : i32
        %dma_wait3A_2608 = tpu.memref_slice %arg11[%dma_wait3A_2595, %dma_wait3A_2606, %dma_wait3A_2607] : memref<16x8x128xf32, #tpu.memory_space<vmem>> -> memref<1x8x128xf32, #tpu.memory_space<vmem>>
        %dma_wait3A_2609 = tpu.memref_squeeze %dma_wait3A_2608 : memref<1x8x128xf32, #tpu.memory_space<vmem>> -> memref<8x128xf32, #tpu.memory_space<vmem>>
        tpu.wait_dma2 semaphore(%arg15 : memref<!tpu.dma_semaphore, #tpu.memory_space<semaphore_mem>>) src(%dma_wait3A_2609 : memref<8x128xf32, #tpu.memory_space<vmem>>) dst(%dma_wait3A_2605 : memref<8x128xf32, #tpu.memory_space<hbm>>)
        %dma_wait3A_2610 = arith.constant 4 : i32
        %dma_wait3A_2611 = arith.constant 0 : i32
        %dma_wait3A_2612 = arith.constant 0 : i32
        %dma_wait3A_2613 = tpu.memref_slice %arg11[%dma_wait3A_2610, %dma_wait3A_2611, %dma_wait3A_2612] : memref<16x8x128xf32, #tpu.memory_space<vmem>> -> memref<1x8x128xf32, #tpu.memory_space<vmem>>
        %dma_wait3A_2614 = tpu.memref_squeeze %dma_wait3A_2613 : memref<1x8x128xf32, #tpu.memory_space<vmem>> -> memref<8x128xf32, #tpu.memory_space<vmem>>
        %dma_wait3A_2615 = arith.constant 0 : i32
        %dma_wait3A_2616 = arith.constant 512 : i32
        %dma_wait3A_2617 = tpu.memref_slice %arg6[%dma_wait3A_2615, %dma_wait3A_2616] : memref<224x16384xf32, #tpu.memory_space<hbm>> -> memref<8x128xf32, #tpu.memory_space<hbm>>
        %dma_wait3A_2618 = arith.constant 0 : i32
        %dma_wait3A_2619 = arith.constant 512 : i32
        %dma_wait3A_2620 = tpu.memref_slice %arg6[%dma_wait3A_2618, %dma_wait3A_2619] : memref<224x16384xf32, #tpu.memory_space<hbm>> -> memref<8x128xf32, #tpu.memory_space<hbm>>
        %dma_wait3A_2621 = arith.constant 0 : i32
        %dma_wait3A_2622 = arith.constant 0 : i32
        %dma_wait3A_2623 = tpu.memref_slice %arg11[%dma_wait3A_2610, %dma_wait3A_2621, %dma_wait3A_2622] : memref<16x8x128xf32, #tpu.memory_space<vmem>> -> memref<1x8x128xf32, #tpu.memory_space<vmem>>
        %dma_wait3A_2624 = tpu.memref_squeeze %dma_wait3A_2623 : memref<1x8x128xf32, #tpu.memory_space<vmem>> -> memref<8x128xf32, #tpu.memory_space<vmem>>
        tpu.wait_dma2 semaphore(%arg15 : memref<!tpu.dma_semaphore, #tpu.memory_space<semaphore_mem>>) src(%dma_wait3A_2624 : memref<8x128xf32, #tpu.memory_space<vmem>>) dst(%dma_wait3A_2620 : memref<8x128xf32, #tpu.memory_space<hbm>>)
        %dma_wait3A_2625 = arith.constant 5 : i32
        %dma_wait3A_2626 = arith.constant 0 : i32
        %dma_wait3A_2627 = arith.constant 0 : i32
        %dma_wait3A_2628 = tpu.memref_slice %arg11[%dma_wait3A_2625, %dma_wait3A_2626, %dma_wait3A_2627] : memref<16x8x128xf32, #tpu.memory_space<vmem>> -> memref<1x8x128xf32, #tpu.memory_space<vmem>>
        %dma_wait3A_2629 = tpu.memref_squeeze %dma_wait3A_2628 : memref<1x8x128xf32, #tpu.memory_space<vmem>> -> memref<8x128xf32, #tpu.memory_space<vmem>>
        %dma_wait3A_2630 = arith.constant 0 : i32
        %dma_wait3A_2631 = arith.constant 640 : i32
        %dma_wait3A_2632 = tpu.memref_slice %arg6[%dma_wait3A_2630, %dma_wait3A_2631] : memref<224x16384xf32, #tpu.memory_space<hbm>> -> memref<8x128xf32, #tpu.memory_space<hbm>>
        %dma_wait3A_2633 = arith.constant 0 : i32
        %dma_wait3A_2634 = arith.constant 640 : i32
        %dma_wait3A_2635 = tpu.memref_slice %arg6[%dma_wait3A_2633, %dma_wait3A_2634] : memref<224x16384xf32, #tpu.memory_space<hbm>> -> memref<8x128xf32, #tpu.memory_space<hbm>>
        %dma_wait3A_2636 = arith.constant 0 : i32
        %dma_wait3A_2637 = arith.constant 0 : i32
        %dma_wait3A_2638 = tpu.memref_slice %arg11[%dma_wait3A_2625, %dma_wait3A_2636, %dma_wait3A_2637] : memref<16x8x128xf32, #tpu.memory_space<vmem>> -> memref<1x8x128xf32, #tpu.memory_space<vmem>>
        %dma_wait3A_2639 = tpu.memref_squeeze %dma_wait3A_2638 : memref<1x8x128xf32, #tpu.memory_space<vmem>> -> memref<8x128xf32, #tpu.memory_space<vmem>>
        tpu.wait_dma2 semaphore(%arg15 : memref<!tpu.dma_semaphore, #tpu.memory_space<semaphore_mem>>) src(%dma_wait3A_2639 : memref<8x128xf32, #tpu.memory_space<vmem>>) dst(%dma_wait3A_2635 : memref<8x128xf32, #tpu.memory_space<hbm>>)
        %dma_wait3A_2640 = arith.constant 6 : i32
        %dma_wait3A_2641 = arith.constant 0 : i32
        %dma_wait3A_2642 = arith.constant 0 : i32
        %dma_wait3A_2643 = tpu.memref_slice %arg11[%dma_wait3A_2640, %dma_wait3A_2641, %dma_wait3A_2642] : memref<16x8x128xf32, #tpu.memory_space<vmem>> -> memref<1x8x128xf32, #tpu.memory_space<vmem>>
        %dma_wait3A_2644 = tpu.memref_squeeze %dma_wait3A_2643 : memref<1x8x128xf32, #tpu.memory_space<vmem>> -> memref<8x128xf32, #tpu.memory_space<vmem>>
        %dma_wait3A_2645 = arith.constant 0 : i32
        %dma_wait3A_2646 = arith.constant 768 : i32
        %dma_wait3A_2647 = tpu.memref_slice %arg6[%dma_wait3A_2645, %dma_wait3A_2646] : memref<224x16384xf32, #tpu.memory_space<hbm>> -> memref<8x128xf32, #tpu.memory_space<hbm>>
        %dma_wait3A_2648 = arith.constant 0 : i32
        %dma_wait3A_2649 = arith.constant 768 : i32
        %dma_wait3A_2650 = tpu.memref_slice %arg6[%dma_wait3A_2648, %dma_wait3A_2649] : memref<224x16384xf32, #tpu.memory_space<hbm>> -> memref<8x128xf32, #tpu.memory_space<hbm>>
        %dma_wait3A_2651 = arith.constant 0 : i32
        %dma_wait3A_2652 = arith.constant 0 : i32
        %dma_wait3A_2653 = tpu.memref_slice %arg11[%dma_wait3A_2640, %dma_wait3A_2651, %dma_wait3A_2652] : memref<16x8x128xf32, #tpu.memory_space<vmem>> -> memref<1x8x128xf32, #tpu.memory_space<vmem>>
        %dma_wait3A_2654 = tpu.memref_squeeze %dma_wait3A_2653 : memref<1x8x128xf32, #tpu.memory_space<vmem>> -> memref<8x128xf32, #tpu.memory_space<vmem>>
        tpu.wait_dma2 semaphore(%arg15 : memref<!tpu.dma_semaphore, #tpu.memory_space<semaphore_mem>>) src(%dma_wait3A_2654 : memref<8x128xf32, #tpu.memory_space<vmem>>) dst(%dma_wait3A_2650 : memref<8x128xf32, #tpu.memory_space<hbm>>)
        %dma_wait3A_2655 = arith.constant 7 : i32
        %dma_wait3A_2656 = arith.constant 0 : i32
        %dma_wait3A_2657 = arith.constant 0 : i32
        %dma_wait3A_2658 = tpu.memref_slice %arg11[%dma_wait3A_2655, %dma_wait3A_2656, %dma_wait3A_2657] : memref<16x8x128xf32, #tpu.memory_space<vmem>> -> memref<1x8x128xf32, #tpu.memory_space<vmem>>
        %dma_wait3A_2659 = tpu.memref_squeeze %dma_wait3A_2658 : memref<1x8x128xf32, #tpu.memory_space<vmem>> -> memref<8x128xf32, #tpu.memory_space<vmem>>
        %dma_wait3A_2660 = arith.constant 0 : i32
        %dma_wait3A_2661 = arith.constant 896 : i32
        %dma_wait3A_2662 = tpu.memref_slice %arg6[%dma_wait3A_2660, %dma_wait3A_2661] : memref<224x16384xf32, #tpu.memory_space<hbm>> -> memref<8x128xf32, #tpu.memory_space<hbm>>
        %dma_wait3A_2663 = arith.constant 0 : i32
        %dma_wait3A_2664 = arith.constant 896 : i32
        %dma_wait3A_2665 = tpu.memref_slice %arg6[%dma_wait3A_2663, %dma_wait3A_2664] : memref<224x16384xf32, #tpu.memory_space<hbm>> -> memref<8x128xf32, #tpu.memory_space<hbm>>
        %dma_wait3A_2666 = arith.constant 0 : i32
        %dma_wait3A_2667 = arith.constant 0 : i32
        %dma_wait3A_2668 = tpu.memref_slice %arg11[%dma_wait3A_2655, %dma_wait3A_2666, %dma_wait3A_2667] : memref<16x8x128xf32, #tpu.memory_space<vmem>> -> memref<1x8x128xf32, #tpu.memory_space<vmem>>
        %dma_wait3A_2669 = tpu.memref_squeeze %dma_wait3A_2668 : memref<1x8x128xf32, #tpu.memory_space<vmem>> -> memref<8x128xf32, #tpu.memory_space<vmem>>
        tpu.wait_dma2 semaphore(%arg15 : memref<!tpu.dma_semaphore, #tpu.memory_space<semaphore_mem>>) src(%dma_wait3A_2669 : memref<8x128xf32, #tpu.memory_space<vmem>>) dst(%dma_wait3A_2665 : memref<8x128xf32, #tpu.memory_space<hbm>>)
        %dma_wait3A_2670 = arith.constant 8 : i32
        %dma_wait3A_2671 = arith.constant 0 : i32
        %dma_wait3A_2672 = arith.constant 0 : i32
        %dma_wait3A_2673 = tpu.memref_slice %arg11[%dma_wait3A_2670, %dma_wait3A_2671, %dma_wait3A_2672] : memref<16x8x128xf32, #tpu.memory_space<vmem>> -> memref<1x8x128xf32, #tpu.memory_space<vmem>>
        %dma_wait3A_2674 = tpu.memref_squeeze %dma_wait3A_2673 : memref<1x8x128xf32, #tpu.memory_space<vmem>> -> memref<8x128xf32, #tpu.memory_space<vmem>>
        %dma_wait3A_2675 = arith.constant 0 : i32
        %dma_wait3A_2676 = arith.constant 1024 : i32
        %dma_wait3A_2677 = tpu.memref_slice %arg6[%dma_wait3A_2675, %dma_wait3A_2676] : memref<224x16384xf32, #tpu.memory_space<hbm>> -> memref<8x128xf32, #tpu.memory_space<hbm>>
        %dma_wait3A_2678 = arith.constant 0 : i32
        %dma_wait3A_2679 = arith.constant 1024 : i32
        %dma_wait3A_2680 = tpu.memref_slice %arg6[%dma_wait3A_2678, %dma_wait3A_2679] : memref<224x16384xf32, #tpu.memory_space<hbm>> -> memref<8x128xf32, #tpu.memory_space<hbm>>
        %dma_wait3A_2681 = arith.constant 0 : i32
        %dma_wait3A_2682 = arith.constant 0 : i32
        %dma_wait3A_2683 = tpu.memref_slice %arg11[%dma_wait3A_2670, %dma_wait3A_2681, %dma_wait3A_2682] : memref<16x8x128xf32, #tpu.memory_space<vmem>> -> memref<1x8x128xf32, #tpu.memory_space<vmem>>
        %dma_wait3A_2684 = tpu.memref_squeeze %dma_wait3A_2683 : memref<1x8x128xf32, #tpu.memory_space<vmem>> -> memref<8x128xf32, #tpu.memory_space<vmem>>
        tpu.wait_dma2 semaphore(%arg15 : memref<!tpu.dma_semaphore, #tpu.memory_space<semaphore_mem>>) src(%dma_wait3A_2684 : memref<8x128xf32, #tpu.memory_space<vmem>>) dst(%dma_wait3A_2680 : memref<8x128xf32, #tpu.memory_space<hbm>>)
        %dma_wait3A_2685 = arith.constant 9 : i32
        %dma_wait3A_2686 = arith.constant 0 : i32
        %dma_wait3A_2687 = arith.constant 0 : i32
        %dma_wait3A_2688 = tpu.memref_slice %arg11[%dma_wait3A_2685, %dma_wait3A_2686, %dma_wait3A_2687] : memref<16x8x128xf32, #tpu.memory_space<vmem>> -> memref<1x8x128xf32, #tpu.memory_space<vmem>>
        %dma_wait3A_2689 = tpu.memref_squeeze %dma_wait3A_2688 : memref<1x8x128xf32, #tpu.memory_space<vmem>> -> memref<8x128xf32, #tpu.memory_space<vmem>>
        %dma_wait3A_2690 = arith.constant 0 : i32
        %dma_wait3A_2691 = arith.constant 1152 : i32
        %dma_wait3A_2692 = tpu.memref_slice %arg6[%dma_wait3A_2690, %dma_wait3A_2691] : memref<224x16384xf32, #tpu.memory_space<hbm>> -> memref<8x128xf32, #tpu.memory_space<hbm>>
        %dma_wait3A_2693 = arith.constant 0 : i32
        %dma_wait3A_2694 = arith.constant 1152 : i32
        %dma_wait3A_2695 = tpu.memref_slice %arg6[%dma_wait3A_2693, %dma_wait3A_2694] : memref<224x16384xf32, #tpu.memory_space<hbm>> -> memref<8x128xf32, #tpu.memory_space<hbm>>
        %dma_wait3A_2696 = arith.constant 0 : i32
        %dma_wait3A_2697 = arith.constant 0 : i32
        %dma_wait3A_2698 = tpu.memref_slice %arg11[%dma_wait3A_2685, %dma_wait3A_2696, %dma_wait3A_2697] : memref<16x8x128xf32, #tpu.memory_space<vmem>> -> memref<1x8x128xf32, #tpu.memory_space<vmem>>
        %dma_wait3A_2699 = tpu.memref_squeeze %dma_wait3A_2698 : memref<1x8x128xf32, #tpu.memory_space<vmem>> -> memref<8x128xf32, #tpu.memory_space<vmem>>
        tpu.wait_dma2 semaphore(%arg15 : memref<!tpu.dma_semaphore, #tpu.memory_space<semaphore_mem>>) src(%dma_wait3A_2699 : memref<8x128xf32, #tpu.memory_space<vmem>>) dst(%dma_wait3A_2695 : memref<8x128xf32, #tpu.memory_space<hbm>>)
        %dma_wait3A_2700 = arith.constant 10 : i32
        %dma_wait3A_2701 = arith.constant 0 : i32
        %dma_wait3A_2702 = arith.constant 0 : i32
        %dma_wait3A_2703 = tpu.memref_slice %arg11[%dma_wait3A_2700, %dma_wait3A_2701, %dma_wait3A_2702] : memref<16x8x128xf32, #tpu.memory_space<vmem>> -> memref<1x8x128xf32, #tpu.memory_space<vmem>>
        %dma_wait3A_2704 = tpu.memref_squeeze %dma_wait3A_2703 : memref<1x8x128xf32, #tpu.memory_space<vmem>> -> memref<8x128xf32, #tpu.memory_space<vmem>>
        %dma_wait3A_2705 = arith.constant 0 : i32
        %dma_wait3A_2706 = arith.constant 1280 : i32
        %dma_wait3A_2707 = tpu.memref_slice %arg6[%dma_wait3A_2705, %dma_wait3A_2706] : memref<224x16384xf32, #tpu.memory_space<hbm>> -> memref<8x128xf32, #tpu.memory_space<hbm>>
        %dma_wait3A_2708 = arith.constant 0 : i32
        %dma_wait3A_2709 = arith.constant 1280 : i32
        %dma_wait3A_2710 = tpu.memref_slice %arg6[%dma_wait3A_2708, %dma_wait3A_2709] : memref<224x16384xf32, #tpu.memory_space<hbm>> -> memref<8x128xf32, #tpu.memory_space<hbm>>
        %dma_wait3A_2711 = arith.constant 0 : i32
        %dma_wait3A_2712 = arith.constant 0 : i32
        %dma_wait3A_2713 = tpu.memref_slice %arg11[%dma_wait3A_2700, %dma_wait3A_2711, %dma_wait3A_2712] : memref<16x8x128xf32, #tpu.memory_space<vmem>> -> memref<1x8x128xf32, #tpu.memory_space<vmem>>
        %dma_wait3A_2714 = tpu.memref_squeeze %dma_wait3A_2713 : memref<1x8x128xf32, #tpu.memory_space<vmem>> -> memref<8x128xf32, #tpu.memory_space<vmem>>
        tpu.wait_dma2 semaphore(%arg15 : memref<!tpu.dma_semaphore, #tpu.memory_space<semaphore_mem>>) src(%dma_wait3A_2714 : memref<8x128xf32, #tpu.memory_space<vmem>>) dst(%dma_wait3A_2710 : memref<8x128xf32, #tpu.memory_space<hbm>>)
        %dma_wait3A_2715 = arith.constant 11 : i32
        %dma_wait3A_2716 = arith.constant 0 : i32
        %dma_wait3A_2717 = arith.constant 0 : i32
        %dma_wait3A_2718 = tpu.memref_slice %arg11[%dma_wait3A_2715, %dma_wait3A_2716, %dma_wait3A_2717] : memref<16x8x128xf32, #tpu.memory_space<vmem>> -> memref<1x8x128xf32, #tpu.memory_space<vmem>>
        %dma_wait3A_2719 = tpu.memref_squeeze %dma_wait3A_2718 : memref<1x8x128xf32, #tpu.memory_space<vmem>> -> memref<8x128xf32, #tpu.memory_space<vmem>>
        %dma_wait3A_2720 = arith.constant 0 : i32
        %dma_wait3A_2721 = arith.constant 1408 : i32
        %dma_wait3A_2722 = tpu.memref_slice %arg6[%dma_wait3A_2720, %dma_wait3A_2721] : memref<224x16384xf32, #tpu.memory_space<hbm>> -> memref<8x128xf32, #tpu.memory_space<hbm>>
        %dma_wait3A_2723 = arith.constant 0 : i32
        %dma_wait3A_2724 = arith.constant 1408 : i32
        %dma_wait3A_2725 = tpu.memref_slice %arg6[%dma_wait3A_2723, %dma_wait3A_2724] : memref<224x16384xf32, #tpu.memory_space<hbm>> -> memref<8x128xf32, #tpu.memory_space<hbm>>
        %dma_wait3A_2726 = arith.constant 0 : i32
        %dma_wait3A_2727 = arith.constant 0 : i32
        %dma_wait3A_2728 = tpu.memref_slice %arg11[%dma_wait3A_2715, %dma_wait3A_2726, %dma_wait3A_2727] : memref<16x8x128xf32, #tpu.memory_space<vmem>> -> memref<1x8x128xf32, #tpu.memory_space<vmem>>
        %dma_wait3A_2729 = tpu.memref_squeeze %dma_wait3A_2728 : memref<1x8x128xf32, #tpu.memory_space<vmem>> -> memref<8x128xf32, #tpu.memory_space<vmem>>
        tpu.wait_dma2 semaphore(%arg15 : memref<!tpu.dma_semaphore, #tpu.memory_space<semaphore_mem>>) src(%dma_wait3A_2729 : memref<8x128xf32, #tpu.memory_space<vmem>>) dst(%dma_wait3A_2725 : memref<8x128xf32, #tpu.memory_space<hbm>>)
        %dma_wait3A_2730 = arith.constant 12 : i32
        %dma_wait3A_2731 = arith.constant 0 : i32
        %dma_wait3A_2732 = arith.constant 0 : i32
        %dma_wait3A_2733 = tpu.memref_slice %arg11[%dma_wait3A_2730, %dma_wait3A_2731, %dma_wait3A_2732] : memref<16x8x128xf32, #tpu.memory_space<vmem>> -> memref<1x8x128xf32, #tpu.memory_space<vmem>>
        %dma_wait3A_2734 = tpu.memref_squeeze %dma_wait3A_2733 : memref<1x8x128xf32, #tpu.memory_space<vmem>> -> memref<8x128xf32, #tpu.memory_space<vmem>>
        %dma_wait3A_2735 = arith.constant 0 : i32
        %dma_wait3A_2736 = arith.constant 1536 : i32
        %dma_wait3A_2737 = tpu.memref_slice %arg6[%dma_wait3A_2735, %dma_wait3A_2736] : memref<224x16384xf32, #tpu.memory_space<hbm>> -> memref<8x128xf32, #tpu.memory_space<hbm>>
        %dma_wait3A_2738 = arith.constant 0 : i32
        %dma_wait3A_2739 = arith.constant 1536 : i32
        %dma_wait3A_2740 = tpu.memref_slice %arg6[%dma_wait3A_2738, %dma_wait3A_2739] : memref<224x16384xf32, #tpu.memory_space<hbm>> -> memref<8x128xf32, #tpu.memory_space<hbm>>
        %dma_wait3A_2741 = arith.constant 0 : i32
        %dma_wait3A_2742 = arith.constant 0 : i32
        %dma_wait3A_2743 = tpu.memref_slice %arg11[%dma_wait3A_2730, %dma_wait3A_2741, %dma_wait3A_2742] : memref<16x8x128xf32, #tpu.memory_space<vmem>> -> memref<1x8x128xf32, #tpu.memory_space<vmem>>
        %dma_wait3A_2744 = tpu.memref_squeeze %dma_wait3A_2743 : memref<1x8x128xf32, #tpu.memory_space<vmem>> -> memref<8x128xf32, #tpu.memory_space<vmem>>
        tpu.wait_dma2 semaphore(%arg15 : memref<!tpu.dma_semaphore, #tpu.memory_space<semaphore_mem>>) src(%dma_wait3A_2744 : memref<8x128xf32, #tpu.memory_space<vmem>>) dst(%dma_wait3A_2740 : memref<8x128xf32, #tpu.memory_space<hbm>>)
        %dma_wait3A_2745 = arith.constant 13 : i32
        %dma_wait3A_2746 = arith.constant 0 : i32
        %dma_wait3A_2747 = arith.constant 0 : i32
        %dma_wait3A_2748 = tpu.memref_slice %arg11[%dma_wait3A_2745, %dma_wait3A_2746, %dma_wait3A_2747] : memref<16x8x128xf32, #tpu.memory_space<vmem>> -> memref<1x8x128xf32, #tpu.memory_space<vmem>>
        %dma_wait3A_2749 = tpu.memref_squeeze %dma_wait3A_2748 : memref<1x8x128xf32, #tpu.memory_space<vmem>> -> memref<8x128xf32, #tpu.memory_space<vmem>>
        %dma_wait3A_2750 = arith.constant 0 : i32
        %dma_wait3A_2751 = arith.constant 1664 : i32
        %dma_wait3A_2752 = tpu.memref_slice %arg6[%dma_wait3A_2750, %dma_wait3A_2751] : memref<224x16384xf32, #tpu.memory_space<hbm>> -> memref<8x128xf32, #tpu.memory_space<hbm>>
        %dma_wait3A_2753 = arith.constant 0 : i32
        %dma_wait3A_2754 = arith.constant 1664 : i32
        %dma_wait3A_2755 = tpu.memref_slice %arg6[%dma_wait3A_2753, %dma_wait3A_2754] : memref<224x16384xf32, #tpu.memory_space<hbm>> -> memref<8x128xf32, #tpu.memory_space<hbm>>
        %dma_wait3A_2756 = arith.constant 0 : i32
        %dma_wait3A_2757 = arith.constant 0 : i32
        %dma_wait3A_2758 = tpu.memref_slice %arg11[%dma_wait3A_2745, %dma_wait3A_2756, %dma_wait3A_2757] : memref<16x8x128xf32, #tpu.memory_space<vmem>> -> memref<1x8x128xf32, #tpu.memory_space<vmem>>
        %dma_wait3A_2759 = tpu.memref_squeeze %dma_wait3A_2758 : memref<1x8x128xf32, #tpu.memory_space<vmem>> -> memref<8x128xf32, #tpu.memory_space<vmem>>
        tpu.wait_dma2 semaphore(%arg15 : memref<!tpu.dma_semaphore, #tpu.memory_space<semaphore_mem>>) src(%dma_wait3A_2759 : memref<8x128xf32, #tpu.memory_space<vmem>>) dst(%dma_wait3A_2755 : memref<8x128xf32, #tpu.memory_space<hbm>>)
        %dma_wait3A_2760 = arith.constant 14 : i32
        %dma_wait3A_2761 = arith.constant 0 : i32
        %dma_wait3A_2762 = arith.constant 0 : i32
        %dma_wait3A_2763 = tpu.memref_slice %arg11[%dma_wait3A_2760, %dma_wait3A_2761, %dma_wait3A_2762] : memref<16x8x128xf32, #tpu.memory_space<vmem>> -> memref<1x8x128xf32, #tpu.memory_space<vmem>>
        %dma_wait3A_2764 = tpu.memref_squeeze %dma_wait3A_2763 : memref<1x8x128xf32, #tpu.memory_space<vmem>> -> memref<8x128xf32, #tpu.memory_space<vmem>>
        %dma_wait3A_2765 = arith.constant 0 : i32
        %dma_wait3A_2766 = arith.constant 1792 : i32
        %dma_wait3A_2767 = tpu.memref_slice %arg6[%dma_wait3A_2765, %dma_wait3A_2766] : memref<224x16384xf32, #tpu.memory_space<hbm>> -> memref<8x128xf32, #tpu.memory_space<hbm>>
        %dma_wait3A_2768 = arith.constant 0 : i32
        %dma_wait3A_2769 = arith.constant 1792 : i32
        %dma_wait3A_2770 = tpu.memref_slice %arg6[%dma_wait3A_2768, %dma_wait3A_2769] : memref<224x16384xf32, #tpu.memory_space<hbm>> -> memref<8x128xf32, #tpu.memory_space<hbm>>
        %dma_wait3A_2771 = arith.constant 0 : i32
        %dma_wait3A_2772 = arith.constant 0 : i32
        %dma_wait3A_2773 = tpu.memref_slice %arg11[%dma_wait3A_2760, %dma_wait3A_2771, %dma_wait3A_2772] : memref<16x8x128xf32, #tpu.memory_space<vmem>> -> memref<1x8x128xf32, #tpu.memory_space<vmem>>
        %dma_wait3A_2774 = tpu.memref_squeeze %dma_wait3A_2773 : memref<1x8x128xf32, #tpu.memory_space<vmem>> -> memref<8x128xf32, #tpu.memory_space<vmem>>
        tpu.wait_dma2 semaphore(%arg15 : memref<!tpu.dma_semaphore, #tpu.memory_space<semaphore_mem>>) src(%dma_wait3A_2774 : memref<8x128xf32, #tpu.memory_space<vmem>>) dst(%dma_wait3A_2770 : memref<8x128xf32, #tpu.memory_space<hbm>>)
        %dma_wait3A_2775 = arith.constant 15 : i32
        %dma_wait3A_2776 = arith.constant 0 : i32
        %dma_wait3A_2777 = arith.constant 0 : i32
        %dma_wait3A_2778 = tpu.memref_slice %arg11[%dma_wait3A_2775, %dma_wait3A_2776, %dma_wait3A_2777] : memref<16x8x128xf32, #tpu.memory_space<vmem>> -> memref<1x8x128xf32, #tpu.memory_space<vmem>>
        %dma_wait3A_2779 = tpu.memref_squeeze %dma_wait3A_2778 : memref<1x8x128xf32, #tpu.memory_space<vmem>> -> memref<8x128xf32, #tpu.memory_space<vmem>>
        %dma_wait3A_2780 = arith.constant 0 : i32
        %dma_wait3A_2781 = arith.constant 1920 : i32
        %dma_wait3A_2782 = tpu.memref_slice %arg6[%dma_wait3A_2780, %dma_wait3A_2781] : memref<224x16384xf32, #tpu.memory_space<hbm>> -> memref<8x128xf32, #tpu.memory_space<hbm>>
        %dma_wait3A_2783 = arith.constant 0 : i32
        %dma_wait3A_2784 = arith.constant 1920 : i32
        %dma_wait3A_2785 = tpu.memref_slice %arg6[%dma_wait3A_2783, %dma_wait3A_2784] : memref<224x16384xf32, #tpu.memory_space<hbm>> -> memref<8x128xf32, #tpu.memory_space<hbm>>
        %dma_wait3A_2786 = arith.constant 0 : i32
        %dma_wait3A_2787 = arith.constant 0 : i32
        %dma_wait3A_2788 = tpu.memref_slice %arg11[%dma_wait3A_2775, %dma_wait3A_2786, %dma_wait3A_2787] : memref<16x8x128xf32, #tpu.memory_space<vmem>> -> memref<1x8x128xf32, #tpu.memory_space<vmem>>
        %dma_wait3A_2789 = tpu.memref_squeeze %dma_wait3A_2788 : memref<1x8x128xf32, #tpu.memory_space<vmem>> -> memref<8x128xf32, #tpu.memory_space<vmem>>
        tpu.wait_dma2 semaphore(%arg15 : memref<!tpu.dma_semaphore, #tpu.memory_space<semaphore_mem>>) src(%dma_wait3A_2789 : memref<8x128xf32, #tpu.memory_space<vmem>>) dst(%dma_wait3A_2785 : memref<8x128xf32, #tpu.memory_space<hbm>>)
      } else {
      }
      %parallel_loop3A_1634 = arith.constant 0 : i32
      %parallel_loop3A_1635 = arith.constant 128 : i32
      %parallel_loop3A_1636 = arith.constant 1 : i32
      scf.for %parallel_loop3A_2550 = %parallel_loop3A_1634 to %parallel_loop3A_1635 step %parallel_loop3A_1636  : i32 {
        %parallel_loop3A_2551 = arith.constant 3 : i32
        %parallel_loop3A_2552 = arith.shrui %parallel_loop3A_2550, %parallel_loop3A_2551 : i32
        %parallel_loop3A_2553 = arith.constant 7 : i32
        %parallel_loop3A_2554 = arith.andi %parallel_loop3A_2550, %parallel_loop3A_2553 : i32
        %parallel_loop3A_2555 = arith.constant 16 : i32
        %parallel_loop3A_2556 = arith.muli %parallel_loop3A_2554, %parallel_loop3A_2555 : i32
        %parallel_loop3A_2557 = arith.constant 16 : i32
        %parallel_loop3A_2558 = arith.muli %parallel_loop3A_2550, %parallel_loop3A_2557 : i32
        %parallel_loop3A_2559 = arith.index_cast %parallel_loop3A_2558 : i32 to index
        %parallel_loop3A_2560 = tpu.vector_load %arg7[%parallel_loop3A_2559] {strides = array<i32>} : memref<2048xi32, #tpu.memory_space<vmem>>, vector<16xi32>,
        %parallel_loop3A_2561 = arith.constant 7 : i32
        %parallel_loop3A_2562 = vector.broadcast %parallel_loop3A_2561 : i32 to vector<16xi32>
        %parallel_loop3A_2563 = arith.shrui %parallel_loop3A_2560, %parallel_loop3A_2562 : vector<16xi32>
        %parallel_loop3A_2564 = arith.constant 127 : i32
        %parallel_loop3A_2565 = vector.broadcast %parallel_loop3A_2564 : i32 to vector<16xi32>
        %parallel_loop3A_2566 = arith.andi %parallel_loop3A_2560, %parallel_loop3A_2565 : vector<16xi32>
        %parallel_loop3A_2567 = arith.constant 0 : i32
        %parallel_loop3A_2568 = vector.broadcast %parallel_loop3A_2567 : i32 to vector<16xi32>
        %parallel_loop3A_2569 = tpu.vector_load_idx %arg9[%parallel_loop3A_2563, %parallel_loop3A_2568, %parallel_loop3A_2566] : memref<8x8x128xf32, #tpu.memory_space<vmem>>[vector<16xi32>, vector<16xi32>, vector<16xi32>], vector<16xf32>,
        %parallel_loop3A_2570 = arith.constant 0 : i32
        %parallel_loop3A_2571 = arith.index_cast %parallel_loop3A_2552 : i32 to index
        %parallel_loop3A_2572 = arith.index_cast %parallel_loop3A_2570 : i32 to index
        %parallel_loop3A_2573 = arith.index_cast %parallel_loop3A_2556 : i32 to index
        %parallel_loop3A_2574 = tpu.vector_load %arg11[%parallel_loop3A_2571, %parallel_loop3A_2572, %parallel_loop3A_2573] {strides = array<i32>} : memref<16x8x128xf32, #tpu.memory_space<vmem>>, vector<16xf32>,
        tpu.vector_store %arg11[%parallel_loop3A_2571, %parallel_loop3A_2572, %parallel_loop3A_2573], %parallel_loop3A_2569 {strides = array<i32>} : memref<16x8x128xf32, #tpu.memory_space<vmem>>, vector<16xf32>,
        %parallel_loop3A_2575 = arith.constant 1 : i32
        %parallel_loop3A_2576 = vector.broadcast %parallel_loop3A_2575 : i32 to vector<16xi32>
        %parallel_loop3A_2577 = tpu.vector_load_idx %arg9[%parallel_loop3A_2563, %parallel_loop3A_2576, %parallel_loop3A_2566] : memref<8x8x128xf32, #tpu.memory_space<vmem>>[vector<16xi32>, vector<16xi32>, vector<16xi32>], vector<16xf32>,
        %parallel_loop3A_2578 = arith.constant 1 : i32
        %parallel_loop3A_2579 = arith.index_cast %parallel_loop3A_2552 : i32 to index
        %parallel_loop3A_2580 = arith.index_cast %parallel_loop3A_2578 : i32 to index
        %parallel_loop3A_2581 = arith.index_cast %parallel_loop3A_2556 : i32 to index
        %parallel_loop3A_2582 = tpu.vector_load %arg11[%parallel_loop3A_2579, %parallel_loop3A_2580, %parallel_loop3A_2581] {strides = array<i32>} : memref<16x8x128xf32, #tpu.memory_space<vmem>>, vector<16xf32>,
        tpu.vector_store %arg11[%parallel_loop3A_2579, %parallel_loop3A_2580, %parallel_loop3A_2581], %parallel_loop3A_2577 {strides = array<i32>} : memref<16x8x128xf32, #tpu.memory_space<vmem>>, vector<16xf32>,
        %parallel_loop3A_2583 = arith.constant 2 : i32
        %parallel_loop3A_2584 = vector.broadcast %parallel_loop3A_2583 : i32 to vector<16xi32>
        %parallel_loop3A_2585 = tpu.vector_load_idx %arg9[%parallel_loop3A_2563, %parallel_loop3A_2584, %parallel_loop3A_2566] : memref<8x8x128xf32, #tpu.memory_space<vmem>>[vector<16xi32>, vector<16xi32>, vector<16xi32>], vector<16xf32>,
        %parallel_loop3A_2586 = arith.constant 2 : i32
        %parallel_loop3A_2587 = arith.index_cast %parallel_loop3A_2552 : i32 to index
        %parallel_loop3A_2588 = arith.index_cast %parallel_loop3A_2586 : i32 to index
        %parallel_loop3A_2589 = arith.index_cast %parallel_loop3A_2556 : i32 to index
        %parallel_loop3A_2590 = tpu.vector_load %arg11[%parallel_loop3A_2587, %parallel_loop3A_2588, %parallel_loop3A_2589] {strides = array<i32>} : memref<16x8x128xf32, #tpu.memory_space<vmem>>, vector<16xf32>,
        tpu.vector_store %arg11[%parallel_loop3A_2587, %parallel_loop3A_2588, %parallel_loop3A_2589], %parallel_loop3A_2585 {strides = array<i32>} : memref<16x8x128xf32, #tpu.memory_space<vmem>>, vector<16xf32>,
        %parallel_loop3A_2591 = arith.constant 3 : i32
        %parallel_loop3A_2592 = vector.broadcast %parallel_loop3A_2591 : i32 to vector<16xi32>
        %parallel_loop3A_2593 = tpu.vector_load_idx %arg9[%parallel_loop3A_2563, %parallel_loop3A_2592, %parallel_loop3A_2566] : memref<8x8x128xf32, #tpu.memory_space<vmem>>[vector<16xi32>, vector<16xi32>, vector<16xi32>], vector<16xf32>,
        %parallel_loop3A_2594 = arith.constant 3 : i32
        %parallel_loop3A_2595 = arith.index_cast %parallel_loop3A_2552 : i32 to index
        %parallel_loop3A_2596 = arith.index_cast %parallel_loop3A_2594 : i32 to index
        %parallel_loop3A_2597 = arith.index_cast %parallel_loop3A_2556 : i32 to index
        %parallel_loop3A_2598 = tpu.vector_load %arg11[%parallel_loop3A_2595, %parallel_loop3A_2596, %parallel_loop3A_2597] {strides = array<i32>} : memref<16x8x128xf32, #tpu.memory_space<vmem>>, vector<16xf32>,
        tpu.vector_store %arg11[%parallel_loop3A_2595, %parallel_loop3A_2596, %parallel_loop3A_2597], %parallel_loop3A_2593 {strides = array<i32>} : memref<16x8x128xf32, #tpu.memory_space<vmem>>, vector<16xf32>,
        %parallel_loop3A_2599 = arith.constant 4 : i32
        %parallel_loop3A_2600 = vector.broadcast %parallel_loop3A_2599 : i32 to vector<16xi32>
        %parallel_loop3A_2601 = tpu.vector_load_idx %arg9[%parallel_loop3A_2563, %parallel_loop3A_2600, %parallel_loop3A_2566] : memref<8x8x128xf32, #tpu.memory_space<vmem>>[vector<16xi32>, vector<16xi32>, vector<16xi32>], vector<16xf32>,
        %parallel_loop3A_2602 = arith.constant 4 : i32
        %parallel_loop3A_2603 = arith.index_cast %parallel_loop3A_2552 : i32 to index
        %parallel_loop3A_2604 = arith.index_cast %parallel_loop3A_2602 : i32 to index
        %parallel_loop3A_2605 = arith.index_cast %parallel_loop3A_2556 : i32 to index
        %parallel_loop3A_2606 = tpu.vector_load %arg11[%parallel_loop3A_2603, %parallel_loop3A_2604, %parallel_loop3A_2605] {strides = array<i32>} : memref<16x8x128xf32, #tpu.memory_space<vmem>>, vector<16xf32>,
        tpu.vector_store %arg11[%parallel_loop3A_2603, %parallel_loop3A_2604, %parallel_loop3A_2605], %parallel_loop3A_2601 {strides = array<i32>} : memref<16x8x128xf32, #tpu.memory_space<vmem>>, vector<16xf32>,
        %parallel_loop3A_2607 = arith.constant 5 : i32
        %parallel_loop3A_2608 = vector.broadcast %parallel_loop3A_2607 : i32 to vector<16xi32>
        %parallel_loop3A_2609 = tpu.vector_load_idx %arg9[%parallel_loop3A_2563, %parallel_loop3A_2608, %parallel_loop3A_2566] : memref<8x8x128xf32, #tpu.memory_space<vmem>>[vector<16xi32>, vector<16xi32>, vector<16xi32>], vector<16xf32>,
        %parallel_loop3A_2610 = arith.constant 5 : i32
        %parallel_loop3A_2611 = arith.index_cast %parallel_loop3A_2552 : i32 to index
        %parallel_loop3A_2612 = arith.index_cast %parallel_loop3A_2610 : i32 to index
        %parallel_loop3A_2613 = arith.index_cast %parallel_loop3A_2556 : i32 to index
        %parallel_loop3A_2614 = tpu.vector_load %arg11[%parallel_loop3A_2611, %parallel_loop3A_2612, %parallel_loop3A_2613] {strides = array<i32>} : memref<16x8x128xf32, #tpu.memory_space<vmem>>, vector<16xf32>,
        tpu.vector_store %arg11[%parallel_loop3A_2611, %parallel_loop3A_2612, %parallel_loop3A_2613], %parallel_loop3A_2609 {strides = array<i32>} : memref<16x8x128xf32, #tpu.memory_space<vmem>>, vector<16xf32>,
        %parallel_loop3A_2615 = arith.constant 6 : i32
        %parallel_loop3A_2616 = vector.broadcast %parallel_loop3A_2615 : i32 to vector<16xi32>
        %parallel_loop3A_2617 = tpu.vector_load_idx %arg9[%parallel_loop3A_2563, %parallel_loop3A_2616, %parallel_loop3A_2566] : memref<8x8x128xf32, #tpu.memory_space<vmem>>[vector<16xi32>, vector<16xi32>, vector<16xi32>], vector<16xf32>,
        %parallel_loop3A_2618 = arith.constant 6 : i32
        %parallel_loop3A_2619 = arith.index_cast %parallel_loop3A_2552 : i32 to index
        %parallel_loop3A_2620 = arith.index_cast %parallel_loop3A_2618 : i32 to index
        %parallel_loop3A_2621 = arith.index_cast %parallel_loop3A_2556 : i32 to index
        %parallel_loop3A_2622 = tpu.vector_load %arg11[%parallel_loop3A_2619, %parallel_loop3A_2620, %parallel_loop3A_2621] {strides = array<i32>} : memref<16x8x128xf32, #tpu.memory_space<vmem>>, vector<16xf32>,
        tpu.vector_store %arg11[%parallel_loop3A_2619, %parallel_loop3A_2620, %parallel_loop3A_2621], %parallel_loop3A_2617 {strides = array<i32>} : memref<16x8x128xf32, #tpu.memory_space<vmem>>, vector<16xf32>,
        %parallel_loop3A_2623 = arith.constant 7 : i32
        %parallel_loop3A_2624 = vector.broadcast %parallel_loop3A_2623 : i32 to vector<16xi32>
        %parallel_loop3A_2625 = tpu.vector_load_idx %arg9[%parallel_loop3A_2563, %parallel_loop3A_2624, %parallel_loop3A_2566] : memref<8x8x128xf32, #tpu.memory_space<vmem>>[vector<16xi32>, vector<16xi32>, vector<16xi32>], vector<16xf32>,
        %parallel_loop3A_2626 = arith.constant 7 : i32
        %parallel_loop3A_2627 = arith.index_cast %parallel_loop3A_2552 : i32 to index
        %parallel_loop3A_2628 = arith.index_cast %parallel_loop3A_2626 : i32 to index
        %parallel_loop3A_2629 = arith.index_cast %parallel_loop3A_2556 : i32 to index
        %parallel_loop3A_2630 = tpu.vector_load %arg11[%parallel_loop3A_2627, %parallel_loop3A_2628, %parallel_loop3A_2629] {strides = array<i32>} : memref<16x8x128xf32, #tpu.memory_space<vmem>>, vector<16xf32>,
        tpu.vector_store %arg11[%parallel_loop3A_2627, %parallel_loop3A_2628, %parallel_loop3A_2629], %parallel_loop3A_2625 {strides = array<i32>} : memref<16x8x128xf32, #tpu.memory_space<vmem>>, vector<16xf32>,
      } {sc.loop_unroll_factor = 8 : i64, sc.parallel_access}
      %mul3A_1637 = arith.constant 2 : i32
      %mul3A_1638 = arith.muli %mul3A_1637, %scan3A_1314 : i32
      %mul3A_1639 = arith.constant 32 : i32
      %mul3A_1640 = arith.muli %mul3A_1638, %mul3A_1639 : i32
      %add3A_1641 = arith.addi %mul3A_1640, %add3A : i32
      %jit3A_1642 = arith.constant 8 : i32
      %div3A_1643 = arith.divsi %add3A_1641, %jit3A_1642 : i32
      %sign3A_1644 = arith.constant 0 : i32
      %sign3A_1645 = arith.cmpi sgt, %add3A_1641, %sign3A_1644 : i32
      %sign3A_1646 = arith.extui %sign3A_1645 : i1 to i32
      %sign3A_1647 = arith.constant 0 : i32
      %sign3A_1648 = arith.cmpi slt, %add3A_1641, %sign3A_1647 : i32
      %sign3A_1649 = arith.extui %sign3A_1648 : i1 to i32
      %sign3A_1650 = arith.subi %sign3A_1646, %sign3A_1649 : i32
      %sign3A_1651 = arith.constant 0 : i32
      %sign3A_1652 = arith.cmpi sgt, %jit3A_1642, %sign3A_1651 : i32
      %sign3A_1653 = arith.extui %sign3A_1652 : i1 to i32
      %sign3A_1654 = arith.constant 0 : i32
      %sign3A_1655 = arith.cmpi slt, %jit3A_1642, %sign3A_1654 : i32
      %sign3A_1656 = arith.extui %sign3A_1655 : i1 to i32
      %sign3A_1657 = arith.subi %sign3A_1653, %sign3A_1656 : i32
      %ne3A_1658 = arith.cmpi ne, %sign3A_1650, %sign3A_1657 : i32
      %rem3A_1659 = arith.remsi %add3A_1641, %jit3A_1642 : i32
      %ne3A_1660 = arith.constant 0 : i32
      %ne3A_1661 = arith.cmpi ne, %rem3A_1659, %ne3A_1660 : i32
      %and3A_1662 = arith.andi %ne3A_1658, %ne3A_1661 : i1
      %sub3A_1663 = arith.constant 1 : i32
      %sub3A_1664 = arith.subi %div3A_1643, %sub3A_1663 : i32
      %select_n3A_1665 = arith.select %and3A_1662, %sub3A_1664, %div3A_1643 : i32
      %jit3A_1666 = arith.constant 8 : i32
      %eq3A_1667 = arith.constant 0 : i32
      %eq3A_1668 = arith.cmpi eq, %jit3A_1666, %eq3A_1667 : i32
      %jit3A_1669 = arith.constant 1 : i32
      %select_n3A_1670 = arith.select %eq3A_1668, %jit3A_1669, %jit3A_1666 : i32
      %rem3A_1671 = arith.remsi %add3A_1641, %select_n3A_1670 : i32
      %ne3A_1672 = arith.constant 0 : i32
      %ne3A_1673 = arith.cmpi ne, %rem3A_1671, %ne3A_1672 : i32
      %lt3A_1674 = arith.constant 0 : i32
      %lt3A_1675 = arith.cmpi slt, %rem3A_1671, %lt3A_1674 : i32
      %lt3A_1676 = arith.constant 0 : i32
      %lt3A_1677 = arith.cmpi slt, %select_n3A_1670, %lt3A_1676 : i32
      %ne3A_1678 = arith.xori %lt3A_1675, %lt3A_1677 : i1
      %and3A_1679 = arith.andi %ne3A_1678, %ne3A_1673 : i1
      %add3A_1680 = arith.addi %rem3A_1671, %select_n3A_1670 : i32
      %select_n3A_1681 = arith.select %and3A_1679, %add3A_1680, %rem3A_1671 : i32
      %mul3A_1682 = arith.constant 2048 : i32
      %mul3A_1683 = arith.muli %select_n3A_1681, %mul3A_1682 : i32
      %ge3A_1684 = arith.constant 8 : i32
      %ge3A_1685 = arith.cmpi sge, %select_n3A_1665, %ge3A_1684 : i32
      %convert_element_type3A_1686 = arith.extui %ge3A_1685 : i1 to i32
      %ge3A_1687 = arith.constant 24 : i32
      %ge3A_1688 = arith.cmpi sge, %select_n3A_1665, %ge3A_1687 : i32
      %convert_element_type3A_1689 = arith.extui %ge3A_1688 : i1 to i32
      %add3A_1690 = arith.addi %convert_element_type3A_1686, %convert_element_type3A_1689 : i32
      %mul3A_1691 = arith.constant 8 : i32
      %mul3A_1692 = arith.muli %select_n3A_1665, %mul3A_1691 : i32
      %add3A_1693 = arith.constant 0 : i32
      %add3A_1694 = arith.addi %mul3A_1683, %add3A_1693 : i32
      %dma_start3A_1695 = arith.constant 0 : i32
      %dma_start3A_1696 = arith.constant 0 : i32
      %dma_start3A_1697 = arith.constant 0 : i32
      %dma_start3A_1698 = tpu.memref_slice %arg11[%dma_start3A_1695, %dma_start3A_1696, %dma_start3A_1697] : memref<16x8x128xf32, #tpu.memory_space<vmem>> -> memref<1x8x128xf32, #tpu.memory_space<vmem>>
      %dma_start3A_1699 = tpu.memref_squeeze %dma_start3A_1698 : memref<1x8x128xf32, #tpu.memory_space<vmem>> -> memref<8x128xf32, #tpu.memory_space<vmem>>
      %dma_start3A_1700 = tpu.memref_slice %arg6[%mul3A_1692, %add3A_1694] : memref<224x16384xf32, #tpu.memory_space<hbm>> -> memref<8x128xf32, #tpu.memory_space<hbm>>
      %dma_start3A_1701 = tpu.memref_slice %arg6[%mul3A_1692, %add3A_1694] : memref<224x16384xf32, #tpu.memory_space<hbm>> -> memref<8x128xf32, #tpu.memory_space<hbm>>
      %dma_start3A_1702 = arith.constant 0 : i32
      %dma_start3A_1703 = arith.constant 0 : i32
      %dma_start3A_1704 = tpu.memref_slice %arg11[%dma_start3A_1695, %dma_start3A_1702, %dma_start3A_1703] : memref<16x8x128xf32, #tpu.memory_space<vmem>> -> memref<1x8x128xf32, #tpu.memory_space<vmem>>
      %dma_start3A_1705 = tpu.memref_squeeze %dma_start3A_1704 : memref<1x8x128xf32, #tpu.memory_space<vmem>> -> memref<8x128xf32, #tpu.memory_space<vmem>>
      tpu.enqueue_dma source(%dma_start3A_1705 : memref<8x128xf32, #tpu.memory_space<vmem>>) target(%dma_start3A_1701 : memref<8x128xf32, #tpu.memory_space<hbm>>) target_semaphore(%arg15 : memref<!tpu.dma_semaphore, #tpu.memory_space<semaphore_mem>>)
      %mul3A_1706 = arith.constant 8 : i32
      %mul3A_1707 = arith.muli %select_n3A_1665, %mul3A_1706 : i32
      %add3A_1708 = arith.constant 128 : i32
      %add3A_1709 = arith.addi %mul3A_1683, %add3A_1708 : i32
      %dma_start3A_1710 = arith.constant 1 : i32
      %dma_start3A_1711 = arith.constant 0 : i32
      %dma_start3A_1712 = arith.constant 0 : i32
      %dma_start3A_1713 = tpu.memref_slice %arg11[%dma_start3A_1710, %dma_start3A_1711, %dma_start3A_1712] : memref<16x8x128xf32, #tpu.memory_space<vmem>> -> memref<1x8x128xf32, #tpu.memory_space<vmem>>
      %dma_start3A_1714 = tpu.memref_squeeze %dma_start3A_1713 : memref<1x8x128xf32, #tpu.memory_space<vmem>> -> memref<8x128xf32, #tpu.memory_space<vmem>>
      %dma_start3A_1715 = tpu.memref_slice %arg6[%mul3A_1707, %add3A_1709] : memref<224x16384xf32, #tpu.memory_space<hbm>> -> memref<8x128xf32, #tpu.memory_space<hbm>>
      %dma_start3A_1716 = tpu.memref_slice %arg6[%mul3A_1707, %add3A_1709] : memref<224x16384xf32, #tpu.memory_space<hbm>> -> memref<8x128xf32, #tpu.memory_space<hbm>>
      %dma_start3A_1717 = arith.constant 0 : i32
      %dma_start3A_1718 = arith.constant 0 : i32
      %dma_start3A_1719 = tpu.memref_slice %arg11[%dma_start3A_1710, %dma_start3A_1717, %dma_start3A_1718] : memref<16x8x128xf32, #tpu.memory_space<vmem>> -> memref<1x8x128xf32, #tpu.memory_space<vmem>>
      %dma_start3A_1720 = tpu.memref_squeeze %dma_start3A_1719 : memref<1x8x128xf32, #tpu.memory_space<vmem>> -> memref<8x128xf32, #tpu.memory_space<vmem>>
      tpu.enqueue_dma source(%dma_start3A_1720 : memref<8x128xf32, #tpu.memory_space<vmem>>) target(%dma_start3A_1716 : memref<8x128xf32, #tpu.memory_space<hbm>>) target_semaphore(%arg15 : memref<!tpu.dma_semaphore, #tpu.memory_space<semaphore_mem>>)
      %mul3A_1721 = arith.constant 8 : i32
      %mul3A_1722 = arith.muli %select_n3A_1665, %mul3A_1721 : i32
      %add3A_1723 = arith.constant 256 : i32
      %add3A_1724 = arith.addi %mul3A_1683, %add3A_1723 : i32
      %dma_start3A_1725 = arith.constant 2 : i32
      %dma_start3A_1726 = arith.constant 0 : i32
      %dma_start3A_1727 = arith.constant 0 : i32
      %dma_start3A_1728 = tpu.memref_slice %arg11[%dma_start3A_1725, %dma_start3A_1726, %dma_start3A_1727] : memref<16x8x128xf32, #tpu.memory_space<vmem>> -> memref<1x8x128xf32, #tpu.memory_space<vmem>>
      %dma_start3A_1729 = tpu.memref_squeeze %dma_start3A_1728 : memref<1x8x128xf32, #tpu.memory_space<vmem>> -> memref<8x128xf32, #tpu.memory_space<vmem>>
      %dma_start3A_1730 = tpu.memref_slice %arg6[%mul3A_1722, %add3A_1724] : memref<224x16384xf32, #tpu.memory_space<hbm>> -> memref<8x128xf32, #tpu.memory_space<hbm>>
      %dma_start3A_1731 = tpu.memref_slice %arg6[%mul3A_1722, %add3A_1724] : memref<224x16384xf32, #tpu.memory_space<hbm>> -> memref<8x128xf32, #tpu.memory_space<hbm>>
      %dma_start3A_1732 = arith.constant 0 : i32
      %dma_start3A_1733 = arith.constant 0 : i32
      %dma_start3A_1734 = tpu.memref_slice %arg11[%dma_start3A_1725, %dma_start3A_1732, %dma_start3A_1733] : memref<16x8x128xf32, #tpu.memory_space<vmem>> -> memref<1x8x128xf32, #tpu.memory_space<vmem>>
      %dma_start3A_1735 = tpu.memref_squeeze %dma_start3A_1734 : memref<1x8x128xf32, #tpu.memory_space<vmem>> -> memref<8x128xf32, #tpu.memory_space<vmem>>
      tpu.enqueue_dma source(%dma_start3A_1735 : memref<8x128xf32, #tpu.memory_space<vmem>>) target(%dma_start3A_1731 : memref<8x128xf32, #tpu.memory_space<hbm>>) target_semaphore(%arg15 : memref<!tpu.dma_semaphore, #tpu.memory_space<semaphore_mem>>)
      %mul3A_1736 = arith.constant 8 : i32
      %mul3A_1737 = arith.muli %select_n3A_1665, %mul3A_1736 : i32
      %add3A_1738 = arith.constant 384 : i32
      %add3A_1739 = arith.addi %mul3A_1683, %add3A_1738 : i32
      %dma_start3A_1740 = arith.constant 3 : i32
      %dma_start3A_1741 = arith.constant 0 : i32
      %dma_start3A_1742 = arith.constant 0 : i32
      %dma_start3A_1743 = tpu.memref_slice %arg11[%dma_start3A_1740, %dma_start3A_1741, %dma_start3A_1742] : memref<16x8x128xf32, #tpu.memory_space<vmem>> -> memref<1x8x128xf32, #tpu.memory_space<vmem>>
      %dma_start3A_1744 = tpu.memref_squeeze %dma_start3A_1743 : memref<1x8x128xf32, #tpu.memory_space<vmem>> -> memref<8x128xf32, #tpu.memory_space<vmem>>
      %dma_start3A_1745 = tpu.memref_slice %arg6[%mul3A_1737, %add3A_1739] : memref<224x16384xf32, #tpu.memory_space<hbm>> -> memref<8x128xf32, #tpu.memory_space<hbm>>
      %dma_start3A_1746 = tpu.memref_slice %arg6[%mul3A_1737, %add3A_1739] : memref<224x16384xf32, #tpu.memory_space<hbm>> -> memref<8x128xf32, #tpu.memory_space<hbm>>
      %dma_start3A_1747 = arith.constant 0 : i32
      %dma_start3A_1748 = arith.constant 0 : i32
      %dma_start3A_1749 = tpu.memref_slice %arg11[%dma_start3A_1740, %dma_start3A_1747, %dma_start3A_1748] : memref<16x8x128xf32, #tpu.memory_space<vmem>> -> memref<1x8x128xf32, #tpu.memory_space<vmem>>
      %dma_start3A_1750 = tpu.memref_squeeze %dma_start3A_1749 : memref<1x8x128xf32, #tpu.memory_space<vmem>> -> memref<8x128xf32, #tpu.memory_space<vmem>>
      tpu.enqueue_dma source(%dma_start3A_1750 : memref<8x128xf32, #tpu.memory_space<vmem>>) target(%dma_start3A_1746 : memref<8x128xf32, #tpu.memory_space<hbm>>) target_semaphore(%arg15 : memref<!tpu.dma_semaphore, #tpu.memory_space<semaphore_mem>>)
      %mul3A_1751 = arith.constant 8 : i32
      %mul3A_1752 = arith.muli %select_n3A_1665, %mul3A_1751 : i32
      %add3A_1753 = arith.constant 512 : i32
      %add3A_1754 = arith.addi %mul3A_1683, %add3A_1753 : i32
      %dma_start3A_1755 = arith.constant 4 : i32
      %dma_start3A_1756 = arith.constant 0 : i32
      %dma_start3A_1757 = arith.constant 0 : i32
      %dma_start3A_1758 = tpu.memref_slice %arg11[%dma_start3A_1755, %dma_start3A_1756, %dma_start3A_1757] : memref<16x8x128xf32, #tpu.memory_space<vmem>> -> memref<1x8x128xf32, #tpu.memory_space<vmem>>
      %dma_start3A_1759 = tpu.memref_squeeze %dma_start3A_1758 : memref<1x8x128xf32, #tpu.memory_space<vmem>> -> memref<8x128xf32, #tpu.memory_space<vmem>>
      %dma_start3A_1760 = tpu.memref_slice %arg6[%mul3A_1752, %add3A_1754] : memref<224x16384xf32, #tpu.memory_space<hbm>> -> memref<8x128xf32, #tpu.memory_space<hbm>>
      %dma_start3A_1761 = tpu.memref_slice %arg6[%mul3A_1752, %add3A_1754] : memref<224x16384xf32, #tpu.memory_space<hbm>> -> memref<8x128xf32, #tpu.memory_space<hbm>>
      %dma_start3A_1762 = arith.constant 0 : i32
      %dma_start3A_1763 = arith.constant 0 : i32
      %dma_start3A_1764 = tpu.memref_slice %arg11[%dma_start3A_1755, %dma_start3A_1762, %dma_start3A_1763] : memref<16x8x128xf32, #tpu.memory_space<vmem>> -> memref<1x8x128xf32, #tpu.memory_space<vmem>>
      %dma_start3A_1765 = tpu.memref_squeeze %dma_start3A_1764 : memref<1x8x128xf32, #tpu.memory_space<vmem>> -> memref<8x128xf32, #tpu.memory_space<vmem>>
      tpu.enqueue_dma source(%dma_start3A_1765 : memref<8x128xf32, #tpu.memory_space<vmem>>) target(%dma_start3A_1761 : memref<8x128xf32, #tpu.memory_space<hbm>>) target_semaphore(%arg15 : memref<!tpu.dma_semaphore, #tpu.memory_space<semaphore_mem>>)
      %mul3A_1766 = arith.constant 8 : i32
      %mul3A_1767 = arith.muli %select_n3A_1665, %mul3A_1766 : i32
      %add3A_1768 = arith.constant 640 : i32
      %add3A_1769 = arith.addi %mul3A_1683, %add3A_1768 : i32
      %dma_start3A_1770 = arith.constant 5 : i32
      %dma_start3A_1771 = arith.constant 0 : i32
      %dma_start3A_1772 = arith.constant 0 : i32
      %dma_start3A_1773 = tpu.memref_slice %arg11[%dma_start3A_1770, %dma_start3A_1771, %dma_start3A_1772] : memref<16x8x128xf32, #tpu.memory_space<vmem>> -> memref<1x8x128xf32, #tpu.memory_space<vmem>>
      %dma_start3A_1774 = tpu.memref_squeeze %dma_start3A_1773 : memref<1x8x128xf32, #tpu.memory_space<vmem>> -> memref<8x128xf32, #tpu.memory_space<vmem>>
      %dma_start3A_1775 = tpu.memref_slice %arg6[%mul3A_1767, %add3A_1769] : memref<224x16384xf32, #tpu.memory_space<hbm>> -> memref<8x128xf32, #tpu.memory_space<hbm>>
      %dma_start3A_1776 = tpu.memref_slice %arg6[%mul3A_1767, %add3A_1769] : memref<224x16384xf32, #tpu.memory_space<hbm>> -> memref<8x128xf32, #tpu.memory_space<hbm>>
      %dma_start3A_1777 = arith.constant 0 : i32
      %dma_start3A_1778 = arith.constant 0 : i32
      %dma_start3A_1779 = tpu.memref_slice %arg11[%dma_start3A_1770, %dma_start3A_1777, %dma_start3A_1778] : memref<16x8x128xf32, #tpu.memory_space<vmem>> -> memref<1x8x128xf32, #tpu.memory_space<vmem>>
      %dma_start3A_1780 = tpu.memref_squeeze %dma_start3A_1779 : memref<1x8x128xf32, #tpu.memory_space<vmem>> -> memref<8x128xf32, #tpu.memory_space<vmem>>
      tpu.enqueue_dma source(%dma_start3A_1780 : memref<8x128xf32, #tpu.memory_space<vmem>>) target(%dma_start3A_1776 : memref<8x128xf32, #tpu.memory_space<hbm>>) target_semaphore(%arg15 : memref<!tpu.dma_semaphore, #tpu.memory_space<semaphore_mem>>)
      %mul3A_1781 = arith.constant 8 : i32
      %mul3A_1782 = arith.muli %select_n3A_1665, %mul3A_1781 : i32
      %add3A_1783 = arith.constant 768 : i32
      %add3A_1784 = arith.addi %mul3A_1683, %add3A_1783 : i32
      %dma_start3A_1785 = arith.constant 6 : i32
      %dma_start3A_1786 = arith.constant 0 : i32
      %dma_start3A_1787 = arith.constant 0 : i32
      %dma_start3A_1788 = tpu.memref_slice %arg11[%dma_start3A_1785, %dma_start3A_1786, %dma_start3A_1787] : memref<16x8x128xf32, #tpu.memory_space<vmem>> -> memref<1x8x128xf32, #tpu.memory_space<vmem>>
      %dma_start3A_1789 = tpu.memref_squeeze %dma_start3A_1788 : memref<1x8x128xf32, #tpu.memory_space<vmem>> -> memref<8x128xf32, #tpu.memory_space<vmem>>
      %dma_start3A_1790 = tpu.memref_slice %arg6[%mul3A_1782, %add3A_1784] : memref<224x16384xf32, #tpu.memory_space<hbm>> -> memref<8x128xf32, #tpu.memory_space<hbm>>
      %dma_start3A_1791 = tpu.memref_slice %arg6[%mul3A_1782, %add3A_1784] : memref<224x16384xf32, #tpu.memory_space<hbm>> -> memref<8x128xf32, #tpu.memory_space<hbm>>
      %dma_start3A_1792 = arith.constant 0 : i32
      %dma_start3A_1793 = arith.constant 0 : i32
      %dma_start3A_1794 = tpu.memref_slice %arg11[%dma_start3A_1785, %dma_start3A_1792, %dma_start3A_1793] : memref<16x8x128xf32, #tpu.memory_space<vmem>> -> memref<1x8x128xf32, #tpu.memory_space<vmem>>
      %dma_start3A_1795 = tpu.memref_squeeze %dma_start3A_1794 : memref<1x8x128xf32, #tpu.memory_space<vmem>> -> memref<8x128xf32, #tpu.memory_space<vmem>>
      tpu.enqueue_dma source(%dma_start3A_1795 : memref<8x128xf32, #tpu.memory_space<vmem>>) target(%dma_start3A_1791 : memref<8x128xf32, #tpu.memory_space<hbm>>) target_semaphore(%arg15 : memref<!tpu.dma_semaphore, #tpu.memory_space<semaphore_mem>>)
      %mul3A_1796 = arith.constant 8 : i32
      %mul3A_1797 = arith.muli %select_n3A_1665, %mul3A_1796 : i32
      %add3A_1798 = arith.constant 896 : i32
      %add3A_1799 = arith.addi %mul3A_1683, %add3A_1798 : i32
      %dma_start3A_1800 = arith.constant 7 : i32
      %dma_start3A_1801 = arith.constant 0 : i32
      %dma_start3A_1802 = arith.constant 0 : i32
      %dma_start3A_1803 = tpu.memref_slice %arg11[%dma_start3A_1800, %dma_start3A_1801, %dma_start3A_1802] : memref<16x8x128xf32, #tpu.memory_space<vmem>> -> memref<1x8x128xf32, #tpu.memory_space<vmem>>
      %dma_start3A_1804 = tpu.memref_squeeze %dma_start3A_1803 : memref<1x8x128xf32, #tpu.memory_space<vmem>> -> memref<8x128xf32, #tpu.memory_space<vmem>>
      %dma_start3A_1805 = tpu.memref_slice %arg6[%mul3A_1797, %add3A_1799] : memref<224x16384xf32, #tpu.memory_space<hbm>> -> memref<8x128xf32, #tpu.memory_space<hbm>>
      %dma_start3A_1806 = tpu.memref_slice %arg6[%mul3A_1797, %add3A_1799] : memref<224x16384xf32, #tpu.memory_space<hbm>> -> memref<8x128xf32, #tpu.memory_space<hbm>>
      %dma_start3A_1807 = arith.constant 0 : i32
      %dma_start3A_1808 = arith.constant 0 : i32
      %dma_start3A_1809 = tpu.memref_slice %arg11[%dma_start3A_1800, %dma_start3A_1807, %dma_start3A_1808] : memref<16x8x128xf32, #tpu.memory_space<vmem>> -> memref<1x8x128xf32, #tpu.memory_space<vmem>>
      %dma_start3A_1810 = tpu.memref_squeeze %dma_start3A_1809 : memref<1x8x128xf32, #tpu.memory_space<vmem>> -> memref<8x128xf32, #tpu.memory_space<vmem>>
      tpu.enqueue_dma source(%dma_start3A_1810 : memref<8x128xf32, #tpu.memory_space<vmem>>) target(%dma_start3A_1806 : memref<8x128xf32, #tpu.memory_space<hbm>>) target_semaphore(%arg15 : memref<!tpu.dma_semaphore, #tpu.memory_space<semaphore_mem>>)
      %mul3A_1811 = arith.constant 8 : i32
      %mul3A_1812 = arith.muli %select_n3A_1665, %mul3A_1811 : i32
      %add3A_1813 = arith.constant 1024 : i32
      %add3A_1814 = arith.addi %mul3A_1683, %add3A_1813 : i32
      %dma_start3A_1815 = arith.constant 8 : i32
      %dma_start3A_1816 = arith.constant 0 : i32
      %dma_start3A_1817 = arith.constant 0 : i32
      %dma_start3A_1818 = tpu.memref_slice %arg11[%dma_start3A_1815, %dma_start3A_1816, %dma_start3A_1817] : memref<16x8x128xf32, #tpu.memory_space<vmem>> -> memref<1x8x128xf32, #tpu.memory_space<vmem>>
      %dma_start3A_1819 = tpu.memref_squeeze %dma_start3A_1818 : memref<1x8x128xf32, #tpu.memory_space<vmem>> -> memref<8x128xf32, #tpu.memory_space<vmem>>
      %dma_start3A_1820 = tpu.memref_slice %arg6[%mul3A_1812, %add3A_1814] : memref<224x16384xf32, #tpu.memory_space<hbm>> -> memref<8x128xf32, #tpu.memory_space<hbm>>
      %dma_start3A_1821 = tpu.memref_slice %arg6[%mul3A_1812, %add3A_1814] : memref<224x16384xf32, #tpu.memory_space<hbm>> -> memref<8x128xf32, #tpu.memory_space<hbm>>
      %dma_start3A_1822 = arith.constant 0 : i32
      %dma_start3A_1823 = arith.constant 0 : i32
      %dma_start3A_1824 = tpu.memref_slice %arg11[%dma_start3A_1815, %dma_start3A_1822, %dma_start3A_1823] : memref<16x8x128xf32, #tpu.memory_space<vmem>> -> memref<1x8x128xf32, #tpu.memory_space<vmem>>
      %dma_start3A_1825 = tpu.memref_squeeze %dma_start3A_1824 : memref<1x8x128xf32, #tpu.memory_space<vmem>> -> memref<8x128xf32, #tpu.memory_space<vmem>>
      tpu.enqueue_dma source(%dma_start3A_1825 : memref<8x128xf32, #tpu.memory_space<vmem>>) target(%dma_start3A_1821 : memref<8x128xf32, #tpu.memory_space<hbm>>) target_semaphore(%arg15 : memref<!tpu.dma_semaphore, #tpu.memory_space<semaphore_mem>>)
      %mul3A_1826 = arith.constant 8 : i32
      %mul3A_1827 = arith.muli %select_n3A_1665, %mul3A_1826 : i32
      %add3A_1828 = arith.constant 1152 : i32
      %add3A_1829 = arith.addi %mul3A_1683, %add3A_1828 : i32
      %dma_start3A_1830 = arith.constant 9 : i32
      %dma_start3A_1831 = arith.constant 0 : i32
      %dma_start3A_1832 = arith.constant 0 : i32
      %dma_start3A_1833 = tpu.memref_slice %arg11[%dma_start3A_1830, %dma_start3A_1831, %dma_start3A_1832] : memref<16x8x128xf32, #tpu.memory_space<vmem>> -> memref<1x8x128xf32, #tpu.memory_space<vmem>>
      %dma_start3A_1834 = tpu.memref_squeeze %dma_start3A_1833 : memref<1x8x128xf32, #tpu.memory_space<vmem>> -> memref<8x128xf32, #tpu.memory_space<vmem>>
      %dma_start3A_1835 = tpu.memref_slice %arg6[%mul3A_1827, %add3A_1829] : memref<224x16384xf32, #tpu.memory_space<hbm>> -> memref<8x128xf32, #tpu.memory_space<hbm>>
      %dma_start3A_1836 = tpu.memref_slice %arg6[%mul3A_1827, %add3A_1829] : memref<224x16384xf32, #tpu.memory_space<hbm>> -> memref<8x128xf32, #tpu.memory_space<hbm>>
      %dma_start3A_1837 = arith.constant 0 : i32
      %dma_start3A_1838 = arith.constant 0 : i32
      %dma_start3A_1839 = tpu.memref_slice %arg11[%dma_start3A_1830, %dma_start3A_1837, %dma_start3A_1838] : memref<16x8x128xf32, #tpu.memory_space<vmem>> -> memref<1x8x128xf32, #tpu.memory_space<vmem>>
      %dma_start3A_1840 = tpu.memref_squeeze %dma_start3A_1839 : memref<1x8x128xf32, #tpu.memory_space<vmem>> -> memref<8x128xf32, #tpu.memory_space<vmem>>
      tpu.enqueue_dma source(%dma_start3A_1840 : memref<8x128xf32, #tpu.memory_space<vmem>>) target(%dma_start3A_1836 : memref<8x128xf32, #tpu.memory_space<hbm>>) target_semaphore(%arg15 : memref<!tpu.dma_semaphore, #tpu.memory_space<semaphore_mem>>)
      %mul3A_1841 = arith.constant 8 : i32
      %mul3A_1842 = arith.muli %select_n3A_1665, %mul3A_1841 : i32
      %add3A_1843 = arith.constant 1280 : i32
      %add3A_1844 = arith.addi %mul3A_1683, %add3A_1843 : i32
      %dma_start3A_1845 = arith.constant 10 : i32
      %dma_start3A_1846 = arith.constant 0 : i32
      %dma_start3A_1847 = arith.constant 0 : i32
      %dma_start3A_1848 = tpu.memref_slice %arg11[%dma_start3A_1845, %dma_start3A_1846, %dma_start3A_1847] : memref<16x8x128xf32, #tpu.memory_space<vmem>> -> memref<1x8x128xf32, #tpu.memory_space<vmem>>
      %dma_start3A_1849 = tpu.memref_squeeze %dma_start3A_1848 : memref<1x8x128xf32, #tpu.memory_space<vmem>> -> memref<8x128xf32, #tpu.memory_space<vmem>>
      %dma_start3A_1850 = tpu.memref_slice %arg6[%mul3A_1842, %add3A_1844] : memref<224x16384xf32, #tpu.memory_space<hbm>> -> memref<8x128xf32, #tpu.memory_space<hbm>>
      %dma_start3A_1851 = tpu.memref_slice %arg6[%mul3A_1842, %add3A_1844] : memref<224x16384xf32, #tpu.memory_space<hbm>> -> memref<8x128xf32, #tpu.memory_space<hbm>>
      %dma_start3A_1852 = arith.constant 0 : i32
      %dma_start3A_1853 = arith.constant 0 : i32
      %dma_start3A_1854 = tpu.memref_slice %arg11[%dma_start3A_1845, %dma_start3A_1852, %dma_start3A_1853] : memref<16x8x128xf32, #tpu.memory_space<vmem>> -> memref<1x8x128xf32, #tpu.memory_space<vmem>>
      %dma_start3A_1855 = tpu.memref_squeeze %dma_start3A_1854 : memref<1x8x128xf32, #tpu.memory_space<vmem>> -> memref<8x128xf32, #tpu.memory_space<vmem>>
      tpu.enqueue_dma source(%dma_start3A_1855 : memref<8x128xf32, #tpu.memory_space<vmem>>) target(%dma_start3A_1851 : memref<8x128xf32, #tpu.memory_space<hbm>>) target_semaphore(%arg15 : memref<!tpu.dma_semaphore, #tpu.memory_space<semaphore_mem>>)
      %mul3A_1856 = arith.constant 8 : i32
      %mul3A_1857 = arith.muli %select_n3A_1665, %mul3A_1856 : i32
      %add3A_1858 = arith.constant 1408 : i32
      %add3A_1859 = arith.addi %mul3A_1683, %add3A_1858 : i32
      %dma_start3A_1860 = arith.constant 11 : i32
      %dma_start3A_1861 = arith.constant 0 : i32
      %dma_start3A_1862 = arith.constant 0 : i32
      %dma_start3A_1863 = tpu.memref_slice %arg11[%dma_start3A_1860, %dma_start3A_1861, %dma_start3A_1862] : memref<16x8x128xf32, #tpu.memory_space<vmem>> -> memref<1x8x128xf32, #tpu.memory_space<vmem>>
      %dma_start3A_1864 = tpu.memref_squeeze %dma_start3A_1863 : memref<1x8x128xf32, #tpu.memory_space<vmem>> -> memref<8x128xf32, #tpu.memory_space<vmem>>
      %dma_start3A_1865 = tpu.memref_slice %arg6[%mul3A_1857, %add3A_1859] : memref<224x16384xf32, #tpu.memory_space<hbm>> -> memref<8x128xf32, #tpu.memory_space<hbm>>
      %dma_start3A_1866 = tpu.memref_slice %arg6[%mul3A_1857, %add3A_1859] : memref<224x16384xf32, #tpu.memory_space<hbm>> -> memref<8x128xf32, #tpu.memory_space<hbm>>
      %dma_start3A_1867 = arith.constant 0 : i32
      %dma_start3A_1868 = arith.constant 0 : i32
      %dma_start3A_1869 = tpu.memref_slice %arg11[%dma_start3A_1860, %dma_start3A_1867, %dma_start3A_1868] : memref<16x8x128xf32, #tpu.memory_space<vmem>> -> memref<1x8x128xf32, #tpu.memory_space<vmem>>
      %dma_start3A_1870 = tpu.memref_squeeze %dma_start3A_1869 : memref<1x8x128xf32, #tpu.memory_space<vmem>> -> memref<8x128xf32, #tpu.memory_space<vmem>>
      tpu.enqueue_dma source(%dma_start3A_1870 : memref<8x128xf32, #tpu.memory_space<vmem>>) target(%dma_start3A_1866 : memref<8x128xf32, #tpu.memory_space<hbm>>) target_semaphore(%arg15 : memref<!tpu.dma_semaphore, #tpu.memory_space<semaphore_mem>>)
      %mul3A_1871 = arith.constant 8 : i32
      %mul3A_1872 = arith.muli %select_n3A_1665, %mul3A_1871 : i32
      %add3A_1873 = arith.constant 1536 : i32
      %add3A_1874 = arith.addi %mul3A_1683, %add3A_1873 : i32
      %dma_start3A_1875 = arith.constant 12 : i32
      %dma_start3A_1876 = arith.constant 0 : i32
      %dma_start3A_1877 = arith.constant 0 : i32
      %dma_start3A_1878 = tpu.memref_slice %arg11[%dma_start3A_1875, %dma_start3A_1876, %dma_start3A_1877] : memref<16x8x128xf32, #tpu.memory_space<vmem>> -> memref<1x8x128xf32, #tpu.memory_space<vmem>>
      %dma_start3A_1879 = tpu.memref_squeeze %dma_start3A_1878 : memref<1x8x128xf32, #tpu.memory_space<vmem>> -> memref<8x128xf32, #tpu.memory_space<vmem>>
      %dma_start3A_1880 = tpu.memref_slice %arg6[%mul3A_1872, %add3A_1874] : memref<224x16384xf32, #tpu.memory_space<hbm>> -> memref<8x128xf32, #tpu.memory_space<hbm>>
      %dma_start3A_1881 = tpu.memref_slice %arg6[%mul3A_1872, %add3A_1874] : memref<224x16384xf32, #tpu.memory_space<hbm>> -> memref<8x128xf32, #tpu.memory_space<hbm>>
      %dma_start3A_1882 = arith.constant 0 : i32
      %dma_start3A_1883 = arith.constant 0 : i32
      %dma_start3A_1884 = tpu.memref_slice %arg11[%dma_start3A_1875, %dma_start3A_1882, %dma_start3A_1883] : memref<16x8x128xf32, #tpu.memory_space<vmem>> -> memref<1x8x128xf32, #tpu.memory_space<vmem>>
      %dma_start3A_1885 = tpu.memref_squeeze %dma_start3A_1884 : memref<1x8x128xf32, #tpu.memory_space<vmem>> -> memref<8x128xf32, #tpu.memory_space<vmem>>
      tpu.enqueue_dma source(%dma_start3A_1885 : memref<8x128xf32, #tpu.memory_space<vmem>>) target(%dma_start3A_1881 : memref<8x128xf32, #tpu.memory_space<hbm>>) target_semaphore(%arg15 : memref<!tpu.dma_semaphore, #tpu.memory_space<semaphore_mem>>)
      %mul3A_1886 = arith.constant 8 : i32
      %mul3A_1887 = arith.muli %select_n3A_1665, %mul3A_1886 : i32
      %add3A_1888 = arith.constant 1664 : i32
      %add3A_1889 = arith.addi %mul3A_1683, %add3A_1888 : i32
      %dma_start3A_1890 = arith.constant 13 : i32
      %dma_start3A_1891 = arith.constant 0 : i32
      %dma_start3A_1892 = arith.constant 0 : i32
      %dma_start3A_1893 = tpu.memref_slice %arg11[%dma_start3A_1890, %dma_start3A_1891, %dma_start3A_1892] : memref<16x8x128xf32, #tpu.memory_space<vmem>> -> memref<1x8x128xf32, #tpu.memory_space<vmem>>
      %dma_start3A_1894 = tpu.memref_squeeze %dma_start3A_1893 : memref<1x8x128xf32, #tpu.memory_space<vmem>> -> memref<8x128xf32, #tpu.memory_space<vmem>>
      %dma_start3A_1895 = tpu.memref_slice %arg6[%mul3A_1887, %add3A_1889] : memref<224x16384xf32, #tpu.memory_space<hbm>> -> memref<8x128xf32, #tpu.memory_space<hbm>>
      %dma_start3A_1896 = tpu.memref_slice %arg6[%mul3A_1887, %add3A_1889] : memref<224x16384xf32, #tpu.memory_space<hbm>> -> memref<8x128xf32, #tpu.memory_space<hbm>>
      %dma_start3A_1897 = arith.constant 0 : i32
      %dma_start3A_1898 = arith.constant 0 : i32
      %dma_start3A_1899 = tpu.memref_slice %arg11[%dma_start3A_1890, %dma_start3A_1897, %dma_start3A_1898] : memref<16x8x128xf32, #tpu.memory_space<vmem>> -> memref<1x8x128xf32, #tpu.memory_space<vmem>>
      %dma_start3A_1900 = tpu.memref_squeeze %dma_start3A_1899 : memref<1x8x128xf32, #tpu.memory_space<vmem>> -> memref<8x128xf32, #tpu.memory_space<vmem>>
      tpu.enqueue_dma source(%dma_start3A_1900 : memref<8x128xf32, #tpu.memory_space<vmem>>) target(%dma_start3A_1896 : memref<8x128xf32, #tpu.memory_space<hbm>>) target_semaphore(%arg15 : memref<!tpu.dma_semaphore, #tpu.memory_space<semaphore_mem>>)
      %mul3A_1901 = arith.constant 8 : i32
      %mul3A_1902 = arith.muli %select_n3A_1665, %mul3A_1901 : i32
      %add3A_1903 = arith.constant 1792 : i32
      %add3A_1904 = arith.addi %mul3A_1683, %add3A_1903 : i32
      %dma_start3A_1905 = arith.constant 14 : i32
      %dma_start3A_1906 = arith.constant 0 : i32
      %dma_start3A_1907 = arith.constant 0 : i32
      %dma_start3A_1908 = tpu.memref_slice %arg11[%dma_start3A_1905, %dma_start3A_1906, %dma_start3A_1907] : memref<16x8x128xf32, #tpu.memory_space<vmem>> -> memref<1x8x128xf32, #tpu.memory_space<vmem>>
      %dma_start3A_1909 = tpu.memref_squeeze %dma_start3A_1908 : memref<1x8x128xf32, #tpu.memory_space<vmem>> -> memref<8x128xf32, #tpu.memory_space<vmem>>
      %dma_start3A_1910 = tpu.memref_slice %arg6[%mul3A_1902, %add3A_1904] : memref<224x16384xf32, #tpu.memory_space<hbm>> -> memref<8x128xf32, #tpu.memory_space<hbm>>
      %dma_start3A_1911 = tpu.memref_slice %arg6[%mul3A_1902, %add3A_1904] : memref<224x16384xf32, #tpu.memory_space<hbm>> -> memref<8x128xf32, #tpu.memory_space<hbm>>
      %dma_start3A_1912 = arith.constant 0 : i32
      %dma_start3A_1913 = arith.constant 0 : i32
      %dma_start3A_1914 = tpu.memref_slice %arg11[%dma_start3A_1905, %dma_start3A_1912, %dma_start3A_1913] : memref<16x8x128xf32, #tpu.memory_space<vmem>> -> memref<1x8x128xf32, #tpu.memory_space<vmem>>
      %dma_start3A_1915 = tpu.memref_squeeze %dma_start3A_1914 : memref<1x8x128xf32, #tpu.memory_space<vmem>> -> memref<8x128xf32, #tpu.memory_space<vmem>>
      tpu.enqueue_dma source(%dma_start3A_1915 : memref<8x128xf32, #tpu.memory_space<vmem>>) target(%dma_start3A_1911 : memref<8x128xf32, #tpu.memory_space<hbm>>) target_semaphore(%arg15 : memref<!tpu.dma_semaphore, #tpu.memory_space<semaphore_mem>>)
      %mul3A_1916 = arith.constant 8 : i32
      %mul3A_1917 = arith.muli %select_n3A_1665, %mul3A_1916 : i32
      %add3A_1918 = arith.constant 1920 : i32
      %add3A_1919 = arith.addi %mul3A_1683, %add3A_1918 : i32
      %dma_start3A_1920 = arith.constant 15 : i32
      %dma_start3A_1921 = arith.constant 0 : i32
      %dma_start3A_1922 = arith.constant 0 : i32
      %dma_start3A_1923 = tpu.memref_slice %arg11[%dma_start3A_1920, %dma_start3A_1921, %dma_start3A_1922] : memref<16x8x128xf32, #tpu.memory_space<vmem>> -> memref<1x8x128xf32, #tpu.memory_space<vmem>>
      %dma_start3A_1924 = tpu.memref_squeeze %dma_start3A_1923 : memref<1x8x128xf32, #tpu.memory_space<vmem>> -> memref<8x128xf32, #tpu.memory_space<vmem>>
      %dma_start3A_1925 = tpu.memref_slice %arg6[%mul3A_1917, %add3A_1919] : memref<224x16384xf32, #tpu.memory_space<hbm>> -> memref<8x128xf32, #tpu.memory_space<hbm>>
      %dma_start3A_1926 = tpu.memref_slice %arg6[%mul3A_1917, %add3A_1919] : memref<224x16384xf32, #tpu.memory_space<hbm>> -> memref<8x128xf32, #tpu.memory_space<hbm>>
      %dma_start3A_1927 = arith.constant 0 : i32
      %dma_start3A_1928 = arith.constant 0 : i32
      %dma_start3A_1929 = tpu.memref_slice %arg11[%dma_start3A_1920, %dma_start3A_1927, %dma_start3A_1928] : memref<16x8x128xf32, #tpu.memory_space<vmem>> -> memref<1x8x128xf32, #tpu.memory_space<vmem>>
      %dma_start3A_1930 = tpu.memref_squeeze %dma_start3A_1929 : memref<1x8x128xf32, #tpu.memory_space<vmem>> -> memref<8x128xf32, #tpu.memory_space<vmem>>
      tpu.enqueue_dma source(%dma_start3A_1930 : memref<8x128xf32, #tpu.memory_space<vmem>>) target(%dma_start3A_1926 : memref<8x128xf32, #tpu.memory_space<hbm>>) target_semaphore(%arg15 : memref<!tpu.dma_semaphore, #tpu.memory_space<semaphore_mem>>)
      %mul3A_1931 = arith.constant 2 : i32
      %mul3A_1932 = arith.muli %mul3A_1931, %scan3A_1314 : i32
      %add3A_1933 = arith.constant 2 : i32
      %add3A_1934 = arith.addi %mul3A_1932, %add3A_1933 : i32
      %mul3A_1935 = arith.constant 32 : i32
      %mul3A_1936 = arith.muli %add3A_1934, %mul3A_1935 : i32
      %add3A_1937 = arith.addi %mul3A_1936, %add3A : i32
      %jit3A_1938 = arith.constant 8 : i32
      %div3A_1939 = arith.divsi %add3A_1937, %jit3A_1938 : i32
      %sign3A_1940 = arith.constant 0 : i32
      %sign3A_1941 = arith.cmpi sgt, %add3A_1937, %sign3A_1940 : i32
      %sign3A_1942 = arith.extui %sign3A_1941 : i1 to i32
      %sign3A_1943 = arith.constant 0 : i32
      %sign3A_1944 = arith.cmpi slt, %add3A_1937, %sign3A_1943 : i32
      %sign3A_1945 = arith.extui %sign3A_1944 : i1 to i32
      %sign3A_1946 = arith.subi %sign3A_1942, %sign3A_1945 : i32
      %sign3A_1947 = arith.constant 0 : i32
      %sign3A_1948 = arith.cmpi sgt, %jit3A_1938, %sign3A_1947 : i32
      %sign3A_1949 = arith.extui %sign3A_1948 : i1 to i32
      %sign3A_1950 = arith.constant 0 : i32
      %sign3A_1951 = arith.cmpi slt, %jit3A_1938, %sign3A_1950 : i32
      %sign3A_1952 = arith.extui %sign3A_1951 : i1 to i32
      %sign3A_1953 = arith.subi %sign3A_1949, %sign3A_1952 : i32
      %ne3A_1954 = arith.cmpi ne, %sign3A_1946, %sign3A_1953 : i32
      %rem3A_1955 = arith.remsi %add3A_1937, %jit3A_1938 : i32
      %ne3A_1956 = arith.constant 0 : i32
      %ne3A_1957 = arith.cmpi ne, %rem3A_1955, %ne3A_1956 : i32
      %and3A_1958 = arith.andi %ne3A_1954, %ne3A_1957 : i1
      %sub3A_1959 = arith.constant 1 : i32
      %sub3A_1960 = arith.subi %div3A_1939, %sub3A_1959 : i32
      %select_n3A_1961 = arith.select %and3A_1958, %sub3A_1960, %div3A_1939 : i32
      %jit3A_1962 = arith.constant 8 : i32
      %eq3A_1963 = arith.constant 0 : i32
      %eq3A_1964 = arith.cmpi eq, %jit3A_1962, %eq3A_1963 : i32
      %jit3A_1965 = arith.constant 1 : i32
      %select_n3A_1966 = arith.select %eq3A_1964, %jit3A_1965, %jit3A_1962 : i32
      %rem3A_1967 = arith.remsi %add3A_1937, %select_n3A_1966 : i32
      %ne3A_1968 = arith.constant 0 : i32
      %ne3A_1969 = arith.cmpi ne, %rem3A_1967, %ne3A_1968 : i32
      %lt3A_1970 = arith.constant 0 : i32
      %lt3A_1971 = arith.cmpi slt, %rem3A_1967, %lt3A_1970 : i32
      %lt3A_1972 = arith.constant 0 : i32
      %lt3A_1973 = arith.cmpi slt, %select_n3A_1966, %lt3A_1972 : i32
      %ne3A_1974 = arith.xori %lt3A_1971, %lt3A_1973 : i1
      %and3A_1975 = arith.andi %ne3A_1974, %ne3A_1969 : i1
      %add3A_1976 = arith.addi %rem3A_1967, %select_n3A_1966 : i32
      %select_n3A_1977 = arith.select %and3A_1975, %add3A_1976, %rem3A_1967 : i32
      %mul3A_1978 = arith.constant 2048 : i32
      %mul3A_1979 = arith.muli %select_n3A_1977, %mul3A_1978 : i32
      %ge3A_1980 = arith.constant 8 : i32
      %ge3A_1981 = arith.cmpi sge, %select_n3A_1961, %ge3A_1980 : i32
      %convert_element_type3A_1982 = arith.extui %ge3A_1981 : i1 to i32
      %ge3A_1983 = arith.constant 24 : i32
      %ge3A_1984 = arith.cmpi sge, %select_n3A_1961, %ge3A_1983 : i32
      %convert_element_type3A_1985 = arith.extui %ge3A_1984 : i1 to i32
      %add3A_1986 = arith.addi %convert_element_type3A_1982, %convert_element_type3A_1985 : i32
      %eq3A_1987 = arith.constant 0 : i32
      %eq3A_1988 = arith.cmpi eq, %add3A_1986, %eq3A_1987 : i32
      %convert_element_type3A_1989 = arith.extui %eq3A_1988 : i1 to i32
      %cond3A_1990 = arith.constant 0 : i32
      %cond3A_1991 = arith.cmpi ne, %convert_element_type3A_1989, %cond3A_1990 : i32
      scf.if %cond3A_1991 {
        %dma_start3A_2550 = tpu.memref_slice %arg2[%mul3A_1979] : memref<16384xi32, #tpu.memory_space<hbm>> -> memref<2048xi32, #tpu.memory_space<hbm>>
        %dma_start3A_2551 = tpu.memref_slice %arg2[%mul3A_1979] : memref<16384xi32, #tpu.memory_space<hbm>> -> memref<2048xi32, #tpu.memory_space<hbm>>
        tpu.enqueue_dma source(%dma_start3A_2551 : memref<2048xi32, #tpu.memory_space<hbm>>) target(%arg7 : memref<2048xi32, #tpu.memory_space<vmem>>) target_semaphore(%arg13 : memref<!tpu.dma_semaphore, #tpu.memory_space<semaphore_mem>>)
      } else {
      }
      %eq3A_1992 = arith.constant 1 : i32
      %eq3A_1993 = arith.cmpi eq, %add3A_1986, %eq3A_1992 : i32
      %convert_element_type3A_1994 = arith.extui %eq3A_1993 : i1 to i32
      %cond3A_1995 = arith.constant 0 : i32
      %cond3A_1996 = arith.cmpi ne, %convert_element_type3A_1994, %cond3A_1995 : i32
      scf.if %cond3A_1996 {
        %dma_start3A_2550 = tpu.memref_slice %arg3[%mul3A_1979] : memref<16384xi32, #tpu.memory_space<hbm>> -> memref<2048xi32, #tpu.memory_space<hbm>>
        %dma_start3A_2551 = tpu.memref_slice %arg3[%mul3A_1979] : memref<16384xi32, #tpu.memory_space<hbm>> -> memref<2048xi32, #tpu.memory_space<hbm>>
        tpu.enqueue_dma source(%dma_start3A_2551 : memref<2048xi32, #tpu.memory_space<hbm>>) target(%arg7 : memref<2048xi32, #tpu.memory_space<vmem>>) target_semaphore(%arg13 : memref<!tpu.dma_semaphore, #tpu.memory_space<semaphore_mem>>)
      } else {
      }
      %eq3A_1997 = arith.constant 2 : i32
      %eq3A_1998 = arith.cmpi eq, %add3A_1986, %eq3A_1997 : i32
      %convert_element_type3A_1999 = arith.extui %eq3A_1998 : i1 to i32
      %cond3A_2000 = arith.constant 0 : i32
      %cond3A_2001 = arith.cmpi ne, %convert_element_type3A_1999, %cond3A_2000 : i32
      scf.if %cond3A_2001 {
        %dma_start3A_2550 = tpu.memref_slice %arg4[%mul3A_1979] : memref<16384xi32, #tpu.memory_space<hbm>> -> memref<2048xi32, #tpu.memory_space<hbm>>
        %dma_start3A_2551 = tpu.memref_slice %arg4[%mul3A_1979] : memref<16384xi32, #tpu.memory_space<hbm>> -> memref<2048xi32, #tpu.memory_space<hbm>>
        tpu.enqueue_dma source(%dma_start3A_2551 : memref<2048xi32, #tpu.memory_space<hbm>>) target(%arg7 : memref<2048xi32, #tpu.memory_space<vmem>>) target_semaphore(%arg13 : memref<!tpu.dma_semaphore, #tpu.memory_space<semaphore_mem>>)
      } else {
      }
      %mul3A_2002 = arith.constant 8 : i32
      %mul3A_2003 = arith.muli %select_n3A_1961, %mul3A_2002 : i32
      %dma_start3A_2004 = arith.constant 0 : i32
      %dma_start3A_2005 = arith.constant 0 : i32
      %dma_start3A_2006 = arith.constant 0 : i32
      %dma_start3A_2007 = tpu.memref_slice %arg9[%dma_start3A_2004, %dma_start3A_2005, %dma_start3A_2006] : memref<8x8x128xf32, #tpu.memory_space<vmem>> -> memref<1x8x128xf32, #tpu.memory_space<vmem>>
      %dma_start3A_2008 = tpu.memref_squeeze %dma_start3A_2007 : memref<1x8x128xf32, #tpu.memory_space<vmem>> -> memref<8x128xf32, #tpu.memory_space<vmem>>
      %dma_start3A_2009 = arith.constant 0 : i32
      %dma_start3A_2010 = tpu.memref_slice %arg5[%mul3A_2003, %dma_start3A_2009] : memref<224x1024xf32, #tpu.memory_space<hbm>> -> memref<8x128xf32, #tpu.memory_space<hbm>>
      %dma_start3A_2011 = arith.constant 0 : i32
      %dma_start3A_2012 = arith.constant 0 : i32
      %dma_start3A_2013 = tpu.memref_slice %arg9[%dma_start3A_2004, %dma_start3A_2011, %dma_start3A_2012] : memref<8x8x128xf32, #tpu.memory_space<vmem>> -> memref<1x8x128xf32, #tpu.memory_space<vmem>>
      %dma_start3A_2014 = tpu.memref_squeeze %dma_start3A_2013 : memref<1x8x128xf32, #tpu.memory_space<vmem>> -> memref<8x128xf32, #tpu.memory_space<vmem>>
      %dma_start3A_2015 = arith.constant 0 : i32
      %dma_start3A_2016 = tpu.memref_slice %arg5[%mul3A_2003, %dma_start3A_2015] : memref<224x1024xf32, #tpu.memory_space<hbm>> -> memref<8x128xf32, #tpu.memory_space<hbm>>
      tpu.enqueue_dma source(%dma_start3A_2016 : memref<8x128xf32, #tpu.memory_space<hbm>>) target(%dma_start3A_2014 : memref<8x128xf32, #tpu.memory_space<vmem>>) target_semaphore(%arg13 : memref<!tpu.dma_semaphore, #tpu.memory_space<semaphore_mem>>)
      %mul3A_2017 = arith.constant 8 : i32
      %mul3A_2018 = arith.muli %select_n3A_1961, %mul3A_2017 : i32
      %dma_start3A_2019 = arith.constant 1 : i32
      %dma_start3A_2020 = arith.constant 0 : i32
      %dma_start3A_2021 = arith.constant 0 : i32
      %dma_start3A_2022 = tpu.memref_slice %arg9[%dma_start3A_2019, %dma_start3A_2020, %dma_start3A_2021] : memref<8x8x128xf32, #tpu.memory_space<vmem>> -> memref<1x8x128xf32, #tpu.memory_space<vmem>>
      %dma_start3A_2023 = tpu.memref_squeeze %dma_start3A_2022 : memref<1x8x128xf32, #tpu.memory_space<vmem>> -> memref<8x128xf32, #tpu.memory_space<vmem>>
      %dma_start3A_2024 = arith.constant 128 : i32
      %dma_start3A_2025 = tpu.memref_slice %arg5[%mul3A_2018, %dma_start3A_2024] : memref<224x1024xf32, #tpu.memory_space<hbm>> -> memref<8x128xf32, #tpu.memory_space<hbm>>
      %dma_start3A_2026 = arith.constant 0 : i32
      %dma_start3A_2027 = arith.constant 0 : i32
      %dma_start3A_2028 = tpu.memref_slice %arg9[%dma_start3A_2019, %dma_start3A_2026, %dma_start3A_2027] : memref<8x8x128xf32, #tpu.memory_space<vmem>> -> memref<1x8x128xf32, #tpu.memory_space<vmem>>
      %dma_start3A_2029 = tpu.memref_squeeze %dma_start3A_2028 : memref<1x8x128xf32, #tpu.memory_space<vmem>> -> memref<8x128xf32, #tpu.memory_space<vmem>>
      %dma_start3A_2030 = arith.constant 128 : i32
      %dma_start3A_2031 = tpu.memref_slice %arg5[%mul3A_2018, %dma_start3A_2030] : memref<224x1024xf32, #tpu.memory_space<hbm>> -> memref<8x128xf32, #tpu.memory_space<hbm>>
      tpu.enqueue_dma source(%dma_start3A_2031 : memref<8x128xf32, #tpu.memory_space<hbm>>) target(%dma_start3A_2029 : memref<8x128xf32, #tpu.memory_space<vmem>>) target_semaphore(%arg13 : memref<!tpu.dma_semaphore, #tpu.memory_space<semaphore_mem>>)
      %mul3A_2032 = arith.constant 8 : i32
      %mul3A_2033 = arith.muli %select_n3A_1961, %mul3A_2032 : i32
      %dma_start3A_2034 = arith.constant 2 : i32
      %dma_start3A_2035 = arith.constant 0 : i32
      %dma_start3A_2036 = arith.constant 0 : i32
      %dma_start3A_2037 = tpu.memref_slice %arg9[%dma_start3A_2034, %dma_start3A_2035, %dma_start3A_2036] : memref<8x8x128xf32, #tpu.memory_space<vmem>> -> memref<1x8x128xf32, #tpu.memory_space<vmem>>
      %dma_start3A_2038 = tpu.memref_squeeze %dma_start3A_2037 : memref<1x8x128xf32, #tpu.memory_space<vmem>> -> memref<8x128xf32, #tpu.memory_space<vmem>>
      %dma_start3A_2039 = arith.constant 256 : i32
      %dma_start3A_2040 = tpu.memref_slice %arg5[%mul3A_2033, %dma_start3A_2039] : memref<224x1024xf32, #tpu.memory_space<hbm>> -> memref<8x128xf32, #tpu.memory_space<hbm>>
      %dma_start3A_2041 = arith.constant 0 : i32
      %dma_start3A_2042 = arith.constant 0 : i32
      %dma_start3A_2043 = tpu.memref_slice %arg9[%dma_start3A_2034, %dma_start3A_2041, %dma_start3A_2042] : memref<8x8x128xf32, #tpu.memory_space<vmem>> -> memref<1x8x128xf32, #tpu.memory_space<vmem>>
      %dma_start3A_2044 = tpu.memref_squeeze %dma_start3A_2043 : memref<1x8x128xf32, #tpu.memory_space<vmem>> -> memref<8x128xf32, #tpu.memory_space<vmem>>
      %dma_start3A_2045 = arith.constant 256 : i32
      %dma_start3A_2046 = tpu.memref_slice %arg5[%mul3A_2033, %dma_start3A_2045] : memref<224x1024xf32, #tpu.memory_space<hbm>> -> memref<8x128xf32, #tpu.memory_space<hbm>>
      tpu.enqueue_dma source(%dma_start3A_2046 : memref<8x128xf32, #tpu.memory_space<hbm>>) target(%dma_start3A_2044 : memref<8x128xf32, #tpu.memory_space<vmem>>) target_semaphore(%arg13 : memref<!tpu.dma_semaphore, #tpu.memory_space<semaphore_mem>>)
      %mul3A_2047 = arith.constant 8 : i32
      %mul3A_2048 = arith.muli %select_n3A_1961, %mul3A_2047 : i32
      %dma_start3A_2049 = arith.constant 3 : i32
      %dma_start3A_2050 = arith.constant 0 : i32
      %dma_start3A_2051 = arith.constant 0 : i32
      %dma_start3A_2052 = tpu.memref_slice %arg9[%dma_start3A_2049, %dma_start3A_2050, %dma_start3A_2051] : memref<8x8x128xf32, #tpu.memory_space<vmem>> -> memref<1x8x128xf32, #tpu.memory_space<vmem>>
      %dma_start3A_2053 = tpu.memref_squeeze %dma_start3A_2052 : memref<1x8x128xf32, #tpu.memory_space<vmem>> -> memref<8x128xf32, #tpu.memory_space<vmem>>
      %dma_start3A_2054 = arith.constant 384 : i32
      %dma_start3A_2055 = tpu.memref_slice %arg5[%mul3A_2048, %dma_start3A_2054] : memref<224x1024xf32, #tpu.memory_space<hbm>> -> memref<8x128xf32, #tpu.memory_space<hbm>>
      %dma_start3A_2056 = arith.constant 0 : i32
      %dma_start3A_2057 = arith.constant 0 : i32
      %dma_start3A_2058 = tpu.memref_slice %arg9[%dma_start3A_2049, %dma_start3A_2056, %dma_start3A_2057] : memref<8x8x128xf32, #tpu.memory_space<vmem>> -> memref<1x8x128xf32, #tpu.memory_space<vmem>>
      %dma_start3A_2059 = tpu.memref_squeeze %dma_start3A_2058 : memref<1x8x128xf32, #tpu.memory_space<vmem>> -> memref<8x128xf32, #tpu.memory_space<vmem>>
      %dma_start3A_2060 = arith.constant 384 : i32
      %dma_start3A_2061 = tpu.memref_slice %arg5[%mul3A_2048, %dma_start3A_2060] : memref<224x1024xf32, #tpu.memory_space<hbm>> -> memref<8x128xf32, #tpu.memory_space<hbm>>
      tpu.enqueue_dma source(%dma_start3A_2061 : memref<8x128xf32, #tpu.memory_space<hbm>>) target(%dma_start3A_2059 : memref<8x128xf32, #tpu.memory_space<vmem>>) target_semaphore(%arg13 : memref<!tpu.dma_semaphore, #tpu.memory_space<semaphore_mem>>)
      %mul3A_2062 = arith.constant 8 : i32
      %mul3A_2063 = arith.muli %select_n3A_1961, %mul3A_2062 : i32
      %dma_start3A_2064 = arith.constant 4 : i32
      %dma_start3A_2065 = arith.constant 0 : i32
      %dma_start3A_2066 = arith.constant 0 : i32
      %dma_start3A_2067 = tpu.memref_slice %arg9[%dma_start3A_2064, %dma_start3A_2065, %dma_start3A_2066] : memref<8x8x128xf32, #tpu.memory_space<vmem>> -> memref<1x8x128xf32, #tpu.memory_space<vmem>>
      %dma_start3A_2068 = tpu.memref_squeeze %dma_start3A_2067 : memref<1x8x128xf32, #tpu.memory_space<vmem>> -> memref<8x128xf32, #tpu.memory_space<vmem>>
      %dma_start3A_2069 = arith.constant 512 : i32
      %dma_start3A_2070 = tpu.memref_slice %arg5[%mul3A_2063, %dma_start3A_2069] : memref<224x1024xf32, #tpu.memory_space<hbm>> -> memref<8x128xf32, #tpu.memory_space<hbm>>
      %dma_start3A_2071 = arith.constant 0 : i32
      %dma_start3A_2072 = arith.constant 0 : i32
      %dma_start3A_2073 = tpu.memref_slice %arg9[%dma_start3A_2064, %dma_start3A_2071, %dma_start3A_2072] : memref<8x8x128xf32, #tpu.memory_space<vmem>> -> memref<1x8x128xf32, #tpu.memory_space<vmem>>
      %dma_start3A_2074 = tpu.memref_squeeze %dma_start3A_2073 : memref<1x8x128xf32, #tpu.memory_space<vmem>> -> memref<8x128xf32, #tpu.memory_space<vmem>>
      %dma_start3A_2075 = arith.constant 512 : i32
      %dma_start3A_2076 = tpu.memref_slice %arg5[%mul3A_2063, %dma_start3A_2075] : memref<224x1024xf32, #tpu.memory_space<hbm>> -> memref<8x128xf32, #tpu.memory_space<hbm>>
      tpu.enqueue_dma source(%dma_start3A_2076 : memref<8x128xf32, #tpu.memory_space<hbm>>) target(%dma_start3A_2074 : memref<8x128xf32, #tpu.memory_space<vmem>>) target_semaphore(%arg13 : memref<!tpu.dma_semaphore, #tpu.memory_space<semaphore_mem>>)
      %mul3A_2077 = arith.constant 8 : i32
      %mul3A_2078 = arith.muli %select_n3A_1961, %mul3A_2077 : i32
      %dma_start3A_2079 = arith.constant 5 : i32
      %dma_start3A_2080 = arith.constant 0 : i32
      %dma_start3A_2081 = arith.constant 0 : i32
      %dma_start3A_2082 = tpu.memref_slice %arg9[%dma_start3A_2079, %dma_start3A_2080, %dma_start3A_2081] : memref<8x8x128xf32, #tpu.memory_space<vmem>> -> memref<1x8x128xf32, #tpu.memory_space<vmem>>
      %dma_start3A_2083 = tpu.memref_squeeze %dma_start3A_2082 : memref<1x8x128xf32, #tpu.memory_space<vmem>> -> memref<8x128xf32, #tpu.memory_space<vmem>>
      %dma_start3A_2084 = arith.constant 640 : i32
      %dma_start3A_2085 = tpu.memref_slice %arg5[%mul3A_2078, %dma_start3A_2084] : memref<224x1024xf32, #tpu.memory_space<hbm>> -> memref<8x128xf32, #tpu.memory_space<hbm>>
      %dma_start3A_2086 = arith.constant 0 : i32
      %dma_start3A_2087 = arith.constant 0 : i32
      %dma_start3A_2088 = tpu.memref_slice %arg9[%dma_start3A_2079, %dma_start3A_2086, %dma_start3A_2087] : memref<8x8x128xf32, #tpu.memory_space<vmem>> -> memref<1x8x128xf32, #tpu.memory_space<vmem>>
      %dma_start3A_2089 = tpu.memref_squeeze %dma_start3A_2088 : memref<1x8x128xf32, #tpu.memory_space<vmem>> -> memref<8x128xf32, #tpu.memory_space<vmem>>
      %dma_start3A_2090 = arith.constant 640 : i32
      %dma_start3A_2091 = tpu.memref_slice %arg5[%mul3A_2078, %dma_start3A_2090] : memref<224x1024xf32, #tpu.memory_space<hbm>> -> memref<8x128xf32, #tpu.memory_space<hbm>>
      tpu.enqueue_dma source(%dma_start3A_2091 : memref<8x128xf32, #tpu.memory_space<hbm>>) target(%dma_start3A_2089 : memref<8x128xf32, #tpu.memory_space<vmem>>) target_semaphore(%arg13 : memref<!tpu.dma_semaphore, #tpu.memory_space<semaphore_mem>>)
      %mul3A_2092 = arith.constant 8 : i32
      %mul3A_2093 = arith.muli %select_n3A_1961, %mul3A_2092 : i32
      %dma_start3A_2094 = arith.constant 6 : i32
      %dma_start3A_2095 = arith.constant 0 : i32
      %dma_start3A_2096 = arith.constant 0 : i32
      %dma_start3A_2097 = tpu.memref_slice %arg9[%dma_start3A_2094, %dma_start3A_2095, %dma_start3A_2096] : memref<8x8x128xf32, #tpu.memory_space<vmem>> -> memref<1x8x128xf32, #tpu.memory_space<vmem>>
      %dma_start3A_2098 = tpu.memref_squeeze %dma_start3A_2097 : memref<1x8x128xf32, #tpu.memory_space<vmem>> -> memref<8x128xf32, #tpu.memory_space<vmem>>
      %dma_start3A_2099 = arith.constant 768 : i32
      %dma_start3A_2100 = tpu.memref_slice %arg5[%mul3A_2093, %dma_start3A_2099] : memref<224x1024xf32, #tpu.memory_space<hbm>> -> memref<8x128xf32, #tpu.memory_space<hbm>>
      %dma_start3A_2101 = arith.constant 0 : i32
      %dma_start3A_2102 = arith.constant 0 : i32
      %dma_start3A_2103 = tpu.memref_slice %arg9[%dma_start3A_2094, %dma_start3A_2101, %dma_start3A_2102] : memref<8x8x128xf32, #tpu.memory_space<vmem>> -> memref<1x8x128xf32, #tpu.memory_space<vmem>>
      %dma_start3A_2104 = tpu.memref_squeeze %dma_start3A_2103 : memref<1x8x128xf32, #tpu.memory_space<vmem>> -> memref<8x128xf32, #tpu.memory_space<vmem>>
      %dma_start3A_2105 = arith.constant 768 : i32
      %dma_start3A_2106 = tpu.memref_slice %arg5[%mul3A_2093, %dma_start3A_2105] : memref<224x1024xf32, #tpu.memory_space<hbm>> -> memref<8x128xf32, #tpu.memory_space<hbm>>
      tpu.enqueue_dma source(%dma_start3A_2106 : memref<8x128xf32, #tpu.memory_space<hbm>>) target(%dma_start3A_2104 : memref<8x128xf32, #tpu.memory_space<vmem>>) target_semaphore(%arg13 : memref<!tpu.dma_semaphore, #tpu.memory_space<semaphore_mem>>)
      %mul3A_2107 = arith.constant 8 : i32
      %mul3A_2108 = arith.muli %select_n3A_1961, %mul3A_2107 : i32
      %dma_start3A_2109 = arith.constant 7 : i32
      %dma_start3A_2110 = arith.constant 0 : i32
      %dma_start3A_2111 = arith.constant 0 : i32
      %dma_start3A_2112 = tpu.memref_slice %arg9[%dma_start3A_2109, %dma_start3A_2110, %dma_start3A_2111] : memref<8x8x128xf32, #tpu.memory_space<vmem>> -> memref<1x8x128xf32, #tpu.memory_space<vmem>>
      %dma_start3A_2113 = tpu.memref_squeeze %dma_start3A_2112 : memref<1x8x128xf32, #tpu.memory_space<vmem>> -> memref<8x128xf32, #tpu.memory_space<vmem>>
      %dma_start3A_2114 = arith.constant 896 : i32
      %dma_start3A_2115 = tpu.memref_slice %arg5[%mul3A_2108, %dma_start3A_2114] : memref<224x1024xf32, #tpu.memory_space<hbm>> -> memref<8x128xf32, #tpu.memory_space<hbm>>
      %dma_start3A_2116 = arith.constant 0 : i32
      %dma_start3A_2117 = arith.constant 0 : i32
      %dma_start3A_2118 = tpu.memref_slice %arg9[%dma_start3A_2109, %dma_start3A_2116, %dma_start3A_2117] : memref<8x8x128xf32, #tpu.memory_space<vmem>> -> memref<1x8x128xf32, #tpu.memory_space<vmem>>
      %dma_start3A_2119 = tpu.memref_squeeze %dma_start3A_2118 : memref<1x8x128xf32, #tpu.memory_space<vmem>> -> memref<8x128xf32, #tpu.memory_space<vmem>>
      %dma_start3A_2120 = arith.constant 896 : i32
      %dma_start3A_2121 = tpu.memref_slice %arg5[%mul3A_2108, %dma_start3A_2120] : memref<224x1024xf32, #tpu.memory_space<hbm>> -> memref<8x128xf32, #tpu.memory_space<hbm>>
      tpu.enqueue_dma source(%dma_start3A_2121 : memref<8x128xf32, #tpu.memory_space<hbm>>) target(%dma_start3A_2119 : memref<8x128xf32, #tpu.memory_space<vmem>>) target_semaphore(%arg13 : memref<!tpu.dma_semaphore, #tpu.memory_space<semaphore_mem>>)
      %dma_wait3A_2122 = arith.constant 0 : i32
      %dma_wait3A_2123 = tpu.memref_slice %arg2[%dma_wait3A_2122] : memref<16384xi32, #tpu.memory_space<hbm>> -> memref<2048xi32, #tpu.memory_space<hbm>>
      %dma_wait3A_2124 = arith.constant 0 : i32
      %dma_wait3A_2125 = tpu.memref_slice %arg2[%dma_wait3A_2124] : memref<16384xi32, #tpu.memory_space<hbm>> -> memref<2048xi32, #tpu.memory_space<hbm>>
      tpu.wait_dma2 semaphore(%arg14 : memref<!tpu.dma_semaphore, #tpu.memory_space<semaphore_mem>>) src(%dma_wait3A_2125 : memref<2048xi32, #tpu.memory_space<hbm>>) dst(%arg8 : memref<2048xi32, #tpu.memory_space<vmem>>)
      %dma_wait3A_2126 = arith.constant 0 : i32
      %dma_wait3A_2127 = arith.constant 0 : i32
      %dma_wait3A_2128 = arith.constant 0 : i32
      %dma_wait3A_2129 = tpu.memref_slice %arg10[%dma_wait3A_2126, %dma_wait3A_2127, %dma_wait3A_2128] : memref<8x8x128xf32, #tpu.memory_space<vmem>> -> memref<1x8x128xf32, #tpu.memory_space<vmem>>
      %dma_wait3A_2130 = tpu.memref_squeeze %dma_wait3A_2129 : memref<1x8x128xf32, #tpu.memory_space<vmem>> -> memref<8x128xf32, #tpu.memory_space<vmem>>
      %dma_wait3A_2131 = arith.constant 0 : i32
      %dma_wait3A_2132 = arith.constant 0 : i32
      %dma_wait3A_2133 = tpu.memref_slice %arg5[%dma_wait3A_2131, %dma_wait3A_2132] : memref<224x1024xf32, #tpu.memory_space<hbm>> -> memref<8x128xf32, #tpu.memory_space<hbm>>
      %dma_wait3A_2134 = arith.constant 0 : i32
      %dma_wait3A_2135 = arith.constant 0 : i32
      %dma_wait3A_2136 = tpu.memref_slice %arg10[%dma_wait3A_2126, %dma_wait3A_2134, %dma_wait3A_2135] : memref<8x8x128xf32, #tpu.memory_space<vmem>> -> memref<1x8x128xf32, #tpu.memory_space<vmem>>
      %dma_wait3A_2137 = tpu.memref_squeeze %dma_wait3A_2136 : memref<1x8x128xf32, #tpu.memory_space<vmem>> -> memref<8x128xf32, #tpu.memory_space<vmem>>
      %dma_wait3A_2138 = arith.constant 0 : i32
      %dma_wait3A_2139 = arith.constant 0 : i32
      %dma_wait3A_2140 = tpu.memref_slice %arg5[%dma_wait3A_2138, %dma_wait3A_2139] : memref<224x1024xf32, #tpu.memory_space<hbm>> -> memref<8x128xf32, #tpu.memory_space<hbm>>
      tpu.wait_dma2 semaphore(%arg14 : memref<!tpu.dma_semaphore, #tpu.memory_space<semaphore_mem>>) src(%dma_wait3A_2140 : memref<8x128xf32, #tpu.memory_space<hbm>>) dst(%dma_wait3A_2137 : memref<8x128xf32, #tpu.memory_space<vmem>>)
      %dma_wait3A_2141 = arith.constant 1 : i32
      %dma_wait3A_2142 = arith.constant 0 : i32
      %dma_wait3A_2143 = arith.constant 0 : i32
      %dma_wait3A_2144 = tpu.memref_slice %arg10[%dma_wait3A_2141, %dma_wait3A_2142, %dma_wait3A_2143] : memref<8x8x128xf32, #tpu.memory_space<vmem>> -> memref<1x8x128xf32, #tpu.memory_space<vmem>>
      %dma_wait3A_2145 = tpu.memref_squeeze %dma_wait3A_2144 : memref<1x8x128xf32, #tpu.memory_space<vmem>> -> memref<8x128xf32, #tpu.memory_space<vmem>>
      %dma_wait3A_2146 = arith.constant 0 : i32
      %dma_wait3A_2147 = arith.constant 0 : i32
      %dma_wait3A_2148 = tpu.memref_slice %arg5[%dma_wait3A_2146, %dma_wait3A_2147] : memref<224x1024xf32, #tpu.memory_space<hbm>> -> memref<8x128xf32, #tpu.memory_space<hbm>>
      %dma_wait3A_2149 = arith.constant 0 : i32
      %dma_wait3A_2150 = arith.constant 0 : i32
      %dma_wait3A_2151 = tpu.memref_slice %arg10[%dma_wait3A_2141, %dma_wait3A_2149, %dma_wait3A_2150] : memref<8x8x128xf32, #tpu.memory_space<vmem>> -> memref<1x8x128xf32, #tpu.memory_space<vmem>>
      %dma_wait3A_2152 = tpu.memref_squeeze %dma_wait3A_2151 : memref<1x8x128xf32, #tpu.memory_space<vmem>> -> memref<8x128xf32, #tpu.memory_space<vmem>>
      %dma_wait3A_2153 = arith.constant 0 : i32
      %dma_wait3A_2154 = arith.constant 0 : i32
      %dma_wait3A_2155 = tpu.memref_slice %arg5[%dma_wait3A_2153, %dma_wait3A_2154] : memref<224x1024xf32, #tpu.memory_space<hbm>> -> memref<8x128xf32, #tpu.memory_space<hbm>>
      tpu.wait_dma2 semaphore(%arg14 : memref<!tpu.dma_semaphore, #tpu.memory_space<semaphore_mem>>) src(%dma_wait3A_2155 : memref<8x128xf32, #tpu.memory_space<hbm>>) dst(%dma_wait3A_2152 : memref<8x128xf32, #tpu.memory_space<vmem>>)
      %dma_wait3A_2156 = arith.constant 2 : i32
      %dma_wait3A_2157 = arith.constant 0 : i32
      %dma_wait3A_2158 = arith.constant 0 : i32
      %dma_wait3A_2159 = tpu.memref_slice %arg10[%dma_wait3A_2156, %dma_wait3A_2157, %dma_wait3A_2158] : memref<8x8x128xf32, #tpu.memory_space<vmem>> -> memref<1x8x128xf32, #tpu.memory_space<vmem>>
      %dma_wait3A_2160 = tpu.memref_squeeze %dma_wait3A_2159 : memref<1x8x128xf32, #tpu.memory_space<vmem>> -> memref<8x128xf32, #tpu.memory_space<vmem>>
      %dma_wait3A_2161 = arith.constant 0 : i32
      %dma_wait3A_2162 = arith.constant 0 : i32
      %dma_wait3A_2163 = tpu.memref_slice %arg5[%dma_wait3A_2161, %dma_wait3A_2162] : memref<224x1024xf32, #tpu.memory_space<hbm>> -> memref<8x128xf32, #tpu.memory_space<hbm>>
      %dma_wait3A_2164 = arith.constant 0 : i32
      %dma_wait3A_2165 = arith.constant 0 : i32
      %dma_wait3A_2166 = tpu.memref_slice %arg10[%dma_wait3A_2156, %dma_wait3A_2164, %dma_wait3A_2165] : memref<8x8x128xf32, #tpu.memory_space<vmem>> -> memref<1x8x128xf32, #tpu.memory_space<vmem>>
      %dma_wait3A_2167 = tpu.memref_squeeze %dma_wait3A_2166 : memref<1x8x128xf32, #tpu.memory_space<vmem>> -> memref<8x128xf32, #tpu.memory_space<vmem>>
      %dma_wait3A_2168 = arith.constant 0 : i32
      %dma_wait3A_2169 = arith.constant 0 : i32
      %dma_wait3A_2170 = tpu.memref_slice %arg5[%dma_wait3A_2168, %dma_wait3A_2169] : memref<224x1024xf32, #tpu.memory_space<hbm>> -> memref<8x128xf32, #tpu.memory_space<hbm>>
      tpu.wait_dma2 semaphore(%arg14 : memref<!tpu.dma_semaphore, #tpu.memory_space<semaphore_mem>>) src(%dma_wait3A_2170 : memref<8x128xf32, #tpu.memory_space<hbm>>) dst(%dma_wait3A_2167 : memref<8x128xf32, #tpu.memory_space<vmem>>)
      %dma_wait3A_2171 = arith.constant 3 : i32
      %dma_wait3A_2172 = arith.constant 0 : i32
      %dma_wait3A_2173 = arith.constant 0 : i32
      %dma_wait3A_2174 = tpu.memref_slice %arg10[%dma_wait3A_2171, %dma_wait3A_2172, %dma_wait3A_2173] : memref<8x8x128xf32, #tpu.memory_space<vmem>> -> memref<1x8x128xf32, #tpu.memory_space<vmem>>
      %dma_wait3A_2175 = tpu.memref_squeeze %dma_wait3A_2174 : memref<1x8x128xf32, #tpu.memory_space<vmem>> -> memref<8x128xf32, #tpu.memory_space<vmem>>
      %dma_wait3A_2176 = arith.constant 0 : i32
      %dma_wait3A_2177 = arith.constant 0 : i32
      %dma_wait3A_2178 = tpu.memref_slice %arg5[%dma_wait3A_2176, %dma_wait3A_2177] : memref<224x1024xf32, #tpu.memory_space<hbm>> -> memref<8x128xf32, #tpu.memory_space<hbm>>
      %dma_wait3A_2179 = arith.constant 0 : i32
      %dma_wait3A_2180 = arith.constant 0 : i32
      %dma_wait3A_2181 = tpu.memref_slice %arg10[%dma_wait3A_2171, %dma_wait3A_2179, %dma_wait3A_2180] : memref<8x8x128xf32, #tpu.memory_space<vmem>> -> memref<1x8x128xf32, #tpu.memory_space<vmem>>
      %dma_wait3A_2182 = tpu.memref_squeeze %dma_wait3A_2181 : memref<1x8x128xf32, #tpu.memory_space<vmem>> -> memref<8x128xf32, #tpu.memory_space<vmem>>
      %dma_wait3A_2183 = arith.constant 0 : i32
      %dma_wait3A_2184 = arith.constant 0 : i32
      %dma_wait3A_2185 = tpu.memref_slice %arg5[%dma_wait3A_2183, %dma_wait3A_2184] : memref<224x1024xf32, #tpu.memory_space<hbm>> -> memref<8x128xf32, #tpu.memory_space<hbm>>
      tpu.wait_dma2 semaphore(%arg14 : memref<!tpu.dma_semaphore, #tpu.memory_space<semaphore_mem>>) src(%dma_wait3A_2185 : memref<8x128xf32, #tpu.memory_space<hbm>>) dst(%dma_wait3A_2182 : memref<8x128xf32, #tpu.memory_space<vmem>>)
      %dma_wait3A_2186 = arith.constant 4 : i32
      %dma_wait3A_2187 = arith.constant 0 : i32
      %dma_wait3A_2188 = arith.constant 0 : i32
      %dma_wait3A_2189 = tpu.memref_slice %arg10[%dma_wait3A_2186, %dma_wait3A_2187, %dma_wait3A_2188] : memref<8x8x128xf32, #tpu.memory_space<vmem>> -> memref<1x8x128xf32, #tpu.memory_space<vmem>>
      %dma_wait3A_2190 = tpu.memref_squeeze %dma_wait3A_2189 : memref<1x8x128xf32, #tpu.memory_space<vmem>> -> memref<8x128xf32, #tpu.memory_space<vmem>>
      %dma_wait3A_2191 = arith.constant 0 : i32
      %dma_wait3A_2192 = arith.constant 0 : i32
      %dma_wait3A_2193 = tpu.memref_slice %arg5[%dma_wait3A_2191, %dma_wait3A_2192] : memref<224x1024xf32, #tpu.memory_space<hbm>> -> memref<8x128xf32, #tpu.memory_space<hbm>>
      %dma_wait3A_2194 = arith.constant 0 : i32
      %dma_wait3A_2195 = arith.constant 0 : i32
      %dma_wait3A_2196 = tpu.memref_slice %arg10[%dma_wait3A_2186, %dma_wait3A_2194, %dma_wait3A_2195] : memref<8x8x128xf32, #tpu.memory_space<vmem>> -> memref<1x8x128xf32, #tpu.memory_space<vmem>>
      %dma_wait3A_2197 = tpu.memref_squeeze %dma_wait3A_2196 : memref<1x8x128xf32, #tpu.memory_space<vmem>> -> memref<8x128xf32, #tpu.memory_space<vmem>>
      %dma_wait3A_2198 = arith.constant 0 : i32
      %dma_wait3A_2199 = arith.constant 0 : i32
      %dma_wait3A_2200 = tpu.memref_slice %arg5[%dma_wait3A_2198, %dma_wait3A_2199] : memref<224x1024xf32, #tpu.memory_space<hbm>> -> memref<8x128xf32, #tpu.memory_space<hbm>>
      tpu.wait_dma2 semaphore(%arg14 : memref<!tpu.dma_semaphore, #tpu.memory_space<semaphore_mem>>) src(%dma_wait3A_2200 : memref<8x128xf32, #tpu.memory_space<hbm>>) dst(%dma_wait3A_2197 : memref<8x128xf32, #tpu.memory_space<vmem>>)
      %dma_wait3A_2201 = arith.constant 5 : i32
      %dma_wait3A_2202 = arith.constant 0 : i32
      %dma_wait3A_2203 = arith.constant 0 : i32
      %dma_wait3A_2204 = tpu.memref_slice %arg10[%dma_wait3A_2201, %dma_wait3A_2202, %dma_wait3A_2203] : memref<8x8x128xf32, #tpu.memory_space<vmem>> -> memref<1x8x128xf32, #tpu.memory_space<vmem>>
      %dma_wait3A_2205 = tpu.memref_squeeze %dma_wait3A_2204 : memref<1x8x128xf32, #tpu.memory_space<vmem>> -> memref<8x128xf32, #tpu.memory_space<vmem>>
      %dma_wait3A_2206 = arith.constant 0 : i32
      %dma_wait3A_2207 = arith.constant 0 : i32
      %dma_wait3A_2208 = tpu.memref_slice %arg5[%dma_wait3A_2206, %dma_wait3A_2207] : memref<224x1024xf32, #tpu.memory_space<hbm>> -> memref<8x128xf32, #tpu.memory_space<hbm>>
      %dma_wait3A_2209 = arith.constant 0 : i32
      %dma_wait3A_2210 = arith.constant 0 : i32
      %dma_wait3A_2211 = tpu.memref_slice %arg10[%dma_wait3A_2201, %dma_wait3A_2209, %dma_wait3A_2210] : memref<8x8x128xf32, #tpu.memory_space<vmem>> -> memref<1x8x128xf32, #tpu.memory_space<vmem>>
      %dma_wait3A_2212 = tpu.memref_squeeze %dma_wait3A_2211 : memref<1x8x128xf32, #tpu.memory_space<vmem>> -> memref<8x128xf32, #tpu.memory_space<vmem>>
      %dma_wait3A_2213 = arith.constant 0 : i32
      %dma_wait3A_2214 = arith.constant 0 : i32
      %dma_wait3A_2215 = tpu.memref_slice %arg5[%dma_wait3A_2213, %dma_wait3A_2214] : memref<224x1024xf32, #tpu.memory_space<hbm>> -> memref<8x128xf32, #tpu.memory_space<hbm>>
      tpu.wait_dma2 semaphore(%arg14 : memref<!tpu.dma_semaphore, #tpu.memory_space<semaphore_mem>>) src(%dma_wait3A_2215 : memref<8x128xf32, #tpu.memory_space<hbm>>) dst(%dma_wait3A_2212 : memref<8x128xf32, #tpu.memory_space<vmem>>)
      %dma_wait3A_2216 = arith.constant 6 : i32
      %dma_wait3A_2217 = arith.constant 0 : i32
      %dma_wait3A_2218 = arith.constant 0 : i32
      %dma_wait3A_2219 = tpu.memref_slice %arg10[%dma_wait3A_2216, %dma_wait3A_2217, %dma_wait3A_2218] : memref<8x8x128xf32, #tpu.memory_space<vmem>> -> memref<1x8x128xf32, #tpu.memory_space<vmem>>
      %dma_wait3A_2220 = tpu.memref_squeeze %dma_wait3A_2219 : memref<1x8x128xf32, #tpu.memory_space<vmem>> -> memref<8x128xf32, #tpu.memory_space<vmem>>
      %dma_wait3A_2221 = arith.constant 0 : i32
      %dma_wait3A_2222 = arith.constant 0 : i32
      %dma_wait3A_2223 = tpu.memref_slice %arg5[%dma_wait3A_2221, %dma_wait3A_2222] : memref<224x1024xf32, #tpu.memory_space<hbm>> -> memref<8x128xf32, #tpu.memory_space<hbm>>
      %dma_wait3A_2224 = arith.constant 0 : i32
      %dma_wait3A_2225 = arith.constant 0 : i32
      %dma_wait3A_2226 = tpu.memref_slice %arg10[%dma_wait3A_2216, %dma_wait3A_2224, %dma_wait3A_2225] : memref<8x8x128xf32, #tpu.memory_space<vmem>> -> memref<1x8x128xf32, #tpu.memory_space<vmem>>
      %dma_wait3A_2227 = tpu.memref_squeeze %dma_wait3A_2226 : memref<1x8x128xf32, #tpu.memory_space<vmem>> -> memref<8x128xf32, #tpu.memory_space<vmem>>
      %dma_wait3A_2228 = arith.constant 0 : i32
      %dma_wait3A_2229 = arith.constant 0 : i32
      %dma_wait3A_2230 = tpu.memref_slice %arg5[%dma_wait3A_2228, %dma_wait3A_2229] : memref<224x1024xf32, #tpu.memory_space<hbm>> -> memref<8x128xf32, #tpu.memory_space<hbm>>
      tpu.wait_dma2 semaphore(%arg14 : memref<!tpu.dma_semaphore, #tpu.memory_space<semaphore_mem>>) src(%dma_wait3A_2230 : memref<8x128xf32, #tpu.memory_space<hbm>>) dst(%dma_wait3A_2227 : memref<8x128xf32, #tpu.memory_space<vmem>>)
      %dma_wait3A_2231 = arith.constant 7 : i32
      %dma_wait3A_2232 = arith.constant 0 : i32
      %dma_wait3A_2233 = arith.constant 0 : i32
      %dma_wait3A_2234 = tpu.memref_slice %arg10[%dma_wait3A_2231, %dma_wait3A_2232, %dma_wait3A_2233] : memref<8x8x128xf32, #tpu.memory_space<vmem>> -> memref<1x8x128xf32, #tpu.memory_space<vmem>>
      %dma_wait3A_2235 = tpu.memref_squeeze %dma_wait3A_2234 : memref<1x8x128xf32, #tpu.memory_space<vmem>> -> memref<8x128xf32, #tpu.memory_space<vmem>>
      %dma_wait3A_2236 = arith.constant 0 : i32
      %dma_wait3A_2237 = arith.constant 0 : i32
      %dma_wait3A_2238 = tpu.memref_slice %arg5[%dma_wait3A_2236, %dma_wait3A_2237] : memref<224x1024xf32, #tpu.memory_space<hbm>> -> memref<8x128xf32, #tpu.memory_space<hbm>>
      %dma_wait3A_2239 = arith.constant 0 : i32
      %dma_wait3A_2240 = arith.constant 0 : i32
      %dma_wait3A_2241 = tpu.memref_slice %arg10[%dma_wait3A_2231, %dma_wait3A_2239, %dma_wait3A_2240] : memref<8x8x128xf32, #tpu.memory_space<vmem>> -> memref<1x8x128xf32, #tpu.memory_space<vmem>>
      %dma_wait3A_2242 = tpu.memref_squeeze %dma_wait3A_2241 : memref<1x8x128xf32, #tpu.memory_space<vmem>> -> memref<8x128xf32, #tpu.memory_space<vmem>>
      %dma_wait3A_2243 = arith.constant 0 : i32
      %dma_wait3A_2244 = arith.constant 0 : i32
      %dma_wait3A_2245 = tpu.memref_slice %arg5[%dma_wait3A_2243, %dma_wait3A_2244] : memref<224x1024xf32, #tpu.memory_space<hbm>> -> memref<8x128xf32, #tpu.memory_space<hbm>>
      tpu.wait_dma2 semaphore(%arg14 : memref<!tpu.dma_semaphore, #tpu.memory_space<semaphore_mem>>) src(%dma_wait3A_2245 : memref<8x128xf32, #tpu.memory_space<hbm>>) dst(%dma_wait3A_2242 : memref<8x128xf32, #tpu.memory_space<vmem>>)
      %gt3A_2246 = arith.constant 0 : i32
      %gt3A_2247 = arith.cmpi sgt, %scan3A_1314, %gt3A_2246 : i32
      %convert_element_type3A_2248 = arith.extui %gt3A_2247 : i1 to i32
      %cond3A_2249 = arith.constant 0 : i32
      %cond3A_2250 = arith.cmpi ne, %convert_element_type3A_2248, %cond3A_2249 : i32
      scf.if %cond3A_2250 {
        %dma_wait3A_2550 = arith.constant 0 : i32
        %dma_wait3A_2551 = arith.constant 0 : i32
        %dma_wait3A_2552 = arith.constant 0 : i32
        %dma_wait3A_2553 = tpu.memref_slice %arg12[%dma_wait3A_2550, %dma_wait3A_2551, %dma_wait3A_2552] : memref<16x8x128xf32, #tpu.memory_space<vmem>> -> memref<1x8x128xf32, #tpu.memory_space<vmem>>
        %dma_wait3A_2554 = tpu.memref_squeeze %dma_wait3A_2553 : memref<1x8x128xf32, #tpu.memory_space<vmem>> -> memref<8x128xf32, #tpu.memory_space<vmem>>
        %dma_wait3A_2555 = arith.constant 0 : i32
        %dma_wait3A_2556 = arith.constant 0 : i32
        %dma_wait3A_2557 = tpu.memref_slice %arg6[%dma_wait3A_2555, %dma_wait3A_2556] : memref<224x16384xf32, #tpu.memory_space<hbm>> -> memref<8x128xf32, #tpu.memory_space<hbm>>
        %dma_wait3A_2558 = arith.constant 0 : i32
        %dma_wait3A_2559 = arith.constant 0 : i32
        %dma_wait3A_2560 = tpu.memref_slice %arg6[%dma_wait3A_2558, %dma_wait3A_2559] : memref<224x16384xf32, #tpu.memory_space<hbm>> -> memref<8x128xf32, #tpu.memory_space<hbm>>
        %dma_wait3A_2561 = arith.constant 0 : i32
        %dma_wait3A_2562 = arith.constant 0 : i32
        %dma_wait3A_2563 = tpu.memref_slice %arg12[%dma_wait3A_2550, %dma_wait3A_2561, %dma_wait3A_2562] : memref<16x8x128xf32, #tpu.memory_space<vmem>> -> memref<1x8x128xf32, #tpu.memory_space<vmem>>
        %dma_wait3A_2564 = tpu.memref_squeeze %dma_wait3A_2563 : memref<1x8x128xf32, #tpu.memory_space<vmem>> -> memref<8x128xf32, #tpu.memory_space<vmem>>
        tpu.wait_dma2 semaphore(%arg16 : memref<!tpu.dma_semaphore, #tpu.memory_space<semaphore_mem>>) src(%dma_wait3A_2564 : memref<8x128xf32, #tpu.memory_space<vmem>>) dst(%dma_wait3A_2560 : memref<8x128xf32, #tpu.memory_space<hbm>>)
        %dma_wait3A_2565 = arith.constant 1 : i32
        %dma_wait3A_2566 = arith.constant 0 : i32
        %dma_wait3A_2567 = arith.constant 0 : i32
        %dma_wait3A_2568 = tpu.memref_slice %arg12[%dma_wait3A_2565, %dma_wait3A_2566, %dma_wait3A_2567] : memref<16x8x128xf32, #tpu.memory_space<vmem>> -> memref<1x8x128xf32, #tpu.memory_space<vmem>>
        %dma_wait3A_2569 = tpu.memref_squeeze %dma_wait3A_2568 : memref<1x8x128xf32, #tpu.memory_space<vmem>> -> memref<8x128xf32, #tpu.memory_space<vmem>>
        %dma_wait3A_2570 = arith.constant 0 : i32
        %dma_wait3A_2571 = arith.constant 128 : i32
        %dma_wait3A_2572 = tpu.memref_slice %arg6[%dma_wait3A_2570, %dma_wait3A_2571] : memref<224x16384xf32, #tpu.memory_space<hbm>> -> memref<8x128xf32, #tpu.memory_space<hbm>>
        %dma_wait3A_2573 = arith.constant 0 : i32
        %dma_wait3A_2574 = arith.constant 128 : i32
        %dma_wait3A_2575 = tpu.memref_slice %arg6[%dma_wait3A_2573, %dma_wait3A_2574] : memref<224x16384xf32, #tpu.memory_space<hbm>> -> memref<8x128xf32, #tpu.memory_space<hbm>>
        %dma_wait3A_2576 = arith.constant 0 : i32
        %dma_wait3A_2577 = arith.constant 0 : i32
        %dma_wait3A_2578 = tpu.memref_slice %arg12[%dma_wait3A_2565, %dma_wait3A_2576, %dma_wait3A_2577] : memref<16x8x128xf32, #tpu.memory_space<vmem>> -> memref<1x8x128xf32, #tpu.memory_space<vmem>>
        %dma_wait3A_2579 = tpu.memref_squeeze %dma_wait3A_2578 : memref<1x8x128xf32, #tpu.memory_space<vmem>> -> memref<8x128xf32, #tpu.memory_space<vmem>>
        tpu.wait_dma2 semaphore(%arg16 : memref<!tpu.dma_semaphore, #tpu.memory_space<semaphore_mem>>) src(%dma_wait3A_2579 : memref<8x128xf32, #tpu.memory_space<vmem>>) dst(%dma_wait3A_2575 : memref<8x128xf32, #tpu.memory_space<hbm>>)
        %dma_wait3A_2580 = arith.constant 2 : i32
        %dma_wait3A_2581 = arith.constant 0 : i32
        %dma_wait3A_2582 = arith.constant 0 : i32
        %dma_wait3A_2583 = tpu.memref_slice %arg12[%dma_wait3A_2580, %dma_wait3A_2581, %dma_wait3A_2582] : memref<16x8x128xf32, #tpu.memory_space<vmem>> -> memref<1x8x128xf32, #tpu.memory_space<vmem>>
        %dma_wait3A_2584 = tpu.memref_squeeze %dma_wait3A_2583 : memref<1x8x128xf32, #tpu.memory_space<vmem>> -> memref<8x128xf32, #tpu.memory_space<vmem>>
        %dma_wait3A_2585 = arith.constant 0 : i32
        %dma_wait3A_2586 = arith.constant 256 : i32
        %dma_wait3A_2587 = tpu.memref_slice %arg6[%dma_wait3A_2585, %dma_wait3A_2586] : memref<224x16384xf32, #tpu.memory_space<hbm>> -> memref<8x128xf32, #tpu.memory_space<hbm>>
        %dma_wait3A_2588 = arith.constant 0 : i32
        %dma_wait3A_2589 = arith.constant 256 : i32
        %dma_wait3A_2590 = tpu.memref_slice %arg6[%dma_wait3A_2588, %dma_wait3A_2589] : memref<224x16384xf32, #tpu.memory_space<hbm>> -> memref<8x128xf32, #tpu.memory_space<hbm>>
        %dma_wait3A_2591 = arith.constant 0 : i32
        %dma_wait3A_2592 = arith.constant 0 : i32
        %dma_wait3A_2593 = tpu.memref_slice %arg12[%dma_wait3A_2580, %dma_wait3A_2591, %dma_wait3A_2592] : memref<16x8x128xf32, #tpu.memory_space<vmem>> -> memref<1x8x128xf32, #tpu.memory_space<vmem>>
        %dma_wait3A_2594 = tpu.memref_squeeze %dma_wait3A_2593 : memref<1x8x128xf32, #tpu.memory_space<vmem>> -> memref<8x128xf32, #tpu.memory_space<vmem>>
        tpu.wait_dma2 semaphore(%arg16 : memref<!tpu.dma_semaphore, #tpu.memory_space<semaphore_mem>>) src(%dma_wait3A_2594 : memref<8x128xf32, #tpu.memory_space<vmem>>) dst(%dma_wait3A_2590 : memref<8x128xf32, #tpu.memory_space<hbm>>)
        %dma_wait3A_2595 = arith.constant 3 : i32
        %dma_wait3A_2596 = arith.constant 0 : i32
        %dma_wait3A_2597 = arith.constant 0 : i32
        %dma_wait3A_2598 = tpu.memref_slice %arg12[%dma_wait3A_2595, %dma_wait3A_2596, %dma_wait3A_2597] : memref<16x8x128xf32, #tpu.memory_space<vmem>> -> memref<1x8x128xf32, #tpu.memory_space<vmem>>
        %dma_wait3A_2599 = tpu.memref_squeeze %dma_wait3A_2598 : memref<1x8x128xf32, #tpu.memory_space<vmem>> -> memref<8x128xf32, #tpu.memory_space<vmem>>
        %dma_wait3A_2600 = arith.constant 0 : i32
        %dma_wait3A_2601 = arith.constant 384 : i32
        %dma_wait3A_2602 = tpu.memref_slice %arg6[%dma_wait3A_2600, %dma_wait3A_2601] : memref<224x16384xf32, #tpu.memory_space<hbm>> -> memref<8x128xf32, #tpu.memory_space<hbm>>
        %dma_wait3A_2603 = arith.constant 0 : i32
        %dma_wait3A_2604 = arith.constant 384 : i32
        %dma_wait3A_2605 = tpu.memref_slice %arg6[%dma_wait3A_2603, %dma_wait3A_2604] : memref<224x16384xf32, #tpu.memory_space<hbm>> -> memref<8x128xf32, #tpu.memory_space<hbm>>
        %dma_wait3A_2606 = arith.constant 0 : i32
        %dma_wait3A_2607 = arith.constant 0 : i32
        %dma_wait3A_2608 = tpu.memref_slice %arg12[%dma_wait3A_2595, %dma_wait3A_2606, %dma_wait3A_2607] : memref<16x8x128xf32, #tpu.memory_space<vmem>> -> memref<1x8x128xf32, #tpu.memory_space<vmem>>
        %dma_wait3A_2609 = tpu.memref_squeeze %dma_wait3A_2608 : memref<1x8x128xf32, #tpu.memory_space<vmem>> -> memref<8x128xf32, #tpu.memory_space<vmem>>
        tpu.wait_dma2 semaphore(%arg16 : memref<!tpu.dma_semaphore, #tpu.memory_space<semaphore_mem>>) src(%dma_wait3A_2609 : memref<8x128xf32, #tpu.memory_space<vmem>>) dst(%dma_wait3A_2605 : memref<8x128xf32, #tpu.memory_space<hbm>>)
        %dma_wait3A_2610 = arith.constant 4 : i32
        %dma_wait3A_2611 = arith.constant 0 : i32
        %dma_wait3A_2612 = arith.constant 0 : i32
        %dma_wait3A_2613 = tpu.memref_slice %arg12[%dma_wait3A_2610, %dma_wait3A_2611, %dma_wait3A_2612] : memref<16x8x128xf32, #tpu.memory_space<vmem>> -> memref<1x8x128xf32, #tpu.memory_space<vmem>>
        %dma_wait3A_2614 = tpu.memref_squeeze %dma_wait3A_2613 : memref<1x8x128xf32, #tpu.memory_space<vmem>> -> memref<8x128xf32, #tpu.memory_space<vmem>>
        %dma_wait3A_2615 = arith.constant 0 : i32
        %dma_wait3A_2616 = arith.constant 512 : i32
        %dma_wait3A_2617 = tpu.memref_slice %arg6[%dma_wait3A_2615, %dma_wait3A_2616] : memref<224x16384xf32, #tpu.memory_space<hbm>> -> memref<8x128xf32, #tpu.memory_space<hbm>>
        %dma_wait3A_2618 = arith.constant 0 : i32
        %dma_wait3A_2619 = arith.constant 512 : i32
        %dma_wait3A_2620 = tpu.memref_slice %arg6[%dma_wait3A_2618, %dma_wait3A_2619] : memref<224x16384xf32, #tpu.memory_space<hbm>> -> memref<8x128xf32, #tpu.memory_space<hbm>>
        %dma_wait3A_2621 = arith.constant 0 : i32
        %dma_wait3A_2622 = arith.constant 0 : i32
        %dma_wait3A_2623 = tpu.memref_slice %arg12[%dma_wait3A_2610, %dma_wait3A_2621, %dma_wait3A_2622] : memref<16x8x128xf32, #tpu.memory_space<vmem>> -> memref<1x8x128xf32, #tpu.memory_space<vmem>>
        %dma_wait3A_2624 = tpu.memref_squeeze %dma_wait3A_2623 : memref<1x8x128xf32, #tpu.memory_space<vmem>> -> memref<8x128xf32, #tpu.memory_space<vmem>>
        tpu.wait_dma2 semaphore(%arg16 : memref<!tpu.dma_semaphore, #tpu.memory_space<semaphore_mem>>) src(%dma_wait3A_2624 : memref<8x128xf32, #tpu.memory_space<vmem>>) dst(%dma_wait3A_2620 : memref<8x128xf32, #tpu.memory_space<hbm>>)
        %dma_wait3A_2625 = arith.constant 5 : i32
        %dma_wait3A_2626 = arith.constant 0 : i32
        %dma_wait3A_2627 = arith.constant 0 : i32
        %dma_wait3A_2628 = tpu.memref_slice %arg12[%dma_wait3A_2625, %dma_wait3A_2626, %dma_wait3A_2627] : memref<16x8x128xf32, #tpu.memory_space<vmem>> -> memref<1x8x128xf32, #tpu.memory_space<vmem>>
        %dma_wait3A_2629 = tpu.memref_squeeze %dma_wait3A_2628 : memref<1x8x128xf32, #tpu.memory_space<vmem>> -> memref<8x128xf32, #tpu.memory_space<vmem>>
        %dma_wait3A_2630 = arith.constant 0 : i32
        %dma_wait3A_2631 = arith.constant 640 : i32
        %dma_wait3A_2632 = tpu.memref_slice %arg6[%dma_wait3A_2630, %dma_wait3A_2631] : memref<224x16384xf32, #tpu.memory_space<hbm>> -> memref<8x128xf32, #tpu.memory_space<hbm>>
        %dma_wait3A_2633 = arith.constant 0 : i32
        %dma_wait3A_2634 = arith.constant 640 : i32
        %dma_wait3A_2635 = tpu.memref_slice %arg6[%dma_wait3A_2633, %dma_wait3A_2634] : memref<224x16384xf32, #tpu.memory_space<hbm>> -> memref<8x128xf32, #tpu.memory_space<hbm>>
        %dma_wait3A_2636 = arith.constant 0 : i32
        %dma_wait3A_2637 = arith.constant 0 : i32
        %dma_wait3A_2638 = tpu.memref_slice %arg12[%dma_wait3A_2625, %dma_wait3A_2636, %dma_wait3A_2637] : memref<16x8x128xf32, #tpu.memory_space<vmem>> -> memref<1x8x128xf32, #tpu.memory_space<vmem>>
        %dma_wait3A_2639 = tpu.memref_squeeze %dma_wait3A_2638 : memref<1x8x128xf32, #tpu.memory_space<vmem>> -> memref<8x128xf32, #tpu.memory_space<vmem>>
        tpu.wait_dma2 semaphore(%arg16 : memref<!tpu.dma_semaphore, #tpu.memory_space<semaphore_mem>>) src(%dma_wait3A_2639 : memref<8x128xf32, #tpu.memory_space<vmem>>) dst(%dma_wait3A_2635 : memref<8x128xf32, #tpu.memory_space<hbm>>)
        %dma_wait3A_2640 = arith.constant 6 : i32
        %dma_wait3A_2641 = arith.constant 0 : i32
        %dma_wait3A_2642 = arith.constant 0 : i32
        %dma_wait3A_2643 = tpu.memref_slice %arg12[%dma_wait3A_2640, %dma_wait3A_2641, %dma_wait3A_2642] : memref<16x8x128xf32, #tpu.memory_space<vmem>> -> memref<1x8x128xf32, #tpu.memory_space<vmem>>
        %dma_wait3A_2644 = tpu.memref_squeeze %dma_wait3A_2643 : memref<1x8x128xf32, #tpu.memory_space<vmem>> -> memref<8x128xf32, #tpu.memory_space<vmem>>
        %dma_wait3A_2645 = arith.constant 0 : i32
        %dma_wait3A_2646 = arith.constant 768 : i32
        %dma_wait3A_2647 = tpu.memref_slice %arg6[%dma_wait3A_2645, %dma_wait3A_2646] : memref<224x16384xf32, #tpu.memory_space<hbm>> -> memref<8x128xf32, #tpu.memory_space<hbm>>
        %dma_wait3A_2648 = arith.constant 0 : i32
        %dma_wait3A_2649 = arith.constant 768 : i32
        %dma_wait3A_2650 = tpu.memref_slice %arg6[%dma_wait3A_2648, %dma_wait3A_2649] : memref<224x16384xf32, #tpu.memory_space<hbm>> -> memref<8x128xf32, #tpu.memory_space<hbm>>
        %dma_wait3A_2651 = arith.constant 0 : i32
        %dma_wait3A_2652 = arith.constant 0 : i32
        %dma_wait3A_2653 = tpu.memref_slice %arg12[%dma_wait3A_2640, %dma_wait3A_2651, %dma_wait3A_2652] : memref<16x8x128xf32, #tpu.memory_space<vmem>> -> memref<1x8x128xf32, #tpu.memory_space<vmem>>
        %dma_wait3A_2654 = tpu.memref_squeeze %dma_wait3A_2653 : memref<1x8x128xf32, #tpu.memory_space<vmem>> -> memref<8x128xf32, #tpu.memory_space<vmem>>
        tpu.wait_dma2 semaphore(%arg16 : memref<!tpu.dma_semaphore, #tpu.memory_space<semaphore_mem>>) src(%dma_wait3A_2654 : memref<8x128xf32, #tpu.memory_space<vmem>>) dst(%dma_wait3A_2650 : memref<8x128xf32, #tpu.memory_space<hbm>>)
        %dma_wait3A_2655 = arith.constant 7 : i32
        %dma_wait3A_2656 = arith.constant 0 : i32
        %dma_wait3A_2657 = arith.constant 0 : i32
        %dma_wait3A_2658 = tpu.memref_slice %arg12[%dma_wait3A_2655, %dma_wait3A_2656, %dma_wait3A_2657] : memref<16x8x128xf32, #tpu.memory_space<vmem>> -> memref<1x8x128xf32, #tpu.memory_space<vmem>>
        %dma_wait3A_2659 = tpu.memref_squeeze %dma_wait3A_2658 : memref<1x8x128xf32, #tpu.memory_space<vmem>> -> memref<8x128xf32, #tpu.memory_space<vmem>>
        %dma_wait3A_2660 = arith.constant 0 : i32
        %dma_wait3A_2661 = arith.constant 896 : i32
        %dma_wait3A_2662 = tpu.memref_slice %arg6[%dma_wait3A_2660, %dma_wait3A_2661] : memref<224x16384xf32, #tpu.memory_space<hbm>> -> memref<8x128xf32, #tpu.memory_space<hbm>>
        %dma_wait3A_2663 = arith.constant 0 : i32
        %dma_wait3A_2664 = arith.constant 896 : i32
        %dma_wait3A_2665 = tpu.memref_slice %arg6[%dma_wait3A_2663, %dma_wait3A_2664] : memref<224x16384xf32, #tpu.memory_space<hbm>> -> memref<8x128xf32, #tpu.memory_space<hbm>>
        %dma_wait3A_2666 = arith.constant 0 : i32
        %dma_wait3A_2667 = arith.constant 0 : i32
        %dma_wait3A_2668 = tpu.memref_slice %arg12[%dma_wait3A_2655, %dma_wait3A_2666, %dma_wait3A_2667] : memref<16x8x128xf32, #tpu.memory_space<vmem>> -> memref<1x8x128xf32, #tpu.memory_space<vmem>>
        %dma_wait3A_2669 = tpu.memref_squeeze %dma_wait3A_2668 : memref<1x8x128xf32, #tpu.memory_space<vmem>> -> memref<8x128xf32, #tpu.memory_space<vmem>>
        tpu.wait_dma2 semaphore(%arg16 : memref<!tpu.dma_semaphore, #tpu.memory_space<semaphore_mem>>) src(%dma_wait3A_2669 : memref<8x128xf32, #tpu.memory_space<vmem>>) dst(%dma_wait3A_2665 : memref<8x128xf32, #tpu.memory_space<hbm>>)
        %dma_wait3A_2670 = arith.constant 8 : i32
        %dma_wait3A_2671 = arith.constant 0 : i32
        %dma_wait3A_2672 = arith.constant 0 : i32
        %dma_wait3A_2673 = tpu.memref_slice %arg12[%dma_wait3A_2670, %dma_wait3A_2671, %dma_wait3A_2672] : memref<16x8x128xf32, #tpu.memory_space<vmem>> -> memref<1x8x128xf32, #tpu.memory_space<vmem>>
        %dma_wait3A_2674 = tpu.memref_squeeze %dma_wait3A_2673 : memref<1x8x128xf32, #tpu.memory_space<vmem>> -> memref<8x128xf32, #tpu.memory_space<vmem>>
        %dma_wait3A_2675 = arith.constant 0 : i32
        %dma_wait3A_2676 = arith.constant 1024 : i32
        %dma_wait3A_2677 = tpu.memref_slice %arg6[%dma_wait3A_2675, %dma_wait3A_2676] : memref<224x16384xf32, #tpu.memory_space<hbm>> -> memref<8x128xf32, #tpu.memory_space<hbm>>
        %dma_wait3A_2678 = arith.constant 0 : i32
        %dma_wait3A_2679 = arith.constant 1024 : i32
        %dma_wait3A_2680 = tpu.memref_slice %arg6[%dma_wait3A_2678, %dma_wait3A_2679] : memref<224x16384xf32, #tpu.memory_space<hbm>> -> memref<8x128xf32, #tpu.memory_space<hbm>>
        %dma_wait3A_2681 = arith.constant 0 : i32
        %dma_wait3A_2682 = arith.constant 0 : i32
        %dma_wait3A_2683 = tpu.memref_slice %arg12[%dma_wait3A_2670, %dma_wait3A_2681, %dma_wait3A_2682] : memref<16x8x128xf32, #tpu.memory_space<vmem>> -> memref<1x8x128xf32, #tpu.memory_space<vmem>>
        %dma_wait3A_2684 = tpu.memref_squeeze %dma_wait3A_2683 : memref<1x8x128xf32, #tpu.memory_space<vmem>> -> memref<8x128xf32, #tpu.memory_space<vmem>>
        tpu.wait_dma2 semaphore(%arg16 : memref<!tpu.dma_semaphore, #tpu.memory_space<semaphore_mem>>) src(%dma_wait3A_2684 : memref<8x128xf32, #tpu.memory_space<vmem>>) dst(%dma_wait3A_2680 : memref<8x128xf32, #tpu.memory_space<hbm>>)
        %dma_wait3A_2685 = arith.constant 9 : i32
        %dma_wait3A_2686 = arith.constant 0 : i32
        %dma_wait3A_2687 = arith.constant 0 : i32
        %dma_wait3A_2688 = tpu.memref_slice %arg12[%dma_wait3A_2685, %dma_wait3A_2686, %dma_wait3A_2687] : memref<16x8x128xf32, #tpu.memory_space<vmem>> -> memref<1x8x128xf32, #tpu.memory_space<vmem>>
        %dma_wait3A_2689 = tpu.memref_squeeze %dma_wait3A_2688 : memref<1x8x128xf32, #tpu.memory_space<vmem>> -> memref<8x128xf32, #tpu.memory_space<vmem>>
        %dma_wait3A_2690 = arith.constant 0 : i32
        %dma_wait3A_2691 = arith.constant 1152 : i32
        %dma_wait3A_2692 = tpu.memref_slice %arg6[%dma_wait3A_2690, %dma_wait3A_2691] : memref<224x16384xf32, #tpu.memory_space<hbm>> -> memref<8x128xf32, #tpu.memory_space<hbm>>
        %dma_wait3A_2693 = arith.constant 0 : i32
        %dma_wait3A_2694 = arith.constant 1152 : i32
        %dma_wait3A_2695 = tpu.memref_slice %arg6[%dma_wait3A_2693, %dma_wait3A_2694] : memref<224x16384xf32, #tpu.memory_space<hbm>> -> memref<8x128xf32, #tpu.memory_space<hbm>>
        %dma_wait3A_2696 = arith.constant 0 : i32
        %dma_wait3A_2697 = arith.constant 0 : i32
        %dma_wait3A_2698 = tpu.memref_slice %arg12[%dma_wait3A_2685, %dma_wait3A_2696, %dma_wait3A_2697] : memref<16x8x128xf32, #tpu.memory_space<vmem>> -> memref<1x8x128xf32, #tpu.memory_space<vmem>>
        %dma_wait3A_2699 = tpu.memref_squeeze %dma_wait3A_2698 : memref<1x8x128xf32, #tpu.memory_space<vmem>> -> memref<8x128xf32, #tpu.memory_space<vmem>>
        tpu.wait_dma2 semaphore(%arg16 : memref<!tpu.dma_semaphore, #tpu.memory_space<semaphore_mem>>) src(%dma_wait3A_2699 : memref<8x128xf32, #tpu.memory_space<vmem>>) dst(%dma_wait3A_2695 : memref<8x128xf32, #tpu.memory_space<hbm>>)
        %dma_wait3A_2700 = arith.constant 10 : i32
        %dma_wait3A_2701 = arith.constant 0 : i32
        %dma_wait3A_2702 = arith.constant 0 : i32
        %dma_wait3A_2703 = tpu.memref_slice %arg12[%dma_wait3A_2700, %dma_wait3A_2701, %dma_wait3A_2702] : memref<16x8x128xf32, #tpu.memory_space<vmem>> -> memref<1x8x128xf32, #tpu.memory_space<vmem>>
        %dma_wait3A_2704 = tpu.memref_squeeze %dma_wait3A_2703 : memref<1x8x128xf32, #tpu.memory_space<vmem>> -> memref<8x128xf32, #tpu.memory_space<vmem>>
        %dma_wait3A_2705 = arith.constant 0 : i32
        %dma_wait3A_2706 = arith.constant 1280 : i32
        %dma_wait3A_2707 = tpu.memref_slice %arg6[%dma_wait3A_2705, %dma_wait3A_2706] : memref<224x16384xf32, #tpu.memory_space<hbm>> -> memref<8x128xf32, #tpu.memory_space<hbm>>
        %dma_wait3A_2708 = arith.constant 0 : i32
        %dma_wait3A_2709 = arith.constant 1280 : i32
        %dma_wait3A_2710 = tpu.memref_slice %arg6[%dma_wait3A_2708, %dma_wait3A_2709] : memref<224x16384xf32, #tpu.memory_space<hbm>> -> memref<8x128xf32, #tpu.memory_space<hbm>>
        %dma_wait3A_2711 = arith.constant 0 : i32
        %dma_wait3A_2712 = arith.constant 0 : i32
        %dma_wait3A_2713 = tpu.memref_slice %arg12[%dma_wait3A_2700, %dma_wait3A_2711, %dma_wait3A_2712] : memref<16x8x128xf32, #tpu.memory_space<vmem>> -> memref<1x8x128xf32, #tpu.memory_space<vmem>>
        %dma_wait3A_2714 = tpu.memref_squeeze %dma_wait3A_2713 : memref<1x8x128xf32, #tpu.memory_space<vmem>> -> memref<8x128xf32, #tpu.memory_space<vmem>>
        tpu.wait_dma2 semaphore(%arg16 : memref<!tpu.dma_semaphore, #tpu.memory_space<semaphore_mem>>) src(%dma_wait3A_2714 : memref<8x128xf32, #tpu.memory_space<vmem>>) dst(%dma_wait3A_2710 : memref<8x128xf32, #tpu.memory_space<hbm>>)
        %dma_wait3A_2715 = arith.constant 11 : i32
        %dma_wait3A_2716 = arith.constant 0 : i32
        %dma_wait3A_2717 = arith.constant 0 : i32
        %dma_wait3A_2718 = tpu.memref_slice %arg12[%dma_wait3A_2715, %dma_wait3A_2716, %dma_wait3A_2717] : memref<16x8x128xf32, #tpu.memory_space<vmem>> -> memref<1x8x128xf32, #tpu.memory_space<vmem>>
        %dma_wait3A_2719 = tpu.memref_squeeze %dma_wait3A_2718 : memref<1x8x128xf32, #tpu.memory_space<vmem>> -> memref<8x128xf32, #tpu.memory_space<vmem>>
        %dma_wait3A_2720 = arith.constant 0 : i32
        %dma_wait3A_2721 = arith.constant 1408 : i32
        %dma_wait3A_2722 = tpu.memref_slice %arg6[%dma_wait3A_2720, %dma_wait3A_2721] : memref<224x16384xf32, #tpu.memory_space<hbm>> -> memref<8x128xf32, #tpu.memory_space<hbm>>
        %dma_wait3A_2723 = arith.constant 0 : i32
        %dma_wait3A_2724 = arith.constant 1408 : i32
        %dma_wait3A_2725 = tpu.memref_slice %arg6[%dma_wait3A_2723, %dma_wait3A_2724] : memref<224x16384xf32, #tpu.memory_space<hbm>> -> memref<8x128xf32, #tpu.memory_space<hbm>>
        %dma_wait3A_2726 = arith.constant 0 : i32
        %dma_wait3A_2727 = arith.constant 0 : i32
        %dma_wait3A_2728 = tpu.memref_slice %arg12[%dma_wait3A_2715, %dma_wait3A_2726, %dma_wait3A_2727] : memref<16x8x128xf32, #tpu.memory_space<vmem>> -> memref<1x8x128xf32, #tpu.memory_space<vmem>>
        %dma_wait3A_2729 = tpu.memref_squeeze %dma_wait3A_2728 : memref<1x8x128xf32, #tpu.memory_space<vmem>> -> memref<8x128xf32, #tpu.memory_space<vmem>>
        tpu.wait_dma2 semaphore(%arg16 : memref<!tpu.dma_semaphore, #tpu.memory_space<semaphore_mem>>) src(%dma_wait3A_2729 : memref<8x128xf32, #tpu.memory_space<vmem>>) dst(%dma_wait3A_2725 : memref<8x128xf32, #tpu.memory_space<hbm>>)
        %dma_wait3A_2730 = arith.constant 12 : i32
        %dma_wait3A_2731 = arith.constant 0 : i32
        %dma_wait3A_2732 = arith.constant 0 : i32
        %dma_wait3A_2733 = tpu.memref_slice %arg12[%dma_wait3A_2730, %dma_wait3A_2731, %dma_wait3A_2732] : memref<16x8x128xf32, #tpu.memory_space<vmem>> -> memref<1x8x128xf32, #tpu.memory_space<vmem>>
        %dma_wait3A_2734 = tpu.memref_squeeze %dma_wait3A_2733 : memref<1x8x128xf32, #tpu.memory_space<vmem>> -> memref<8x128xf32, #tpu.memory_space<vmem>>
        %dma_wait3A_2735 = arith.constant 0 : i32
        %dma_wait3A_2736 = arith.constant 1536 : i32
        %dma_wait3A_2737 = tpu.memref_slice %arg6[%dma_wait3A_2735, %dma_wait3A_2736] : memref<224x16384xf32, #tpu.memory_space<hbm>> -> memref<8x128xf32, #tpu.memory_space<hbm>>
        %dma_wait3A_2738 = arith.constant 0 : i32
        %dma_wait3A_2739 = arith.constant 1536 : i32
        %dma_wait3A_2740 = tpu.memref_slice %arg6[%dma_wait3A_2738, %dma_wait3A_2739] : memref<224x16384xf32, #tpu.memory_space<hbm>> -> memref<8x128xf32, #tpu.memory_space<hbm>>
        %dma_wait3A_2741 = arith.constant 0 : i32
        %dma_wait3A_2742 = arith.constant 0 : i32
        %dma_wait3A_2743 = tpu.memref_slice %arg12[%dma_wait3A_2730, %dma_wait3A_2741, %dma_wait3A_2742] : memref<16x8x128xf32, #tpu.memory_space<vmem>> -> memref<1x8x128xf32, #tpu.memory_space<vmem>>
        %dma_wait3A_2744 = tpu.memref_squeeze %dma_wait3A_2743 : memref<1x8x128xf32, #tpu.memory_space<vmem>> -> memref<8x128xf32, #tpu.memory_space<vmem>>
        tpu.wait_dma2 semaphore(%arg16 : memref<!tpu.dma_semaphore, #tpu.memory_space<semaphore_mem>>) src(%dma_wait3A_2744 : memref<8x128xf32, #tpu.memory_space<vmem>>) dst(%dma_wait3A_2740 : memref<8x128xf32, #tpu.memory_space<hbm>>)
        %dma_wait3A_2745 = arith.constant 13 : i32
        %dma_wait3A_2746 = arith.constant 0 : i32
        %dma_wait3A_2747 = arith.constant 0 : i32
        %dma_wait3A_2748 = tpu.memref_slice %arg12[%dma_wait3A_2745, %dma_wait3A_2746, %dma_wait3A_2747] : memref<16x8x128xf32, #tpu.memory_space<vmem>> -> memref<1x8x128xf32, #tpu.memory_space<vmem>>
        %dma_wait3A_2749 = tpu.memref_squeeze %dma_wait3A_2748 : memref<1x8x128xf32, #tpu.memory_space<vmem>> -> memref<8x128xf32, #tpu.memory_space<vmem>>
        %dma_wait3A_2750 = arith.constant 0 : i32
        %dma_wait3A_2751 = arith.constant 1664 : i32
        %dma_wait3A_2752 = tpu.memref_slice %arg6[%dma_wait3A_2750, %dma_wait3A_2751] : memref<224x16384xf32, #tpu.memory_space<hbm>> -> memref<8x128xf32, #tpu.memory_space<hbm>>
        %dma_wait3A_2753 = arith.constant 0 : i32
        %dma_wait3A_2754 = arith.constant 1664 : i32
        %dma_wait3A_2755 = tpu.memref_slice %arg6[%dma_wait3A_2753, %dma_wait3A_2754] : memref<224x16384xf32, #tpu.memory_space<hbm>> -> memref<8x128xf32, #tpu.memory_space<hbm>>
        %dma_wait3A_2756 = arith.constant 0 : i32
        %dma_wait3A_2757 = arith.constant 0 : i32
        %dma_wait3A_2758 = tpu.memref_slice %arg12[%dma_wait3A_2745, %dma_wait3A_2756, %dma_wait3A_2757] : memref<16x8x128xf32, #tpu.memory_space<vmem>> -> memref<1x8x128xf32, #tpu.memory_space<vmem>>
        %dma_wait3A_2759 = tpu.memref_squeeze %dma_wait3A_2758 : memref<1x8x128xf32, #tpu.memory_space<vmem>> -> memref<8x128xf32, #tpu.memory_space<vmem>>
        tpu.wait_dma2 semaphore(%arg16 : memref<!tpu.dma_semaphore, #tpu.memory_space<semaphore_mem>>) src(%dma_wait3A_2759 : memref<8x128xf32, #tpu.memory_space<vmem>>) dst(%dma_wait3A_2755 : memref<8x128xf32, #tpu.memory_space<hbm>>)
        %dma_wait3A_2760 = arith.constant 14 : i32
        %dma_wait3A_2761 = arith.constant 0 : i32
        %dma_wait3A_2762 = arith.constant 0 : i32
        %dma_wait3A_2763 = tpu.memref_slice %arg12[%dma_wait3A_2760, %dma_wait3A_2761, %dma_wait3A_2762] : memref<16x8x128xf32, #tpu.memory_space<vmem>> -> memref<1x8x128xf32, #tpu.memory_space<vmem>>
        %dma_wait3A_2764 = tpu.memref_squeeze %dma_wait3A_2763 : memref<1x8x128xf32, #tpu.memory_space<vmem>> -> memref<8x128xf32, #tpu.memory_space<vmem>>
        %dma_wait3A_2765 = arith.constant 0 : i32
        %dma_wait3A_2766 = arith.constant 1792 : i32
        %dma_wait3A_2767 = tpu.memref_slice %arg6[%dma_wait3A_2765, %dma_wait3A_2766] : memref<224x16384xf32, #tpu.memory_space<hbm>> -> memref<8x128xf32, #tpu.memory_space<hbm>>
        %dma_wait3A_2768 = arith.constant 0 : i32
        %dma_wait3A_2769 = arith.constant 1792 : i32
        %dma_wait3A_2770 = tpu.memref_slice %arg6[%dma_wait3A_2768, %dma_wait3A_2769] : memref<224x16384xf32, #tpu.memory_space<hbm>> -> memref<8x128xf32, #tpu.memory_space<hbm>>
        %dma_wait3A_2771 = arith.constant 0 : i32
        %dma_wait3A_2772 = arith.constant 0 : i32
        %dma_wait3A_2773 = tpu.memref_slice %arg12[%dma_wait3A_2760, %dma_wait3A_2771, %dma_wait3A_2772] : memref<16x8x128xf32, #tpu.memory_space<vmem>> -> memref<1x8x128xf32, #tpu.memory_space<vmem>>
        %dma_wait3A_2774 = tpu.memref_squeeze %dma_wait3A_2773 : memref<1x8x128xf32, #tpu.memory_space<vmem>> -> memref<8x128xf32, #tpu.memory_space<vmem>>
        tpu.wait_dma2 semaphore(%arg16 : memref<!tpu.dma_semaphore, #tpu.memory_space<semaphore_mem>>) src(%dma_wait3A_2774 : memref<8x128xf32, #tpu.memory_space<vmem>>) dst(%dma_wait3A_2770 : memref<8x128xf32, #tpu.memory_space<hbm>>)
        %dma_wait3A_2775 = arith.constant 15 : i32
        %dma_wait3A_2776 = arith.constant 0 : i32
        %dma_wait3A_2777 = arith.constant 0 : i32
        %dma_wait3A_2778 = tpu.memref_slice %arg12[%dma_wait3A_2775, %dma_wait3A_2776, %dma_wait3A_2777] : memref<16x8x128xf32, #tpu.memory_space<vmem>> -> memref<1x8x128xf32, #tpu.memory_space<vmem>>
        %dma_wait3A_2779 = tpu.memref_squeeze %dma_wait3A_2778 : memref<1x8x128xf32, #tpu.memory_space<vmem>> -> memref<8x128xf32, #tpu.memory_space<vmem>>
        %dma_wait3A_2780 = arith.constant 0 : i32
        %dma_wait3A_2781 = arith.constant 1920 : i32
        %dma_wait3A_2782 = tpu.memref_slice %arg6[%dma_wait3A_2780, %dma_wait3A_2781] : memref<224x16384xf32, #tpu.memory_space<hbm>> -> memref<8x128xf32, #tpu.memory_space<hbm>>
        %dma_wait3A_2783 = arith.constant 0 : i32
        %dma_wait3A_2784 = arith.constant 1920 : i32
        %dma_wait3A_2785 = tpu.memref_slice %arg6[%dma_wait3A_2783, %dma_wait3A_2784] : memref<224x16384xf32, #tpu.memory_space<hbm>> -> memref<8x128xf32, #tpu.memory_space<hbm>>
        %dma_wait3A_2786 = arith.constant 0 : i32
        %dma_wait3A_2787 = arith.constant 0 : i32
        %dma_wait3A_2788 = tpu.memref_slice %arg12[%dma_wait3A_2775, %dma_wait3A_2786, %dma_wait3A_2787] : memref<16x8x128xf32, #tpu.memory_space<vmem>> -> memref<1x8x128xf32, #tpu.memory_space<vmem>>
        %dma_wait3A_2789 = tpu.memref_squeeze %dma_wait3A_2788 : memref<1x8x128xf32, #tpu.memory_space<vmem>> -> memref<8x128xf32, #tpu.memory_space<vmem>>
        tpu.wait_dma2 semaphore(%arg16 : memref<!tpu.dma_semaphore, #tpu.memory_space<semaphore_mem>>) src(%dma_wait3A_2789 : memref<8x128xf32, #tpu.memory_space<vmem>>) dst(%dma_wait3A_2785 : memref<8x128xf32, #tpu.memory_space<hbm>>)
      } else {
      }
      %parallel_loop3A_2251 = arith.constant 0 : i32
      %parallel_loop3A_2252 = arith.constant 128 : i32
      %parallel_loop3A_2253 = arith.constant 1 : i32
      scf.for %parallel_loop3A_2550 = %parallel_loop3A_2251 to %parallel_loop3A_2252 step %parallel_loop3A_2253  : i32 {
        %parallel_loop3A_2551 = arith.constant 3 : i32
        %parallel_loop3A_2552 = arith.shrui %parallel_loop3A_2550, %parallel_loop3A_2551 : i32
        %parallel_loop3A_2553 = arith.constant 7 : i32
        %parallel_loop3A_2554 = arith.andi %parallel_loop3A_2550, %parallel_loop3A_2553 : i32
        %parallel_loop3A_2555 = arith.constant 16 : i32
        %parallel_loop3A_2556 = arith.muli %parallel_loop3A_2554, %parallel_loop3A_2555 : i32
        %parallel_loop3A_2557 = arith.constant 16 : i32
        %parallel_loop3A_2558 = arith.muli %parallel_loop3A_2550, %parallel_loop3A_2557 : i32
        %parallel_loop3A_2559 = arith.index_cast %parallel_loop3A_2558 : i32 to index
        %parallel_loop3A_2560 = tpu.vector_load %arg8[%parallel_loop3A_2559] {strides = array<i32>} : memref<2048xi32, #tpu.memory_space<vmem>>, vector<16xi32>,
        %parallel_loop3A_2561 = arith.constant 7 : i32
        %parallel_loop3A_2562 = vector.broadcast %parallel_loop3A_2561 : i32 to vector<16xi32>
        %parallel_loop3A_2563 = arith.shrui %parallel_loop3A_2560, %parallel_loop3A_2562 : vector<16xi32>
        %parallel_loop3A_2564 = arith.constant 127 : i32
        %parallel_loop3A_2565 = vector.broadcast %parallel_loop3A_2564 : i32 to vector<16xi32>
        %parallel_loop3A_2566 = arith.andi %parallel_loop3A_2560, %parallel_loop3A_2565 : vector<16xi32>
        %parallel_loop3A_2567 = arith.constant 0 : i32
        %parallel_loop3A_2568 = vector.broadcast %parallel_loop3A_2567 : i32 to vector<16xi32>
        %parallel_loop3A_2569 = tpu.vector_load_idx %arg10[%parallel_loop3A_2563, %parallel_loop3A_2568, %parallel_loop3A_2566] : memref<8x8x128xf32, #tpu.memory_space<vmem>>[vector<16xi32>, vector<16xi32>, vector<16xi32>], vector<16xf32>,
        %parallel_loop3A_2570 = arith.constant 0 : i32
        %parallel_loop3A_2571 = arith.index_cast %parallel_loop3A_2552 : i32 to index
        %parallel_loop3A_2572 = arith.index_cast %parallel_loop3A_2570 : i32 to index
        %parallel_loop3A_2573 = arith.index_cast %parallel_loop3A_2556 : i32 to index
        %parallel_loop3A_2574 = tpu.vector_load %arg12[%parallel_loop3A_2571, %parallel_loop3A_2572, %parallel_loop3A_2573] {strides = array<i32>} : memref<16x8x128xf32, #tpu.memory_space<vmem>>, vector<16xf32>,
        tpu.vector_store %arg12[%parallel_loop3A_2571, %parallel_loop3A_2572, %parallel_loop3A_2573], %parallel_loop3A_2569 {strides = array<i32>} : memref<16x8x128xf32, #tpu.memory_space<vmem>>, vector<16xf32>,
        %parallel_loop3A_2575 = arith.constant 1 : i32
        %parallel_loop3A_2576 = vector.broadcast %parallel_loop3A_2575 : i32 to vector<16xi32>
        %parallel_loop3A_2577 = tpu.vector_load_idx %arg10[%parallel_loop3A_2563, %parallel_loop3A_2576, %parallel_loop3A_2566] : memref<8x8x128xf32, #tpu.memory_space<vmem>>[vector<16xi32>, vector<16xi32>, vector<16xi32>], vector<16xf32>,
        %parallel_loop3A_2578 = arith.constant 1 : i32
        %parallel_loop3A_2579 = arith.index_cast %parallel_loop3A_2552 : i32 to index
        %parallel_loop3A_2580 = arith.index_cast %parallel_loop3A_2578 : i32 to index
        %parallel_loop3A_2581 = arith.index_cast %parallel_loop3A_2556 : i32 to index
        %parallel_loop3A_2582 = tpu.vector_load %arg12[%parallel_loop3A_2579, %parallel_loop3A_2580, %parallel_loop3A_2581] {strides = array<i32>} : memref<16x8x128xf32, #tpu.memory_space<vmem>>, vector<16xf32>,
        tpu.vector_store %arg12[%parallel_loop3A_2579, %parallel_loop3A_2580, %parallel_loop3A_2581], %parallel_loop3A_2577 {strides = array<i32>} : memref<16x8x128xf32, #tpu.memory_space<vmem>>, vector<16xf32>,
        %parallel_loop3A_2583 = arith.constant 2 : i32
        %parallel_loop3A_2584 = vector.broadcast %parallel_loop3A_2583 : i32 to vector<16xi32>
        %parallel_loop3A_2585 = tpu.vector_load_idx %arg10[%parallel_loop3A_2563, %parallel_loop3A_2584, %parallel_loop3A_2566] : memref<8x8x128xf32, #tpu.memory_space<vmem>>[vector<16xi32>, vector<16xi32>, vector<16xi32>], vector<16xf32>,
        %parallel_loop3A_2586 = arith.constant 2 : i32
        %parallel_loop3A_2587 = arith.index_cast %parallel_loop3A_2552 : i32 to index
        %parallel_loop3A_2588 = arith.index_cast %parallel_loop3A_2586 : i32 to index
        %parallel_loop3A_2589 = arith.index_cast %parallel_loop3A_2556 : i32 to index
        %parallel_loop3A_2590 = tpu.vector_load %arg12[%parallel_loop3A_2587, %parallel_loop3A_2588, %parallel_loop3A_2589] {strides = array<i32>} : memref<16x8x128xf32, #tpu.memory_space<vmem>>, vector<16xf32>,
        tpu.vector_store %arg12[%parallel_loop3A_2587, %parallel_loop3A_2588, %parallel_loop3A_2589], %parallel_loop3A_2585 {strides = array<i32>} : memref<16x8x128xf32, #tpu.memory_space<vmem>>, vector<16xf32>,
        %parallel_loop3A_2591 = arith.constant 3 : i32
        %parallel_loop3A_2592 = vector.broadcast %parallel_loop3A_2591 : i32 to vector<16xi32>
        %parallel_loop3A_2593 = tpu.vector_load_idx %arg10[%parallel_loop3A_2563, %parallel_loop3A_2592, %parallel_loop3A_2566] : memref<8x8x128xf32, #tpu.memory_space<vmem>>[vector<16xi32>, vector<16xi32>, vector<16xi32>], vector<16xf32>,
        %parallel_loop3A_2594 = arith.constant 3 : i32
        %parallel_loop3A_2595 = arith.index_cast %parallel_loop3A_2552 : i32 to index
        %parallel_loop3A_2596 = arith.index_cast %parallel_loop3A_2594 : i32 to index
        %parallel_loop3A_2597 = arith.index_cast %parallel_loop3A_2556 : i32 to index
        %parallel_loop3A_2598 = tpu.vector_load %arg12[%parallel_loop3A_2595, %parallel_loop3A_2596, %parallel_loop3A_2597] {strides = array<i32>} : memref<16x8x128xf32, #tpu.memory_space<vmem>>, vector<16xf32>,
        tpu.vector_store %arg12[%parallel_loop3A_2595, %parallel_loop3A_2596, %parallel_loop3A_2597], %parallel_loop3A_2593 {strides = array<i32>} : memref<16x8x128xf32, #tpu.memory_space<vmem>>, vector<16xf32>,
        %parallel_loop3A_2599 = arith.constant 4 : i32
        %parallel_loop3A_2600 = vector.broadcast %parallel_loop3A_2599 : i32 to vector<16xi32>
        %parallel_loop3A_2601 = tpu.vector_load_idx %arg10[%parallel_loop3A_2563, %parallel_loop3A_2600, %parallel_loop3A_2566] : memref<8x8x128xf32, #tpu.memory_space<vmem>>[vector<16xi32>, vector<16xi32>, vector<16xi32>], vector<16xf32>,
        %parallel_loop3A_2602 = arith.constant 4 : i32
        %parallel_loop3A_2603 = arith.index_cast %parallel_loop3A_2552 : i32 to index
        %parallel_loop3A_2604 = arith.index_cast %parallel_loop3A_2602 : i32 to index
        %parallel_loop3A_2605 = arith.index_cast %parallel_loop3A_2556 : i32 to index
        %parallel_loop3A_2606 = tpu.vector_load %arg12[%parallel_loop3A_2603, %parallel_loop3A_2604, %parallel_loop3A_2605] {strides = array<i32>} : memref<16x8x128xf32, #tpu.memory_space<vmem>>, vector<16xf32>,
        tpu.vector_store %arg12[%parallel_loop3A_2603, %parallel_loop3A_2604, %parallel_loop3A_2605], %parallel_loop3A_2601 {strides = array<i32>} : memref<16x8x128xf32, #tpu.memory_space<vmem>>, vector<16xf32>,
        %parallel_loop3A_2607 = arith.constant 5 : i32
        %parallel_loop3A_2608 = vector.broadcast %parallel_loop3A_2607 : i32 to vector<16xi32>
        %parallel_loop3A_2609 = tpu.vector_load_idx %arg10[%parallel_loop3A_2563, %parallel_loop3A_2608, %parallel_loop3A_2566] : memref<8x8x128xf32, #tpu.memory_space<vmem>>[vector<16xi32>, vector<16xi32>, vector<16xi32>], vector<16xf32>,
        %parallel_loop3A_2610 = arith.constant 5 : i32
        %parallel_loop3A_2611 = arith.index_cast %parallel_loop3A_2552 : i32 to index
        %parallel_loop3A_2612 = arith.index_cast %parallel_loop3A_2610 : i32 to index
        %parallel_loop3A_2613 = arith.index_cast %parallel_loop3A_2556 : i32 to index
        %parallel_loop3A_2614 = tpu.vector_load %arg12[%parallel_loop3A_2611, %parallel_loop3A_2612, %parallel_loop3A_2613] {strides = array<i32>} : memref<16x8x128xf32, #tpu.memory_space<vmem>>, vector<16xf32>,
        tpu.vector_store %arg12[%parallel_loop3A_2611, %parallel_loop3A_2612, %parallel_loop3A_2613], %parallel_loop3A_2609 {strides = array<i32>} : memref<16x8x128xf32, #tpu.memory_space<vmem>>, vector<16xf32>,
        %parallel_loop3A_2615 = arith.constant 6 : i32
        %parallel_loop3A_2616 = vector.broadcast %parallel_loop3A_2615 : i32 to vector<16xi32>
        %parallel_loop3A_2617 = tpu.vector_load_idx %arg10[%parallel_loop3A_2563, %parallel_loop3A_2616, %parallel_loop3A_2566] : memref<8x8x128xf32, #tpu.memory_space<vmem>>[vector<16xi32>, vector<16xi32>, vector<16xi32>], vector<16xf32>,
        %parallel_loop3A_2618 = arith.constant 6 : i32
        %parallel_loop3A_2619 = arith.index_cast %parallel_loop3A_2552 : i32 to index
        %parallel_loop3A_2620 = arith.index_cast %parallel_loop3A_2618 : i32 to index
        %parallel_loop3A_2621 = arith.index_cast %parallel_loop3A_2556 : i32 to index
        %parallel_loop3A_2622 = tpu.vector_load %arg12[%parallel_loop3A_2619, %parallel_loop3A_2620, %parallel_loop3A_2621] {strides = array<i32>} : memref<16x8x128xf32, #tpu.memory_space<vmem>>, vector<16xf32>,
        tpu.vector_store %arg12[%parallel_loop3A_2619, %parallel_loop3A_2620, %parallel_loop3A_2621], %parallel_loop3A_2617 {strides = array<i32>} : memref<16x8x128xf32, #tpu.memory_space<vmem>>, vector<16xf32>,
        %parallel_loop3A_2623 = arith.constant 7 : i32
        %parallel_loop3A_2624 = vector.broadcast %parallel_loop3A_2623 : i32 to vector<16xi32>
        %parallel_loop3A_2625 = tpu.vector_load_idx %arg10[%parallel_loop3A_2563, %parallel_loop3A_2624, %parallel_loop3A_2566] : memref<8x8x128xf32, #tpu.memory_space<vmem>>[vector<16xi32>, vector<16xi32>, vector<16xi32>], vector<16xf32>,
        %parallel_loop3A_2626 = arith.constant 7 : i32
        %parallel_loop3A_2627 = arith.index_cast %parallel_loop3A_2552 : i32 to index
        %parallel_loop3A_2628 = arith.index_cast %parallel_loop3A_2626 : i32 to index
        %parallel_loop3A_2629 = arith.index_cast %parallel_loop3A_2556 : i32 to index
        %parallel_loop3A_2630 = tpu.vector_load %arg12[%parallel_loop3A_2627, %parallel_loop3A_2628, %parallel_loop3A_2629] {strides = array<i32>} : memref<16x8x128xf32, #tpu.memory_space<vmem>>, vector<16xf32>,
        tpu.vector_store %arg12[%parallel_loop3A_2627, %parallel_loop3A_2628, %parallel_loop3A_2629], %parallel_loop3A_2625 {strides = array<i32>} : memref<16x8x128xf32, #tpu.memory_space<vmem>>, vector<16xf32>,
      } {sc.loop_unroll_factor = 8 : i64, sc.parallel_access}
      %mul3A_2254 = arith.constant 2 : i32
      %mul3A_2255 = arith.muli %mul3A_2254, %scan3A_1314 : i32
      %add3A_2256 = arith.constant 1 : i32
      %add3A_2257 = arith.addi %mul3A_2255, %add3A_2256 : i32
      %mul3A_2258 = arith.constant 32 : i32
      %mul3A_2259 = arith.muli %add3A_2257, %mul3A_2258 : i32
      %add3A_2260 = arith.addi %mul3A_2259, %add3A : i32
      %jit3A_2261 = arith.constant 8 : i32
      %div3A_2262 = arith.divsi %add3A_2260, %jit3A_2261 : i32
      %sign3A_2263 = arith.constant 0 : i32
      %sign3A_2264 = arith.cmpi sgt, %add3A_2260, %sign3A_2263 : i32
      %sign3A_2265 = arith.extui %sign3A_2264 : i1 to i32
      %sign3A_2266 = arith.constant 0 : i32
      %sign3A_2267 = arith.cmpi slt, %add3A_2260, %sign3A_2266 : i32
      %sign3A_2268 = arith.extui %sign3A_2267 : i1 to i32
      %sign3A_2269 = arith.subi %sign3A_2265, %sign3A_2268 : i32
      %sign3A_2270 = arith.constant 0 : i32
      %sign3A_2271 = arith.cmpi sgt, %jit3A_2261, %sign3A_2270 : i32
      %sign3A_2272 = arith.extui %sign3A_2271 : i1 to i32
      %sign3A_2273 = arith.constant 0 : i32
      %sign3A_2274 = arith.cmpi slt, %jit3A_2261, %sign3A_2273 : i32
      %sign3A_2275 = arith.extui %sign3A_2274 : i1 to i32
      %sign3A_2276 = arith.subi %sign3A_2272, %sign3A_2275 : i32
      %ne3A_2277 = arith.cmpi ne, %sign3A_2269, %sign3A_2276 : i32
      %rem3A_2278 = arith.remsi %add3A_2260, %jit3A_2261 : i32
      %ne3A_2279 = arith.constant 0 : i32
      %ne3A_2280 = arith.cmpi ne, %rem3A_2278, %ne3A_2279 : i32
      %and3A_2281 = arith.andi %ne3A_2277, %ne3A_2280 : i1
      %sub3A_2282 = arith.constant 1 : i32
      %sub3A_2283 = arith.subi %div3A_2262, %sub3A_2282 : i32
      %select_n3A_2284 = arith.select %and3A_2281, %sub3A_2283, %div3A_2262 : i32
      %jit3A_2285 = arith.constant 8 : i32
      %eq3A_2286 = arith.constant 0 : i32
      %eq3A_2287 = arith.cmpi eq, %jit3A_2285, %eq3A_2286 : i32
      %jit3A_2288 = arith.constant 1 : i32
      %select_n3A_2289 = arith.select %eq3A_2287, %jit3A_2288, %jit3A_2285 : i32
      %rem3A_2290 = arith.remsi %add3A_2260, %select_n3A_2289 : i32
      %ne3A_2291 = arith.constant 0 : i32
      %ne3A_2292 = arith.cmpi ne, %rem3A_2290, %ne3A_2291 : i32
      %lt3A_2293 = arith.constant 0 : i32
      %lt3A_2294 = arith.cmpi slt, %rem3A_2290, %lt3A_2293 : i32
      %lt3A_2295 = arith.constant 0 : i32
      %lt3A_2296 = arith.cmpi slt, %select_n3A_2289, %lt3A_2295 : i32
      %ne3A_2297 = arith.xori %lt3A_2294, %lt3A_2296 : i1
      %and3A_2298 = arith.andi %ne3A_2297, %ne3A_2292 : i1
      %add3A_2299 = arith.addi %rem3A_2290, %select_n3A_2289 : i32
      %select_n3A_2300 = arith.select %and3A_2298, %add3A_2299, %rem3A_2290 : i32
      %mul3A_2301 = arith.constant 2048 : i32
      %mul3A_2302 = arith.muli %select_n3A_2300, %mul3A_2301 : i32
      %ge3A_2303 = arith.constant 8 : i32
      %ge3A_2304 = arith.cmpi sge, %select_n3A_2284, %ge3A_2303 : i32
      %convert_element_type3A_2305 = arith.extui %ge3A_2304 : i1 to i32
      %ge3A_2306 = arith.constant 24 : i32
      %ge3A_2307 = arith.cmpi sge, %select_n3A_2284, %ge3A_2306 : i32
      %convert_element_type3A_2308 = arith.extui %ge3A_2307 : i1 to i32
      %add3A_2309 = arith.addi %convert_element_type3A_2305, %convert_element_type3A_2308 : i32
      %mul3A_2310 = arith.constant 8 : i32
      %mul3A_2311 = arith.muli %select_n3A_2284, %mul3A_2310 : i32
      %add3A_2312 = arith.constant 0 : i32
      %add3A_2313 = arith.addi %mul3A_2302, %add3A_2312 : i32
      %dma_start3A_2314 = arith.constant 0 : i32
      %dma_start3A_2315 = arith.constant 0 : i32
      %dma_start3A_2316 = arith.constant 0 : i32
      %dma_start3A_2317 = tpu.memref_slice %arg12[%dma_start3A_2314, %dma_start3A_2315, %dma_start3A_2316] : memref<16x8x128xf32, #tpu.memory_space<vmem>> -> memref<1x8x128xf32, #tpu.memory_space<vmem>>
      %dma_start3A_2318 = tpu.memref_squeeze %dma_start3A_2317 : memref<1x8x128xf32, #tpu.memory_space<vmem>> -> memref<8x128xf32, #tpu.memory_space<vmem>>
      %dma_start3A_2319 = tpu.memref_slice %arg6[%mul3A_2311, %add3A_2313] : memref<224x16384xf32, #tpu.memory_space<hbm>> -> memref<8x128xf32, #tpu.memory_space<hbm>>
      %dma_start3A_2320 = tpu.memref_slice %arg6[%mul3A_2311, %add3A_2313] : memref<224x16384xf32, #tpu.memory_space<hbm>> -> memref<8x128xf32, #tpu.memory_space<hbm>>
      %dma_start3A_2321 = arith.constant 0 : i32
      %dma_start3A_2322 = arith.constant 0 : i32
      %dma_start3A_2323 = tpu.memref_slice %arg12[%dma_start3A_2314, %dma_start3A_2321, %dma_start3A_2322] : memref<16x8x128xf32, #tpu.memory_space<vmem>> -> memref<1x8x128xf32, #tpu.memory_space<vmem>>
      %dma_start3A_2324 = tpu.memref_squeeze %dma_start3A_2323 : memref<1x8x128xf32, #tpu.memory_space<vmem>> -> memref<8x128xf32, #tpu.memory_space<vmem>>
      tpu.enqueue_dma source(%dma_start3A_2324 : memref<8x128xf32, #tpu.memory_space<vmem>>) target(%dma_start3A_2320 : memref<8x128xf32, #tpu.memory_space<hbm>>) target_semaphore(%arg16 : memref<!tpu.dma_semaphore, #tpu.memory_space<semaphore_mem>>)
      %mul3A_2325 = arith.constant 8 : i32
      %mul3A_2326 = arith.muli %select_n3A_2284, %mul3A_2325 : i32
      %add3A_2327 = arith.constant 128 : i32
      %add3A_2328 = arith.addi %mul3A_2302, %add3A_2327 : i32
      %dma_start3A_2329 = arith.constant 1 : i32
      %dma_start3A_2330 = arith.constant 0 : i32
      %dma_start3A_2331 = arith.constant 0 : i32
      %dma_start3A_2332 = tpu.memref_slice %arg12[%dma_start3A_2329, %dma_start3A_2330, %dma_start3A_2331] : memref<16x8x128xf32, #tpu.memory_space<vmem>> -> memref<1x8x128xf32, #tpu.memory_space<vmem>>
      %dma_start3A_2333 = tpu.memref_squeeze %dma_start3A_2332 : memref<1x8x128xf32, #tpu.memory_space<vmem>> -> memref<8x128xf32, #tpu.memory_space<vmem>>
      %dma_start3A_2334 = tpu.memref_slice %arg6[%mul3A_2326, %add3A_2328] : memref<224x16384xf32, #tpu.memory_space<hbm>> -> memref<8x128xf32, #tpu.memory_space<hbm>>
      %dma_start3A_2335 = tpu.memref_slice %arg6[%mul3A_2326, %add3A_2328] : memref<224x16384xf32, #tpu.memory_space<hbm>> -> memref<8x128xf32, #tpu.memory_space<hbm>>
      %dma_start3A_2336 = arith.constant 0 : i32
      %dma_start3A_2337 = arith.constant 0 : i32
      %dma_start3A_2338 = tpu.memref_slice %arg12[%dma_start3A_2329, %dma_start3A_2336, %dma_start3A_2337] : memref<16x8x128xf32, #tpu.memory_space<vmem>> -> memref<1x8x128xf32, #tpu.memory_space<vmem>>
      %dma_start3A_2339 = tpu.memref_squeeze %dma_start3A_2338 : memref<1x8x128xf32, #tpu.memory_space<vmem>> -> memref<8x128xf32, #tpu.memory_space<vmem>>
      tpu.enqueue_dma source(%dma_start3A_2339 : memref<8x128xf32, #tpu.memory_space<vmem>>) target(%dma_start3A_2335 : memref<8x128xf32, #tpu.memory_space<hbm>>) target_semaphore(%arg16 : memref<!tpu.dma_semaphore, #tpu.memory_space<semaphore_mem>>)
      %mul3A_2340 = arith.constant 8 : i32
      %mul3A_2341 = arith.muli %select_n3A_2284, %mul3A_2340 : i32
      %add3A_2342 = arith.constant 256 : i32
      %add3A_2343 = arith.addi %mul3A_2302, %add3A_2342 : i32
      %dma_start3A_2344 = arith.constant 2 : i32
      %dma_start3A_2345 = arith.constant 0 : i32
      %dma_start3A_2346 = arith.constant 0 : i32
      %dma_start3A_2347 = tpu.memref_slice %arg12[%dma_start3A_2344, %dma_start3A_2345, %dma_start3A_2346] : memref<16x8x128xf32, #tpu.memory_space<vmem>> -> memref<1x8x128xf32, #tpu.memory_space<vmem>>
      %dma_start3A_2348 = tpu.memref_squeeze %dma_start3A_2347 : memref<1x8x128xf32, #tpu.memory_space<vmem>> -> memref<8x128xf32, #tpu.memory_space<vmem>>
      %dma_start3A_2349 = tpu.memref_slice %arg6[%mul3A_2341, %add3A_2343] : memref<224x16384xf32, #tpu.memory_space<hbm>> -> memref<8x128xf32, #tpu.memory_space<hbm>>
      %dma_start3A_2350 = tpu.memref_slice %arg6[%mul3A_2341, %add3A_2343] : memref<224x16384xf32, #tpu.memory_space<hbm>> -> memref<8x128xf32, #tpu.memory_space<hbm>>
      %dma_start3A_2351 = arith.constant 0 : i32
      %dma_start3A_2352 = arith.constant 0 : i32
      %dma_start3A_2353 = tpu.memref_slice %arg12[%dma_start3A_2344, %dma_start3A_2351, %dma_start3A_2352] : memref<16x8x128xf32, #tpu.memory_space<vmem>> -> memref<1x8x128xf32, #tpu.memory_space<vmem>>
      %dma_start3A_2354 = tpu.memref_squeeze %dma_start3A_2353 : memref<1x8x128xf32, #tpu.memory_space<vmem>> -> memref<8x128xf32, #tpu.memory_space<vmem>>
      tpu.enqueue_dma source(%dma_start3A_2354 : memref<8x128xf32, #tpu.memory_space<vmem>>) target(%dma_start3A_2350 : memref<8x128xf32, #tpu.memory_space<hbm>>) target_semaphore(%arg16 : memref<!tpu.dma_semaphore, #tpu.memory_space<semaphore_mem>>)
      %mul3A_2355 = arith.constant 8 : i32
      %mul3A_2356 = arith.muli %select_n3A_2284, %mul3A_2355 : i32
      %add3A_2357 = arith.constant 384 : i32
      %add3A_2358 = arith.addi %mul3A_2302, %add3A_2357 : i32
      %dma_start3A_2359 = arith.constant 3 : i32
      %dma_start3A_2360 = arith.constant 0 : i32
      %dma_start3A_2361 = arith.constant 0 : i32
      %dma_start3A_2362 = tpu.memref_slice %arg12[%dma_start3A_2359, %dma_start3A_2360, %dma_start3A_2361] : memref<16x8x128xf32, #tpu.memory_space<vmem>> -> memref<1x8x128xf32, #tpu.memory_space<vmem>>
      %dma_start3A_2363 = tpu.memref_squeeze %dma_start3A_2362 : memref<1x8x128xf32, #tpu.memory_space<vmem>> -> memref<8x128xf32, #tpu.memory_space<vmem>>
      %dma_start3A_2364 = tpu.memref_slice %arg6[%mul3A_2356, %add3A_2358] : memref<224x16384xf32, #tpu.memory_space<hbm>> -> memref<8x128xf32, #tpu.memory_space<hbm>>
      %dma_start3A_2365 = tpu.memref_slice %arg6[%mul3A_2356, %add3A_2358] : memref<224x16384xf32, #tpu.memory_space<hbm>> -> memref<8x128xf32, #tpu.memory_space<hbm>>
      %dma_start3A_2366 = arith.constant 0 : i32
      %dma_start3A_2367 = arith.constant 0 : i32
      %dma_start3A_2368 = tpu.memref_slice %arg12[%dma_start3A_2359, %dma_start3A_2366, %dma_start3A_2367] : memref<16x8x128xf32, #tpu.memory_space<vmem>> -> memref<1x8x128xf32, #tpu.memory_space<vmem>>
      %dma_start3A_2369 = tpu.memref_squeeze %dma_start3A_2368 : memref<1x8x128xf32, #tpu.memory_space<vmem>> -> memref<8x128xf32, #tpu.memory_space<vmem>>
      tpu.enqueue_dma source(%dma_start3A_2369 : memref<8x128xf32, #tpu.memory_space<vmem>>) target(%dma_start3A_2365 : memref<8x128xf32, #tpu.memory_space<hbm>>) target_semaphore(%arg16 : memref<!tpu.dma_semaphore, #tpu.memory_space<semaphore_mem>>)
      %mul3A_2370 = arith.constant 8 : i32
      %mul3A_2371 = arith.muli %select_n3A_2284, %mul3A_2370 : i32
      %add3A_2372 = arith.constant 512 : i32
      %add3A_2373 = arith.addi %mul3A_2302, %add3A_2372 : i32
      %dma_start3A_2374 = arith.constant 4 : i32
      %dma_start3A_2375 = arith.constant 0 : i32
      %dma_start3A_2376 = arith.constant 0 : i32
      %dma_start3A_2377 = tpu.memref_slice %arg12[%dma_start3A_2374, %dma_start3A_2375, %dma_start3A_2376] : memref<16x8x128xf32, #tpu.memory_space<vmem>> -> memref<1x8x128xf32, #tpu.memory_space<vmem>>
      %dma_start3A_2378 = tpu.memref_squeeze %dma_start3A_2377 : memref<1x8x128xf32, #tpu.memory_space<vmem>> -> memref<8x128xf32, #tpu.memory_space<vmem>>
      %dma_start3A_2379 = tpu.memref_slice %arg6[%mul3A_2371, %add3A_2373] : memref<224x16384xf32, #tpu.memory_space<hbm>> -> memref<8x128xf32, #tpu.memory_space<hbm>>
      %dma_start3A_2380 = tpu.memref_slice %arg6[%mul3A_2371, %add3A_2373] : memref<224x16384xf32, #tpu.memory_space<hbm>> -> memref<8x128xf32, #tpu.memory_space<hbm>>
      %dma_start3A_2381 = arith.constant 0 : i32
      %dma_start3A_2382 = arith.constant 0 : i32
      %dma_start3A_2383 = tpu.memref_slice %arg12[%dma_start3A_2374, %dma_start3A_2381, %dma_start3A_2382] : memref<16x8x128xf32, #tpu.memory_space<vmem>> -> memref<1x8x128xf32, #tpu.memory_space<vmem>>
      %dma_start3A_2384 = tpu.memref_squeeze %dma_start3A_2383 : memref<1x8x128xf32, #tpu.memory_space<vmem>> -> memref<8x128xf32, #tpu.memory_space<vmem>>
      tpu.enqueue_dma source(%dma_start3A_2384 : memref<8x128xf32, #tpu.memory_space<vmem>>) target(%dma_start3A_2380 : memref<8x128xf32, #tpu.memory_space<hbm>>) target_semaphore(%arg16 : memref<!tpu.dma_semaphore, #tpu.memory_space<semaphore_mem>>)
      %mul3A_2385 = arith.constant 8 : i32
      %mul3A_2386 = arith.muli %select_n3A_2284, %mul3A_2385 : i32
      %add3A_2387 = arith.constant 640 : i32
      %add3A_2388 = arith.addi %mul3A_2302, %add3A_2387 : i32
      %dma_start3A_2389 = arith.constant 5 : i32
      %dma_start3A_2390 = arith.constant 0 : i32
      %dma_start3A_2391 = arith.constant 0 : i32
      %dma_start3A_2392 = tpu.memref_slice %arg12[%dma_start3A_2389, %dma_start3A_2390, %dma_start3A_2391] : memref<16x8x128xf32, #tpu.memory_space<vmem>> -> memref<1x8x128xf32, #tpu.memory_space<vmem>>
      %dma_start3A_2393 = tpu.memref_squeeze %dma_start3A_2392 : memref<1x8x128xf32, #tpu.memory_space<vmem>> -> memref<8x128xf32, #tpu.memory_space<vmem>>
      %dma_start3A_2394 = tpu.memref_slice %arg6[%mul3A_2386, %add3A_2388] : memref<224x16384xf32, #tpu.memory_space<hbm>> -> memref<8x128xf32, #tpu.memory_space<hbm>>
      %dma_start3A_2395 = tpu.memref_slice %arg6[%mul3A_2386, %add3A_2388] : memref<224x16384xf32, #tpu.memory_space<hbm>> -> memref<8x128xf32, #tpu.memory_space<hbm>>
      %dma_start3A_2396 = arith.constant 0 : i32
      %dma_start3A_2397 = arith.constant 0 : i32
      %dma_start3A_2398 = tpu.memref_slice %arg12[%dma_start3A_2389, %dma_start3A_2396, %dma_start3A_2397] : memref<16x8x128xf32, #tpu.memory_space<vmem>> -> memref<1x8x128xf32, #tpu.memory_space<vmem>>
      %dma_start3A_2399 = tpu.memref_squeeze %dma_start3A_2398 : memref<1x8x128xf32, #tpu.memory_space<vmem>> -> memref<8x128xf32, #tpu.memory_space<vmem>>
      tpu.enqueue_dma source(%dma_start3A_2399 : memref<8x128xf32, #tpu.memory_space<vmem>>) target(%dma_start3A_2395 : memref<8x128xf32, #tpu.memory_space<hbm>>) target_semaphore(%arg16 : memref<!tpu.dma_semaphore, #tpu.memory_space<semaphore_mem>>)
      %mul3A_2400 = arith.constant 8 : i32
      %mul3A_2401 = arith.muli %select_n3A_2284, %mul3A_2400 : i32
      %add3A_2402 = arith.constant 768 : i32
      %add3A_2403 = arith.addi %mul3A_2302, %add3A_2402 : i32
      %dma_start3A_2404 = arith.constant 6 : i32
      %dma_start3A_2405 = arith.constant 0 : i32
      %dma_start3A_2406 = arith.constant 0 : i32
      %dma_start3A_2407 = tpu.memref_slice %arg12[%dma_start3A_2404, %dma_start3A_2405, %dma_start3A_2406] : memref<16x8x128xf32, #tpu.memory_space<vmem>> -> memref<1x8x128xf32, #tpu.memory_space<vmem>>
      %dma_start3A_2408 = tpu.memref_squeeze %dma_start3A_2407 : memref<1x8x128xf32, #tpu.memory_space<vmem>> -> memref<8x128xf32, #tpu.memory_space<vmem>>
      %dma_start3A_2409 = tpu.memref_slice %arg6[%mul3A_2401, %add3A_2403] : memref<224x16384xf32, #tpu.memory_space<hbm>> -> memref<8x128xf32, #tpu.memory_space<hbm>>
      %dma_start3A_2410 = tpu.memref_slice %arg6[%mul3A_2401, %add3A_2403] : memref<224x16384xf32, #tpu.memory_space<hbm>> -> memref<8x128xf32, #tpu.memory_space<hbm>>
      %dma_start3A_2411 = arith.constant 0 : i32
      %dma_start3A_2412 = arith.constant 0 : i32
      %dma_start3A_2413 = tpu.memref_slice %arg12[%dma_start3A_2404, %dma_start3A_2411, %dma_start3A_2412] : memref<16x8x128xf32, #tpu.memory_space<vmem>> -> memref<1x8x128xf32, #tpu.memory_space<vmem>>
      %dma_start3A_2414 = tpu.memref_squeeze %dma_start3A_2413 : memref<1x8x128xf32, #tpu.memory_space<vmem>> -> memref<8x128xf32, #tpu.memory_space<vmem>>
      tpu.enqueue_dma source(%dma_start3A_2414 : memref<8x128xf32, #tpu.memory_space<vmem>>) target(%dma_start3A_2410 : memref<8x128xf32, #tpu.memory_space<hbm>>) target_semaphore(%arg16 : memref<!tpu.dma_semaphore, #tpu.memory_space<semaphore_mem>>)
      %mul3A_2415 = arith.constant 8 : i32
      %mul3A_2416 = arith.muli %select_n3A_2284, %mul3A_2415 : i32
      %add3A_2417 = arith.constant 896 : i32
      %add3A_2418 = arith.addi %mul3A_2302, %add3A_2417 : i32
      %dma_start3A_2419 = arith.constant 7 : i32
      %dma_start3A_2420 = arith.constant 0 : i32
      %dma_start3A_2421 = arith.constant 0 : i32
      %dma_start3A_2422 = tpu.memref_slice %arg12[%dma_start3A_2419, %dma_start3A_2420, %dma_start3A_2421] : memref<16x8x128xf32, #tpu.memory_space<vmem>> -> memref<1x8x128xf32, #tpu.memory_space<vmem>>
      %dma_start3A_2423 = tpu.memref_squeeze %dma_start3A_2422 : memref<1x8x128xf32, #tpu.memory_space<vmem>> -> memref<8x128xf32, #tpu.memory_space<vmem>>
      %dma_start3A_2424 = tpu.memref_slice %arg6[%mul3A_2416, %add3A_2418] : memref<224x16384xf32, #tpu.memory_space<hbm>> -> memref<8x128xf32, #tpu.memory_space<hbm>>
      %dma_start3A_2425 = tpu.memref_slice %arg6[%mul3A_2416, %add3A_2418] : memref<224x16384xf32, #tpu.memory_space<hbm>> -> memref<8x128xf32, #tpu.memory_space<hbm>>
      %dma_start3A_2426 = arith.constant 0 : i32
      %dma_start3A_2427 = arith.constant 0 : i32
      %dma_start3A_2428 = tpu.memref_slice %arg12[%dma_start3A_2419, %dma_start3A_2426, %dma_start3A_2427] : memref<16x8x128xf32, #tpu.memory_space<vmem>> -> memref<1x8x128xf32, #tpu.memory_space<vmem>>
      %dma_start3A_2429 = tpu.memref_squeeze %dma_start3A_2428 : memref<1x8x128xf32, #tpu.memory_space<vmem>> -> memref<8x128xf32, #tpu.memory_space<vmem>>
      tpu.enqueue_dma source(%dma_start3A_2429 : memref<8x128xf32, #tpu.memory_space<vmem>>) target(%dma_start3A_2425 : memref<8x128xf32, #tpu.memory_space<hbm>>) target_semaphore(%arg16 : memref<!tpu.dma_semaphore, #tpu.memory_space<semaphore_mem>>)
      %mul3A_2430 = arith.constant 8 : i32
      %mul3A_2431 = arith.muli %select_n3A_2284, %mul3A_2430 : i32
      %add3A_2432 = arith.constant 1024 : i32
      %add3A_2433 = arith.addi %mul3A_2302, %add3A_2432 : i32
      %dma_start3A_2434 = arith.constant 8 : i32
      %dma_start3A_2435 = arith.constant 0 : i32
      %dma_start3A_2436 = arith.constant 0 : i32
      %dma_start3A_2437 = tpu.memref_slice %arg12[%dma_start3A_2434, %dma_start3A_2435, %dma_start3A_2436] : memref<16x8x128xf32, #tpu.memory_space<vmem>> -> memref<1x8x128xf32, #tpu.memory_space<vmem>>
      %dma_start3A_2438 = tpu.memref_squeeze %dma_start3A_2437 : memref<1x8x128xf32, #tpu.memory_space<vmem>> -> memref<8x128xf32, #tpu.memory_space<vmem>>
      %dma_start3A_2439 = tpu.memref_slice %arg6[%mul3A_2431, %add3A_2433] : memref<224x16384xf32, #tpu.memory_space<hbm>> -> memref<8x128xf32, #tpu.memory_space<hbm>>
      %dma_start3A_2440 = tpu.memref_slice %arg6[%mul3A_2431, %add3A_2433] : memref<224x16384xf32, #tpu.memory_space<hbm>> -> memref<8x128xf32, #tpu.memory_space<hbm>>
      %dma_start3A_2441 = arith.constant 0 : i32
      %dma_start3A_2442 = arith.constant 0 : i32
      %dma_start3A_2443 = tpu.memref_slice %arg12[%dma_start3A_2434, %dma_start3A_2441, %dma_start3A_2442] : memref<16x8x128xf32, #tpu.memory_space<vmem>> -> memref<1x8x128xf32, #tpu.memory_space<vmem>>
      %dma_start3A_2444 = tpu.memref_squeeze %dma_start3A_2443 : memref<1x8x128xf32, #tpu.memory_space<vmem>> -> memref<8x128xf32, #tpu.memory_space<vmem>>
      tpu.enqueue_dma source(%dma_start3A_2444 : memref<8x128xf32, #tpu.memory_space<vmem>>) target(%dma_start3A_2440 : memref<8x128xf32, #tpu.memory_space<hbm>>) target_semaphore(%arg16 : memref<!tpu.dma_semaphore, #tpu.memory_space<semaphore_mem>>)
      %mul3A_2445 = arith.constant 8 : i32
      %mul3A_2446 = arith.muli %select_n3A_2284, %mul3A_2445 : i32
      %add3A_2447 = arith.constant 1152 : i32
      %add3A_2448 = arith.addi %mul3A_2302, %add3A_2447 : i32
      %dma_start3A_2449 = arith.constant 9 : i32
      %dma_start3A_2450 = arith.constant 0 : i32
      %dma_start3A_2451 = arith.constant 0 : i32
      %dma_start3A_2452 = tpu.memref_slice %arg12[%dma_start3A_2449, %dma_start3A_2450, %dma_start3A_2451] : memref<16x8x128xf32, #tpu.memory_space<vmem>> -> memref<1x8x128xf32, #tpu.memory_space<vmem>>
      %dma_start3A_2453 = tpu.memref_squeeze %dma_start3A_2452 : memref<1x8x128xf32, #tpu.memory_space<vmem>> -> memref<8x128xf32, #tpu.memory_space<vmem>>
      %dma_start3A_2454 = tpu.memref_slice %arg6[%mul3A_2446, %add3A_2448] : memref<224x16384xf32, #tpu.memory_space<hbm>> -> memref<8x128xf32, #tpu.memory_space<hbm>>
      %dma_start3A_2455 = tpu.memref_slice %arg6[%mul3A_2446, %add3A_2448] : memref<224x16384xf32, #tpu.memory_space<hbm>> -> memref<8x128xf32, #tpu.memory_space<hbm>>
      %dma_start3A_2456 = arith.constant 0 : i32
      %dma_start3A_2457 = arith.constant 0 : i32
      %dma_start3A_2458 = tpu.memref_slice %arg12[%dma_start3A_2449, %dma_start3A_2456, %dma_start3A_2457] : memref<16x8x128xf32, #tpu.memory_space<vmem>> -> memref<1x8x128xf32, #tpu.memory_space<vmem>>
      %dma_start3A_2459 = tpu.memref_squeeze %dma_start3A_2458 : memref<1x8x128xf32, #tpu.memory_space<vmem>> -> memref<8x128xf32, #tpu.memory_space<vmem>>
      tpu.enqueue_dma source(%dma_start3A_2459 : memref<8x128xf32, #tpu.memory_space<vmem>>) target(%dma_start3A_2455 : memref<8x128xf32, #tpu.memory_space<hbm>>) target_semaphore(%arg16 : memref<!tpu.dma_semaphore, #tpu.memory_space<semaphore_mem>>)
      %mul3A_2460 = arith.constant 8 : i32
      %mul3A_2461 = arith.muli %select_n3A_2284, %mul3A_2460 : i32
      %add3A_2462 = arith.constant 1280 : i32
      %add3A_2463 = arith.addi %mul3A_2302, %add3A_2462 : i32
      %dma_start3A_2464 = arith.constant 10 : i32
      %dma_start3A_2465 = arith.constant 0 : i32
      %dma_start3A_2466 = arith.constant 0 : i32
      %dma_start3A_2467 = tpu.memref_slice %arg12[%dma_start3A_2464, %dma_start3A_2465, %dma_start3A_2466] : memref<16x8x128xf32, #tpu.memory_space<vmem>> -> memref<1x8x128xf32, #tpu.memory_space<vmem>>
      %dma_start3A_2468 = tpu.memref_squeeze %dma_start3A_2467 : memref<1x8x128xf32, #tpu.memory_space<vmem>> -> memref<8x128xf32, #tpu.memory_space<vmem>>
      %dma_start3A_2469 = tpu.memref_slice %arg6[%mul3A_2461, %add3A_2463] : memref<224x16384xf32, #tpu.memory_space<hbm>> -> memref<8x128xf32, #tpu.memory_space<hbm>>
      %dma_start3A_2470 = tpu.memref_slice %arg6[%mul3A_2461, %add3A_2463] : memref<224x16384xf32, #tpu.memory_space<hbm>> -> memref<8x128xf32, #tpu.memory_space<hbm>>
      %dma_start3A_2471 = arith.constant 0 : i32
      %dma_start3A_2472 = arith.constant 0 : i32
      %dma_start3A_2473 = tpu.memref_slice %arg12[%dma_start3A_2464, %dma_start3A_2471, %dma_start3A_2472] : memref<16x8x128xf32, #tpu.memory_space<vmem>> -> memref<1x8x128xf32, #tpu.memory_space<vmem>>
      %dma_start3A_2474 = tpu.memref_squeeze %dma_start3A_2473 : memref<1x8x128xf32, #tpu.memory_space<vmem>> -> memref<8x128xf32, #tpu.memory_space<vmem>>
      tpu.enqueue_dma source(%dma_start3A_2474 : memref<8x128xf32, #tpu.memory_space<vmem>>) target(%dma_start3A_2470 : memref<8x128xf32, #tpu.memory_space<hbm>>) target_semaphore(%arg16 : memref<!tpu.dma_semaphore, #tpu.memory_space<semaphore_mem>>)
      %mul3A_2475 = arith.constant 8 : i32
      %mul3A_2476 = arith.muli %select_n3A_2284, %mul3A_2475 : i32
      %add3A_2477 = arith.constant 1408 : i32
      %add3A_2478 = arith.addi %mul3A_2302, %add3A_2477 : i32
      %dma_start3A_2479 = arith.constant 11 : i32
      %dma_start3A_2480 = arith.constant 0 : i32
      %dma_start3A_2481 = arith.constant 0 : i32
      %dma_start3A_2482 = tpu.memref_slice %arg12[%dma_start3A_2479, %dma_start3A_2480, %dma_start3A_2481] : memref<16x8x128xf32, #tpu.memory_space<vmem>> -> memref<1x8x128xf32, #tpu.memory_space<vmem>>
      %dma_start3A_2483 = tpu.memref_squeeze %dma_start3A_2482 : memref<1x8x128xf32, #tpu.memory_space<vmem>> -> memref<8x128xf32, #tpu.memory_space<vmem>>
      %dma_start3A_2484 = tpu.memref_slice %arg6[%mul3A_2476, %add3A_2478] : memref<224x16384xf32, #tpu.memory_space<hbm>> -> memref<8x128xf32, #tpu.memory_space<hbm>>
      %dma_start3A_2485 = tpu.memref_slice %arg6[%mul3A_2476, %add3A_2478] : memref<224x16384xf32, #tpu.memory_space<hbm>> -> memref<8x128xf32, #tpu.memory_space<hbm>>
      %dma_start3A_2486 = arith.constant 0 : i32
      %dma_start3A_2487 = arith.constant 0 : i32
      %dma_start3A_2488 = tpu.memref_slice %arg12[%dma_start3A_2479, %dma_start3A_2486, %dma_start3A_2487] : memref<16x8x128xf32, #tpu.memory_space<vmem>> -> memref<1x8x128xf32, #tpu.memory_space<vmem>>
      %dma_start3A_2489 = tpu.memref_squeeze %dma_start3A_2488 : memref<1x8x128xf32, #tpu.memory_space<vmem>> -> memref<8x128xf32, #tpu.memory_space<vmem>>
      tpu.enqueue_dma source(%dma_start3A_2489 : memref<8x128xf32, #tpu.memory_space<vmem>>) target(%dma_start3A_2485 : memref<8x128xf32, #tpu.memory_space<hbm>>) target_semaphore(%arg16 : memref<!tpu.dma_semaphore, #tpu.memory_space<semaphore_mem>>)
      %mul3A_2490 = arith.constant 8 : i32
      %mul3A_2491 = arith.muli %select_n3A_2284, %mul3A_2490 : i32
      %add3A_2492 = arith.constant 1536 : i32
      %add3A_2493 = arith.addi %mul3A_2302, %add3A_2492 : i32
      %dma_start3A_2494 = arith.constant 12 : i32
      %dma_start3A_2495 = arith.constant 0 : i32
      %dma_start3A_2496 = arith.constant 0 : i32
      %dma_start3A_2497 = tpu.memref_slice %arg12[%dma_start3A_2494, %dma_start3A_2495, %dma_start3A_2496] : memref<16x8x128xf32, #tpu.memory_space<vmem>> -> memref<1x8x128xf32, #tpu.memory_space<vmem>>
      %dma_start3A_2498 = tpu.memref_squeeze %dma_start3A_2497 : memref<1x8x128xf32, #tpu.memory_space<vmem>> -> memref<8x128xf32, #tpu.memory_space<vmem>>
      %dma_start3A_2499 = tpu.memref_slice %arg6[%mul3A_2491, %add3A_2493] : memref<224x16384xf32, #tpu.memory_space<hbm>> -> memref<8x128xf32, #tpu.memory_space<hbm>>
      %dma_start3A_2500 = tpu.memref_slice %arg6[%mul3A_2491, %add3A_2493] : memref<224x16384xf32, #tpu.memory_space<hbm>> -> memref<8x128xf32, #tpu.memory_space<hbm>>
      %dma_start3A_2501 = arith.constant 0 : i32
      %dma_start3A_2502 = arith.constant 0 : i32
      %dma_start3A_2503 = tpu.memref_slice %arg12[%dma_start3A_2494, %dma_start3A_2501, %dma_start3A_2502] : memref<16x8x128xf32, #tpu.memory_space<vmem>> -> memref<1x8x128xf32, #tpu.memory_space<vmem>>
      %dma_start3A_2504 = tpu.memref_squeeze %dma_start3A_2503 : memref<1x8x128xf32, #tpu.memory_space<vmem>> -> memref<8x128xf32, #tpu.memory_space<vmem>>
      tpu.enqueue_dma source(%dma_start3A_2504 : memref<8x128xf32, #tpu.memory_space<vmem>>) target(%dma_start3A_2500 : memref<8x128xf32, #tpu.memory_space<hbm>>) target_semaphore(%arg16 : memref<!tpu.dma_semaphore, #tpu.memory_space<semaphore_mem>>)
      %mul3A_2505 = arith.constant 8 : i32
      %mul3A_2506 = arith.muli %select_n3A_2284, %mul3A_2505 : i32
      %add3A_2507 = arith.constant 1664 : i32
      %add3A_2508 = arith.addi %mul3A_2302, %add3A_2507 : i32
      %dma_start3A_2509 = arith.constant 13 : i32
      %dma_start3A_2510 = arith.constant 0 : i32
      %dma_start3A_2511 = arith.constant 0 : i32
      %dma_start3A_2512 = tpu.memref_slice %arg12[%dma_start3A_2509, %dma_start3A_2510, %dma_start3A_2511] : memref<16x8x128xf32, #tpu.memory_space<vmem>> -> memref<1x8x128xf32, #tpu.memory_space<vmem>>
      %dma_start3A_2513 = tpu.memref_squeeze %dma_start3A_2512 : memref<1x8x128xf32, #tpu.memory_space<vmem>> -> memref<8x128xf32, #tpu.memory_space<vmem>>
      %dma_start3A_2514 = tpu.memref_slice %arg6[%mul3A_2506, %add3A_2508] : memref<224x16384xf32, #tpu.memory_space<hbm>> -> memref<8x128xf32, #tpu.memory_space<hbm>>
      %dma_start3A_2515 = tpu.memref_slice %arg6[%mul3A_2506, %add3A_2508] : memref<224x16384xf32, #tpu.memory_space<hbm>> -> memref<8x128xf32, #tpu.memory_space<hbm>>
      %dma_start3A_2516 = arith.constant 0 : i32
      %dma_start3A_2517 = arith.constant 0 : i32
      %dma_start3A_2518 = tpu.memref_slice %arg12[%dma_start3A_2509, %dma_start3A_2516, %dma_start3A_2517] : memref<16x8x128xf32, #tpu.memory_space<vmem>> -> memref<1x8x128xf32, #tpu.memory_space<vmem>>
      %dma_start3A_2519 = tpu.memref_squeeze %dma_start3A_2518 : memref<1x8x128xf32, #tpu.memory_space<vmem>> -> memref<8x128xf32, #tpu.memory_space<vmem>>
      tpu.enqueue_dma source(%dma_start3A_2519 : memref<8x128xf32, #tpu.memory_space<vmem>>) target(%dma_start3A_2515 : memref<8x128xf32, #tpu.memory_space<hbm>>) target_semaphore(%arg16 : memref<!tpu.dma_semaphore, #tpu.memory_space<semaphore_mem>>)
      %mul3A_2520 = arith.constant 8 : i32
      %mul3A_2521 = arith.muli %select_n3A_2284, %mul3A_2520 : i32
      %add3A_2522 = arith.constant 1792 : i32
      %add3A_2523 = arith.addi %mul3A_2302, %add3A_2522 : i32
      %dma_start3A_2524 = arith.constant 14 : i32
      %dma_start3A_2525 = arith.constant 0 : i32
      %dma_start3A_2526 = arith.constant 0 : i32
      %dma_start3A_2527 = tpu.memref_slice %arg12[%dma_start3A_2524, %dma_start3A_2525, %dma_start3A_2526] : memref<16x8x128xf32, #tpu.memory_space<vmem>> -> memref<1x8x128xf32, #tpu.memory_space<vmem>>
      %dma_start3A_2528 = tpu.memref_squeeze %dma_start3A_2527 : memref<1x8x128xf32, #tpu.memory_space<vmem>> -> memref<8x128xf32, #tpu.memory_space<vmem>>
      %dma_start3A_2529 = tpu.memref_slice %arg6[%mul3A_2521, %add3A_2523] : memref<224x16384xf32, #tpu.memory_space<hbm>> -> memref<8x128xf32, #tpu.memory_space<hbm>>
      %dma_start3A_2530 = tpu.memref_slice %arg6[%mul3A_2521, %add3A_2523] : memref<224x16384xf32, #tpu.memory_space<hbm>> -> memref<8x128xf32, #tpu.memory_space<hbm>>
      %dma_start3A_2531 = arith.constant 0 : i32
      %dma_start3A_2532 = arith.constant 0 : i32
      %dma_start3A_2533 = tpu.memref_slice %arg12[%dma_start3A_2524, %dma_start3A_2531, %dma_start3A_2532] : memref<16x8x128xf32, #tpu.memory_space<vmem>> -> memref<1x8x128xf32, #tpu.memory_space<vmem>>
      %dma_start3A_2534 = tpu.memref_squeeze %dma_start3A_2533 : memref<1x8x128xf32, #tpu.memory_space<vmem>> -> memref<8x128xf32, #tpu.memory_space<vmem>>
      tpu.enqueue_dma source(%dma_start3A_2534 : memref<8x128xf32, #tpu.memory_space<vmem>>) target(%dma_start3A_2530 : memref<8x128xf32, #tpu.memory_space<hbm>>) target_semaphore(%arg16 : memref<!tpu.dma_semaphore, #tpu.memory_space<semaphore_mem>>)
      %mul3A_2535 = arith.constant 8 : i32
      %mul3A_2536 = arith.muli %select_n3A_2284, %mul3A_2535 : i32
      %add3A_2537 = arith.constant 1920 : i32
      %add3A_2538 = arith.addi %mul3A_2302, %add3A_2537 : i32
      %dma_start3A_2539 = arith.constant 15 : i32
      %dma_start3A_2540 = arith.constant 0 : i32
      %dma_start3A_2541 = arith.constant 0 : i32
      %dma_start3A_2542 = tpu.memref_slice %arg12[%dma_start3A_2539, %dma_start3A_2540, %dma_start3A_2541] : memref<16x8x128xf32, #tpu.memory_space<vmem>> -> memref<1x8x128xf32, #tpu.memory_space<vmem>>
      %dma_start3A_2543 = tpu.memref_squeeze %dma_start3A_2542 : memref<1x8x128xf32, #tpu.memory_space<vmem>> -> memref<8x128xf32, #tpu.memory_space<vmem>>
      %dma_start3A_2544 = tpu.memref_slice %arg6[%mul3A_2536, %add3A_2538] : memref<224x16384xf32, #tpu.memory_space<hbm>> -> memref<8x128xf32, #tpu.memory_space<hbm>>
      %dma_start3A_2545 = tpu.memref_slice %arg6[%mul3A_2536, %add3A_2538] : memref<224x16384xf32, #tpu.memory_space<hbm>> -> memref<8x128xf32, #tpu.memory_space<hbm>>
      %dma_start3A_2546 = arith.constant 0 : i32
      %dma_start3A_2547 = arith.constant 0 : i32
      %dma_start3A_2548 = tpu.memref_slice %arg12[%dma_start3A_2539, %dma_start3A_2546, %dma_start3A_2547] : memref<16x8x128xf32, #tpu.memory_space<vmem>> -> memref<1x8x128xf32, #tpu.memory_space<vmem>>
      %dma_start3A_2549 = tpu.memref_squeeze %dma_start3A_2548 : memref<1x8x128xf32, #tpu.memory_space<vmem>> -> memref<8x128xf32, #tpu.memory_space<vmem>>
      tpu.enqueue_dma source(%dma_start3A_2549 : memref<8x128xf32, #tpu.memory_space<vmem>>) target(%dma_start3A_2545 : memref<8x128xf32, #tpu.memory_space<hbm>>) target_semaphore(%arg16 : memref<!tpu.dma_semaphore, #tpu.memory_space<semaphore_mem>>)
    }
    %scan3A_177 = arith.constant 3 : i32
    %dma_wait3A = arith.constant 0 : i32
    %dma_wait3A_178 = tpu.memref_slice %arg2[%dma_wait3A] : memref<16384xi32, #tpu.memory_space<hbm>> -> memref<2048xi32, #tpu.memory_space<hbm>>
    %dma_wait3A_179 = arith.constant 0 : i32
    %dma_wait3A_180 = tpu.memref_slice %arg2[%dma_wait3A_179] : memref<16384xi32, #tpu.memory_space<hbm>> -> memref<2048xi32, #tpu.memory_space<hbm>>
    tpu.wait_dma2 semaphore(%arg13 : memref<!tpu.dma_semaphore, #tpu.memory_space<semaphore_mem>>) src(%dma_wait3A_180 : memref<2048xi32, #tpu.memory_space<hbm>>) dst(%arg7 : memref<2048xi32, #tpu.memory_space<vmem>>)
    %dma_wait3A_181 = arith.constant 0 : i32
    %dma_wait3A_182 = arith.constant 0 : i32
    %dma_wait3A_183 = arith.constant 0 : i32
    %dma_wait3A_184 = tpu.memref_slice %arg9[%dma_wait3A_181, %dma_wait3A_182, %dma_wait3A_183] : memref<8x8x128xf32, #tpu.memory_space<vmem>> -> memref<1x8x128xf32, #tpu.memory_space<vmem>>
    %dma_wait3A_185 = tpu.memref_squeeze %dma_wait3A_184 : memref<1x8x128xf32, #tpu.memory_space<vmem>> -> memref<8x128xf32, #tpu.memory_space<vmem>>
    %dma_wait3A_186 = arith.constant 0 : i32
    %dma_wait3A_187 = arith.constant 0 : i32
    %dma_wait3A_188 = tpu.memref_slice %arg5[%dma_wait3A_186, %dma_wait3A_187] : memref<224x1024xf32, #tpu.memory_space<hbm>> -> memref<8x128xf32, #tpu.memory_space<hbm>>
    %dma_wait3A_189 = arith.constant 0 : i32
    %dma_wait3A_190 = arith.constant 0 : i32
    %dma_wait3A_191 = tpu.memref_slice %arg9[%dma_wait3A_181, %dma_wait3A_189, %dma_wait3A_190] : memref<8x8x128xf32, #tpu.memory_space<vmem>> -> memref<1x8x128xf32, #tpu.memory_space<vmem>>
    %dma_wait3A_192 = tpu.memref_squeeze %dma_wait3A_191 : memref<1x8x128xf32, #tpu.memory_space<vmem>> -> memref<8x128xf32, #tpu.memory_space<vmem>>
    %dma_wait3A_193 = arith.constant 0 : i32
    %dma_wait3A_194 = arith.constant 0 : i32
    %dma_wait3A_195 = tpu.memref_slice %arg5[%dma_wait3A_193, %dma_wait3A_194] : memref<224x1024xf32, #tpu.memory_space<hbm>> -> memref<8x128xf32, #tpu.memory_space<hbm>>
    tpu.wait_dma2 semaphore(%arg13 : memref<!tpu.dma_semaphore, #tpu.memory_space<semaphore_mem>>) src(%dma_wait3A_195 : memref<8x128xf32, #tpu.memory_space<hbm>>) dst(%dma_wait3A_192 : memref<8x128xf32, #tpu.memory_space<vmem>>)
    %dma_wait3A_196 = arith.constant 1 : i32
    %dma_wait3A_197 = arith.constant 0 : i32
    %dma_wait3A_198 = arith.constant 0 : i32
    %dma_wait3A_199 = tpu.memref_slice %arg9[%dma_wait3A_196, %dma_wait3A_197, %dma_wait3A_198] : memref<8x8x128xf32, #tpu.memory_space<vmem>> -> memref<1x8x128xf32, #tpu.memory_space<vmem>>
    %dma_wait3A_200 = tpu.memref_squeeze %dma_wait3A_199 : memref<1x8x128xf32, #tpu.memory_space<vmem>> -> memref<8x128xf32, #tpu.memory_space<vmem>>
    %dma_wait3A_201 = arith.constant 0 : i32
    %dma_wait3A_202 = arith.constant 0 : i32
    %dma_wait3A_203 = tpu.memref_slice %arg5[%dma_wait3A_201, %dma_wait3A_202] : memref<224x1024xf32, #tpu.memory_space<hbm>> -> memref<8x128xf32, #tpu.memory_space<hbm>>
    %dma_wait3A_204 = arith.constant 0 : i32
    %dma_wait3A_205 = arith.constant 0 : i32
    %dma_wait3A_206 = tpu.memref_slice %arg9[%dma_wait3A_196, %dma_wait3A_204, %dma_wait3A_205] : memref<8x8x128xf32, #tpu.memory_space<vmem>> -> memref<1x8x128xf32, #tpu.memory_space<vmem>>
    %dma_wait3A_207 = tpu.memref_squeeze %dma_wait3A_206 : memref<1x8x128xf32, #tpu.memory_space<vmem>> -> memref<8x128xf32, #tpu.memory_space<vmem>>
    %dma_wait3A_208 = arith.constant 0 : i32
    %dma_wait3A_209 = arith.constant 0 : i32
    %dma_wait3A_210 = tpu.memref_slice %arg5[%dma_wait3A_208, %dma_wait3A_209] : memref<224x1024xf32, #tpu.memory_space<hbm>> -> memref<8x128xf32, #tpu.memory_space<hbm>>
    tpu.wait_dma2 semaphore(%arg13 : memref<!tpu.dma_semaphore, #tpu.memory_space<semaphore_mem>>) src(%dma_wait3A_210 : memref<8x128xf32, #tpu.memory_space<hbm>>) dst(%dma_wait3A_207 : memref<8x128xf32, #tpu.memory_space<vmem>>)
    %dma_wait3A_211 = arith.constant 2 : i32
    %dma_wait3A_212 = arith.constant 0 : i32
    %dma_wait3A_213 = arith.constant 0 : i32
    %dma_wait3A_214 = tpu.memref_slice %arg9[%dma_wait3A_211, %dma_wait3A_212, %dma_wait3A_213] : memref<8x8x128xf32, #tpu.memory_space<vmem>> -> memref<1x8x128xf32, #tpu.memory_space<vmem>>
    %dma_wait3A_215 = tpu.memref_squeeze %dma_wait3A_214 : memref<1x8x128xf32, #tpu.memory_space<vmem>> -> memref<8x128xf32, #tpu.memory_space<vmem>>
    %dma_wait3A_216 = arith.constant 0 : i32
    %dma_wait3A_217 = arith.constant 0 : i32
    %dma_wait3A_218 = tpu.memref_slice %arg5[%dma_wait3A_216, %dma_wait3A_217] : memref<224x1024xf32, #tpu.memory_space<hbm>> -> memref<8x128xf32, #tpu.memory_space<hbm>>
    %dma_wait3A_219 = arith.constant 0 : i32
    %dma_wait3A_220 = arith.constant 0 : i32
    %dma_wait3A_221 = tpu.memref_slice %arg9[%dma_wait3A_211, %dma_wait3A_219, %dma_wait3A_220] : memref<8x8x128xf32, #tpu.memory_space<vmem>> -> memref<1x8x128xf32, #tpu.memory_space<vmem>>
    %dma_wait3A_222 = tpu.memref_squeeze %dma_wait3A_221 : memref<1x8x128xf32, #tpu.memory_space<vmem>> -> memref<8x128xf32, #tpu.memory_space<vmem>>
    %dma_wait3A_223 = arith.constant 0 : i32
    %dma_wait3A_224 = arith.constant 0 : i32
    %dma_wait3A_225 = tpu.memref_slice %arg5[%dma_wait3A_223, %dma_wait3A_224] : memref<224x1024xf32, #tpu.memory_space<hbm>> -> memref<8x128xf32, #tpu.memory_space<hbm>>
    tpu.wait_dma2 semaphore(%arg13 : memref<!tpu.dma_semaphore, #tpu.memory_space<semaphore_mem>>) src(%dma_wait3A_225 : memref<8x128xf32, #tpu.memory_space<hbm>>) dst(%dma_wait3A_222 : memref<8x128xf32, #tpu.memory_space<vmem>>)
    %dma_wait3A_226 = arith.constant 3 : i32
    %dma_wait3A_227 = arith.constant 0 : i32
    %dma_wait3A_228 = arith.constant 0 : i32
    %dma_wait3A_229 = tpu.memref_slice %arg9[%dma_wait3A_226, %dma_wait3A_227, %dma_wait3A_228] : memref<8x8x128xf32, #tpu.memory_space<vmem>> -> memref<1x8x128xf32, #tpu.memory_space<vmem>>
    %dma_wait3A_230 = tpu.memref_squeeze %dma_wait3A_229 : memref<1x8x128xf32, #tpu.memory_space<vmem>> -> memref<8x128xf32, #tpu.memory_space<vmem>>
    %dma_wait3A_231 = arith.constant 0 : i32
    %dma_wait3A_232 = arith.constant 0 : i32
    %dma_wait3A_233 = tpu.memref_slice %arg5[%dma_wait3A_231, %dma_wait3A_232] : memref<224x1024xf32, #tpu.memory_space<hbm>> -> memref<8x128xf32, #tpu.memory_space<hbm>>
    %dma_wait3A_234 = arith.constant 0 : i32
    %dma_wait3A_235 = arith.constant 0 : i32
    %dma_wait3A_236 = tpu.memref_slice %arg9[%dma_wait3A_226, %dma_wait3A_234, %dma_wait3A_235] : memref<8x8x128xf32, #tpu.memory_space<vmem>> -> memref<1x8x128xf32, #tpu.memory_space<vmem>>
    %dma_wait3A_237 = tpu.memref_squeeze %dma_wait3A_236 : memref<1x8x128xf32, #tpu.memory_space<vmem>> -> memref<8x128xf32, #tpu.memory_space<vmem>>
    %dma_wait3A_238 = arith.constant 0 : i32
    %dma_wait3A_239 = arith.constant 0 : i32
    %dma_wait3A_240 = tpu.memref_slice %arg5[%dma_wait3A_238, %dma_wait3A_239] : memref<224x1024xf32, #tpu.memory_space<hbm>> -> memref<8x128xf32, #tpu.memory_space<hbm>>
    tpu.wait_dma2 semaphore(%arg13 : memref<!tpu.dma_semaphore, #tpu.memory_space<semaphore_mem>>) src(%dma_wait3A_240 : memref<8x128xf32, #tpu.memory_space<hbm>>) dst(%dma_wait3A_237 : memref<8x128xf32, #tpu.memory_space<vmem>>)
    %dma_wait3A_241 = arith.constant 4 : i32
    %dma_wait3A_242 = arith.constant 0 : i32
    %dma_wait3A_243 = arith.constant 0 : i32
    %dma_wait3A_244 = tpu.memref_slice %arg9[%dma_wait3A_241, %dma_wait3A_242, %dma_wait3A_243] : memref<8x8x128xf32, #tpu.memory_space<vmem>> -> memref<1x8x128xf32, #tpu.memory_space<vmem>>
    %dma_wait3A_245 = tpu.memref_squeeze %dma_wait3A_244 : memref<1x8x128xf32, #tpu.memory_space<vmem>> -> memref<8x128xf32, #tpu.memory_space<vmem>>
    %dma_wait3A_246 = arith.constant 0 : i32
    %dma_wait3A_247 = arith.constant 0 : i32
    %dma_wait3A_248 = tpu.memref_slice %arg5[%dma_wait3A_246, %dma_wait3A_247] : memref<224x1024xf32, #tpu.memory_space<hbm>> -> memref<8x128xf32, #tpu.memory_space<hbm>>
    %dma_wait3A_249 = arith.constant 0 : i32
    %dma_wait3A_250 = arith.constant 0 : i32
    %dma_wait3A_251 = tpu.memref_slice %arg9[%dma_wait3A_241, %dma_wait3A_249, %dma_wait3A_250] : memref<8x8x128xf32, #tpu.memory_space<vmem>> -> memref<1x8x128xf32, #tpu.memory_space<vmem>>
    %dma_wait3A_252 = tpu.memref_squeeze %dma_wait3A_251 : memref<1x8x128xf32, #tpu.memory_space<vmem>> -> memref<8x128xf32, #tpu.memory_space<vmem>>
    %dma_wait3A_253 = arith.constant 0 : i32
    %dma_wait3A_254 = arith.constant 0 : i32
    %dma_wait3A_255 = tpu.memref_slice %arg5[%dma_wait3A_253, %dma_wait3A_254] : memref<224x1024xf32, #tpu.memory_space<hbm>> -> memref<8x128xf32, #tpu.memory_space<hbm>>
    tpu.wait_dma2 semaphore(%arg13 : memref<!tpu.dma_semaphore, #tpu.memory_space<semaphore_mem>>) src(%dma_wait3A_255 : memref<8x128xf32, #tpu.memory_space<hbm>>) dst(%dma_wait3A_252 : memref<8x128xf32, #tpu.memory_space<vmem>>)
    %dma_wait3A_256 = arith.constant 5 : i32
    %dma_wait3A_257 = arith.constant 0 : i32
    %dma_wait3A_258 = arith.constant 0 : i32
    %dma_wait3A_259 = tpu.memref_slice %arg9[%dma_wait3A_256, %dma_wait3A_257, %dma_wait3A_258] : memref<8x8x128xf32, #tpu.memory_space<vmem>> -> memref<1x8x128xf32, #tpu.memory_space<vmem>>
    %dma_wait3A_260 = tpu.memref_squeeze %dma_wait3A_259 : memref<1x8x128xf32, #tpu.memory_space<vmem>> -> memref<8x128xf32, #tpu.memory_space<vmem>>
    %dma_wait3A_261 = arith.constant 0 : i32
    %dma_wait3A_262 = arith.constant 0 : i32
    %dma_wait3A_263 = tpu.memref_slice %arg5[%dma_wait3A_261, %dma_wait3A_262] : memref<224x1024xf32, #tpu.memory_space<hbm>> -> memref<8x128xf32, #tpu.memory_space<hbm>>
    %dma_wait3A_264 = arith.constant 0 : i32
    %dma_wait3A_265 = arith.constant 0 : i32
    %dma_wait3A_266 = tpu.memref_slice %arg9[%dma_wait3A_256, %dma_wait3A_264, %dma_wait3A_265] : memref<8x8x128xf32, #tpu.memory_space<vmem>> -> memref<1x8x128xf32, #tpu.memory_space<vmem>>
    %dma_wait3A_267 = tpu.memref_squeeze %dma_wait3A_266 : memref<1x8x128xf32, #tpu.memory_space<vmem>> -> memref<8x128xf32, #tpu.memory_space<vmem>>
    %dma_wait3A_268 = arith.constant 0 : i32
    %dma_wait3A_269 = arith.constant 0 : i32
    %dma_wait3A_270 = tpu.memref_slice %arg5[%dma_wait3A_268, %dma_wait3A_269] : memref<224x1024xf32, #tpu.memory_space<hbm>> -> memref<8x128xf32, #tpu.memory_space<hbm>>
    tpu.wait_dma2 semaphore(%arg13 : memref<!tpu.dma_semaphore, #tpu.memory_space<semaphore_mem>>) src(%dma_wait3A_270 : memref<8x128xf32, #tpu.memory_space<hbm>>) dst(%dma_wait3A_267 : memref<8x128xf32, #tpu.memory_space<vmem>>)
    %dma_wait3A_271 = arith.constant 6 : i32
    %dma_wait3A_272 = arith.constant 0 : i32
    %dma_wait3A_273 = arith.constant 0 : i32
    %dma_wait3A_274 = tpu.memref_slice %arg9[%dma_wait3A_271, %dma_wait3A_272, %dma_wait3A_273] : memref<8x8x128xf32, #tpu.memory_space<vmem>> -> memref<1x8x128xf32, #tpu.memory_space<vmem>>
    %dma_wait3A_275 = tpu.memref_squeeze %dma_wait3A_274 : memref<1x8x128xf32, #tpu.memory_space<vmem>> -> memref<8x128xf32, #tpu.memory_space<vmem>>
    %dma_wait3A_276 = arith.constant 0 : i32
    %dma_wait3A_277 = arith.constant 0 : i32
    %dma_wait3A_278 = tpu.memref_slice %arg5[%dma_wait3A_276, %dma_wait3A_277] : memref<224x1024xf32, #tpu.memory_space<hbm>> -> memref<8x128xf32, #tpu.memory_space<hbm>>
    %dma_wait3A_279 = arith.constant 0 : i32
    %dma_wait3A_280 = arith.constant 0 : i32
    %dma_wait3A_281 = tpu.memref_slice %arg9[%dma_wait3A_271, %dma_wait3A_279, %dma_wait3A_280] : memref<8x8x128xf32, #tpu.memory_space<vmem>> -> memref<1x8x128xf32, #tpu.memory_space<vmem>>
    %dma_wait3A_282 = tpu.memref_squeeze %dma_wait3A_281 : memref<1x8x128xf32, #tpu.memory_space<vmem>> -> memref<8x128xf32, #tpu.memory_space<vmem>>
    %dma_wait3A_283 = arith.constant 0 : i32
    %dma_wait3A_284 = arith.constant 0 : i32
    %dma_wait3A_285 = tpu.memref_slice %arg5[%dma_wait3A_283, %dma_wait3A_284] : memref<224x1024xf32, #tpu.memory_space<hbm>> -> memref<8x128xf32, #tpu.memory_space<hbm>>
    tpu.wait_dma2 semaphore(%arg13 : memref<!tpu.dma_semaphore, #tpu.memory_space<semaphore_mem>>) src(%dma_wait3A_285 : memref<8x128xf32, #tpu.memory_space<hbm>>) dst(%dma_wait3A_282 : memref<8x128xf32, #tpu.memory_space<vmem>>)
    %dma_wait3A_286 = arith.constant 7 : i32
    %dma_wait3A_287 = arith.constant 0 : i32
    %dma_wait3A_288 = arith.constant 0 : i32
    %dma_wait3A_289 = tpu.memref_slice %arg9[%dma_wait3A_286, %dma_wait3A_287, %dma_wait3A_288] : memref<8x8x128xf32, #tpu.memory_space<vmem>> -> memref<1x8x128xf32, #tpu.memory_space<vmem>>
    %dma_wait3A_290 = tpu.memref_squeeze %dma_wait3A_289 : memref<1x8x128xf32, #tpu.memory_space<vmem>> -> memref<8x128xf32, #tpu.memory_space<vmem>>
    %dma_wait3A_291 = arith.constant 0 : i32
    %dma_wait3A_292 = arith.constant 0 : i32
    %dma_wait3A_293 = tpu.memref_slice %arg5[%dma_wait3A_291, %dma_wait3A_292] : memref<224x1024xf32, #tpu.memory_space<hbm>> -> memref<8x128xf32, #tpu.memory_space<hbm>>
    %dma_wait3A_294 = arith.constant 0 : i32
    %dma_wait3A_295 = arith.constant 0 : i32
    %dma_wait3A_296 = tpu.memref_slice %arg9[%dma_wait3A_286, %dma_wait3A_294, %dma_wait3A_295] : memref<8x8x128xf32, #tpu.memory_space<vmem>> -> memref<1x8x128xf32, #tpu.memory_space<vmem>>
    %dma_wait3A_297 = tpu.memref_squeeze %dma_wait3A_296 : memref<1x8x128xf32, #tpu.memory_space<vmem>> -> memref<8x128xf32, #tpu.memory_space<vmem>>
    %dma_wait3A_298 = arith.constant 0 : i32
    %dma_wait3A_299 = arith.constant 0 : i32
    %dma_wait3A_300 = tpu.memref_slice %arg5[%dma_wait3A_298, %dma_wait3A_299] : memref<224x1024xf32, #tpu.memory_space<hbm>> -> memref<8x128xf32, #tpu.memory_space<hbm>>
    tpu.wait_dma2 semaphore(%arg13 : memref<!tpu.dma_semaphore, #tpu.memory_space<semaphore_mem>>) src(%dma_wait3A_300 : memref<8x128xf32, #tpu.memory_space<hbm>>) dst(%dma_wait3A_297 : memref<8x128xf32, #tpu.memory_space<vmem>>)
    %dma_wait3A_301 = arith.constant 0 : i32
    %dma_wait3A_302 = arith.constant 0 : i32
    %dma_wait3A_303 = arith.constant 0 : i32
    %dma_wait3A_304 = tpu.memref_slice %arg11[%dma_wait3A_301, %dma_wait3A_302, %dma_wait3A_303] : memref<16x8x128xf32, #tpu.memory_space<vmem>> -> memref<1x8x128xf32, #tpu.memory_space<vmem>>
    %dma_wait3A_305 = tpu.memref_squeeze %dma_wait3A_304 : memref<1x8x128xf32, #tpu.memory_space<vmem>> -> memref<8x128xf32, #tpu.memory_space<vmem>>
    %dma_wait3A_306 = arith.constant 0 : i32
    %dma_wait3A_307 = arith.constant 0 : i32
    %dma_wait3A_308 = tpu.memref_slice %arg6[%dma_wait3A_306, %dma_wait3A_307] : memref<224x16384xf32, #tpu.memory_space<hbm>> -> memref<8x128xf32, #tpu.memory_space<hbm>>
    %dma_wait3A_309 = arith.constant 0 : i32
    %dma_wait3A_310 = arith.constant 0 : i32
    %dma_wait3A_311 = tpu.memref_slice %arg6[%dma_wait3A_309, %dma_wait3A_310] : memref<224x16384xf32, #tpu.memory_space<hbm>> -> memref<8x128xf32, #tpu.memory_space<hbm>>
    %dma_wait3A_312 = arith.constant 0 : i32
    %dma_wait3A_313 = arith.constant 0 : i32
    %dma_wait3A_314 = tpu.memref_slice %arg11[%dma_wait3A_301, %dma_wait3A_312, %dma_wait3A_313] : memref<16x8x128xf32, #tpu.memory_space<vmem>> -> memref<1x8x128xf32, #tpu.memory_space<vmem>>
    %dma_wait3A_315 = tpu.memref_squeeze %dma_wait3A_314 : memref<1x8x128xf32, #tpu.memory_space<vmem>> -> memref<8x128xf32, #tpu.memory_space<vmem>>
    tpu.wait_dma2 semaphore(%arg15 : memref<!tpu.dma_semaphore, #tpu.memory_space<semaphore_mem>>) src(%dma_wait3A_315 : memref<8x128xf32, #tpu.memory_space<vmem>>) dst(%dma_wait3A_311 : memref<8x128xf32, #tpu.memory_space<hbm>>)
    %dma_wait3A_316 = arith.constant 1 : i32
    %dma_wait3A_317 = arith.constant 0 : i32
    %dma_wait3A_318 = arith.constant 0 : i32
    %dma_wait3A_319 = tpu.memref_slice %arg11[%dma_wait3A_316, %dma_wait3A_317, %dma_wait3A_318] : memref<16x8x128xf32, #tpu.memory_space<vmem>> -> memref<1x8x128xf32, #tpu.memory_space<vmem>>
    %dma_wait3A_320 = tpu.memref_squeeze %dma_wait3A_319 : memref<1x8x128xf32, #tpu.memory_space<vmem>> -> memref<8x128xf32, #tpu.memory_space<vmem>>
    %dma_wait3A_321 = arith.constant 0 : i32
    %dma_wait3A_322 = arith.constant 128 : i32
    %dma_wait3A_323 = tpu.memref_slice %arg6[%dma_wait3A_321, %dma_wait3A_322] : memref<224x16384xf32, #tpu.memory_space<hbm>> -> memref<8x128xf32, #tpu.memory_space<hbm>>
    %dma_wait3A_324 = arith.constant 0 : i32
    %dma_wait3A_325 = arith.constant 128 : i32
    %dma_wait3A_326 = tpu.memref_slice %arg6[%dma_wait3A_324, %dma_wait3A_325] : memref<224x16384xf32, #tpu.memory_space<hbm>> -> memref<8x128xf32, #tpu.memory_space<hbm>>
    %dma_wait3A_327 = arith.constant 0 : i32
    %dma_wait3A_328 = arith.constant 0 : i32
    %dma_wait3A_329 = tpu.memref_slice %arg11[%dma_wait3A_316, %dma_wait3A_327, %dma_wait3A_328] : memref<16x8x128xf32, #tpu.memory_space<vmem>> -> memref<1x8x128xf32, #tpu.memory_space<vmem>>
    %dma_wait3A_330 = tpu.memref_squeeze %dma_wait3A_329 : memref<1x8x128xf32, #tpu.memory_space<vmem>> -> memref<8x128xf32, #tpu.memory_space<vmem>>
    tpu.wait_dma2 semaphore(%arg15 : memref<!tpu.dma_semaphore, #tpu.memory_space<semaphore_mem>>) src(%dma_wait3A_330 : memref<8x128xf32, #tpu.memory_space<vmem>>) dst(%dma_wait3A_326 : memref<8x128xf32, #tpu.memory_space<hbm>>)
    %dma_wait3A_331 = arith.constant 2 : i32
    %dma_wait3A_332 = arith.constant 0 : i32
    %dma_wait3A_333 = arith.constant 0 : i32
    %dma_wait3A_334 = tpu.memref_slice %arg11[%dma_wait3A_331, %dma_wait3A_332, %dma_wait3A_333] : memref<16x8x128xf32, #tpu.memory_space<vmem>> -> memref<1x8x128xf32, #tpu.memory_space<vmem>>
    %dma_wait3A_335 = tpu.memref_squeeze %dma_wait3A_334 : memref<1x8x128xf32, #tpu.memory_space<vmem>> -> memref<8x128xf32, #tpu.memory_space<vmem>>
    %dma_wait3A_336 = arith.constant 0 : i32
    %dma_wait3A_337 = arith.constant 256 : i32
    %dma_wait3A_338 = tpu.memref_slice %arg6[%dma_wait3A_336, %dma_wait3A_337] : memref<224x16384xf32, #tpu.memory_space<hbm>> -> memref<8x128xf32, #tpu.memory_space<hbm>>
    %dma_wait3A_339 = arith.constant 0 : i32
    %dma_wait3A_340 = arith.constant 256 : i32
    %dma_wait3A_341 = tpu.memref_slice %arg6[%dma_wait3A_339, %dma_wait3A_340] : memref<224x16384xf32, #tpu.memory_space<hbm>> -> memref<8x128xf32, #tpu.memory_space<hbm>>
    %dma_wait3A_342 = arith.constant 0 : i32
    %dma_wait3A_343 = arith.constant 0 : i32
    %dma_wait3A_344 = tpu.memref_slice %arg11[%dma_wait3A_331, %dma_wait3A_342, %dma_wait3A_343] : memref<16x8x128xf32, #tpu.memory_space<vmem>> -> memref<1x8x128xf32, #tpu.memory_space<vmem>>
    %dma_wait3A_345 = tpu.memref_squeeze %dma_wait3A_344 : memref<1x8x128xf32, #tpu.memory_space<vmem>> -> memref<8x128xf32, #tpu.memory_space<vmem>>
    tpu.wait_dma2 semaphore(%arg15 : memref<!tpu.dma_semaphore, #tpu.memory_space<semaphore_mem>>) src(%dma_wait3A_345 : memref<8x128xf32, #tpu.memory_space<vmem>>) dst(%dma_wait3A_341 : memref<8x128xf32, #tpu.memory_space<hbm>>)
    %dma_wait3A_346 = arith.constant 3 : i32
    %dma_wait3A_347 = arith.constant 0 : i32
    %dma_wait3A_348 = arith.constant 0 : i32
    %dma_wait3A_349 = tpu.memref_slice %arg11[%dma_wait3A_346, %dma_wait3A_347, %dma_wait3A_348] : memref<16x8x128xf32, #tpu.memory_space<vmem>> -> memref<1x8x128xf32, #tpu.memory_space<vmem>>
    %dma_wait3A_350 = tpu.memref_squeeze %dma_wait3A_349 : memref<1x8x128xf32, #tpu.memory_space<vmem>> -> memref<8x128xf32, #tpu.memory_space<vmem>>
    %dma_wait3A_351 = arith.constant 0 : i32
    %dma_wait3A_352 = arith.constant 384 : i32
    %dma_wait3A_353 = tpu.memref_slice %arg6[%dma_wait3A_351, %dma_wait3A_352] : memref<224x16384xf32, #tpu.memory_space<hbm>> -> memref<8x128xf32, #tpu.memory_space<hbm>>
    %dma_wait3A_354 = arith.constant 0 : i32
    %dma_wait3A_355 = arith.constant 384 : i32
    %dma_wait3A_356 = tpu.memref_slice %arg6[%dma_wait3A_354, %dma_wait3A_355] : memref<224x16384xf32, #tpu.memory_space<hbm>> -> memref<8x128xf32, #tpu.memory_space<hbm>>
    %dma_wait3A_357 = arith.constant 0 : i32
    %dma_wait3A_358 = arith.constant 0 : i32
    %dma_wait3A_359 = tpu.memref_slice %arg11[%dma_wait3A_346, %dma_wait3A_357, %dma_wait3A_358] : memref<16x8x128xf32, #tpu.memory_space<vmem>> -> memref<1x8x128xf32, #tpu.memory_space<vmem>>
    %dma_wait3A_360 = tpu.memref_squeeze %dma_wait3A_359 : memref<1x8x128xf32, #tpu.memory_space<vmem>> -> memref<8x128xf32, #tpu.memory_space<vmem>>
    tpu.wait_dma2 semaphore(%arg15 : memref<!tpu.dma_semaphore, #tpu.memory_space<semaphore_mem>>) src(%dma_wait3A_360 : memref<8x128xf32, #tpu.memory_space<vmem>>) dst(%dma_wait3A_356 : memref<8x128xf32, #tpu.memory_space<hbm>>)
    %dma_wait3A_361 = arith.constant 4 : i32
    %dma_wait3A_362 = arith.constant 0 : i32
    %dma_wait3A_363 = arith.constant 0 : i32
    %dma_wait3A_364 = tpu.memref_slice %arg11[%dma_wait3A_361, %dma_wait3A_362, %dma_wait3A_363] : memref<16x8x128xf32, #tpu.memory_space<vmem>> -> memref<1x8x128xf32, #tpu.memory_space<vmem>>
    %dma_wait3A_365 = tpu.memref_squeeze %dma_wait3A_364 : memref<1x8x128xf32, #tpu.memory_space<vmem>> -> memref<8x128xf32, #tpu.memory_space<vmem>>
    %dma_wait3A_366 = arith.constant 0 : i32
    %dma_wait3A_367 = arith.constant 512 : i32
    %dma_wait3A_368 = tpu.memref_slice %arg6[%dma_wait3A_366, %dma_wait3A_367] : memref<224x16384xf32, #tpu.memory_space<hbm>> -> memref<8x128xf32, #tpu.memory_space<hbm>>
    %dma_wait3A_369 = arith.constant 0 : i32
    %dma_wait3A_370 = arith.constant 512 : i32
    %dma_wait3A_371 = tpu.memref_slice %arg6[%dma_wait3A_369, %dma_wait3A_370] : memref<224x16384xf32, #tpu.memory_space<hbm>> -> memref<8x128xf32, #tpu.memory_space<hbm>>
    %dma_wait3A_372 = arith.constant 0 : i32
    %dma_wait3A_373 = arith.constant 0 : i32
    %dma_wait3A_374 = tpu.memref_slice %arg11[%dma_wait3A_361, %dma_wait3A_372, %dma_wait3A_373] : memref<16x8x128xf32, #tpu.memory_space<vmem>> -> memref<1x8x128xf32, #tpu.memory_space<vmem>>
    %dma_wait3A_375 = tpu.memref_squeeze %dma_wait3A_374 : memref<1x8x128xf32, #tpu.memory_space<vmem>> -> memref<8x128xf32, #tpu.memory_space<vmem>>
    tpu.wait_dma2 semaphore(%arg15 : memref<!tpu.dma_semaphore, #tpu.memory_space<semaphore_mem>>) src(%dma_wait3A_375 : memref<8x128xf32, #tpu.memory_space<vmem>>) dst(%dma_wait3A_371 : memref<8x128xf32, #tpu.memory_space<hbm>>)
    %dma_wait3A_376 = arith.constant 5 : i32
    %dma_wait3A_377 = arith.constant 0 : i32
    %dma_wait3A_378 = arith.constant 0 : i32
    %dma_wait3A_379 = tpu.memref_slice %arg11[%dma_wait3A_376, %dma_wait3A_377, %dma_wait3A_378] : memref<16x8x128xf32, #tpu.memory_space<vmem>> -> memref<1x8x128xf32, #tpu.memory_space<vmem>>
    %dma_wait3A_380 = tpu.memref_squeeze %dma_wait3A_379 : memref<1x8x128xf32, #tpu.memory_space<vmem>> -> memref<8x128xf32, #tpu.memory_space<vmem>>
    %dma_wait3A_381 = arith.constant 0 : i32
    %dma_wait3A_382 = arith.constant 640 : i32
    %dma_wait3A_383 = tpu.memref_slice %arg6[%dma_wait3A_381, %dma_wait3A_382] : memref<224x16384xf32, #tpu.memory_space<hbm>> -> memref<8x128xf32, #tpu.memory_space<hbm>>
    %dma_wait3A_384 = arith.constant 0 : i32
    %dma_wait3A_385 = arith.constant 640 : i32
    %dma_wait3A_386 = tpu.memref_slice %arg6[%dma_wait3A_384, %dma_wait3A_385] : memref<224x16384xf32, #tpu.memory_space<hbm>> -> memref<8x128xf32, #tpu.memory_space<hbm>>
    %dma_wait3A_387 = arith.constant 0 : i32
    %dma_wait3A_388 = arith.constant 0 : i32
    %dma_wait3A_389 = tpu.memref_slice %arg11[%dma_wait3A_376, %dma_wait3A_387, %dma_wait3A_388] : memref<16x8x128xf32, #tpu.memory_space<vmem>> -> memref<1x8x128xf32, #tpu.memory_space<vmem>>
    %dma_wait3A_390 = tpu.memref_squeeze %dma_wait3A_389 : memref<1x8x128xf32, #tpu.memory_space<vmem>> -> memref<8x128xf32, #tpu.memory_space<vmem>>
    tpu.wait_dma2 semaphore(%arg15 : memref<!tpu.dma_semaphore, #tpu.memory_space<semaphore_mem>>) src(%dma_wait3A_390 : memref<8x128xf32, #tpu.memory_space<vmem>>) dst(%dma_wait3A_386 : memref<8x128xf32, #tpu.memory_space<hbm>>)
    %dma_wait3A_391 = arith.constant 6 : i32
    %dma_wait3A_392 = arith.constant 0 : i32
    %dma_wait3A_393 = arith.constant 0 : i32
    %dma_wait3A_394 = tpu.memref_slice %arg11[%dma_wait3A_391, %dma_wait3A_392, %dma_wait3A_393] : memref<16x8x128xf32, #tpu.memory_space<vmem>> -> memref<1x8x128xf32, #tpu.memory_space<vmem>>
    %dma_wait3A_395 = tpu.memref_squeeze %dma_wait3A_394 : memref<1x8x128xf32, #tpu.memory_space<vmem>> -> memref<8x128xf32, #tpu.memory_space<vmem>>
    %dma_wait3A_396 = arith.constant 0 : i32
    %dma_wait3A_397 = arith.constant 768 : i32
    %dma_wait3A_398 = tpu.memref_slice %arg6[%dma_wait3A_396, %dma_wait3A_397] : memref<224x16384xf32, #tpu.memory_space<hbm>> -> memref<8x128xf32, #tpu.memory_space<hbm>>
    %dma_wait3A_399 = arith.constant 0 : i32
    %dma_wait3A_400 = arith.constant 768 : i32
    %dma_wait3A_401 = tpu.memref_slice %arg6[%dma_wait3A_399, %dma_wait3A_400] : memref<224x16384xf32, #tpu.memory_space<hbm>> -> memref<8x128xf32, #tpu.memory_space<hbm>>
    %dma_wait3A_402 = arith.constant 0 : i32
    %dma_wait3A_403 = arith.constant 0 : i32
    %dma_wait3A_404 = tpu.memref_slice %arg11[%dma_wait3A_391, %dma_wait3A_402, %dma_wait3A_403] : memref<16x8x128xf32, #tpu.memory_space<vmem>> -> memref<1x8x128xf32, #tpu.memory_space<vmem>>
    %dma_wait3A_405 = tpu.memref_squeeze %dma_wait3A_404 : memref<1x8x128xf32, #tpu.memory_space<vmem>> -> memref<8x128xf32, #tpu.memory_space<vmem>>
    tpu.wait_dma2 semaphore(%arg15 : memref<!tpu.dma_semaphore, #tpu.memory_space<semaphore_mem>>) src(%dma_wait3A_405 : memref<8x128xf32, #tpu.memory_space<vmem>>) dst(%dma_wait3A_401 : memref<8x128xf32, #tpu.memory_space<hbm>>)
    %dma_wait3A_406 = arith.constant 7 : i32
    %dma_wait3A_407 = arith.constant 0 : i32
    %dma_wait3A_408 = arith.constant 0 : i32
    %dma_wait3A_409 = tpu.memref_slice %arg11[%dma_wait3A_406, %dma_wait3A_407, %dma_wait3A_408] : memref<16x8x128xf32, #tpu.memory_space<vmem>> -> memref<1x8x128xf32, #tpu.memory_space<vmem>>
    %dma_wait3A_410 = tpu.memref_squeeze %dma_wait3A_409 : memref<1x8x128xf32, #tpu.memory_space<vmem>> -> memref<8x128xf32, #tpu.memory_space<vmem>>
    %dma_wait3A_411 = arith.constant 0 : i32
    %dma_wait3A_412 = arith.constant 896 : i32
    %dma_wait3A_413 = tpu.memref_slice %arg6[%dma_wait3A_411, %dma_wait3A_412] : memref<224x16384xf32, #tpu.memory_space<hbm>> -> memref<8x128xf32, #tpu.memory_space<hbm>>
    %dma_wait3A_414 = arith.constant 0 : i32
    %dma_wait3A_415 = arith.constant 896 : i32
    %dma_wait3A_416 = tpu.memref_slice %arg6[%dma_wait3A_414, %dma_wait3A_415] : memref<224x16384xf32, #tpu.memory_space<hbm>> -> memref<8x128xf32, #tpu.memory_space<hbm>>
    %dma_wait3A_417 = arith.constant 0 : i32
    %dma_wait3A_418 = arith.constant 0 : i32
    %dma_wait3A_419 = tpu.memref_slice %arg11[%dma_wait3A_406, %dma_wait3A_417, %dma_wait3A_418] : memref<16x8x128xf32, #tpu.memory_space<vmem>> -> memref<1x8x128xf32, #tpu.memory_space<vmem>>
    %dma_wait3A_420 = tpu.memref_squeeze %dma_wait3A_419 : memref<1x8x128xf32, #tpu.memory_space<vmem>> -> memref<8x128xf32, #tpu.memory_space<vmem>>
    tpu.wait_dma2 semaphore(%arg15 : memref<!tpu.dma_semaphore, #tpu.memory_space<semaphore_mem>>) src(%dma_wait3A_420 : memref<8x128xf32, #tpu.memory_space<vmem>>) dst(%dma_wait3A_416 : memref<8x128xf32, #tpu.memory_space<hbm>>)
    %dma_wait3A_421 = arith.constant 8 : i32
    %dma_wait3A_422 = arith.constant 0 : i32
    %dma_wait3A_423 = arith.constant 0 : i32
    %dma_wait3A_424 = tpu.memref_slice %arg11[%dma_wait3A_421, %dma_wait3A_422, %dma_wait3A_423] : memref<16x8x128xf32, #tpu.memory_space<vmem>> -> memref<1x8x128xf32, #tpu.memory_space<vmem>>
    %dma_wait3A_425 = tpu.memref_squeeze %dma_wait3A_424 : memref<1x8x128xf32, #tpu.memory_space<vmem>> -> memref<8x128xf32, #tpu.memory_space<vmem>>
    %dma_wait3A_426 = arith.constant 0 : i32
    %dma_wait3A_427 = arith.constant 1024 : i32
    %dma_wait3A_428 = tpu.memref_slice %arg6[%dma_wait3A_426, %dma_wait3A_427] : memref<224x16384xf32, #tpu.memory_space<hbm>> -> memref<8x128xf32, #tpu.memory_space<hbm>>
    %dma_wait3A_429 = arith.constant 0 : i32
    %dma_wait3A_430 = arith.constant 1024 : i32
    %dma_wait3A_431 = tpu.memref_slice %arg6[%dma_wait3A_429, %dma_wait3A_430] : memref<224x16384xf32, #tpu.memory_space<hbm>> -> memref<8x128xf32, #tpu.memory_space<hbm>>
    %dma_wait3A_432 = arith.constant 0 : i32
    %dma_wait3A_433 = arith.constant 0 : i32
    %dma_wait3A_434 = tpu.memref_slice %arg11[%dma_wait3A_421, %dma_wait3A_432, %dma_wait3A_433] : memref<16x8x128xf32, #tpu.memory_space<vmem>> -> memref<1x8x128xf32, #tpu.memory_space<vmem>>
    %dma_wait3A_435 = tpu.memref_squeeze %dma_wait3A_434 : memref<1x8x128xf32, #tpu.memory_space<vmem>> -> memref<8x128xf32, #tpu.memory_space<vmem>>
    tpu.wait_dma2 semaphore(%arg15 : memref<!tpu.dma_semaphore, #tpu.memory_space<semaphore_mem>>) src(%dma_wait3A_435 : memref<8x128xf32, #tpu.memory_space<vmem>>) dst(%dma_wait3A_431 : memref<8x128xf32, #tpu.memory_space<hbm>>)
    %dma_wait3A_436 = arith.constant 9 : i32
    %dma_wait3A_437 = arith.constant 0 : i32
    %dma_wait3A_438 = arith.constant 0 : i32
    %dma_wait3A_439 = tpu.memref_slice %arg11[%dma_wait3A_436, %dma_wait3A_437, %dma_wait3A_438] : memref<16x8x128xf32, #tpu.memory_space<vmem>> -> memref<1x8x128xf32, #tpu.memory_space<vmem>>
    %dma_wait3A_440 = tpu.memref_squeeze %dma_wait3A_439 : memref<1x8x128xf32, #tpu.memory_space<vmem>> -> memref<8x128xf32, #tpu.memory_space<vmem>>
    %dma_wait3A_441 = arith.constant 0 : i32
    %dma_wait3A_442 = arith.constant 1152 : i32
    %dma_wait3A_443 = tpu.memref_slice %arg6[%dma_wait3A_441, %dma_wait3A_442] : memref<224x16384xf32, #tpu.memory_space<hbm>> -> memref<8x128xf32, #tpu.memory_space<hbm>>
    %dma_wait3A_444 = arith.constant 0 : i32
    %dma_wait3A_445 = arith.constant 1152 : i32
    %dma_wait3A_446 = tpu.memref_slice %arg6[%dma_wait3A_444, %dma_wait3A_445] : memref<224x16384xf32, #tpu.memory_space<hbm>> -> memref<8x128xf32, #tpu.memory_space<hbm>>
    %dma_wait3A_447 = arith.constant 0 : i32
    %dma_wait3A_448 = arith.constant 0 : i32
    %dma_wait3A_449 = tpu.memref_slice %arg11[%dma_wait3A_436, %dma_wait3A_447, %dma_wait3A_448] : memref<16x8x128xf32, #tpu.memory_space<vmem>> -> memref<1x8x128xf32, #tpu.memory_space<vmem>>
    %dma_wait3A_450 = tpu.memref_squeeze %dma_wait3A_449 : memref<1x8x128xf32, #tpu.memory_space<vmem>> -> memref<8x128xf32, #tpu.memory_space<vmem>>
    tpu.wait_dma2 semaphore(%arg15 : memref<!tpu.dma_semaphore, #tpu.memory_space<semaphore_mem>>) src(%dma_wait3A_450 : memref<8x128xf32, #tpu.memory_space<vmem>>) dst(%dma_wait3A_446 : memref<8x128xf32, #tpu.memory_space<hbm>>)
    %dma_wait3A_451 = arith.constant 10 : i32
    %dma_wait3A_452 = arith.constant 0 : i32
    %dma_wait3A_453 = arith.constant 0 : i32
    %dma_wait3A_454 = tpu.memref_slice %arg11[%dma_wait3A_451, %dma_wait3A_452, %dma_wait3A_453] : memref<16x8x128xf32, #tpu.memory_space<vmem>> -> memref<1x8x128xf32, #tpu.memory_space<vmem>>
    %dma_wait3A_455 = tpu.memref_squeeze %dma_wait3A_454 : memref<1x8x128xf32, #tpu.memory_space<vmem>> -> memref<8x128xf32, #tpu.memory_space<vmem>>
    %dma_wait3A_456 = arith.constant 0 : i32
    %dma_wait3A_457 = arith.constant 1280 : i32
    %dma_wait3A_458 = tpu.memref_slice %arg6[%dma_wait3A_456, %dma_wait3A_457] : memref<224x16384xf32, #tpu.memory_space<hbm>> -> memref<8x128xf32, #tpu.memory_space<hbm>>
    %dma_wait3A_459 = arith.constant 0 : i32
    %dma_wait3A_460 = arith.constant 1280 : i32
    %dma_wait3A_461 = tpu.memref_slice %arg6[%dma_wait3A_459, %dma_wait3A_460] : memref<224x16384xf32, #tpu.memory_space<hbm>> -> memref<8x128xf32, #tpu.memory_space<hbm>>
    %dma_wait3A_462 = arith.constant 0 : i32
    %dma_wait3A_463 = arith.constant 0 : i32
    %dma_wait3A_464 = tpu.memref_slice %arg11[%dma_wait3A_451, %dma_wait3A_462, %dma_wait3A_463] : memref<16x8x128xf32, #tpu.memory_space<vmem>> -> memref<1x8x128xf32, #tpu.memory_space<vmem>>
    %dma_wait3A_465 = tpu.memref_squeeze %dma_wait3A_464 : memref<1x8x128xf32, #tpu.memory_space<vmem>> -> memref<8x128xf32, #tpu.memory_space<vmem>>
    tpu.wait_dma2 semaphore(%arg15 : memref<!tpu.dma_semaphore, #tpu.memory_space<semaphore_mem>>) src(%dma_wait3A_465 : memref<8x128xf32, #tpu.memory_space<vmem>>) dst(%dma_wait3A_461 : memref<8x128xf32, #tpu.memory_space<hbm>>)
    %dma_wait3A_466 = arith.constant 11 : i32
    %dma_wait3A_467 = arith.constant 0 : i32
    %dma_wait3A_468 = arith.constant 0 : i32
    %dma_wait3A_469 = tpu.memref_slice %arg11[%dma_wait3A_466, %dma_wait3A_467, %dma_wait3A_468] : memref<16x8x128xf32, #tpu.memory_space<vmem>> -> memref<1x8x128xf32, #tpu.memory_space<vmem>>
    %dma_wait3A_470 = tpu.memref_squeeze %dma_wait3A_469 : memref<1x8x128xf32, #tpu.memory_space<vmem>> -> memref<8x128xf32, #tpu.memory_space<vmem>>
    %dma_wait3A_471 = arith.constant 0 : i32
    %dma_wait3A_472 = arith.constant 1408 : i32
    %dma_wait3A_473 = tpu.memref_slice %arg6[%dma_wait3A_471, %dma_wait3A_472] : memref<224x16384xf32, #tpu.memory_space<hbm>> -> memref<8x128xf32, #tpu.memory_space<hbm>>
    %dma_wait3A_474 = arith.constant 0 : i32
    %dma_wait3A_475 = arith.constant 1408 : i32
    %dma_wait3A_476 = tpu.memref_slice %arg6[%dma_wait3A_474, %dma_wait3A_475] : memref<224x16384xf32, #tpu.memory_space<hbm>> -> memref<8x128xf32, #tpu.memory_space<hbm>>
    %dma_wait3A_477 = arith.constant 0 : i32
    %dma_wait3A_478 = arith.constant 0 : i32
    %dma_wait3A_479 = tpu.memref_slice %arg11[%dma_wait3A_466, %dma_wait3A_477, %dma_wait3A_478] : memref<16x8x128xf32, #tpu.memory_space<vmem>> -> memref<1x8x128xf32, #tpu.memory_space<vmem>>
    %dma_wait3A_480 = tpu.memref_squeeze %dma_wait3A_479 : memref<1x8x128xf32, #tpu.memory_space<vmem>> -> memref<8x128xf32, #tpu.memory_space<vmem>>
    tpu.wait_dma2 semaphore(%arg15 : memref<!tpu.dma_semaphore, #tpu.memory_space<semaphore_mem>>) src(%dma_wait3A_480 : memref<8x128xf32, #tpu.memory_space<vmem>>) dst(%dma_wait3A_476 : memref<8x128xf32, #tpu.memory_space<hbm>>)
    %dma_wait3A_481 = arith.constant 12 : i32
    %dma_wait3A_482 = arith.constant 0 : i32
    %dma_wait3A_483 = arith.constant 0 : i32
    %dma_wait3A_484 = tpu.memref_slice %arg11[%dma_wait3A_481, %dma_wait3A_482, %dma_wait3A_483] : memref<16x8x128xf32, #tpu.memory_space<vmem>> -> memref<1x8x128xf32, #tpu.memory_space<vmem>>
    %dma_wait3A_485 = tpu.memref_squeeze %dma_wait3A_484 : memref<1x8x128xf32, #tpu.memory_space<vmem>> -> memref<8x128xf32, #tpu.memory_space<vmem>>
    %dma_wait3A_486 = arith.constant 0 : i32
    %dma_wait3A_487 = arith.constant 1536 : i32
    %dma_wait3A_488 = tpu.memref_slice %arg6[%dma_wait3A_486, %dma_wait3A_487] : memref<224x16384xf32, #tpu.memory_space<hbm>> -> memref<8x128xf32, #tpu.memory_space<hbm>>
    %dma_wait3A_489 = arith.constant 0 : i32
    %dma_wait3A_490 = arith.constant 1536 : i32
    %dma_wait3A_491 = tpu.memref_slice %arg6[%dma_wait3A_489, %dma_wait3A_490] : memref<224x16384xf32, #tpu.memory_space<hbm>> -> memref<8x128xf32, #tpu.memory_space<hbm>>
    %dma_wait3A_492 = arith.constant 0 : i32
    %dma_wait3A_493 = arith.constant 0 : i32
    %dma_wait3A_494 = tpu.memref_slice %arg11[%dma_wait3A_481, %dma_wait3A_492, %dma_wait3A_493] : memref<16x8x128xf32, #tpu.memory_space<vmem>> -> memref<1x8x128xf32, #tpu.memory_space<vmem>>
    %dma_wait3A_495 = tpu.memref_squeeze %dma_wait3A_494 : memref<1x8x128xf32, #tpu.memory_space<vmem>> -> memref<8x128xf32, #tpu.memory_space<vmem>>
    tpu.wait_dma2 semaphore(%arg15 : memref<!tpu.dma_semaphore, #tpu.memory_space<semaphore_mem>>) src(%dma_wait3A_495 : memref<8x128xf32, #tpu.memory_space<vmem>>) dst(%dma_wait3A_491 : memref<8x128xf32, #tpu.memory_space<hbm>>)
    %dma_wait3A_496 = arith.constant 13 : i32
    %dma_wait3A_497 = arith.constant 0 : i32
    %dma_wait3A_498 = arith.constant 0 : i32
    %dma_wait3A_499 = tpu.memref_slice %arg11[%dma_wait3A_496, %dma_wait3A_497, %dma_wait3A_498] : memref<16x8x128xf32, #tpu.memory_space<vmem>> -> memref<1x8x128xf32, #tpu.memory_space<vmem>>
    %dma_wait3A_500 = tpu.memref_squeeze %dma_wait3A_499 : memref<1x8x128xf32, #tpu.memory_space<vmem>> -> memref<8x128xf32, #tpu.memory_space<vmem>>
    %dma_wait3A_501 = arith.constant 0 : i32
    %dma_wait3A_502 = arith.constant 1664 : i32
    %dma_wait3A_503 = tpu.memref_slice %arg6[%dma_wait3A_501, %dma_wait3A_502] : memref<224x16384xf32, #tpu.memory_space<hbm>> -> memref<8x128xf32, #tpu.memory_space<hbm>>
    %dma_wait3A_504 = arith.constant 0 : i32
    %dma_wait3A_505 = arith.constant 1664 : i32
    %dma_wait3A_506 = tpu.memref_slice %arg6[%dma_wait3A_504, %dma_wait3A_505] : memref<224x16384xf32, #tpu.memory_space<hbm>> -> memref<8x128xf32, #tpu.memory_space<hbm>>
    %dma_wait3A_507 = arith.constant 0 : i32
    %dma_wait3A_508 = arith.constant 0 : i32
    %dma_wait3A_509 = tpu.memref_slice %arg11[%dma_wait3A_496, %dma_wait3A_507, %dma_wait3A_508] : memref<16x8x128xf32, #tpu.memory_space<vmem>> -> memref<1x8x128xf32, #tpu.memory_space<vmem>>
    %dma_wait3A_510 = tpu.memref_squeeze %dma_wait3A_509 : memref<1x8x128xf32, #tpu.memory_space<vmem>> -> memref<8x128xf32, #tpu.memory_space<vmem>>
    tpu.wait_dma2 semaphore(%arg15 : memref<!tpu.dma_semaphore, #tpu.memory_space<semaphore_mem>>) src(%dma_wait3A_510 : memref<8x128xf32, #tpu.memory_space<vmem>>) dst(%dma_wait3A_506 : memref<8x128xf32, #tpu.memory_space<hbm>>)
    %dma_wait3A_511 = arith.constant 14 : i32
    %dma_wait3A_512 = arith.constant 0 : i32
    %dma_wait3A_513 = arith.constant 0 : i32
    %dma_wait3A_514 = tpu.memref_slice %arg11[%dma_wait3A_511, %dma_wait3A_512, %dma_wait3A_513] : memref<16x8x128xf32, #tpu.memory_space<vmem>> -> memref<1x8x128xf32, #tpu.memory_space<vmem>>
    %dma_wait3A_515 = tpu.memref_squeeze %dma_wait3A_514 : memref<1x8x128xf32, #tpu.memory_space<vmem>> -> memref<8x128xf32, #tpu.memory_space<vmem>>
    %dma_wait3A_516 = arith.constant 0 : i32
    %dma_wait3A_517 = arith.constant 1792 : i32
    %dma_wait3A_518 = tpu.memref_slice %arg6[%dma_wait3A_516, %dma_wait3A_517] : memref<224x16384xf32, #tpu.memory_space<hbm>> -> memref<8x128xf32, #tpu.memory_space<hbm>>
    %dma_wait3A_519 = arith.constant 0 : i32
    %dma_wait3A_520 = arith.constant 1792 : i32
    %dma_wait3A_521 = tpu.memref_slice %arg6[%dma_wait3A_519, %dma_wait3A_520] : memref<224x16384xf32, #tpu.memory_space<hbm>> -> memref<8x128xf32, #tpu.memory_space<hbm>>
    %dma_wait3A_522 = arith.constant 0 : i32
    %dma_wait3A_523 = arith.constant 0 : i32
    %dma_wait3A_524 = tpu.memref_slice %arg11[%dma_wait3A_511, %dma_wait3A_522, %dma_wait3A_523] : memref<16x8x128xf32, #tpu.memory_space<vmem>> -> memref<1x8x128xf32, #tpu.memory_space<vmem>>
    %dma_wait3A_525 = tpu.memref_squeeze %dma_wait3A_524 : memref<1x8x128xf32, #tpu.memory_space<vmem>> -> memref<8x128xf32, #tpu.memory_space<vmem>>
    tpu.wait_dma2 semaphore(%arg15 : memref<!tpu.dma_semaphore, #tpu.memory_space<semaphore_mem>>) src(%dma_wait3A_525 : memref<8x128xf32, #tpu.memory_space<vmem>>) dst(%dma_wait3A_521 : memref<8x128xf32, #tpu.memory_space<hbm>>)
    %dma_wait3A_526 = arith.constant 15 : i32
    %dma_wait3A_527 = arith.constant 0 : i32
    %dma_wait3A_528 = arith.constant 0 : i32
    %dma_wait3A_529 = tpu.memref_slice %arg11[%dma_wait3A_526, %dma_wait3A_527, %dma_wait3A_528] : memref<16x8x128xf32, #tpu.memory_space<vmem>> -> memref<1x8x128xf32, #tpu.memory_space<vmem>>
    %dma_wait3A_530 = tpu.memref_squeeze %dma_wait3A_529 : memref<1x8x128xf32, #tpu.memory_space<vmem>> -> memref<8x128xf32, #tpu.memory_space<vmem>>
    %dma_wait3A_531 = arith.constant 0 : i32
    %dma_wait3A_532 = arith.constant 1920 : i32
    %dma_wait3A_533 = tpu.memref_slice %arg6[%dma_wait3A_531, %dma_wait3A_532] : memref<224x16384xf32, #tpu.memory_space<hbm>> -> memref<8x128xf32, #tpu.memory_space<hbm>>
    %dma_wait3A_534 = arith.constant 0 : i32
    %dma_wait3A_535 = arith.constant 1920 : i32
    %dma_wait3A_536 = tpu.memref_slice %arg6[%dma_wait3A_534, %dma_wait3A_535] : memref<224x16384xf32, #tpu.memory_space<hbm>> -> memref<8x128xf32, #tpu.memory_space<hbm>>
    %dma_wait3A_537 = arith.constant 0 : i32
    %dma_wait3A_538 = arith.constant 0 : i32
    %dma_wait3A_539 = tpu.memref_slice %arg11[%dma_wait3A_526, %dma_wait3A_537, %dma_wait3A_538] : memref<16x8x128xf32, #tpu.memory_space<vmem>> -> memref<1x8x128xf32, #tpu.memory_space<vmem>>
    %dma_wait3A_540 = tpu.memref_squeeze %dma_wait3A_539 : memref<1x8x128xf32, #tpu.memory_space<vmem>> -> memref<8x128xf32, #tpu.memory_space<vmem>>
    tpu.wait_dma2 semaphore(%arg15 : memref<!tpu.dma_semaphore, #tpu.memory_space<semaphore_mem>>) src(%dma_wait3A_540 : memref<8x128xf32, #tpu.memory_space<vmem>>) dst(%dma_wait3A_536 : memref<8x128xf32, #tpu.memory_space<hbm>>)
    %parallel_loop3A = arith.constant 0 : i32
    %parallel_loop3A_541 = arith.constant 128 : i32
    %parallel_loop3A_542 = arith.constant 1 : i32
    scf.for %parallel_loop3A_1314 = %parallel_loop3A to %parallel_loop3A_541 step %parallel_loop3A_542  : i32 {
      %parallel_loop3A_1315 = arith.constant 3 : i32
      %parallel_loop3A_1316 = arith.shrui %parallel_loop3A_1314, %parallel_loop3A_1315 : i32
      %parallel_loop3A_1317 = arith.constant 7 : i32
      %parallel_loop3A_1318 = arith.andi %parallel_loop3A_1314, %parallel_loop3A_1317 : i32
      %parallel_loop3A_1319 = arith.constant 16 : i32
      %parallel_loop3A_1320 = arith.muli %parallel_loop3A_1318, %parallel_loop3A_1319 : i32
      %parallel_loop3A_1321 = arith.constant 16 : i32
      %parallel_loop3A_1322 = arith.muli %parallel_loop3A_1314, %parallel_loop3A_1321 : i32
      %parallel_loop3A_1323 = arith.index_cast %parallel_loop3A_1322 : i32 to index
      %parallel_loop3A_1324 = tpu.vector_load %arg7[%parallel_loop3A_1323] {strides = array<i32>} : memref<2048xi32, #tpu.memory_space<vmem>>, vector<16xi32>,
      %parallel_loop3A_1325 = arith.constant 7 : i32
      %parallel_loop3A_1326 = vector.broadcast %parallel_loop3A_1325 : i32 to vector<16xi32>
      %parallel_loop3A_1327 = arith.shrui %parallel_loop3A_1324, %parallel_loop3A_1326 : vector<16xi32>
      %parallel_loop3A_1328 = arith.constant 127 : i32
      %parallel_loop3A_1329 = vector.broadcast %parallel_loop3A_1328 : i32 to vector<16xi32>
      %parallel_loop3A_1330 = arith.andi %parallel_loop3A_1324, %parallel_loop3A_1329 : vector<16xi32>
      %parallel_loop3A_1331 = arith.constant 0 : i32
      %parallel_loop3A_1332 = vector.broadcast %parallel_loop3A_1331 : i32 to vector<16xi32>
      %parallel_loop3A_1333 = tpu.vector_load_idx %arg9[%parallel_loop3A_1327, %parallel_loop3A_1332, %parallel_loop3A_1330] : memref<8x8x128xf32, #tpu.memory_space<vmem>>[vector<16xi32>, vector<16xi32>, vector<16xi32>], vector<16xf32>,
      %parallel_loop3A_1334 = arith.constant 0 : i32
      %parallel_loop3A_1335 = arith.index_cast %parallel_loop3A_1316 : i32 to index
      %parallel_loop3A_1336 = arith.index_cast %parallel_loop3A_1334 : i32 to index
      %parallel_loop3A_1337 = arith.index_cast %parallel_loop3A_1320 : i32 to index
      %parallel_loop3A_1338 = tpu.vector_load %arg11[%parallel_loop3A_1335, %parallel_loop3A_1336, %parallel_loop3A_1337] {strides = array<i32>} : memref<16x8x128xf32, #tpu.memory_space<vmem>>, vector<16xf32>,
      tpu.vector_store %arg11[%parallel_loop3A_1335, %parallel_loop3A_1336, %parallel_loop3A_1337], %parallel_loop3A_1333 {strides = array<i32>} : memref<16x8x128xf32, #tpu.memory_space<vmem>>, vector<16xf32>,
      %parallel_loop3A_1339 = arith.constant 1 : i32
      %parallel_loop3A_1340 = vector.broadcast %parallel_loop3A_1339 : i32 to vector<16xi32>
      %parallel_loop3A_1341 = tpu.vector_load_idx %arg9[%parallel_loop3A_1327, %parallel_loop3A_1340, %parallel_loop3A_1330] : memref<8x8x128xf32, #tpu.memory_space<vmem>>[vector<16xi32>, vector<16xi32>, vector<16xi32>], vector<16xf32>,
      %parallel_loop3A_1342 = arith.constant 1 : i32
      %parallel_loop3A_1343 = arith.index_cast %parallel_loop3A_1316 : i32 to index
      %parallel_loop3A_1344 = arith.index_cast %parallel_loop3A_1342 : i32 to index
      %parallel_loop3A_1345 = arith.index_cast %parallel_loop3A_1320 : i32 to index
      %parallel_loop3A_1346 = tpu.vector_load %arg11[%parallel_loop3A_1343, %parallel_loop3A_1344, %parallel_loop3A_1345] {strides = array<i32>} : memref<16x8x128xf32, #tpu.memory_space<vmem>>, vector<16xf32>,
      tpu.vector_store %arg11[%parallel_loop3A_1343, %parallel_loop3A_1344, %parallel_loop3A_1345], %parallel_loop3A_1341 {strides = array<i32>} : memref<16x8x128xf32, #tpu.memory_space<vmem>>, vector<16xf32>,
      %parallel_loop3A_1347 = arith.constant 2 : i32
      %parallel_loop3A_1348 = vector.broadcast %parallel_loop3A_1347 : i32 to vector<16xi32>
      %parallel_loop3A_1349 = tpu.vector_load_idx %arg9[%parallel_loop3A_1327, %parallel_loop3A_1348, %parallel_loop3A_1330] : memref<8x8x128xf32, #tpu.memory_space<vmem>>[vector<16xi32>, vector<16xi32>, vector<16xi32>], vector<16xf32>,
      %parallel_loop3A_1350 = arith.constant 2 : i32
      %parallel_loop3A_1351 = arith.index_cast %parallel_loop3A_1316 : i32 to index
      %parallel_loop3A_1352 = arith.index_cast %parallel_loop3A_1350 : i32 to index
      %parallel_loop3A_1353 = arith.index_cast %parallel_loop3A_1320 : i32 to index
      %parallel_loop3A_1354 = tpu.vector_load %arg11[%parallel_loop3A_1351, %parallel_loop3A_1352, %parallel_loop3A_1353] {strides = array<i32>} : memref<16x8x128xf32, #tpu.memory_space<vmem>>, vector<16xf32>,
      tpu.vector_store %arg11[%parallel_loop3A_1351, %parallel_loop3A_1352, %parallel_loop3A_1353], %parallel_loop3A_1349 {strides = array<i32>} : memref<16x8x128xf32, #tpu.memory_space<vmem>>, vector<16xf32>,
      %parallel_loop3A_1355 = arith.constant 3 : i32
      %parallel_loop3A_1356 = vector.broadcast %parallel_loop3A_1355 : i32 to vector<16xi32>
      %parallel_loop3A_1357 = tpu.vector_load_idx %arg9[%parallel_loop3A_1327, %parallel_loop3A_1356, %parallel_loop3A_1330] : memref<8x8x128xf32, #tpu.memory_space<vmem>>[vector<16xi32>, vector<16xi32>, vector<16xi32>], vector<16xf32>,
      %parallel_loop3A_1358 = arith.constant 3 : i32
      %parallel_loop3A_1359 = arith.index_cast %parallel_loop3A_1316 : i32 to index
      %parallel_loop3A_1360 = arith.index_cast %parallel_loop3A_1358 : i32 to index
      %parallel_loop3A_1361 = arith.index_cast %parallel_loop3A_1320 : i32 to index
      %parallel_loop3A_1362 = tpu.vector_load %arg11[%parallel_loop3A_1359, %parallel_loop3A_1360, %parallel_loop3A_1361] {strides = array<i32>} : memref<16x8x128xf32, #tpu.memory_space<vmem>>, vector<16xf32>,
      tpu.vector_store %arg11[%parallel_loop3A_1359, %parallel_loop3A_1360, %parallel_loop3A_1361], %parallel_loop3A_1357 {strides = array<i32>} : memref<16x8x128xf32, #tpu.memory_space<vmem>>, vector<16xf32>,
      %parallel_loop3A_1363 = arith.constant 4 : i32
      %parallel_loop3A_1364 = vector.broadcast %parallel_loop3A_1363 : i32 to vector<16xi32>
      %parallel_loop3A_1365 = tpu.vector_load_idx %arg9[%parallel_loop3A_1327, %parallel_loop3A_1364, %parallel_loop3A_1330] : memref<8x8x128xf32, #tpu.memory_space<vmem>>[vector<16xi32>, vector<16xi32>, vector<16xi32>], vector<16xf32>,
      %parallel_loop3A_1366 = arith.constant 4 : i32
      %parallel_loop3A_1367 = arith.index_cast %parallel_loop3A_1316 : i32 to index
      %parallel_loop3A_1368 = arith.index_cast %parallel_loop3A_1366 : i32 to index
      %parallel_loop3A_1369 = arith.index_cast %parallel_loop3A_1320 : i32 to index
      %parallel_loop3A_1370 = tpu.vector_load %arg11[%parallel_loop3A_1367, %parallel_loop3A_1368, %parallel_loop3A_1369] {strides = array<i32>} : memref<16x8x128xf32, #tpu.memory_space<vmem>>, vector<16xf32>,
      tpu.vector_store %arg11[%parallel_loop3A_1367, %parallel_loop3A_1368, %parallel_loop3A_1369], %parallel_loop3A_1365 {strides = array<i32>} : memref<16x8x128xf32, #tpu.memory_space<vmem>>, vector<16xf32>,
      %parallel_loop3A_1371 = arith.constant 5 : i32
      %parallel_loop3A_1372 = vector.broadcast %parallel_loop3A_1371 : i32 to vector<16xi32>
      %parallel_loop3A_1373 = tpu.vector_load_idx %arg9[%parallel_loop3A_1327, %parallel_loop3A_1372, %parallel_loop3A_1330] : memref<8x8x128xf32, #tpu.memory_space<vmem>>[vector<16xi32>, vector<16xi32>, vector<16xi32>], vector<16xf32>,
      %parallel_loop3A_1374 = arith.constant 5 : i32
      %parallel_loop3A_1375 = arith.index_cast %parallel_loop3A_1316 : i32 to index
      %parallel_loop3A_1376 = arith.index_cast %parallel_loop3A_1374 : i32 to index
      %parallel_loop3A_1377 = arith.index_cast %parallel_loop3A_1320 : i32 to index
      %parallel_loop3A_1378 = tpu.vector_load %arg11[%parallel_loop3A_1375, %parallel_loop3A_1376, %parallel_loop3A_1377] {strides = array<i32>} : memref<16x8x128xf32, #tpu.memory_space<vmem>>, vector<16xf32>,
      tpu.vector_store %arg11[%parallel_loop3A_1375, %parallel_loop3A_1376, %parallel_loop3A_1377], %parallel_loop3A_1373 {strides = array<i32>} : memref<16x8x128xf32, #tpu.memory_space<vmem>>, vector<16xf32>,
      %parallel_loop3A_1379 = arith.constant 6 : i32
      %parallel_loop3A_1380 = vector.broadcast %parallel_loop3A_1379 : i32 to vector<16xi32>
      %parallel_loop3A_1381 = tpu.vector_load_idx %arg9[%parallel_loop3A_1327, %parallel_loop3A_1380, %parallel_loop3A_1330] : memref<8x8x128xf32, #tpu.memory_space<vmem>>[vector<16xi32>, vector<16xi32>, vector<16xi32>], vector<16xf32>,
      %parallel_loop3A_1382 = arith.constant 6 : i32
      %parallel_loop3A_1383 = arith.index_cast %parallel_loop3A_1316 : i32 to index
      %parallel_loop3A_1384 = arith.index_cast %parallel_loop3A_1382 : i32 to index
      %parallel_loop3A_1385 = arith.index_cast %parallel_loop3A_1320 : i32 to index
      %parallel_loop3A_1386 = tpu.vector_load %arg11[%parallel_loop3A_1383, %parallel_loop3A_1384, %parallel_loop3A_1385] {strides = array<i32>} : memref<16x8x128xf32, #tpu.memory_space<vmem>>, vector<16xf32>,
      tpu.vector_store %arg11[%parallel_loop3A_1383, %parallel_loop3A_1384, %parallel_loop3A_1385], %parallel_loop3A_1381 {strides = array<i32>} : memref<16x8x128xf32, #tpu.memory_space<vmem>>, vector<16xf32>,
      %parallel_loop3A_1387 = arith.constant 7 : i32
      %parallel_loop3A_1388 = vector.broadcast %parallel_loop3A_1387 : i32 to vector<16xi32>
      %parallel_loop3A_1389 = tpu.vector_load_idx %arg9[%parallel_loop3A_1327, %parallel_loop3A_1388, %parallel_loop3A_1330] : memref<8x8x128xf32, #tpu.memory_space<vmem>>[vector<16xi32>, vector<16xi32>, vector<16xi32>], vector<16xf32>,
      %parallel_loop3A_1390 = arith.constant 7 : i32
      %parallel_loop3A_1391 = arith.index_cast %parallel_loop3A_1316 : i32 to index
      %parallel_loop3A_1392 = arith.index_cast %parallel_loop3A_1390 : i32 to index
      %parallel_loop3A_1393 = arith.index_cast %parallel_loop3A_1320 : i32 to index
      %parallel_loop3A_1394 = tpu.vector_load %arg11[%parallel_loop3A_1391, %parallel_loop3A_1392, %parallel_loop3A_1393] {strides = array<i32>} : memref<16x8x128xf32, #tpu.memory_space<vmem>>, vector<16xf32>,
      tpu.vector_store %arg11[%parallel_loop3A_1391, %parallel_loop3A_1392, %parallel_loop3A_1393], %parallel_loop3A_1389 {strides = array<i32>} : memref<16x8x128xf32, #tpu.memory_space<vmem>>, vector<16xf32>,
    } {sc.loop_unroll_factor = 8 : i64, sc.parallel_access}
    %add3A_543 = arith.constant 192 : i32
    %add3A_544 = arith.addi %add3A_543, %add3A : i32
    %jit3A_545 = arith.constant 8 : i32
    %div3A_546 = arith.divsi %add3A_544, %jit3A_545 : i32
    %sign3A_547 = arith.constant 0 : i32
    %sign3A_548 = arith.cmpi sgt, %add3A_544, %sign3A_547 : i32
    %sign3A_549 = arith.extui %sign3A_548 : i1 to i32
    %sign3A_550 = arith.constant 0 : i32
    %sign3A_551 = arith.cmpi slt, %add3A_544, %sign3A_550 : i32
    %sign3A_552 = arith.extui %sign3A_551 : i1 to i32
    %sign3A_553 = arith.subi %sign3A_549, %sign3A_552 : i32
    %sign3A_554 = arith.constant 0 : i32
    %sign3A_555 = arith.cmpi sgt, %jit3A_545, %sign3A_554 : i32
    %sign3A_556 = arith.extui %sign3A_555 : i1 to i32
    %sign3A_557 = arith.constant 0 : i32
    %sign3A_558 = arith.cmpi slt, %jit3A_545, %sign3A_557 : i32
    %sign3A_559 = arith.extui %sign3A_558 : i1 to i32
    %sign3A_560 = arith.subi %sign3A_556, %sign3A_559 : i32
    %ne3A_561 = arith.cmpi ne, %sign3A_553, %sign3A_560 : i32
    %rem3A_562 = arith.remsi %add3A_544, %jit3A_545 : i32
    %ne3A_563 = arith.constant 0 : i32
    %ne3A_564 = arith.cmpi ne, %rem3A_562, %ne3A_563 : i32
    %and3A_565 = arith.andi %ne3A_561, %ne3A_564 : i1
    %sub3A_566 = arith.constant 1 : i32
    %sub3A_567 = arith.subi %div3A_546, %sub3A_566 : i32
    %select_n3A_568 = arith.select %and3A_565, %sub3A_567, %div3A_546 : i32
    %jit3A_569 = arith.constant 8 : i32
    %eq3A_570 = arith.constant 0 : i32
    %eq3A_571 = arith.cmpi eq, %jit3A_569, %eq3A_570 : i32
    %jit3A_572 = arith.constant 1 : i32
    %select_n3A_573 = arith.select %eq3A_571, %jit3A_572, %jit3A_569 : i32
    %rem3A_574 = arith.remsi %add3A_544, %select_n3A_573 : i32
    %ne3A_575 = arith.constant 0 : i32
    %ne3A_576 = arith.cmpi ne, %rem3A_574, %ne3A_575 : i32
    %lt3A_577 = arith.constant 0 : i32
    %lt3A_578 = arith.cmpi slt, %rem3A_574, %lt3A_577 : i32
    %lt3A_579 = arith.constant 0 : i32
    %lt3A_580 = arith.cmpi slt, %select_n3A_573, %lt3A_579 : i32
    %ne3A_581 = arith.xori %lt3A_578, %lt3A_580 : i1
    %and3A_582 = arith.andi %ne3A_581, %ne3A_576 : i1
    %add3A_583 = arith.addi %rem3A_574, %select_n3A_573 : i32
    %select_n3A_584 = arith.select %and3A_582, %add3A_583, %rem3A_574 : i32
    %mul3A_585 = arith.constant 2048 : i32
    %mul3A_586 = arith.muli %select_n3A_584, %mul3A_585 : i32
    %ge3A_587 = arith.constant 8 : i32
    %ge3A_588 = arith.cmpi sge, %select_n3A_568, %ge3A_587 : i32
    %convert_element_type3A_589 = arith.extui %ge3A_588 : i1 to i32
    %ge3A_590 = arith.constant 24 : i32
    %ge3A_591 = arith.cmpi sge, %select_n3A_568, %ge3A_590 : i32
    %convert_element_type3A_592 = arith.extui %ge3A_591 : i1 to i32
    %add3A_593 = arith.addi %convert_element_type3A_589, %convert_element_type3A_592 : i32
    %mul3A_594 = arith.constant 8 : i32
    %mul3A_595 = arith.muli %select_n3A_568, %mul3A_594 : i32
    %add3A_596 = arith.constant 0 : i32
    %add3A_597 = arith.addi %mul3A_586, %add3A_596 : i32
    %dma_start3A_598 = arith.constant 0 : i32
    %dma_start3A_599 = arith.constant 0 : i32
    %dma_start3A_600 = arith.constant 0 : i32
    %dma_start3A_601 = tpu.memref_slice %arg11[%dma_start3A_598, %dma_start3A_599, %dma_start3A_600] : memref<16x8x128xf32, #tpu.memory_space<vmem>> -> memref<1x8x128xf32, #tpu.memory_space<vmem>>
    %dma_start3A_602 = tpu.memref_squeeze %dma_start3A_601 : memref<1x8x128xf32, #tpu.memory_space<vmem>> -> memref<8x128xf32, #tpu.memory_space<vmem>>
    %dma_start3A_603 = tpu.memref_slice %arg6[%mul3A_595, %add3A_597] : memref<224x16384xf32, #tpu.memory_space<hbm>> -> memref<8x128xf32, #tpu.memory_space<hbm>>
    %dma_start3A_604 = tpu.memref_slice %arg6[%mul3A_595, %add3A_597] : memref<224x16384xf32, #tpu.memory_space<hbm>> -> memref<8x128xf32, #tpu.memory_space<hbm>>
    %dma_start3A_605 = arith.constant 0 : i32
    %dma_start3A_606 = arith.constant 0 : i32
    %dma_start3A_607 = tpu.memref_slice %arg11[%dma_start3A_598, %dma_start3A_605, %dma_start3A_606] : memref<16x8x128xf32, #tpu.memory_space<vmem>> -> memref<1x8x128xf32, #tpu.memory_space<vmem>>
    %dma_start3A_608 = tpu.memref_squeeze %dma_start3A_607 : memref<1x8x128xf32, #tpu.memory_space<vmem>> -> memref<8x128xf32, #tpu.memory_space<vmem>>
    tpu.enqueue_dma source(%dma_start3A_608 : memref<8x128xf32, #tpu.memory_space<vmem>>) target(%dma_start3A_604 : memref<8x128xf32, #tpu.memory_space<hbm>>) target_semaphore(%arg15 : memref<!tpu.dma_semaphore, #tpu.memory_space<semaphore_mem>>)
    %mul3A_609 = arith.constant 8 : i32
    %mul3A_610 = arith.muli %select_n3A_568, %mul3A_609 : i32
    %add3A_611 = arith.constant 128 : i32
    %add3A_612 = arith.addi %mul3A_586, %add3A_611 : i32
    %dma_start3A_613 = arith.constant 1 : i32
    %dma_start3A_614 = arith.constant 0 : i32
    %dma_start3A_615 = arith.constant 0 : i32
    %dma_start3A_616 = tpu.memref_slice %arg11[%dma_start3A_613, %dma_start3A_614, %dma_start3A_615] : memref<16x8x128xf32, #tpu.memory_space<vmem>> -> memref<1x8x128xf32, #tpu.memory_space<vmem>>
    %dma_start3A_617 = tpu.memref_squeeze %dma_start3A_616 : memref<1x8x128xf32, #tpu.memory_space<vmem>> -> memref<8x128xf32, #tpu.memory_space<vmem>>
    %dma_start3A_618 = tpu.memref_slice %arg6[%mul3A_610, %add3A_612] : memref<224x16384xf32, #tpu.memory_space<hbm>> -> memref<8x128xf32, #tpu.memory_space<hbm>>
    %dma_start3A_619 = tpu.memref_slice %arg6[%mul3A_610, %add3A_612] : memref<224x16384xf32, #tpu.memory_space<hbm>> -> memref<8x128xf32, #tpu.memory_space<hbm>>
    %dma_start3A_620 = arith.constant 0 : i32
    %dma_start3A_621 = arith.constant 0 : i32
    %dma_start3A_622 = tpu.memref_slice %arg11[%dma_start3A_613, %dma_start3A_620, %dma_start3A_621] : memref<16x8x128xf32, #tpu.memory_space<vmem>> -> memref<1x8x128xf32, #tpu.memory_space<vmem>>
    %dma_start3A_623 = tpu.memref_squeeze %dma_start3A_622 : memref<1x8x128xf32, #tpu.memory_space<vmem>> -> memref<8x128xf32, #tpu.memory_space<vmem>>
    tpu.enqueue_dma source(%dma_start3A_623 : memref<8x128xf32, #tpu.memory_space<vmem>>) target(%dma_start3A_619 : memref<8x128xf32, #tpu.memory_space<hbm>>) target_semaphore(%arg15 : memref<!tpu.dma_semaphore, #tpu.memory_space<semaphore_mem>>)
    %mul3A_624 = arith.constant 8 : i32
    %mul3A_625 = arith.muli %select_n3A_568, %mul3A_624 : i32
    %add3A_626 = arith.constant 256 : i32
    %add3A_627 = arith.addi %mul3A_586, %add3A_626 : i32
    %dma_start3A_628 = arith.constant 2 : i32
    %dma_start3A_629 = arith.constant 0 : i32
    %dma_start3A_630 = arith.constant 0 : i32
    %dma_start3A_631 = tpu.memref_slice %arg11[%dma_start3A_628, %dma_start3A_629, %dma_start3A_630] : memref<16x8x128xf32, #tpu.memory_space<vmem>> -> memref<1x8x128xf32, #tpu.memory_space<vmem>>
    %dma_start3A_632 = tpu.memref_squeeze %dma_start3A_631 : memref<1x8x128xf32, #tpu.memory_space<vmem>> -> memref<8x128xf32, #tpu.memory_space<vmem>>
    %dma_start3A_633 = tpu.memref_slice %arg6[%mul3A_625, %add3A_627] : memref<224x16384xf32, #tpu.memory_space<hbm>> -> memref<8x128xf32, #tpu.memory_space<hbm>>
    %dma_start3A_634 = tpu.memref_slice %arg6[%mul3A_625, %add3A_627] : memref<224x16384xf32, #tpu.memory_space<hbm>> -> memref<8x128xf32, #tpu.memory_space<hbm>>
    %dma_start3A_635 = arith.constant 0 : i32
    %dma_start3A_636 = arith.constant 0 : i32
    %dma_start3A_637 = tpu.memref_slice %arg11[%dma_start3A_628, %dma_start3A_635, %dma_start3A_636] : memref<16x8x128xf32, #tpu.memory_space<vmem>> -> memref<1x8x128xf32, #tpu.memory_space<vmem>>
    %dma_start3A_638 = tpu.memref_squeeze %dma_start3A_637 : memref<1x8x128xf32, #tpu.memory_space<vmem>> -> memref<8x128xf32, #tpu.memory_space<vmem>>
    tpu.enqueue_dma source(%dma_start3A_638 : memref<8x128xf32, #tpu.memory_space<vmem>>) target(%dma_start3A_634 : memref<8x128xf32, #tpu.memory_space<hbm>>) target_semaphore(%arg15 : memref<!tpu.dma_semaphore, #tpu.memory_space<semaphore_mem>>)
    %mul3A_639 = arith.constant 8 : i32
    %mul3A_640 = arith.muli %select_n3A_568, %mul3A_639 : i32
    %add3A_641 = arith.constant 384 : i32
    %add3A_642 = arith.addi %mul3A_586, %add3A_641 : i32
    %dma_start3A_643 = arith.constant 3 : i32
    %dma_start3A_644 = arith.constant 0 : i32
    %dma_start3A_645 = arith.constant 0 : i32
    %dma_start3A_646 = tpu.memref_slice %arg11[%dma_start3A_643, %dma_start3A_644, %dma_start3A_645] : memref<16x8x128xf32, #tpu.memory_space<vmem>> -> memref<1x8x128xf32, #tpu.memory_space<vmem>>
    %dma_start3A_647 = tpu.memref_squeeze %dma_start3A_646 : memref<1x8x128xf32, #tpu.memory_space<vmem>> -> memref<8x128xf32, #tpu.memory_space<vmem>>
    %dma_start3A_648 = tpu.memref_slice %arg6[%mul3A_640, %add3A_642] : memref<224x16384xf32, #tpu.memory_space<hbm>> -> memref<8x128xf32, #tpu.memory_space<hbm>>
    %dma_start3A_649 = tpu.memref_slice %arg6[%mul3A_640, %add3A_642] : memref<224x16384xf32, #tpu.memory_space<hbm>> -> memref<8x128xf32, #tpu.memory_space<hbm>>
    %dma_start3A_650 = arith.constant 0 : i32
    %dma_start3A_651 = arith.constant 0 : i32
    %dma_start3A_652 = tpu.memref_slice %arg11[%dma_start3A_643, %dma_start3A_650, %dma_start3A_651] : memref<16x8x128xf32, #tpu.memory_space<vmem>> -> memref<1x8x128xf32, #tpu.memory_space<vmem>>
    %dma_start3A_653 = tpu.memref_squeeze %dma_start3A_652 : memref<1x8x128xf32, #tpu.memory_space<vmem>> -> memref<8x128xf32, #tpu.memory_space<vmem>>
    tpu.enqueue_dma source(%dma_start3A_653 : memref<8x128xf32, #tpu.memory_space<vmem>>) target(%dma_start3A_649 : memref<8x128xf32, #tpu.memory_space<hbm>>) target_semaphore(%arg15 : memref<!tpu.dma_semaphore, #tpu.memory_space<semaphore_mem>>)
    %mul3A_654 = arith.constant 8 : i32
    %mul3A_655 = arith.muli %select_n3A_568, %mul3A_654 : i32
    %add3A_656 = arith.constant 512 : i32
    %add3A_657 = arith.addi %mul3A_586, %add3A_656 : i32
    %dma_start3A_658 = arith.constant 4 : i32
    %dma_start3A_659 = arith.constant 0 : i32
    %dma_start3A_660 = arith.constant 0 : i32
    %dma_start3A_661 = tpu.memref_slice %arg11[%dma_start3A_658, %dma_start3A_659, %dma_start3A_660] : memref<16x8x128xf32, #tpu.memory_space<vmem>> -> memref<1x8x128xf32, #tpu.memory_space<vmem>>
    %dma_start3A_662 = tpu.memref_squeeze %dma_start3A_661 : memref<1x8x128xf32, #tpu.memory_space<vmem>> -> memref<8x128xf32, #tpu.memory_space<vmem>>
    %dma_start3A_663 = tpu.memref_slice %arg6[%mul3A_655, %add3A_657] : memref<224x16384xf32, #tpu.memory_space<hbm>> -> memref<8x128xf32, #tpu.memory_space<hbm>>
    %dma_start3A_664 = tpu.memref_slice %arg6[%mul3A_655, %add3A_657] : memref<224x16384xf32, #tpu.memory_space<hbm>> -> memref<8x128xf32, #tpu.memory_space<hbm>>
    %dma_start3A_665 = arith.constant 0 : i32
    %dma_start3A_666 = arith.constant 0 : i32
    %dma_start3A_667 = tpu.memref_slice %arg11[%dma_start3A_658, %dma_start3A_665, %dma_start3A_666] : memref<16x8x128xf32, #tpu.memory_space<vmem>> -> memref<1x8x128xf32, #tpu.memory_space<vmem>>
    %dma_start3A_668 = tpu.memref_squeeze %dma_start3A_667 : memref<1x8x128xf32, #tpu.memory_space<vmem>> -> memref<8x128xf32, #tpu.memory_space<vmem>>
    tpu.enqueue_dma source(%dma_start3A_668 : memref<8x128xf32, #tpu.memory_space<vmem>>) target(%dma_start3A_664 : memref<8x128xf32, #tpu.memory_space<hbm>>) target_semaphore(%arg15 : memref<!tpu.dma_semaphore, #tpu.memory_space<semaphore_mem>>)
    %mul3A_669 = arith.constant 8 : i32
    %mul3A_670 = arith.muli %select_n3A_568, %mul3A_669 : i32
    %add3A_671 = arith.constant 640 : i32
    %add3A_672 = arith.addi %mul3A_586, %add3A_671 : i32
    %dma_start3A_673 = arith.constant 5 : i32
    %dma_start3A_674 = arith.constant 0 : i32
    %dma_start3A_675 = arith.constant 0 : i32
    %dma_start3A_676 = tpu.memref_slice %arg11[%dma_start3A_673, %dma_start3A_674, %dma_start3A_675] : memref<16x8x128xf32, #tpu.memory_space<vmem>> -> memref<1x8x128xf32, #tpu.memory_space<vmem>>
    %dma_start3A_677 = tpu.memref_squeeze %dma_start3A_676 : memref<1x8x128xf32, #tpu.memory_space<vmem>> -> memref<8x128xf32, #tpu.memory_space<vmem>>
    %dma_start3A_678 = tpu.memref_slice %arg6[%mul3A_670, %add3A_672] : memref<224x16384xf32, #tpu.memory_space<hbm>> -> memref<8x128xf32, #tpu.memory_space<hbm>>
    %dma_start3A_679 = tpu.memref_slice %arg6[%mul3A_670, %add3A_672] : memref<224x16384xf32, #tpu.memory_space<hbm>> -> memref<8x128xf32, #tpu.memory_space<hbm>>
    %dma_start3A_680 = arith.constant 0 : i32
    %dma_start3A_681 = arith.constant 0 : i32
    %dma_start3A_682 = tpu.memref_slice %arg11[%dma_start3A_673, %dma_start3A_680, %dma_start3A_681] : memref<16x8x128xf32, #tpu.memory_space<vmem>> -> memref<1x8x128xf32, #tpu.memory_space<vmem>>
    %dma_start3A_683 = tpu.memref_squeeze %dma_start3A_682 : memref<1x8x128xf32, #tpu.memory_space<vmem>> -> memref<8x128xf32, #tpu.memory_space<vmem>>
    tpu.enqueue_dma source(%dma_start3A_683 : memref<8x128xf32, #tpu.memory_space<vmem>>) target(%dma_start3A_679 : memref<8x128xf32, #tpu.memory_space<hbm>>) target_semaphore(%arg15 : memref<!tpu.dma_semaphore, #tpu.memory_space<semaphore_mem>>)
    %mul3A_684 = arith.constant 8 : i32
    %mul3A_685 = arith.muli %select_n3A_568, %mul3A_684 : i32
    %add3A_686 = arith.constant 768 : i32
    %add3A_687 = arith.addi %mul3A_586, %add3A_686 : i32
    %dma_start3A_688 = arith.constant 6 : i32
    %dma_start3A_689 = arith.constant 0 : i32
    %dma_start3A_690 = arith.constant 0 : i32
    %dma_start3A_691 = tpu.memref_slice %arg11[%dma_start3A_688, %dma_start3A_689, %dma_start3A_690] : memref<16x8x128xf32, #tpu.memory_space<vmem>> -> memref<1x8x128xf32, #tpu.memory_space<vmem>>
    %dma_start3A_692 = tpu.memref_squeeze %dma_start3A_691 : memref<1x8x128xf32, #tpu.memory_space<vmem>> -> memref<8x128xf32, #tpu.memory_space<vmem>>
    %dma_start3A_693 = tpu.memref_slice %arg6[%mul3A_685, %add3A_687] : memref<224x16384xf32, #tpu.memory_space<hbm>> -> memref<8x128xf32, #tpu.memory_space<hbm>>
    %dma_start3A_694 = tpu.memref_slice %arg6[%mul3A_685, %add3A_687] : memref<224x16384xf32, #tpu.memory_space<hbm>> -> memref<8x128xf32, #tpu.memory_space<hbm>>
    %dma_start3A_695 = arith.constant 0 : i32
    %dma_start3A_696 = arith.constant 0 : i32
    %dma_start3A_697 = tpu.memref_slice %arg11[%dma_start3A_688, %dma_start3A_695, %dma_start3A_696] : memref<16x8x128xf32, #tpu.memory_space<vmem>> -> memref<1x8x128xf32, #tpu.memory_space<vmem>>
    %dma_start3A_698 = tpu.memref_squeeze %dma_start3A_697 : memref<1x8x128xf32, #tpu.memory_space<vmem>> -> memref<8x128xf32, #tpu.memory_space<vmem>>
    tpu.enqueue_dma source(%dma_start3A_698 : memref<8x128xf32, #tpu.memory_space<vmem>>) target(%dma_start3A_694 : memref<8x128xf32, #tpu.memory_space<hbm>>) target_semaphore(%arg15 : memref<!tpu.dma_semaphore, #tpu.memory_space<semaphore_mem>>)
    %mul3A_699 = arith.constant 8 : i32
    %mul3A_700 = arith.muli %select_n3A_568, %mul3A_699 : i32
    %add3A_701 = arith.constant 896 : i32
    %add3A_702 = arith.addi %mul3A_586, %add3A_701 : i32
    %dma_start3A_703 = arith.constant 7 : i32
    %dma_start3A_704 = arith.constant 0 : i32
    %dma_start3A_705 = arith.constant 0 : i32
    %dma_start3A_706 = tpu.memref_slice %arg11[%dma_start3A_703, %dma_start3A_704, %dma_start3A_705] : memref<16x8x128xf32, #tpu.memory_space<vmem>> -> memref<1x8x128xf32, #tpu.memory_space<vmem>>
    %dma_start3A_707 = tpu.memref_squeeze %dma_start3A_706 : memref<1x8x128xf32, #tpu.memory_space<vmem>> -> memref<8x128xf32, #tpu.memory_space<vmem>>
    %dma_start3A_708 = tpu.memref_slice %arg6[%mul3A_700, %add3A_702] : memref<224x16384xf32, #tpu.memory_space<hbm>> -> memref<8x128xf32, #tpu.memory_space<hbm>>
    %dma_start3A_709 = tpu.memref_slice %arg6[%mul3A_700, %add3A_702] : memref<224x16384xf32, #tpu.memory_space<hbm>> -> memref<8x128xf32, #tpu.memory_space<hbm>>
    %dma_start3A_710 = arith.constant 0 : i32
    %dma_start3A_711 = arith.constant 0 : i32
    %dma_start3A_712 = tpu.memref_slice %arg11[%dma_start3A_703, %dma_start3A_710, %dma_start3A_711] : memref<16x8x128xf32, #tpu.memory_space<vmem>> -> memref<1x8x128xf32, #tpu.memory_space<vmem>>
    %dma_start3A_713 = tpu.memref_squeeze %dma_start3A_712 : memref<1x8x128xf32, #tpu.memory_space<vmem>> -> memref<8x128xf32, #tpu.memory_space<vmem>>
    tpu.enqueue_dma source(%dma_start3A_713 : memref<8x128xf32, #tpu.memory_space<vmem>>) target(%dma_start3A_709 : memref<8x128xf32, #tpu.memory_space<hbm>>) target_semaphore(%arg15 : memref<!tpu.dma_semaphore, #tpu.memory_space<semaphore_mem>>)
    %mul3A_714 = arith.constant 8 : i32
    %mul3A_715 = arith.muli %select_n3A_568, %mul3A_714 : i32
    %add3A_716 = arith.constant 1024 : i32
    %add3A_717 = arith.addi %mul3A_586, %add3A_716 : i32
    %dma_start3A_718 = arith.constant 8 : i32
    %dma_start3A_719 = arith.constant 0 : i32
    %dma_start3A_720 = arith.constant 0 : i32
    %dma_start3A_721 = tpu.memref_slice %arg11[%dma_start3A_718, %dma_start3A_719, %dma_start3A_720] : memref<16x8x128xf32, #tpu.memory_space<vmem>> -> memref<1x8x128xf32, #tpu.memory_space<vmem>>
    %dma_start3A_722 = tpu.memref_squeeze %dma_start3A_721 : memref<1x8x128xf32, #tpu.memory_space<vmem>> -> memref<8x128xf32, #tpu.memory_space<vmem>>
    %dma_start3A_723 = tpu.memref_slice %arg6[%mul3A_715, %add3A_717] : memref<224x16384xf32, #tpu.memory_space<hbm>> -> memref<8x128xf32, #tpu.memory_space<hbm>>
    %dma_start3A_724 = tpu.memref_slice %arg6[%mul3A_715, %add3A_717] : memref<224x16384xf32, #tpu.memory_space<hbm>> -> memref<8x128xf32, #tpu.memory_space<hbm>>
    %dma_start3A_725 = arith.constant 0 : i32
    %dma_start3A_726 = arith.constant 0 : i32
    %dma_start3A_727 = tpu.memref_slice %arg11[%dma_start3A_718, %dma_start3A_725, %dma_start3A_726] : memref<16x8x128xf32, #tpu.memory_space<vmem>> -> memref<1x8x128xf32, #tpu.memory_space<vmem>>
    %dma_start3A_728 = tpu.memref_squeeze %dma_start3A_727 : memref<1x8x128xf32, #tpu.memory_space<vmem>> -> memref<8x128xf32, #tpu.memory_space<vmem>>
    tpu.enqueue_dma source(%dma_start3A_728 : memref<8x128xf32, #tpu.memory_space<vmem>>) target(%dma_start3A_724 : memref<8x128xf32, #tpu.memory_space<hbm>>) target_semaphore(%arg15 : memref<!tpu.dma_semaphore, #tpu.memory_space<semaphore_mem>>)
    %mul3A_729 = arith.constant 8 : i32
    %mul3A_730 = arith.muli %select_n3A_568, %mul3A_729 : i32
    %add3A_731 = arith.constant 1152 : i32
    %add3A_732 = arith.addi %mul3A_586, %add3A_731 : i32
    %dma_start3A_733 = arith.constant 9 : i32
    %dma_start3A_734 = arith.constant 0 : i32
    %dma_start3A_735 = arith.constant 0 : i32
    %dma_start3A_736 = tpu.memref_slice %arg11[%dma_start3A_733, %dma_start3A_734, %dma_start3A_735] : memref<16x8x128xf32, #tpu.memory_space<vmem>> -> memref<1x8x128xf32, #tpu.memory_space<vmem>>
    %dma_start3A_737 = tpu.memref_squeeze %dma_start3A_736 : memref<1x8x128xf32, #tpu.memory_space<vmem>> -> memref<8x128xf32, #tpu.memory_space<vmem>>
    %dma_start3A_738 = tpu.memref_slice %arg6[%mul3A_730, %add3A_732] : memref<224x16384xf32, #tpu.memory_space<hbm>> -> memref<8x128xf32, #tpu.memory_space<hbm>>
    %dma_start3A_739 = tpu.memref_slice %arg6[%mul3A_730, %add3A_732] : memref<224x16384xf32, #tpu.memory_space<hbm>> -> memref<8x128xf32, #tpu.memory_space<hbm>>
    %dma_start3A_740 = arith.constant 0 : i32
    %dma_start3A_741 = arith.constant 0 : i32
    %dma_start3A_742 = tpu.memref_slice %arg11[%dma_start3A_733, %dma_start3A_740, %dma_start3A_741] : memref<16x8x128xf32, #tpu.memory_space<vmem>> -> memref<1x8x128xf32, #tpu.memory_space<vmem>>
    %dma_start3A_743 = tpu.memref_squeeze %dma_start3A_742 : memref<1x8x128xf32, #tpu.memory_space<vmem>> -> memref<8x128xf32, #tpu.memory_space<vmem>>
    tpu.enqueue_dma source(%dma_start3A_743 : memref<8x128xf32, #tpu.memory_space<vmem>>) target(%dma_start3A_739 : memref<8x128xf32, #tpu.memory_space<hbm>>) target_semaphore(%arg15 : memref<!tpu.dma_semaphore, #tpu.memory_space<semaphore_mem>>)
    %mul3A_744 = arith.constant 8 : i32
    %mul3A_745 = arith.muli %select_n3A_568, %mul3A_744 : i32
    %add3A_746 = arith.constant 1280 : i32
    %add3A_747 = arith.addi %mul3A_586, %add3A_746 : i32
    %dma_start3A_748 = arith.constant 10 : i32
    %dma_start3A_749 = arith.constant 0 : i32
    %dma_start3A_750 = arith.constant 0 : i32
    %dma_start3A_751 = tpu.memref_slice %arg11[%dma_start3A_748, %dma_start3A_749, %dma_start3A_750] : memref<16x8x128xf32, #tpu.memory_space<vmem>> -> memref<1x8x128xf32, #tpu.memory_space<vmem>>
    %dma_start3A_752 = tpu.memref_squeeze %dma_start3A_751 : memref<1x8x128xf32, #tpu.memory_space<vmem>> -> memref<8x128xf32, #tpu.memory_space<vmem>>
    %dma_start3A_753 = tpu.memref_slice %arg6[%mul3A_745, %add3A_747] : memref<224x16384xf32, #tpu.memory_space<hbm>> -> memref<8x128xf32, #tpu.memory_space<hbm>>
    %dma_start3A_754 = tpu.memref_slice %arg6[%mul3A_745, %add3A_747] : memref<224x16384xf32, #tpu.memory_space<hbm>> -> memref<8x128xf32, #tpu.memory_space<hbm>>
    %dma_start3A_755 = arith.constant 0 : i32
    %dma_start3A_756 = arith.constant 0 : i32
    %dma_start3A_757 = tpu.memref_slice %arg11[%dma_start3A_748, %dma_start3A_755, %dma_start3A_756] : memref<16x8x128xf32, #tpu.memory_space<vmem>> -> memref<1x8x128xf32, #tpu.memory_space<vmem>>
    %dma_start3A_758 = tpu.memref_squeeze %dma_start3A_757 : memref<1x8x128xf32, #tpu.memory_space<vmem>> -> memref<8x128xf32, #tpu.memory_space<vmem>>
    tpu.enqueue_dma source(%dma_start3A_758 : memref<8x128xf32, #tpu.memory_space<vmem>>) target(%dma_start3A_754 : memref<8x128xf32, #tpu.memory_space<hbm>>) target_semaphore(%arg15 : memref<!tpu.dma_semaphore, #tpu.memory_space<semaphore_mem>>)
    %mul3A_759 = arith.constant 8 : i32
    %mul3A_760 = arith.muli %select_n3A_568, %mul3A_759 : i32
    %add3A_761 = arith.constant 1408 : i32
    %add3A_762 = arith.addi %mul3A_586, %add3A_761 : i32
    %dma_start3A_763 = arith.constant 11 : i32
    %dma_start3A_764 = arith.constant 0 : i32
    %dma_start3A_765 = arith.constant 0 : i32
    %dma_start3A_766 = tpu.memref_slice %arg11[%dma_start3A_763, %dma_start3A_764, %dma_start3A_765] : memref<16x8x128xf32, #tpu.memory_space<vmem>> -> memref<1x8x128xf32, #tpu.memory_space<vmem>>
    %dma_start3A_767 = tpu.memref_squeeze %dma_start3A_766 : memref<1x8x128xf32, #tpu.memory_space<vmem>> -> memref<8x128xf32, #tpu.memory_space<vmem>>
    %dma_start3A_768 = tpu.memref_slice %arg6[%mul3A_760, %add3A_762] : memref<224x16384xf32, #tpu.memory_space<hbm>> -> memref<8x128xf32, #tpu.memory_space<hbm>>
    %dma_start3A_769 = tpu.memref_slice %arg6[%mul3A_760, %add3A_762] : memref<224x16384xf32, #tpu.memory_space<hbm>> -> memref<8x128xf32, #tpu.memory_space<hbm>>
    %dma_start3A_770 = arith.constant 0 : i32
    %dma_start3A_771 = arith.constant 0 : i32
    %dma_start3A_772 = tpu.memref_slice %arg11[%dma_start3A_763, %dma_start3A_770, %dma_start3A_771] : memref<16x8x128xf32, #tpu.memory_space<vmem>> -> memref<1x8x128xf32, #tpu.memory_space<vmem>>
    %dma_start3A_773 = tpu.memref_squeeze %dma_start3A_772 : memref<1x8x128xf32, #tpu.memory_space<vmem>> -> memref<8x128xf32, #tpu.memory_space<vmem>>
    tpu.enqueue_dma source(%dma_start3A_773 : memref<8x128xf32, #tpu.memory_space<vmem>>) target(%dma_start3A_769 : memref<8x128xf32, #tpu.memory_space<hbm>>) target_semaphore(%arg15 : memref<!tpu.dma_semaphore, #tpu.memory_space<semaphore_mem>>)
    %mul3A_774 = arith.constant 8 : i32
    %mul3A_775 = arith.muli %select_n3A_568, %mul3A_774 : i32
    %add3A_776 = arith.constant 1536 : i32
    %add3A_777 = arith.addi %mul3A_586, %add3A_776 : i32
    %dma_start3A_778 = arith.constant 12 : i32
    %dma_start3A_779 = arith.constant 0 : i32
    %dma_start3A_780 = arith.constant 0 : i32
    %dma_start3A_781 = tpu.memref_slice %arg11[%dma_start3A_778, %dma_start3A_779, %dma_start3A_780] : memref<16x8x128xf32, #tpu.memory_space<vmem>> -> memref<1x8x128xf32, #tpu.memory_space<vmem>>
    %dma_start3A_782 = tpu.memref_squeeze %dma_start3A_781 : memref<1x8x128xf32, #tpu.memory_space<vmem>> -> memref<8x128xf32, #tpu.memory_space<vmem>>
    %dma_start3A_783 = tpu.memref_slice %arg6[%mul3A_775, %add3A_777] : memref<224x16384xf32, #tpu.memory_space<hbm>> -> memref<8x128xf32, #tpu.memory_space<hbm>>
    %dma_start3A_784 = tpu.memref_slice %arg6[%mul3A_775, %add3A_777] : memref<224x16384xf32, #tpu.memory_space<hbm>> -> memref<8x128xf32, #tpu.memory_space<hbm>>
    %dma_start3A_785 = arith.constant 0 : i32
    %dma_start3A_786 = arith.constant 0 : i32
    %dma_start3A_787 = tpu.memref_slice %arg11[%dma_start3A_778, %dma_start3A_785, %dma_start3A_786] : memref<16x8x128xf32, #tpu.memory_space<vmem>> -> memref<1x8x128xf32, #tpu.memory_space<vmem>>
    %dma_start3A_788 = tpu.memref_squeeze %dma_start3A_787 : memref<1x8x128xf32, #tpu.memory_space<vmem>> -> memref<8x128xf32, #tpu.memory_space<vmem>>
    tpu.enqueue_dma source(%dma_start3A_788 : memref<8x128xf32, #tpu.memory_space<vmem>>) target(%dma_start3A_784 : memref<8x128xf32, #tpu.memory_space<hbm>>) target_semaphore(%arg15 : memref<!tpu.dma_semaphore, #tpu.memory_space<semaphore_mem>>)
    %mul3A_789 = arith.constant 8 : i32
    %mul3A_790 = arith.muli %select_n3A_568, %mul3A_789 : i32
    %add3A_791 = arith.constant 1664 : i32
    %add3A_792 = arith.addi %mul3A_586, %add3A_791 : i32
    %dma_start3A_793 = arith.constant 13 : i32
    %dma_start3A_794 = arith.constant 0 : i32
    %dma_start3A_795 = arith.constant 0 : i32
    %dma_start3A_796 = tpu.memref_slice %arg11[%dma_start3A_793, %dma_start3A_794, %dma_start3A_795] : memref<16x8x128xf32, #tpu.memory_space<vmem>> -> memref<1x8x128xf32, #tpu.memory_space<vmem>>
    %dma_start3A_797 = tpu.memref_squeeze %dma_start3A_796 : memref<1x8x128xf32, #tpu.memory_space<vmem>> -> memref<8x128xf32, #tpu.memory_space<vmem>>
    %dma_start3A_798 = tpu.memref_slice %arg6[%mul3A_790, %add3A_792] : memref<224x16384xf32, #tpu.memory_space<hbm>> -> memref<8x128xf32, #tpu.memory_space<hbm>>
    %dma_start3A_799 = tpu.memref_slice %arg6[%mul3A_790, %add3A_792] : memref<224x16384xf32, #tpu.memory_space<hbm>> -> memref<8x128xf32, #tpu.memory_space<hbm>>
    %dma_start3A_800 = arith.constant 0 : i32
    %dma_start3A_801 = arith.constant 0 : i32
    %dma_start3A_802 = tpu.memref_slice %arg11[%dma_start3A_793, %dma_start3A_800, %dma_start3A_801] : memref<16x8x128xf32, #tpu.memory_space<vmem>> -> memref<1x8x128xf32, #tpu.memory_space<vmem>>
    %dma_start3A_803 = tpu.memref_squeeze %dma_start3A_802 : memref<1x8x128xf32, #tpu.memory_space<vmem>> -> memref<8x128xf32, #tpu.memory_space<vmem>>
    tpu.enqueue_dma source(%dma_start3A_803 : memref<8x128xf32, #tpu.memory_space<vmem>>) target(%dma_start3A_799 : memref<8x128xf32, #tpu.memory_space<hbm>>) target_semaphore(%arg15 : memref<!tpu.dma_semaphore, #tpu.memory_space<semaphore_mem>>)
    %mul3A_804 = arith.constant 8 : i32
    %mul3A_805 = arith.muli %select_n3A_568, %mul3A_804 : i32
    %add3A_806 = arith.constant 1792 : i32
    %add3A_807 = arith.addi %mul3A_586, %add3A_806 : i32
    %dma_start3A_808 = arith.constant 14 : i32
    %dma_start3A_809 = arith.constant 0 : i32
    %dma_start3A_810 = arith.constant 0 : i32
    %dma_start3A_811 = tpu.memref_slice %arg11[%dma_start3A_808, %dma_start3A_809, %dma_start3A_810] : memref<16x8x128xf32, #tpu.memory_space<vmem>> -> memref<1x8x128xf32, #tpu.memory_space<vmem>>
    %dma_start3A_812 = tpu.memref_squeeze %dma_start3A_811 : memref<1x8x128xf32, #tpu.memory_space<vmem>> -> memref<8x128xf32, #tpu.memory_space<vmem>>
    %dma_start3A_813 = tpu.memref_slice %arg6[%mul3A_805, %add3A_807] : memref<224x16384xf32, #tpu.memory_space<hbm>> -> memref<8x128xf32, #tpu.memory_space<hbm>>
    %dma_start3A_814 = tpu.memref_slice %arg6[%mul3A_805, %add3A_807] : memref<224x16384xf32, #tpu.memory_space<hbm>> -> memref<8x128xf32, #tpu.memory_space<hbm>>
    %dma_start3A_815 = arith.constant 0 : i32
    %dma_start3A_816 = arith.constant 0 : i32
    %dma_start3A_817 = tpu.memref_slice %arg11[%dma_start3A_808, %dma_start3A_815, %dma_start3A_816] : memref<16x8x128xf32, #tpu.memory_space<vmem>> -> memref<1x8x128xf32, #tpu.memory_space<vmem>>
    %dma_start3A_818 = tpu.memref_squeeze %dma_start3A_817 : memref<1x8x128xf32, #tpu.memory_space<vmem>> -> memref<8x128xf32, #tpu.memory_space<vmem>>
    tpu.enqueue_dma source(%dma_start3A_818 : memref<8x128xf32, #tpu.memory_space<vmem>>) target(%dma_start3A_814 : memref<8x128xf32, #tpu.memory_space<hbm>>) target_semaphore(%arg15 : memref<!tpu.dma_semaphore, #tpu.memory_space<semaphore_mem>>)
    %mul3A_819 = arith.constant 8 : i32
    %mul3A_820 = arith.muli %select_n3A_568, %mul3A_819 : i32
    %add3A_821 = arith.constant 1920 : i32
    %add3A_822 = arith.addi %mul3A_586, %add3A_821 : i32
    %dma_start3A_823 = arith.constant 15 : i32
    %dma_start3A_824 = arith.constant 0 : i32
    %dma_start3A_825 = arith.constant 0 : i32
    %dma_start3A_826 = tpu.memref_slice %arg11[%dma_start3A_823, %dma_start3A_824, %dma_start3A_825] : memref<16x8x128xf32, #tpu.memory_space<vmem>> -> memref<1x8x128xf32, #tpu.memory_space<vmem>>
    %dma_start3A_827 = tpu.memref_squeeze %dma_start3A_826 : memref<1x8x128xf32, #tpu.memory_space<vmem>> -> memref<8x128xf32, #tpu.memory_space<vmem>>
    %dma_start3A_828 = tpu.memref_slice %arg6[%mul3A_820, %add3A_822] : memref<224x16384xf32, #tpu.memory_space<hbm>> -> memref<8x128xf32, #tpu.memory_space<hbm>>
    %dma_start3A_829 = tpu.memref_slice %arg6[%mul3A_820, %add3A_822] : memref<224x16384xf32, #tpu.memory_space<hbm>> -> memref<8x128xf32, #tpu.memory_space<hbm>>
    %dma_start3A_830 = arith.constant 0 : i32
    %dma_start3A_831 = arith.constant 0 : i32
    %dma_start3A_832 = tpu.memref_slice %arg11[%dma_start3A_823, %dma_start3A_830, %dma_start3A_831] : memref<16x8x128xf32, #tpu.memory_space<vmem>> -> memref<1x8x128xf32, #tpu.memory_space<vmem>>
    %dma_start3A_833 = tpu.memref_squeeze %dma_start3A_832 : memref<1x8x128xf32, #tpu.memory_space<vmem>> -> memref<8x128xf32, #tpu.memory_space<vmem>>
    tpu.enqueue_dma source(%dma_start3A_833 : memref<8x128xf32, #tpu.memory_space<vmem>>) target(%dma_start3A_829 : memref<8x128xf32, #tpu.memory_space<hbm>>) target_semaphore(%arg15 : memref<!tpu.dma_semaphore, #tpu.memory_space<semaphore_mem>>)
    %dma_wait3A_834 = arith.constant 0 : i32
    %dma_wait3A_835 = arith.constant 0 : i32
    %dma_wait3A_836 = arith.constant 0 : i32
    %dma_wait3A_837 = tpu.memref_slice %arg11[%dma_wait3A_834, %dma_wait3A_835, %dma_wait3A_836] : memref<16x8x128xf32, #tpu.memory_space<vmem>> -> memref<1x8x128xf32, #tpu.memory_space<vmem>>
    %dma_wait3A_838 = tpu.memref_squeeze %dma_wait3A_837 : memref<1x8x128xf32, #tpu.memory_space<vmem>> -> memref<8x128xf32, #tpu.memory_space<vmem>>
    %dma_wait3A_839 = arith.constant 0 : i32
    %dma_wait3A_840 = arith.constant 0 : i32
    %dma_wait3A_841 = tpu.memref_slice %arg6[%dma_wait3A_839, %dma_wait3A_840] : memref<224x16384xf32, #tpu.memory_space<hbm>> -> memref<8x128xf32, #tpu.memory_space<hbm>>
    %dma_wait3A_842 = arith.constant 0 : i32
    %dma_wait3A_843 = arith.constant 0 : i32
    %dma_wait3A_844 = tpu.memref_slice %arg6[%dma_wait3A_842, %dma_wait3A_843] : memref<224x16384xf32, #tpu.memory_space<hbm>> -> memref<8x128xf32, #tpu.memory_space<hbm>>
    %dma_wait3A_845 = arith.constant 0 : i32
    %dma_wait3A_846 = arith.constant 0 : i32
    %dma_wait3A_847 = tpu.memref_slice %arg11[%dma_wait3A_834, %dma_wait3A_845, %dma_wait3A_846] : memref<16x8x128xf32, #tpu.memory_space<vmem>> -> memref<1x8x128xf32, #tpu.memory_space<vmem>>
    %dma_wait3A_848 = tpu.memref_squeeze %dma_wait3A_847 : memref<1x8x128xf32, #tpu.memory_space<vmem>> -> memref<8x128xf32, #tpu.memory_space<vmem>>
    tpu.wait_dma2 semaphore(%arg15 : memref<!tpu.dma_semaphore, #tpu.memory_space<semaphore_mem>>) src(%dma_wait3A_848 : memref<8x128xf32, #tpu.memory_space<vmem>>) dst(%dma_wait3A_844 : memref<8x128xf32, #tpu.memory_space<hbm>>)
    %dma_wait3A_849 = arith.constant 1 : i32
    %dma_wait3A_850 = arith.constant 0 : i32
    %dma_wait3A_851 = arith.constant 0 : i32
    %dma_wait3A_852 = tpu.memref_slice %arg11[%dma_wait3A_849, %dma_wait3A_850, %dma_wait3A_851] : memref<16x8x128xf32, #tpu.memory_space<vmem>> -> memref<1x8x128xf32, #tpu.memory_space<vmem>>
    %dma_wait3A_853 = tpu.memref_squeeze %dma_wait3A_852 : memref<1x8x128xf32, #tpu.memory_space<vmem>> -> memref<8x128xf32, #tpu.memory_space<vmem>>
    %dma_wait3A_854 = arith.constant 0 : i32
    %dma_wait3A_855 = arith.constant 128 : i32
    %dma_wait3A_856 = tpu.memref_slice %arg6[%dma_wait3A_854, %dma_wait3A_855] : memref<224x16384xf32, #tpu.memory_space<hbm>> -> memref<8x128xf32, #tpu.memory_space<hbm>>
    %dma_wait3A_857 = arith.constant 0 : i32
    %dma_wait3A_858 = arith.constant 128 : i32
    %dma_wait3A_859 = tpu.memref_slice %arg6[%dma_wait3A_857, %dma_wait3A_858] : memref<224x16384xf32, #tpu.memory_space<hbm>> -> memref<8x128xf32, #tpu.memory_space<hbm>>
    %dma_wait3A_860 = arith.constant 0 : i32
    %dma_wait3A_861 = arith.constant 0 : i32
    %dma_wait3A_862 = tpu.memref_slice %arg11[%dma_wait3A_849, %dma_wait3A_860, %dma_wait3A_861] : memref<16x8x128xf32, #tpu.memory_space<vmem>> -> memref<1x8x128xf32, #tpu.memory_space<vmem>>
    %dma_wait3A_863 = tpu.memref_squeeze %dma_wait3A_862 : memref<1x8x128xf32, #tpu.memory_space<vmem>> -> memref<8x128xf32, #tpu.memory_space<vmem>>
    tpu.wait_dma2 semaphore(%arg15 : memref<!tpu.dma_semaphore, #tpu.memory_space<semaphore_mem>>) src(%dma_wait3A_863 : memref<8x128xf32, #tpu.memory_space<vmem>>) dst(%dma_wait3A_859 : memref<8x128xf32, #tpu.memory_space<hbm>>)
    %dma_wait3A_864 = arith.constant 2 : i32
    %dma_wait3A_865 = arith.constant 0 : i32
    %dma_wait3A_866 = arith.constant 0 : i32
    %dma_wait3A_867 = tpu.memref_slice %arg11[%dma_wait3A_864, %dma_wait3A_865, %dma_wait3A_866] : memref<16x8x128xf32, #tpu.memory_space<vmem>> -> memref<1x8x128xf32, #tpu.memory_space<vmem>>
    %dma_wait3A_868 = tpu.memref_squeeze %dma_wait3A_867 : memref<1x8x128xf32, #tpu.memory_space<vmem>> -> memref<8x128xf32, #tpu.memory_space<vmem>>
    %dma_wait3A_869 = arith.constant 0 : i32
    %dma_wait3A_870 = arith.constant 256 : i32
    %dma_wait3A_871 = tpu.memref_slice %arg6[%dma_wait3A_869, %dma_wait3A_870] : memref<224x16384xf32, #tpu.memory_space<hbm>> -> memref<8x128xf32, #tpu.memory_space<hbm>>
    %dma_wait3A_872 = arith.constant 0 : i32
    %dma_wait3A_873 = arith.constant 256 : i32
    %dma_wait3A_874 = tpu.memref_slice %arg6[%dma_wait3A_872, %dma_wait3A_873] : memref<224x16384xf32, #tpu.memory_space<hbm>> -> memref<8x128xf32, #tpu.memory_space<hbm>>
    %dma_wait3A_875 = arith.constant 0 : i32
    %dma_wait3A_876 = arith.constant 0 : i32
    %dma_wait3A_877 = tpu.memref_slice %arg11[%dma_wait3A_864, %dma_wait3A_875, %dma_wait3A_876] : memref<16x8x128xf32, #tpu.memory_space<vmem>> -> memref<1x8x128xf32, #tpu.memory_space<vmem>>
    %dma_wait3A_878 = tpu.memref_squeeze %dma_wait3A_877 : memref<1x8x128xf32, #tpu.memory_space<vmem>> -> memref<8x128xf32, #tpu.memory_space<vmem>>
    tpu.wait_dma2 semaphore(%arg15 : memref<!tpu.dma_semaphore, #tpu.memory_space<semaphore_mem>>) src(%dma_wait3A_878 : memref<8x128xf32, #tpu.memory_space<vmem>>) dst(%dma_wait3A_874 : memref<8x128xf32, #tpu.memory_space<hbm>>)
    %dma_wait3A_879 = arith.constant 3 : i32
    %dma_wait3A_880 = arith.constant 0 : i32
    %dma_wait3A_881 = arith.constant 0 : i32
    %dma_wait3A_882 = tpu.memref_slice %arg11[%dma_wait3A_879, %dma_wait3A_880, %dma_wait3A_881] : memref<16x8x128xf32, #tpu.memory_space<vmem>> -> memref<1x8x128xf32, #tpu.memory_space<vmem>>
    %dma_wait3A_883 = tpu.memref_squeeze %dma_wait3A_882 : memref<1x8x128xf32, #tpu.memory_space<vmem>> -> memref<8x128xf32, #tpu.memory_space<vmem>>
    %dma_wait3A_884 = arith.constant 0 : i32
    %dma_wait3A_885 = arith.constant 384 : i32
    %dma_wait3A_886 = tpu.memref_slice %arg6[%dma_wait3A_884, %dma_wait3A_885] : memref<224x16384xf32, #tpu.memory_space<hbm>> -> memref<8x128xf32, #tpu.memory_space<hbm>>
    %dma_wait3A_887 = arith.constant 0 : i32
    %dma_wait3A_888 = arith.constant 384 : i32
    %dma_wait3A_889 = tpu.memref_slice %arg6[%dma_wait3A_887, %dma_wait3A_888] : memref<224x16384xf32, #tpu.memory_space<hbm>> -> memref<8x128xf32, #tpu.memory_space<hbm>>
    %dma_wait3A_890 = arith.constant 0 : i32
    %dma_wait3A_891 = arith.constant 0 : i32
    %dma_wait3A_892 = tpu.memref_slice %arg11[%dma_wait3A_879, %dma_wait3A_890, %dma_wait3A_891] : memref<16x8x128xf32, #tpu.memory_space<vmem>> -> memref<1x8x128xf32, #tpu.memory_space<vmem>>
    %dma_wait3A_893 = tpu.memref_squeeze %dma_wait3A_892 : memref<1x8x128xf32, #tpu.memory_space<vmem>> -> memref<8x128xf32, #tpu.memory_space<vmem>>
    tpu.wait_dma2 semaphore(%arg15 : memref<!tpu.dma_semaphore, #tpu.memory_space<semaphore_mem>>) src(%dma_wait3A_893 : memref<8x128xf32, #tpu.memory_space<vmem>>) dst(%dma_wait3A_889 : memref<8x128xf32, #tpu.memory_space<hbm>>)
    %dma_wait3A_894 = arith.constant 4 : i32
    %dma_wait3A_895 = arith.constant 0 : i32
    %dma_wait3A_896 = arith.constant 0 : i32
    %dma_wait3A_897 = tpu.memref_slice %arg11[%dma_wait3A_894, %dma_wait3A_895, %dma_wait3A_896] : memref<16x8x128xf32, #tpu.memory_space<vmem>> -> memref<1x8x128xf32, #tpu.memory_space<vmem>>
    %dma_wait3A_898 = tpu.memref_squeeze %dma_wait3A_897 : memref<1x8x128xf32, #tpu.memory_space<vmem>> -> memref<8x128xf32, #tpu.memory_space<vmem>>
    %dma_wait3A_899 = arith.constant 0 : i32
    %dma_wait3A_900 = arith.constant 512 : i32
    %dma_wait3A_901 = tpu.memref_slice %arg6[%dma_wait3A_899, %dma_wait3A_900] : memref<224x16384xf32, #tpu.memory_space<hbm>> -> memref<8x128xf32, #tpu.memory_space<hbm>>
    %dma_wait3A_902 = arith.constant 0 : i32
    %dma_wait3A_903 = arith.constant 512 : i32
    %dma_wait3A_904 = tpu.memref_slice %arg6[%dma_wait3A_902, %dma_wait3A_903] : memref<224x16384xf32, #tpu.memory_space<hbm>> -> memref<8x128xf32, #tpu.memory_space<hbm>>
    %dma_wait3A_905 = arith.constant 0 : i32
    %dma_wait3A_906 = arith.constant 0 : i32
    %dma_wait3A_907 = tpu.memref_slice %arg11[%dma_wait3A_894, %dma_wait3A_905, %dma_wait3A_906] : memref<16x8x128xf32, #tpu.memory_space<vmem>> -> memref<1x8x128xf32, #tpu.memory_space<vmem>>
    %dma_wait3A_908 = tpu.memref_squeeze %dma_wait3A_907 : memref<1x8x128xf32, #tpu.memory_space<vmem>> -> memref<8x128xf32, #tpu.memory_space<vmem>>
    tpu.wait_dma2 semaphore(%arg15 : memref<!tpu.dma_semaphore, #tpu.memory_space<semaphore_mem>>) src(%dma_wait3A_908 : memref<8x128xf32, #tpu.memory_space<vmem>>) dst(%dma_wait3A_904 : memref<8x128xf32, #tpu.memory_space<hbm>>)
    %dma_wait3A_909 = arith.constant 5 : i32
    %dma_wait3A_910 = arith.constant 0 : i32
    %dma_wait3A_911 = arith.constant 0 : i32
    %dma_wait3A_912 = tpu.memref_slice %arg11[%dma_wait3A_909, %dma_wait3A_910, %dma_wait3A_911] : memref<16x8x128xf32, #tpu.memory_space<vmem>> -> memref<1x8x128xf32, #tpu.memory_space<vmem>>
    %dma_wait3A_913 = tpu.memref_squeeze %dma_wait3A_912 : memref<1x8x128xf32, #tpu.memory_space<vmem>> -> memref<8x128xf32, #tpu.memory_space<vmem>>
    %dma_wait3A_914 = arith.constant 0 : i32
    %dma_wait3A_915 = arith.constant 640 : i32
    %dma_wait3A_916 = tpu.memref_slice %arg6[%dma_wait3A_914, %dma_wait3A_915] : memref<224x16384xf32, #tpu.memory_space<hbm>> -> memref<8x128xf32, #tpu.memory_space<hbm>>
    %dma_wait3A_917 = arith.constant 0 : i32
    %dma_wait3A_918 = arith.constant 640 : i32
    %dma_wait3A_919 = tpu.memref_slice %arg6[%dma_wait3A_917, %dma_wait3A_918] : memref<224x16384xf32, #tpu.memory_space<hbm>> -> memref<8x128xf32, #tpu.memory_space<hbm>>
    %dma_wait3A_920 = arith.constant 0 : i32
    %dma_wait3A_921 = arith.constant 0 : i32
    %dma_wait3A_922 = tpu.memref_slice %arg11[%dma_wait3A_909, %dma_wait3A_920, %dma_wait3A_921] : memref<16x8x128xf32, #tpu.memory_space<vmem>> -> memref<1x8x128xf32, #tpu.memory_space<vmem>>
    %dma_wait3A_923 = tpu.memref_squeeze %dma_wait3A_922 : memref<1x8x128xf32, #tpu.memory_space<vmem>> -> memref<8x128xf32, #tpu.memory_space<vmem>>
    tpu.wait_dma2 semaphore(%arg15 : memref<!tpu.dma_semaphore, #tpu.memory_space<semaphore_mem>>) src(%dma_wait3A_923 : memref<8x128xf32, #tpu.memory_space<vmem>>) dst(%dma_wait3A_919 : memref<8x128xf32, #tpu.memory_space<hbm>>)
    %dma_wait3A_924 = arith.constant 6 : i32
    %dma_wait3A_925 = arith.constant 0 : i32
    %dma_wait3A_926 = arith.constant 0 : i32
    %dma_wait3A_927 = tpu.memref_slice %arg11[%dma_wait3A_924, %dma_wait3A_925, %dma_wait3A_926] : memref<16x8x128xf32, #tpu.memory_space<vmem>> -> memref<1x8x128xf32, #tpu.memory_space<vmem>>
    %dma_wait3A_928 = tpu.memref_squeeze %dma_wait3A_927 : memref<1x8x128xf32, #tpu.memory_space<vmem>> -> memref<8x128xf32, #tpu.memory_space<vmem>>
    %dma_wait3A_929 = arith.constant 0 : i32
    %dma_wait3A_930 = arith.constant 768 : i32
    %dma_wait3A_931 = tpu.memref_slice %arg6[%dma_wait3A_929, %dma_wait3A_930] : memref<224x16384xf32, #tpu.memory_space<hbm>> -> memref<8x128xf32, #tpu.memory_space<hbm>>
    %dma_wait3A_932 = arith.constant 0 : i32
    %dma_wait3A_933 = arith.constant 768 : i32
    %dma_wait3A_934 = tpu.memref_slice %arg6[%dma_wait3A_932, %dma_wait3A_933] : memref<224x16384xf32, #tpu.memory_space<hbm>> -> memref<8x128xf32, #tpu.memory_space<hbm>>
    %dma_wait3A_935 = arith.constant 0 : i32
    %dma_wait3A_936 = arith.constant 0 : i32
    %dma_wait3A_937 = tpu.memref_slice %arg11[%dma_wait3A_924, %dma_wait3A_935, %dma_wait3A_936] : memref<16x8x128xf32, #tpu.memory_space<vmem>> -> memref<1x8x128xf32, #tpu.memory_space<vmem>>
    %dma_wait3A_938 = tpu.memref_squeeze %dma_wait3A_937 : memref<1x8x128xf32, #tpu.memory_space<vmem>> -> memref<8x128xf32, #tpu.memory_space<vmem>>
    tpu.wait_dma2 semaphore(%arg15 : memref<!tpu.dma_semaphore, #tpu.memory_space<semaphore_mem>>) src(%dma_wait3A_938 : memref<8x128xf32, #tpu.memory_space<vmem>>) dst(%dma_wait3A_934 : memref<8x128xf32, #tpu.memory_space<hbm>>)
    %dma_wait3A_939 = arith.constant 7 : i32
    %dma_wait3A_940 = arith.constant 0 : i32
    %dma_wait3A_941 = arith.constant 0 : i32
    %dma_wait3A_942 = tpu.memref_slice %arg11[%dma_wait3A_939, %dma_wait3A_940, %dma_wait3A_941] : memref<16x8x128xf32, #tpu.memory_space<vmem>> -> memref<1x8x128xf32, #tpu.memory_space<vmem>>
    %dma_wait3A_943 = tpu.memref_squeeze %dma_wait3A_942 : memref<1x8x128xf32, #tpu.memory_space<vmem>> -> memref<8x128xf32, #tpu.memory_space<vmem>>
    %dma_wait3A_944 = arith.constant 0 : i32
    %dma_wait3A_945 = arith.constant 896 : i32
    %dma_wait3A_946 = tpu.memref_slice %arg6[%dma_wait3A_944, %dma_wait3A_945] : memref<224x16384xf32, #tpu.memory_space<hbm>> -> memref<8x128xf32, #tpu.memory_space<hbm>>
    %dma_wait3A_947 = arith.constant 0 : i32
    %dma_wait3A_948 = arith.constant 896 : i32
    %dma_wait3A_949 = tpu.memref_slice %arg6[%dma_wait3A_947, %dma_wait3A_948] : memref<224x16384xf32, #tpu.memory_space<hbm>> -> memref<8x128xf32, #tpu.memory_space<hbm>>
    %dma_wait3A_950 = arith.constant 0 : i32
    %dma_wait3A_951 = arith.constant 0 : i32
    %dma_wait3A_952 = tpu.memref_slice %arg11[%dma_wait3A_939, %dma_wait3A_950, %dma_wait3A_951] : memref<16x8x128xf32, #tpu.memory_space<vmem>> -> memref<1x8x128xf32, #tpu.memory_space<vmem>>
    %dma_wait3A_953 = tpu.memref_squeeze %dma_wait3A_952 : memref<1x8x128xf32, #tpu.memory_space<vmem>> -> memref<8x128xf32, #tpu.memory_space<vmem>>
    tpu.wait_dma2 semaphore(%arg15 : memref<!tpu.dma_semaphore, #tpu.memory_space<semaphore_mem>>) src(%dma_wait3A_953 : memref<8x128xf32, #tpu.memory_space<vmem>>) dst(%dma_wait3A_949 : memref<8x128xf32, #tpu.memory_space<hbm>>)
    %dma_wait3A_954 = arith.constant 8 : i32
    %dma_wait3A_955 = arith.constant 0 : i32
    %dma_wait3A_956 = arith.constant 0 : i32
    %dma_wait3A_957 = tpu.memref_slice %arg11[%dma_wait3A_954, %dma_wait3A_955, %dma_wait3A_956] : memref<16x8x128xf32, #tpu.memory_space<vmem>> -> memref<1x8x128xf32, #tpu.memory_space<vmem>>
    %dma_wait3A_958 = tpu.memref_squeeze %dma_wait3A_957 : memref<1x8x128xf32, #tpu.memory_space<vmem>> -> memref<8x128xf32, #tpu.memory_space<vmem>>
    %dma_wait3A_959 = arith.constant 0 : i32
    %dma_wait3A_960 = arith.constant 1024 : i32
    %dma_wait3A_961 = tpu.memref_slice %arg6[%dma_wait3A_959, %dma_wait3A_960] : memref<224x16384xf32, #tpu.memory_space<hbm>> -> memref<8x128xf32, #tpu.memory_space<hbm>>
    %dma_wait3A_962 = arith.constant 0 : i32
    %dma_wait3A_963 = arith.constant 1024 : i32
    %dma_wait3A_964 = tpu.memref_slice %arg6[%dma_wait3A_962, %dma_wait3A_963] : memref<224x16384xf32, #tpu.memory_space<hbm>> -> memref<8x128xf32, #tpu.memory_space<hbm>>
    %dma_wait3A_965 = arith.constant 0 : i32
    %dma_wait3A_966 = arith.constant 0 : i32
    %dma_wait3A_967 = tpu.memref_slice %arg11[%dma_wait3A_954, %dma_wait3A_965, %dma_wait3A_966] : memref<16x8x128xf32, #tpu.memory_space<vmem>> -> memref<1x8x128xf32, #tpu.memory_space<vmem>>
    %dma_wait3A_968 = tpu.memref_squeeze %dma_wait3A_967 : memref<1x8x128xf32, #tpu.memory_space<vmem>> -> memref<8x128xf32, #tpu.memory_space<vmem>>
    tpu.wait_dma2 semaphore(%arg15 : memref<!tpu.dma_semaphore, #tpu.memory_space<semaphore_mem>>) src(%dma_wait3A_968 : memref<8x128xf32, #tpu.memory_space<vmem>>) dst(%dma_wait3A_964 : memref<8x128xf32, #tpu.memory_space<hbm>>)
    %dma_wait3A_969 = arith.constant 9 : i32
    %dma_wait3A_970 = arith.constant 0 : i32
    %dma_wait3A_971 = arith.constant 0 : i32
    %dma_wait3A_972 = tpu.memref_slice %arg11[%dma_wait3A_969, %dma_wait3A_970, %dma_wait3A_971] : memref<16x8x128xf32, #tpu.memory_space<vmem>> -> memref<1x8x128xf32, #tpu.memory_space<vmem>>
    %dma_wait3A_973 = tpu.memref_squeeze %dma_wait3A_972 : memref<1x8x128xf32, #tpu.memory_space<vmem>> -> memref<8x128xf32, #tpu.memory_space<vmem>>
    %dma_wait3A_974 = arith.constant 0 : i32
    %dma_wait3A_975 = arith.constant 1152 : i32
    %dma_wait3A_976 = tpu.memref_slice %arg6[%dma_wait3A_974, %dma_wait3A_975] : memref<224x16384xf32, #tpu.memory_space<hbm>> -> memref<8x128xf32, #tpu.memory_space<hbm>>
    %dma_wait3A_977 = arith.constant 0 : i32
    %dma_wait3A_978 = arith.constant 1152 : i32
    %dma_wait3A_979 = tpu.memref_slice %arg6[%dma_wait3A_977, %dma_wait3A_978] : memref<224x16384xf32, #tpu.memory_space<hbm>> -> memref<8x128xf32, #tpu.memory_space<hbm>>
    %dma_wait3A_980 = arith.constant 0 : i32
    %dma_wait3A_981 = arith.constant 0 : i32
    %dma_wait3A_982 = tpu.memref_slice %arg11[%dma_wait3A_969, %dma_wait3A_980, %dma_wait3A_981] : memref<16x8x128xf32, #tpu.memory_space<vmem>> -> memref<1x8x128xf32, #tpu.memory_space<vmem>>
    %dma_wait3A_983 = tpu.memref_squeeze %dma_wait3A_982 : memref<1x8x128xf32, #tpu.memory_space<vmem>> -> memref<8x128xf32, #tpu.memory_space<vmem>>
    tpu.wait_dma2 semaphore(%arg15 : memref<!tpu.dma_semaphore, #tpu.memory_space<semaphore_mem>>) src(%dma_wait3A_983 : memref<8x128xf32, #tpu.memory_space<vmem>>) dst(%dma_wait3A_979 : memref<8x128xf32, #tpu.memory_space<hbm>>)
    %dma_wait3A_984 = arith.constant 10 : i32
    %dma_wait3A_985 = arith.constant 0 : i32
    %dma_wait3A_986 = arith.constant 0 : i32
    %dma_wait3A_987 = tpu.memref_slice %arg11[%dma_wait3A_984, %dma_wait3A_985, %dma_wait3A_986] : memref<16x8x128xf32, #tpu.memory_space<vmem>> -> memref<1x8x128xf32, #tpu.memory_space<vmem>>
    %dma_wait3A_988 = tpu.memref_squeeze %dma_wait3A_987 : memref<1x8x128xf32, #tpu.memory_space<vmem>> -> memref<8x128xf32, #tpu.memory_space<vmem>>
    %dma_wait3A_989 = arith.constant 0 : i32
    %dma_wait3A_990 = arith.constant 1280 : i32
    %dma_wait3A_991 = tpu.memref_slice %arg6[%dma_wait3A_989, %dma_wait3A_990] : memref<224x16384xf32, #tpu.memory_space<hbm>> -> memref<8x128xf32, #tpu.memory_space<hbm>>
    %dma_wait3A_992 = arith.constant 0 : i32
    %dma_wait3A_993 = arith.constant 1280 : i32
    %dma_wait3A_994 = tpu.memref_slice %arg6[%dma_wait3A_992, %dma_wait3A_993] : memref<224x16384xf32, #tpu.memory_space<hbm>> -> memref<8x128xf32, #tpu.memory_space<hbm>>
    %dma_wait3A_995 = arith.constant 0 : i32
    %dma_wait3A_996 = arith.constant 0 : i32
    %dma_wait3A_997 = tpu.memref_slice %arg11[%dma_wait3A_984, %dma_wait3A_995, %dma_wait3A_996] : memref<16x8x128xf32, #tpu.memory_space<vmem>> -> memref<1x8x128xf32, #tpu.memory_space<vmem>>
    %dma_wait3A_998 = tpu.memref_squeeze %dma_wait3A_997 : memref<1x8x128xf32, #tpu.memory_space<vmem>> -> memref<8x128xf32, #tpu.memory_space<vmem>>
    tpu.wait_dma2 semaphore(%arg15 : memref<!tpu.dma_semaphore, #tpu.memory_space<semaphore_mem>>) src(%dma_wait3A_998 : memref<8x128xf32, #tpu.memory_space<vmem>>) dst(%dma_wait3A_994 : memref<8x128xf32, #tpu.memory_space<hbm>>)
    %dma_wait3A_999 = arith.constant 11 : i32
    %dma_wait3A_1000 = arith.constant 0 : i32
    %dma_wait3A_1001 = arith.constant 0 : i32
    %dma_wait3A_1002 = tpu.memref_slice %arg11[%dma_wait3A_999, %dma_wait3A_1000, %dma_wait3A_1001] : memref<16x8x128xf32, #tpu.memory_space<vmem>> -> memref<1x8x128xf32, #tpu.memory_space<vmem>>
    %dma_wait3A_1003 = tpu.memref_squeeze %dma_wait3A_1002 : memref<1x8x128xf32, #tpu.memory_space<vmem>> -> memref<8x128xf32, #tpu.memory_space<vmem>>
    %dma_wait3A_1004 = arith.constant 0 : i32
    %dma_wait3A_1005 = arith.constant 1408 : i32
    %dma_wait3A_1006 = tpu.memref_slice %arg6[%dma_wait3A_1004, %dma_wait3A_1005] : memref<224x16384xf32, #tpu.memory_space<hbm>> -> memref<8x128xf32, #tpu.memory_space<hbm>>
    %dma_wait3A_1007 = arith.constant 0 : i32
    %dma_wait3A_1008 = arith.constant 1408 : i32
    %dma_wait3A_1009 = tpu.memref_slice %arg6[%dma_wait3A_1007, %dma_wait3A_1008] : memref<224x16384xf32, #tpu.memory_space<hbm>> -> memref<8x128xf32, #tpu.memory_space<hbm>>
    %dma_wait3A_1010 = arith.constant 0 : i32
    %dma_wait3A_1011 = arith.constant 0 : i32
    %dma_wait3A_1012 = tpu.memref_slice %arg11[%dma_wait3A_999, %dma_wait3A_1010, %dma_wait3A_1011] : memref<16x8x128xf32, #tpu.memory_space<vmem>> -> memref<1x8x128xf32, #tpu.memory_space<vmem>>
    %dma_wait3A_1013 = tpu.memref_squeeze %dma_wait3A_1012 : memref<1x8x128xf32, #tpu.memory_space<vmem>> -> memref<8x128xf32, #tpu.memory_space<vmem>>
    tpu.wait_dma2 semaphore(%arg15 : memref<!tpu.dma_semaphore, #tpu.memory_space<semaphore_mem>>) src(%dma_wait3A_1013 : memref<8x128xf32, #tpu.memory_space<vmem>>) dst(%dma_wait3A_1009 : memref<8x128xf32, #tpu.memory_space<hbm>>)
    %dma_wait3A_1014 = arith.constant 12 : i32
    %dma_wait3A_1015 = arith.constant 0 : i32
    %dma_wait3A_1016 = arith.constant 0 : i32
    %dma_wait3A_1017 = tpu.memref_slice %arg11[%dma_wait3A_1014, %dma_wait3A_1015, %dma_wait3A_1016] : memref<16x8x128xf32, #tpu.memory_space<vmem>> -> memref<1x8x128xf32, #tpu.memory_space<vmem>>
    %dma_wait3A_1018 = tpu.memref_squeeze %dma_wait3A_1017 : memref<1x8x128xf32, #tpu.memory_space<vmem>> -> memref<8x128xf32, #tpu.memory_space<vmem>>
    %dma_wait3A_1019 = arith.constant 0 : i32
    %dma_wait3A_1020 = arith.constant 1536 : i32
    %dma_wait3A_1021 = tpu.memref_slice %arg6[%dma_wait3A_1019, %dma_wait3A_1020] : memref<224x16384xf32, #tpu.memory_space<hbm>> -> memref<8x128xf32, #tpu.memory_space<hbm>>
    %dma_wait3A_1022 = arith.constant 0 : i32
    %dma_wait3A_1023 = arith.constant 1536 : i32
    %dma_wait3A_1024 = tpu.memref_slice %arg6[%dma_wait3A_1022, %dma_wait3A_1023] : memref<224x16384xf32, #tpu.memory_space<hbm>> -> memref<8x128xf32, #tpu.memory_space<hbm>>
    %dma_wait3A_1025 = arith.constant 0 : i32
    %dma_wait3A_1026 = arith.constant 0 : i32
    %dma_wait3A_1027 = tpu.memref_slice %arg11[%dma_wait3A_1014, %dma_wait3A_1025, %dma_wait3A_1026] : memref<16x8x128xf32, #tpu.memory_space<vmem>> -> memref<1x8x128xf32, #tpu.memory_space<vmem>>
    %dma_wait3A_1028 = tpu.memref_squeeze %dma_wait3A_1027 : memref<1x8x128xf32, #tpu.memory_space<vmem>> -> memref<8x128xf32, #tpu.memory_space<vmem>>
    tpu.wait_dma2 semaphore(%arg15 : memref<!tpu.dma_semaphore, #tpu.memory_space<semaphore_mem>>) src(%dma_wait3A_1028 : memref<8x128xf32, #tpu.memory_space<vmem>>) dst(%dma_wait3A_1024 : memref<8x128xf32, #tpu.memory_space<hbm>>)
    %dma_wait3A_1029 = arith.constant 13 : i32
    %dma_wait3A_1030 = arith.constant 0 : i32
    %dma_wait3A_1031 = arith.constant 0 : i32
    %dma_wait3A_1032 = tpu.memref_slice %arg11[%dma_wait3A_1029, %dma_wait3A_1030, %dma_wait3A_1031] : memref<16x8x128xf32, #tpu.memory_space<vmem>> -> memref<1x8x128xf32, #tpu.memory_space<vmem>>
    %dma_wait3A_1033 = tpu.memref_squeeze %dma_wait3A_1032 : memref<1x8x128xf32, #tpu.memory_space<vmem>> -> memref<8x128xf32, #tpu.memory_space<vmem>>
    %dma_wait3A_1034 = arith.constant 0 : i32
    %dma_wait3A_1035 = arith.constant 1664 : i32
    %dma_wait3A_1036 = tpu.memref_slice %arg6[%dma_wait3A_1034, %dma_wait3A_1035] : memref<224x16384xf32, #tpu.memory_space<hbm>> -> memref<8x128xf32, #tpu.memory_space<hbm>>
    %dma_wait3A_1037 = arith.constant 0 : i32
    %dma_wait3A_1038 = arith.constant 1664 : i32
    %dma_wait3A_1039 = tpu.memref_slice %arg6[%dma_wait3A_1037, %dma_wait3A_1038] : memref<224x16384xf32, #tpu.memory_space<hbm>> -> memref<8x128xf32, #tpu.memory_space<hbm>>
    %dma_wait3A_1040 = arith.constant 0 : i32
    %dma_wait3A_1041 = arith.constant 0 : i32
    %dma_wait3A_1042 = tpu.memref_slice %arg11[%dma_wait3A_1029, %dma_wait3A_1040, %dma_wait3A_1041] : memref<16x8x128xf32, #tpu.memory_space<vmem>> -> memref<1x8x128xf32, #tpu.memory_space<vmem>>
    %dma_wait3A_1043 = tpu.memref_squeeze %dma_wait3A_1042 : memref<1x8x128xf32, #tpu.memory_space<vmem>> -> memref<8x128xf32, #tpu.memory_space<vmem>>
    tpu.wait_dma2 semaphore(%arg15 : memref<!tpu.dma_semaphore, #tpu.memory_space<semaphore_mem>>) src(%dma_wait3A_1043 : memref<8x128xf32, #tpu.memory_space<vmem>>) dst(%dma_wait3A_1039 : memref<8x128xf32, #tpu.memory_space<hbm>>)
    %dma_wait3A_1044 = arith.constant 14 : i32
    %dma_wait3A_1045 = arith.constant 0 : i32
    %dma_wait3A_1046 = arith.constant 0 : i32
    %dma_wait3A_1047 = tpu.memref_slice %arg11[%dma_wait3A_1044, %dma_wait3A_1045, %dma_wait3A_1046] : memref<16x8x128xf32, #tpu.memory_space<vmem>> -> memref<1x8x128xf32, #tpu.memory_space<vmem>>
    %dma_wait3A_1048 = tpu.memref_squeeze %dma_wait3A_1047 : memref<1x8x128xf32, #tpu.memory_space<vmem>> -> memref<8x128xf32, #tpu.memory_space<vmem>>
    %dma_wait3A_1049 = arith.constant 0 : i32
    %dma_wait3A_1050 = arith.constant 1792 : i32
    %dma_wait3A_1051 = tpu.memref_slice %arg6[%dma_wait3A_1049, %dma_wait3A_1050] : memref<224x16384xf32, #tpu.memory_space<hbm>> -> memref<8x128xf32, #tpu.memory_space<hbm>>
    %dma_wait3A_1052 = arith.constant 0 : i32
    %dma_wait3A_1053 = arith.constant 1792 : i32
    %dma_wait3A_1054 = tpu.memref_slice %arg6[%dma_wait3A_1052, %dma_wait3A_1053] : memref<224x16384xf32, #tpu.memory_space<hbm>> -> memref<8x128xf32, #tpu.memory_space<hbm>>
    %dma_wait3A_1055 = arith.constant 0 : i32
    %dma_wait3A_1056 = arith.constant 0 : i32
    %dma_wait3A_1057 = tpu.memref_slice %arg11[%dma_wait3A_1044, %dma_wait3A_1055, %dma_wait3A_1056] : memref<16x8x128xf32, #tpu.memory_space<vmem>> -> memref<1x8x128xf32, #tpu.memory_space<vmem>>
    %dma_wait3A_1058 = tpu.memref_squeeze %dma_wait3A_1057 : memref<1x8x128xf32, #tpu.memory_space<vmem>> -> memref<8x128xf32, #tpu.memory_space<vmem>>
    tpu.wait_dma2 semaphore(%arg15 : memref<!tpu.dma_semaphore, #tpu.memory_space<semaphore_mem>>) src(%dma_wait3A_1058 : memref<8x128xf32, #tpu.memory_space<vmem>>) dst(%dma_wait3A_1054 : memref<8x128xf32, #tpu.memory_space<hbm>>)
    %dma_wait3A_1059 = arith.constant 15 : i32
    %dma_wait3A_1060 = arith.constant 0 : i32
    %dma_wait3A_1061 = arith.constant 0 : i32
    %dma_wait3A_1062 = tpu.memref_slice %arg11[%dma_wait3A_1059, %dma_wait3A_1060, %dma_wait3A_1061] : memref<16x8x128xf32, #tpu.memory_space<vmem>> -> memref<1x8x128xf32, #tpu.memory_space<vmem>>
    %dma_wait3A_1063 = tpu.memref_squeeze %dma_wait3A_1062 : memref<1x8x128xf32, #tpu.memory_space<vmem>> -> memref<8x128xf32, #tpu.memory_space<vmem>>
    %dma_wait3A_1064 = arith.constant 0 : i32
    %dma_wait3A_1065 = arith.constant 1920 : i32
    %dma_wait3A_1066 = tpu.memref_slice %arg6[%dma_wait3A_1064, %dma_wait3A_1065] : memref<224x16384xf32, #tpu.memory_space<hbm>> -> memref<8x128xf32, #tpu.memory_space<hbm>>
    %dma_wait3A_1067 = arith.constant 0 : i32
    %dma_wait3A_1068 = arith.constant 1920 : i32
    %dma_wait3A_1069 = tpu.memref_slice %arg6[%dma_wait3A_1067, %dma_wait3A_1068] : memref<224x16384xf32, #tpu.memory_space<hbm>> -> memref<8x128xf32, #tpu.memory_space<hbm>>
    %dma_wait3A_1070 = arith.constant 0 : i32
    %dma_wait3A_1071 = arith.constant 0 : i32
    %dma_wait3A_1072 = tpu.memref_slice %arg11[%dma_wait3A_1059, %dma_wait3A_1070, %dma_wait3A_1071] : memref<16x8x128xf32, #tpu.memory_space<vmem>> -> memref<1x8x128xf32, #tpu.memory_space<vmem>>
    %dma_wait3A_1073 = tpu.memref_squeeze %dma_wait3A_1072 : memref<1x8x128xf32, #tpu.memory_space<vmem>> -> memref<8x128xf32, #tpu.memory_space<vmem>>
    tpu.wait_dma2 semaphore(%arg15 : memref<!tpu.dma_semaphore, #tpu.memory_space<semaphore_mem>>) src(%dma_wait3A_1073 : memref<8x128xf32, #tpu.memory_space<vmem>>) dst(%dma_wait3A_1069 : memref<8x128xf32, #tpu.memory_space<hbm>>)
    %dma_wait3A_1074 = arith.constant 0 : i32
    %dma_wait3A_1075 = arith.constant 0 : i32
    %dma_wait3A_1076 = arith.constant 0 : i32
    %dma_wait3A_1077 = tpu.memref_slice %arg12[%dma_wait3A_1074, %dma_wait3A_1075, %dma_wait3A_1076] : memref<16x8x128xf32, #tpu.memory_space<vmem>> -> memref<1x8x128xf32, #tpu.memory_space<vmem>>
    %dma_wait3A_1078 = tpu.memref_squeeze %dma_wait3A_1077 : memref<1x8x128xf32, #tpu.memory_space<vmem>> -> memref<8x128xf32, #tpu.memory_space<vmem>>
    %dma_wait3A_1079 = arith.constant 0 : i32
    %dma_wait3A_1080 = arith.constant 0 : i32
    %dma_wait3A_1081 = tpu.memref_slice %arg6[%dma_wait3A_1079, %dma_wait3A_1080] : memref<224x16384xf32, #tpu.memory_space<hbm>> -> memref<8x128xf32, #tpu.memory_space<hbm>>
    %dma_wait3A_1082 = arith.constant 0 : i32
    %dma_wait3A_1083 = arith.constant 0 : i32
    %dma_wait3A_1084 = tpu.memref_slice %arg6[%dma_wait3A_1082, %dma_wait3A_1083] : memref<224x16384xf32, #tpu.memory_space<hbm>> -> memref<8x128xf32, #tpu.memory_space<hbm>>
    %dma_wait3A_1085 = arith.constant 0 : i32
    %dma_wait3A_1086 = arith.constant 0 : i32
    %dma_wait3A_1087 = tpu.memref_slice %arg12[%dma_wait3A_1074, %dma_wait3A_1085, %dma_wait3A_1086] : memref<16x8x128xf32, #tpu.memory_space<vmem>> -> memref<1x8x128xf32, #tpu.memory_space<vmem>>
    %dma_wait3A_1088 = tpu.memref_squeeze %dma_wait3A_1087 : memref<1x8x128xf32, #tpu.memory_space<vmem>> -> memref<8x128xf32, #tpu.memory_space<vmem>>
    tpu.wait_dma2 semaphore(%arg16 : memref<!tpu.dma_semaphore, #tpu.memory_space<semaphore_mem>>) src(%dma_wait3A_1088 : memref<8x128xf32, #tpu.memory_space<vmem>>) dst(%dma_wait3A_1084 : memref<8x128xf32, #tpu.memory_space<hbm>>)
    %dma_wait3A_1089 = arith.constant 1 : i32
    %dma_wait3A_1090 = arith.constant 0 : i32
    %dma_wait3A_1091 = arith.constant 0 : i32
    %dma_wait3A_1092 = tpu.memref_slice %arg12[%dma_wait3A_1089, %dma_wait3A_1090, %dma_wait3A_1091] : memref<16x8x128xf32, #tpu.memory_space<vmem>> -> memref<1x8x128xf32, #tpu.memory_space<vmem>>
    %dma_wait3A_1093 = tpu.memref_squeeze %dma_wait3A_1092 : memref<1x8x128xf32, #tpu.memory_space<vmem>> -> memref<8x128xf32, #tpu.memory_space<vmem>>
    %dma_wait3A_1094 = arith.constant 0 : i32
    %dma_wait3A_1095 = arith.constant 128 : i32
    %dma_wait3A_1096 = tpu.memref_slice %arg6[%dma_wait3A_1094, %dma_wait3A_1095] : memref<224x16384xf32, #tpu.memory_space<hbm>> -> memref<8x128xf32, #tpu.memory_space<hbm>>
    %dma_wait3A_1097 = arith.constant 0 : i32
    %dma_wait3A_1098 = arith.constant 128 : i32
    %dma_wait3A_1099 = tpu.memref_slice %arg6[%dma_wait3A_1097, %dma_wait3A_1098] : memref<224x16384xf32, #tpu.memory_space<hbm>> -> memref<8x128xf32, #tpu.memory_space<hbm>>
    %dma_wait3A_1100 = arith.constant 0 : i32
    %dma_wait3A_1101 = arith.constant 0 : i32
    %dma_wait3A_1102 = tpu.memref_slice %arg12[%dma_wait3A_1089, %dma_wait3A_1100, %dma_wait3A_1101] : memref<16x8x128xf32, #tpu.memory_space<vmem>> -> memref<1x8x128xf32, #tpu.memory_space<vmem>>
    %dma_wait3A_1103 = tpu.memref_squeeze %dma_wait3A_1102 : memref<1x8x128xf32, #tpu.memory_space<vmem>> -> memref<8x128xf32, #tpu.memory_space<vmem>>
    tpu.wait_dma2 semaphore(%arg16 : memref<!tpu.dma_semaphore, #tpu.memory_space<semaphore_mem>>) src(%dma_wait3A_1103 : memref<8x128xf32, #tpu.memory_space<vmem>>) dst(%dma_wait3A_1099 : memref<8x128xf32, #tpu.memory_space<hbm>>)
    %dma_wait3A_1104 = arith.constant 2 : i32
    %dma_wait3A_1105 = arith.constant 0 : i32
    %dma_wait3A_1106 = arith.constant 0 : i32
    %dma_wait3A_1107 = tpu.memref_slice %arg12[%dma_wait3A_1104, %dma_wait3A_1105, %dma_wait3A_1106] : memref<16x8x128xf32, #tpu.memory_space<vmem>> -> memref<1x8x128xf32, #tpu.memory_space<vmem>>
    %dma_wait3A_1108 = tpu.memref_squeeze %dma_wait3A_1107 : memref<1x8x128xf32, #tpu.memory_space<vmem>> -> memref<8x128xf32, #tpu.memory_space<vmem>>
    %dma_wait3A_1109 = arith.constant 0 : i32
    %dma_wait3A_1110 = arith.constant 256 : i32
    %dma_wait3A_1111 = tpu.memref_slice %arg6[%dma_wait3A_1109, %dma_wait3A_1110] : memref<224x16384xf32, #tpu.memory_space<hbm>> -> memref<8x128xf32, #tpu.memory_space<hbm>>
    %dma_wait3A_1112 = arith.constant 0 : i32
    %dma_wait3A_1113 = arith.constant 256 : i32
    %dma_wait3A_1114 = tpu.memref_slice %arg6[%dma_wait3A_1112, %dma_wait3A_1113] : memref<224x16384xf32, #tpu.memory_space<hbm>> -> memref<8x128xf32, #tpu.memory_space<hbm>>
    %dma_wait3A_1115 = arith.constant 0 : i32
    %dma_wait3A_1116 = arith.constant 0 : i32
    %dma_wait3A_1117 = tpu.memref_slice %arg12[%dma_wait3A_1104, %dma_wait3A_1115, %dma_wait3A_1116] : memref<16x8x128xf32, #tpu.memory_space<vmem>> -> memref<1x8x128xf32, #tpu.memory_space<vmem>>
    %dma_wait3A_1118 = tpu.memref_squeeze %dma_wait3A_1117 : memref<1x8x128xf32, #tpu.memory_space<vmem>> -> memref<8x128xf32, #tpu.memory_space<vmem>>
    tpu.wait_dma2 semaphore(%arg16 : memref<!tpu.dma_semaphore, #tpu.memory_space<semaphore_mem>>) src(%dma_wait3A_1118 : memref<8x128xf32, #tpu.memory_space<vmem>>) dst(%dma_wait3A_1114 : memref<8x128xf32, #tpu.memory_space<hbm>>)
    %dma_wait3A_1119 = arith.constant 3 : i32
    %dma_wait3A_1120 = arith.constant 0 : i32
    %dma_wait3A_1121 = arith.constant 0 : i32
    %dma_wait3A_1122 = tpu.memref_slice %arg12[%dma_wait3A_1119, %dma_wait3A_1120, %dma_wait3A_1121] : memref<16x8x128xf32, #tpu.memory_space<vmem>> -> memref<1x8x128xf32, #tpu.memory_space<vmem>>
    %dma_wait3A_1123 = tpu.memref_squeeze %dma_wait3A_1122 : memref<1x8x128xf32, #tpu.memory_space<vmem>> -> memref<8x128xf32, #tpu.memory_space<vmem>>
    %dma_wait3A_1124 = arith.constant 0 : i32
    %dma_wait3A_1125 = arith.constant 384 : i32
    %dma_wait3A_1126 = tpu.memref_slice %arg6[%dma_wait3A_1124, %dma_wait3A_1125] : memref<224x16384xf32, #tpu.memory_space<hbm>> -> memref<8x128xf32, #tpu.memory_space<hbm>>
    %dma_wait3A_1127 = arith.constant 0 : i32
    %dma_wait3A_1128 = arith.constant 384 : i32
    %dma_wait3A_1129 = tpu.memref_slice %arg6[%dma_wait3A_1127, %dma_wait3A_1128] : memref<224x16384xf32, #tpu.memory_space<hbm>> -> memref<8x128xf32, #tpu.memory_space<hbm>>
    %dma_wait3A_1130 = arith.constant 0 : i32
    %dma_wait3A_1131 = arith.constant 0 : i32
    %dma_wait3A_1132 = tpu.memref_slice %arg12[%dma_wait3A_1119, %dma_wait3A_1130, %dma_wait3A_1131] : memref<16x8x128xf32, #tpu.memory_space<vmem>> -> memref<1x8x128xf32, #tpu.memory_space<vmem>>
    %dma_wait3A_1133 = tpu.memref_squeeze %dma_wait3A_1132 : memref<1x8x128xf32, #tpu.memory_space<vmem>> -> memref<8x128xf32, #tpu.memory_space<vmem>>
    tpu.wait_dma2 semaphore(%arg16 : memref<!tpu.dma_semaphore, #tpu.memory_space<semaphore_mem>>) src(%dma_wait3A_1133 : memref<8x128xf32, #tpu.memory_space<vmem>>) dst(%dma_wait3A_1129 : memref<8x128xf32, #tpu.memory_space<hbm>>)
    %dma_wait3A_1134 = arith.constant 4 : i32
    %dma_wait3A_1135 = arith.constant 0 : i32
    %dma_wait3A_1136 = arith.constant 0 : i32
    %dma_wait3A_1137 = tpu.memref_slice %arg12[%dma_wait3A_1134, %dma_wait3A_1135, %dma_wait3A_1136] : memref<16x8x128xf32, #tpu.memory_space<vmem>> -> memref<1x8x128xf32, #tpu.memory_space<vmem>>
    %dma_wait3A_1138 = tpu.memref_squeeze %dma_wait3A_1137 : memref<1x8x128xf32, #tpu.memory_space<vmem>> -> memref<8x128xf32, #tpu.memory_space<vmem>>
    %dma_wait3A_1139 = arith.constant 0 : i32
    %dma_wait3A_1140 = arith.constant 512 : i32
    %dma_wait3A_1141 = tpu.memref_slice %arg6[%dma_wait3A_1139, %dma_wait3A_1140] : memref<224x16384xf32, #tpu.memory_space<hbm>> -> memref<8x128xf32, #tpu.memory_space<hbm>>
    %dma_wait3A_1142 = arith.constant 0 : i32
    %dma_wait3A_1143 = arith.constant 512 : i32
    %dma_wait3A_1144 = tpu.memref_slice %arg6[%dma_wait3A_1142, %dma_wait3A_1143] : memref<224x16384xf32, #tpu.memory_space<hbm>> -> memref<8x128xf32, #tpu.memory_space<hbm>>
    %dma_wait3A_1145 = arith.constant 0 : i32
    %dma_wait3A_1146 = arith.constant 0 : i32
    %dma_wait3A_1147 = tpu.memref_slice %arg12[%dma_wait3A_1134, %dma_wait3A_1145, %dma_wait3A_1146] : memref<16x8x128xf32, #tpu.memory_space<vmem>> -> memref<1x8x128xf32, #tpu.memory_space<vmem>>
    %dma_wait3A_1148 = tpu.memref_squeeze %dma_wait3A_1147 : memref<1x8x128xf32, #tpu.memory_space<vmem>> -> memref<8x128xf32, #tpu.memory_space<vmem>>
    tpu.wait_dma2 semaphore(%arg16 : memref<!tpu.dma_semaphore, #tpu.memory_space<semaphore_mem>>) src(%dma_wait3A_1148 : memref<8x128xf32, #tpu.memory_space<vmem>>) dst(%dma_wait3A_1144 : memref<8x128xf32, #tpu.memory_space<hbm>>)
    %dma_wait3A_1149 = arith.constant 5 : i32
    %dma_wait3A_1150 = arith.constant 0 : i32
    %dma_wait3A_1151 = arith.constant 0 : i32
    %dma_wait3A_1152 = tpu.memref_slice %arg12[%dma_wait3A_1149, %dma_wait3A_1150, %dma_wait3A_1151] : memref<16x8x128xf32, #tpu.memory_space<vmem>> -> memref<1x8x128xf32, #tpu.memory_space<vmem>>
    %dma_wait3A_1153 = tpu.memref_squeeze %dma_wait3A_1152 : memref<1x8x128xf32, #tpu.memory_space<vmem>> -> memref<8x128xf32, #tpu.memory_space<vmem>>
    %dma_wait3A_1154 = arith.constant 0 : i32
    %dma_wait3A_1155 = arith.constant 640 : i32
    %dma_wait3A_1156 = tpu.memref_slice %arg6[%dma_wait3A_1154, %dma_wait3A_1155] : memref<224x16384xf32, #tpu.memory_space<hbm>> -> memref<8x128xf32, #tpu.memory_space<hbm>>
    %dma_wait3A_1157 = arith.constant 0 : i32
    %dma_wait3A_1158 = arith.constant 640 : i32
    %dma_wait3A_1159 = tpu.memref_slice %arg6[%dma_wait3A_1157, %dma_wait3A_1158] : memref<224x16384xf32, #tpu.memory_space<hbm>> -> memref<8x128xf32, #tpu.memory_space<hbm>>
    %dma_wait3A_1160 = arith.constant 0 : i32
    %dma_wait3A_1161 = arith.constant 0 : i32
    %dma_wait3A_1162 = tpu.memref_slice %arg12[%dma_wait3A_1149, %dma_wait3A_1160, %dma_wait3A_1161] : memref<16x8x128xf32, #tpu.memory_space<vmem>> -> memref<1x8x128xf32, #tpu.memory_space<vmem>>
    %dma_wait3A_1163 = tpu.memref_squeeze %dma_wait3A_1162 : memref<1x8x128xf32, #tpu.memory_space<vmem>> -> memref<8x128xf32, #tpu.memory_space<vmem>>
    tpu.wait_dma2 semaphore(%arg16 : memref<!tpu.dma_semaphore, #tpu.memory_space<semaphore_mem>>) src(%dma_wait3A_1163 : memref<8x128xf32, #tpu.memory_space<vmem>>) dst(%dma_wait3A_1159 : memref<8x128xf32, #tpu.memory_space<hbm>>)
    %dma_wait3A_1164 = arith.constant 6 : i32
    %dma_wait3A_1165 = arith.constant 0 : i32
    %dma_wait3A_1166 = arith.constant 0 : i32
    %dma_wait3A_1167 = tpu.memref_slice %arg12[%dma_wait3A_1164, %dma_wait3A_1165, %dma_wait3A_1166] : memref<16x8x128xf32, #tpu.memory_space<vmem>> -> memref<1x8x128xf32, #tpu.memory_space<vmem>>
    %dma_wait3A_1168 = tpu.memref_squeeze %dma_wait3A_1167 : memref<1x8x128xf32, #tpu.memory_space<vmem>> -> memref<8x128xf32, #tpu.memory_space<vmem>>
    %dma_wait3A_1169 = arith.constant 0 : i32
    %dma_wait3A_1170 = arith.constant 768 : i32
    %dma_wait3A_1171 = tpu.memref_slice %arg6[%dma_wait3A_1169, %dma_wait3A_1170] : memref<224x16384xf32, #tpu.memory_space<hbm>> -> memref<8x128xf32, #tpu.memory_space<hbm>>
    %dma_wait3A_1172 = arith.constant 0 : i32
    %dma_wait3A_1173 = arith.constant 768 : i32
    %dma_wait3A_1174 = tpu.memref_slice %arg6[%dma_wait3A_1172, %dma_wait3A_1173] : memref<224x16384xf32, #tpu.memory_space<hbm>> -> memref<8x128xf32, #tpu.memory_space<hbm>>
    %dma_wait3A_1175 = arith.constant 0 : i32
    %dma_wait3A_1176 = arith.constant 0 : i32
    %dma_wait3A_1177 = tpu.memref_slice %arg12[%dma_wait3A_1164, %dma_wait3A_1175, %dma_wait3A_1176] : memref<16x8x128xf32, #tpu.memory_space<vmem>> -> memref<1x8x128xf32, #tpu.memory_space<vmem>>
    %dma_wait3A_1178 = tpu.memref_squeeze %dma_wait3A_1177 : memref<1x8x128xf32, #tpu.memory_space<vmem>> -> memref<8x128xf32, #tpu.memory_space<vmem>>
    tpu.wait_dma2 semaphore(%arg16 : memref<!tpu.dma_semaphore, #tpu.memory_space<semaphore_mem>>) src(%dma_wait3A_1178 : memref<8x128xf32, #tpu.memory_space<vmem>>) dst(%dma_wait3A_1174 : memref<8x128xf32, #tpu.memory_space<hbm>>)
    %dma_wait3A_1179 = arith.constant 7 : i32
    %dma_wait3A_1180 = arith.constant 0 : i32
    %dma_wait3A_1181 = arith.constant 0 : i32
    %dma_wait3A_1182 = tpu.memref_slice %arg12[%dma_wait3A_1179, %dma_wait3A_1180, %dma_wait3A_1181] : memref<16x8x128xf32, #tpu.memory_space<vmem>> -> memref<1x8x128xf32, #tpu.memory_space<vmem>>
    %dma_wait3A_1183 = tpu.memref_squeeze %dma_wait3A_1182 : memref<1x8x128xf32, #tpu.memory_space<vmem>> -> memref<8x128xf32, #tpu.memory_space<vmem>>
    %dma_wait3A_1184 = arith.constant 0 : i32
    %dma_wait3A_1185 = arith.constant 896 : i32
    %dma_wait3A_1186 = tpu.memref_slice %arg6[%dma_wait3A_1184, %dma_wait3A_1185] : memref<224x16384xf32, #tpu.memory_space<hbm>> -> memref<8x128xf32, #tpu.memory_space<hbm>>
    %dma_wait3A_1187 = arith.constant 0 : i32
    %dma_wait3A_1188 = arith.constant 896 : i32
    %dma_wait3A_1189 = tpu.memref_slice %arg6[%dma_wait3A_1187, %dma_wait3A_1188] : memref<224x16384xf32, #tpu.memory_space<hbm>> -> memref<8x128xf32, #tpu.memory_space<hbm>>
    %dma_wait3A_1190 = arith.constant 0 : i32
    %dma_wait3A_1191 = arith.constant 0 : i32
    %dma_wait3A_1192 = tpu.memref_slice %arg12[%dma_wait3A_1179, %dma_wait3A_1190, %dma_wait3A_1191] : memref<16x8x128xf32, #tpu.memory_space<vmem>> -> memref<1x8x128xf32, #tpu.memory_space<vmem>>
    %dma_wait3A_1193 = tpu.memref_squeeze %dma_wait3A_1192 : memref<1x8x128xf32, #tpu.memory_space<vmem>> -> memref<8x128xf32, #tpu.memory_space<vmem>>
    tpu.wait_dma2 semaphore(%arg16 : memref<!tpu.dma_semaphore, #tpu.memory_space<semaphore_mem>>) src(%dma_wait3A_1193 : memref<8x128xf32, #tpu.memory_space<vmem>>) dst(%dma_wait3A_1189 : memref<8x128xf32, #tpu.memory_space<hbm>>)
    %dma_wait3A_1194 = arith.constant 8 : i32
    %dma_wait3A_1195 = arith.constant 0 : i32
    %dma_wait3A_1196 = arith.constant 0 : i32
    %dma_wait3A_1197 = tpu.memref_slice %arg12[%dma_wait3A_1194, %dma_wait3A_1195, %dma_wait3A_1196] : memref<16x8x128xf32, #tpu.memory_space<vmem>> -> memref<1x8x128xf32, #tpu.memory_space<vmem>>
    %dma_wait3A_1198 = tpu.memref_squeeze %dma_wait3A_1197 : memref<1x8x128xf32, #tpu.memory_space<vmem>> -> memref<8x128xf32, #tpu.memory_space<vmem>>
    %dma_wait3A_1199 = arith.constant 0 : i32
    %dma_wait3A_1200 = arith.constant 1024 : i32
    %dma_wait3A_1201 = tpu.memref_slice %arg6[%dma_wait3A_1199, %dma_wait3A_1200] : memref<224x16384xf32, #tpu.memory_space<hbm>> -> memref<8x128xf32, #tpu.memory_space<hbm>>
    %dma_wait3A_1202 = arith.constant 0 : i32
    %dma_wait3A_1203 = arith.constant 1024 : i32
    %dma_wait3A_1204 = tpu.memref_slice %arg6[%dma_wait3A_1202, %dma_wait3A_1203] : memref<224x16384xf32, #tpu.memory_space<hbm>> -> memref<8x128xf32, #tpu.memory_space<hbm>>
    %dma_wait3A_1205 = arith.constant 0 : i32
    %dma_wait3A_1206 = arith.constant 0 : i32
    %dma_wait3A_1207 = tpu.memref_slice %arg12[%dma_wait3A_1194, %dma_wait3A_1205, %dma_wait3A_1206] : memref<16x8x128xf32, #tpu.memory_space<vmem>> -> memref<1x8x128xf32, #tpu.memory_space<vmem>>
    %dma_wait3A_1208 = tpu.memref_squeeze %dma_wait3A_1207 : memref<1x8x128xf32, #tpu.memory_space<vmem>> -> memref<8x128xf32, #tpu.memory_space<vmem>>
    tpu.wait_dma2 semaphore(%arg16 : memref<!tpu.dma_semaphore, #tpu.memory_space<semaphore_mem>>) src(%dma_wait3A_1208 : memref<8x128xf32, #tpu.memory_space<vmem>>) dst(%dma_wait3A_1204 : memref<8x128xf32, #tpu.memory_space<hbm>>)
    %dma_wait3A_1209 = arith.constant 9 : i32
    %dma_wait3A_1210 = arith.constant 0 : i32
    %dma_wait3A_1211 = arith.constant 0 : i32
    %dma_wait3A_1212 = tpu.memref_slice %arg12[%dma_wait3A_1209, %dma_wait3A_1210, %dma_wait3A_1211] : memref<16x8x128xf32, #tpu.memory_space<vmem>> -> memref<1x8x128xf32, #tpu.memory_space<vmem>>
    %dma_wait3A_1213 = tpu.memref_squeeze %dma_wait3A_1212 : memref<1x8x128xf32, #tpu.memory_space<vmem>> -> memref<8x128xf32, #tpu.memory_space<vmem>>
    %dma_wait3A_1214 = arith.constant 0 : i32
    %dma_wait3A_1215 = arith.constant 1152 : i32
    %dma_wait3A_1216 = tpu.memref_slice %arg6[%dma_wait3A_1214, %dma_wait3A_1215] : memref<224x16384xf32, #tpu.memory_space<hbm>> -> memref<8x128xf32, #tpu.memory_space<hbm>>
    %dma_wait3A_1217 = arith.constant 0 : i32
    %dma_wait3A_1218 = arith.constant 1152 : i32
    %dma_wait3A_1219 = tpu.memref_slice %arg6[%dma_wait3A_1217, %dma_wait3A_1218] : memref<224x16384xf32, #tpu.memory_space<hbm>> -> memref<8x128xf32, #tpu.memory_space<hbm>>
    %dma_wait3A_1220 = arith.constant 0 : i32
    %dma_wait3A_1221 = arith.constant 0 : i32
    %dma_wait3A_1222 = tpu.memref_slice %arg12[%dma_wait3A_1209, %dma_wait3A_1220, %dma_wait3A_1221] : memref<16x8x128xf32, #tpu.memory_space<vmem>> -> memref<1x8x128xf32, #tpu.memory_space<vmem>>
    %dma_wait3A_1223 = tpu.memref_squeeze %dma_wait3A_1222 : memref<1x8x128xf32, #tpu.memory_space<vmem>> -> memref<8x128xf32, #tpu.memory_space<vmem>>
    tpu.wait_dma2 semaphore(%arg16 : memref<!tpu.dma_semaphore, #tpu.memory_space<semaphore_mem>>) src(%dma_wait3A_1223 : memref<8x128xf32, #tpu.memory_space<vmem>>) dst(%dma_wait3A_1219 : memref<8x128xf32, #tpu.memory_space<hbm>>)
    %dma_wait3A_1224 = arith.constant 10 : i32
    %dma_wait3A_1225 = arith.constant 0 : i32
    %dma_wait3A_1226 = arith.constant 0 : i32
    %dma_wait3A_1227 = tpu.memref_slice %arg12[%dma_wait3A_1224, %dma_wait3A_1225, %dma_wait3A_1226] : memref<16x8x128xf32, #tpu.memory_space<vmem>> -> memref<1x8x128xf32, #tpu.memory_space<vmem>>
    %dma_wait3A_1228 = tpu.memref_squeeze %dma_wait3A_1227 : memref<1x8x128xf32, #tpu.memory_space<vmem>> -> memref<8x128xf32, #tpu.memory_space<vmem>>
    %dma_wait3A_1229 = arith.constant 0 : i32
    %dma_wait3A_1230 = arith.constant 1280 : i32
    %dma_wait3A_1231 = tpu.memref_slice %arg6[%dma_wait3A_1229, %dma_wait3A_1230] : memref<224x16384xf32, #tpu.memory_space<hbm>> -> memref<8x128xf32, #tpu.memory_space<hbm>>
    %dma_wait3A_1232 = arith.constant 0 : i32
    %dma_wait3A_1233 = arith.constant 1280 : i32
    %dma_wait3A_1234 = tpu.memref_slice %arg6[%dma_wait3A_1232, %dma_wait3A_1233] : memref<224x16384xf32, #tpu.memory_space<hbm>> -> memref<8x128xf32, #tpu.memory_space<hbm>>
    %dma_wait3A_1235 = arith.constant 0 : i32
    %dma_wait3A_1236 = arith.constant 0 : i32
    %dma_wait3A_1237 = tpu.memref_slice %arg12[%dma_wait3A_1224, %dma_wait3A_1235, %dma_wait3A_1236] : memref<16x8x128xf32, #tpu.memory_space<vmem>> -> memref<1x8x128xf32, #tpu.memory_space<vmem>>
    %dma_wait3A_1238 = tpu.memref_squeeze %dma_wait3A_1237 : memref<1x8x128xf32, #tpu.memory_space<vmem>> -> memref<8x128xf32, #tpu.memory_space<vmem>>
    tpu.wait_dma2 semaphore(%arg16 : memref<!tpu.dma_semaphore, #tpu.memory_space<semaphore_mem>>) src(%dma_wait3A_1238 : memref<8x128xf32, #tpu.memory_space<vmem>>) dst(%dma_wait3A_1234 : memref<8x128xf32, #tpu.memory_space<hbm>>)
    %dma_wait3A_1239 = arith.constant 11 : i32
    %dma_wait3A_1240 = arith.constant 0 : i32
    %dma_wait3A_1241 = arith.constant 0 : i32
    %dma_wait3A_1242 = tpu.memref_slice %arg12[%dma_wait3A_1239, %dma_wait3A_1240, %dma_wait3A_1241] : memref<16x8x128xf32, #tpu.memory_space<vmem>> -> memref<1x8x128xf32, #tpu.memory_space<vmem>>
    %dma_wait3A_1243 = tpu.memref_squeeze %dma_wait3A_1242 : memref<1x8x128xf32, #tpu.memory_space<vmem>> -> memref<8x128xf32, #tpu.memory_space<vmem>>
    %dma_wait3A_1244 = arith.constant 0 : i32
    %dma_wait3A_1245 = arith.constant 1408 : i32
    %dma_wait3A_1246 = tpu.memref_slice %arg6[%dma_wait3A_1244, %dma_wait3A_1245] : memref<224x16384xf32, #tpu.memory_space<hbm>> -> memref<8x128xf32, #tpu.memory_space<hbm>>
    %dma_wait3A_1247 = arith.constant 0 : i32
    %dma_wait3A_1248 = arith.constant 1408 : i32
    %dma_wait3A_1249 = tpu.memref_slice %arg6[%dma_wait3A_1247, %dma_wait3A_1248] : memref<224x16384xf32, #tpu.memory_space<hbm>> -> memref<8x128xf32, #tpu.memory_space<hbm>>
    %dma_wait3A_1250 = arith.constant 0 : i32
    %dma_wait3A_1251 = arith.constant 0 : i32
    %dma_wait3A_1252 = tpu.memref_slice %arg12[%dma_wait3A_1239, %dma_wait3A_1250, %dma_wait3A_1251] : memref<16x8x128xf32, #tpu.memory_space<vmem>> -> memref<1x8x128xf32, #tpu.memory_space<vmem>>
    %dma_wait3A_1253 = tpu.memref_squeeze %dma_wait3A_1252 : memref<1x8x128xf32, #tpu.memory_space<vmem>> -> memref<8x128xf32, #tpu.memory_space<vmem>>
    tpu.wait_dma2 semaphore(%arg16 : memref<!tpu.dma_semaphore, #tpu.memory_space<semaphore_mem>>) src(%dma_wait3A_1253 : memref<8x128xf32, #tpu.memory_space<vmem>>) dst(%dma_wait3A_1249 : memref<8x128xf32, #tpu.memory_space<hbm>>)
    %dma_wait3A_1254 = arith.constant 12 : i32
    %dma_wait3A_1255 = arith.constant 0 : i32
    %dma_wait3A_1256 = arith.constant 0 : i32
    %dma_wait3A_1257 = tpu.memref_slice %arg12[%dma_wait3A_1254, %dma_wait3A_1255, %dma_wait3A_1256] : memref<16x8x128xf32, #tpu.memory_space<vmem>> -> memref<1x8x128xf32, #tpu.memory_space<vmem>>
    %dma_wait3A_1258 = tpu.memref_squeeze %dma_wait3A_1257 : memref<1x8x128xf32, #tpu.memory_space<vmem>> -> memref<8x128xf32, #tpu.memory_space<vmem>>
    %dma_wait3A_1259 = arith.constant 0 : i32
    %dma_wait3A_1260 = arith.constant 1536 : i32
    %dma_wait3A_1261 = tpu.memref_slice %arg6[%dma_wait3A_1259, %dma_wait3A_1260] : memref<224x16384xf32, #tpu.memory_space<hbm>> -> memref<8x128xf32, #tpu.memory_space<hbm>>
    %dma_wait3A_1262 = arith.constant 0 : i32
    %dma_wait3A_1263 = arith.constant 1536 : i32
    %dma_wait3A_1264 = tpu.memref_slice %arg6[%dma_wait3A_1262, %dma_wait3A_1263] : memref<224x16384xf32, #tpu.memory_space<hbm>> -> memref<8x128xf32, #tpu.memory_space<hbm>>
    %dma_wait3A_1265 = arith.constant 0 : i32
    %dma_wait3A_1266 = arith.constant 0 : i32
    %dma_wait3A_1267 = tpu.memref_slice %arg12[%dma_wait3A_1254, %dma_wait3A_1265, %dma_wait3A_1266] : memref<16x8x128xf32, #tpu.memory_space<vmem>> -> memref<1x8x128xf32, #tpu.memory_space<vmem>>
    %dma_wait3A_1268 = tpu.memref_squeeze %dma_wait3A_1267 : memref<1x8x128xf32, #tpu.memory_space<vmem>> -> memref<8x128xf32, #tpu.memory_space<vmem>>
    tpu.wait_dma2 semaphore(%arg16 : memref<!tpu.dma_semaphore, #tpu.memory_space<semaphore_mem>>) src(%dma_wait3A_1268 : memref<8x128xf32, #tpu.memory_space<vmem>>) dst(%dma_wait3A_1264 : memref<8x128xf32, #tpu.memory_space<hbm>>)
    %dma_wait3A_1269 = arith.constant 13 : i32
    %dma_wait3A_1270 = arith.constant 0 : i32
    %dma_wait3A_1271 = arith.constant 0 : i32
    %dma_wait3A_1272 = tpu.memref_slice %arg12[%dma_wait3A_1269, %dma_wait3A_1270, %dma_wait3A_1271] : memref<16x8x128xf32, #tpu.memory_space<vmem>> -> memref<1x8x128xf32, #tpu.memory_space<vmem>>
    %dma_wait3A_1273 = tpu.memref_squeeze %dma_wait3A_1272 : memref<1x8x128xf32, #tpu.memory_space<vmem>> -> memref<8x128xf32, #tpu.memory_space<vmem>>
    %dma_wait3A_1274 = arith.constant 0 : i32
    %dma_wait3A_1275 = arith.constant 1664 : i32
    %dma_wait3A_1276 = tpu.memref_slice %arg6[%dma_wait3A_1274, %dma_wait3A_1275] : memref<224x16384xf32, #tpu.memory_space<hbm>> -> memref<8x128xf32, #tpu.memory_space<hbm>>
    %dma_wait3A_1277 = arith.constant 0 : i32
    %dma_wait3A_1278 = arith.constant 1664 : i32
    %dma_wait3A_1279 = tpu.memref_slice %arg6[%dma_wait3A_1277, %dma_wait3A_1278] : memref<224x16384xf32, #tpu.memory_space<hbm>> -> memref<8x128xf32, #tpu.memory_space<hbm>>
    %dma_wait3A_1280 = arith.constant 0 : i32
    %dma_wait3A_1281 = arith.constant 0 : i32
    %dma_wait3A_1282 = tpu.memref_slice %arg12[%dma_wait3A_1269, %dma_wait3A_1280, %dma_wait3A_1281] : memref<16x8x128xf32, #tpu.memory_space<vmem>> -> memref<1x8x128xf32, #tpu.memory_space<vmem>>
    %dma_wait3A_1283 = tpu.memref_squeeze %dma_wait3A_1282 : memref<1x8x128xf32, #tpu.memory_space<vmem>> -> memref<8x128xf32, #tpu.memory_space<vmem>>
    tpu.wait_dma2 semaphore(%arg16 : memref<!tpu.dma_semaphore, #tpu.memory_space<semaphore_mem>>) src(%dma_wait3A_1283 : memref<8x128xf32, #tpu.memory_space<vmem>>) dst(%dma_wait3A_1279 : memref<8x128xf32, #tpu.memory_space<hbm>>)
    %dma_wait3A_1284 = arith.constant 14 : i32
    %dma_wait3A_1285 = arith.constant 0 : i32
    %dma_wait3A_1286 = arith.constant 0 : i32
    %dma_wait3A_1287 = tpu.memref_slice %arg12[%dma_wait3A_1284, %dma_wait3A_1285, %dma_wait3A_1286] : memref<16x8x128xf32, #tpu.memory_space<vmem>> -> memref<1x8x128xf32, #tpu.memory_space<vmem>>
    %dma_wait3A_1288 = tpu.memref_squeeze %dma_wait3A_1287 : memref<1x8x128xf32, #tpu.memory_space<vmem>> -> memref<8x128xf32, #tpu.memory_space<vmem>>
    %dma_wait3A_1289 = arith.constant 0 : i32
    %dma_wait3A_1290 = arith.constant 1792 : i32
    %dma_wait3A_1291 = tpu.memref_slice %arg6[%dma_wait3A_1289, %dma_wait3A_1290] : memref<224x16384xf32, #tpu.memory_space<hbm>> -> memref<8x128xf32, #tpu.memory_space<hbm>>
    %dma_wait3A_1292 = arith.constant 0 : i32
    %dma_wait3A_1293 = arith.constant 1792 : i32
    %dma_wait3A_1294 = tpu.memref_slice %arg6[%dma_wait3A_1292, %dma_wait3A_1293] : memref<224x16384xf32, #tpu.memory_space<hbm>> -> memref<8x128xf32, #tpu.memory_space<hbm>>
    %dma_wait3A_1295 = arith.constant 0 : i32
    %dma_wait3A_1296 = arith.constant 0 : i32
    %dma_wait3A_1297 = tpu.memref_slice %arg12[%dma_wait3A_1284, %dma_wait3A_1295, %dma_wait3A_1296] : memref<16x8x128xf32, #tpu.memory_space<vmem>> -> memref<1x8x128xf32, #tpu.memory_space<vmem>>
    %dma_wait3A_1298 = tpu.memref_squeeze %dma_wait3A_1297 : memref<1x8x128xf32, #tpu.memory_space<vmem>> -> memref<8x128xf32, #tpu.memory_space<vmem>>
    tpu.wait_dma2 semaphore(%arg16 : memref<!tpu.dma_semaphore, #tpu.memory_space<semaphore_mem>>) src(%dma_wait3A_1298 : memref<8x128xf32, #tpu.memory_space<vmem>>) dst(%dma_wait3A_1294 : memref<8x128xf32, #tpu.memory_space<hbm>>)
    %dma_wait3A_1299 = arith.constant 15 : i32
    %dma_wait3A_1300 = arith.constant 0 : i32
    %dma_wait3A_1301 = arith.constant 0 : i32
    %dma_wait3A_1302 = tpu.memref_slice %arg12[%dma_wait3A_1299, %dma_wait3A_1300, %dma_wait3A_1301] : memref<16x8x128xf32, #tpu.memory_space<vmem>> -> memref<1x8x128xf32, #tpu.memory_space<vmem>>
    %dma_wait3A_1303 = tpu.memref_squeeze %dma_wait3A_1302 : memref<1x8x128xf32, #tpu.memory_space<vmem>> -> memref<8x128xf32, #tpu.memory_space<vmem>>
    %dma_wait3A_1304 = arith.constant 0 : i32
    %dma_wait3A_1305 = arith.constant 1920 : i32
    %dma_wait3A_1306 = tpu.memref_slice %arg6[%dma_wait3A_1304, %dma_wait3A_1305] : memref<224x16384xf32, #tpu.memory_space<hbm>> -> memref<8x128xf32, #tpu.memory_space<hbm>>
    %dma_wait3A_1307 = arith.constant 0 : i32
    %dma_wait3A_1308 = arith.constant 1920 : i32
    %dma_wait3A_1309 = tpu.memref_slice %arg6[%dma_wait3A_1307, %dma_wait3A_1308] : memref<224x16384xf32, #tpu.memory_space<hbm>> -> memref<8x128xf32, #tpu.memory_space<hbm>>
    %dma_wait3A_1310 = arith.constant 0 : i32
    %dma_wait3A_1311 = arith.constant 0 : i32
    %dma_wait3A_1312 = tpu.memref_slice %arg12[%dma_wait3A_1299, %dma_wait3A_1310, %dma_wait3A_1311] : memref<16x8x128xf32, #tpu.memory_space<vmem>> -> memref<1x8x128xf32, #tpu.memory_space<vmem>>
    %dma_wait3A_1313 = tpu.memref_squeeze %dma_wait3A_1312 : memref<1x8x128xf32, #tpu.memory_space<vmem>> -> memref<8x128xf32, #tpu.memory_space<vmem>>
    tpu.wait_dma2 semaphore(%arg16 : memref<!tpu.dma_semaphore, #tpu.memory_space<semaphore_mem>>) src(%dma_wait3A_1313 : memref<8x128xf32, #tpu.memory_space<vmem>>) dst(%dma_wait3A_1309 : memref<8x128xf32, #tpu.memory_space<hbm>>)
    return
  }
}

</mosaic_0001>

<sc_bundles>
// kernel: kernel.3.cloned.1.call-start
scs
__scs_entry_jumppad:
0x0: {  	(pc) =	sbr.rel $0x88, $3  }
0x1: {  	(tag) =	ssettag $0x0;
	lr =	simm.s32 $0x1  }
0x2: {  	[smem:$0x3F9B] =	sst lr;
	_ =	strace $0xD0000000  }
0x3: {  	_ = 	snop  }
0x4: {  	_ = 	snop  }
0x5: {  	_ = 	snop  }
0x6: {  	_ = 	snop  }
0x7: {  	_ = 	snop  }
__scs_overlays_trampoline_lowered:
0x8: {  	[smem:$0x3FAA] =	sst s0  }
0x9: {  	[smem:$0x3FAB] =	sst s1  }
0xa: {  	[smem:$0x3FAC] =	sst s2  }
0xb: {  	[smem:$0x3FAD] =	sst s3  }
0xc: {  	[smem:$0x3FAE] =	sst s4  }
0xd: {  	[smem:$0x3FAF] =	sst s5  }
0xe: {  	[smem:$0x3FB0] =	sst s6  }
0xf: {  	[smem:$0x3FB1] =	sst s7  }
0x10: {  	[smem:$0x3FB2] =	sst s8  }
0x11: {  	[smem:$0x3FB3] =	sst s9;
	s0 =	simm.s32 @!p0 $0x0  }
0x12: {  	s1 =	sld [smem:$0x3F99];
	s0 =	simm.s32 @p0 $0x1  }
0x13: {  	[smem:$0x3FB4] =	sst s0;
	s0 =	simm.s32 @!p1 $0x0  }
0x14: {  	s2 =	sld [smem:$0x3F98];
	s0 =	simm.s32 @p1 $0x1  }
0x15: {  	[smem:$0x3FB5] =	sst s0;
	s0 =	simm.s32 @!p2 $0x0  }
0x16: {  	s3 =	sld [smem:$0x3FDB];
	s0 =	simm.s32 @p2 $0x1  }
0x17: {  	s4 =	simm.s32 $0x1BF5;
	[smem:$0x3FB7] =	sst s0  }
0x18: {  	s0 =	sld [smem:$0x3F9A];
	_ =	swait.ge [sflag:s4], $0x0  }
0x19: {  	s7 =	sld [smem:$0x3F9B]  }
0x1a: {  	s8 =	sadd.s32 $0xFFFFE003, lr  }
0x1b: {  	s9 =	sadd.s32 $0xFFFFFEF7, lr;
	s5 =	simm.s32 $0xFFFFFFFF;
	p2 =	slt.u32 s8, $0xFFFFF086  }
0x1c: {  	p1 =	slt.u32 s9, $0xF7A;
	s5 =	simm.s32 @!p2 $0x0  }
0x1d: {  	s5 =	simm.s32 @p1 $0x1;
	p0 =	seq.s32 s7, s2  }
0x1e: {  	s7 =	smul.u32 @!p0 $0xF7A, s2;
	p2 =	seq.s32 @!p0 s5, $0x0  }
0x1f: {  	s9 =	smul.u32 $0xF7A, s1;
	s8 =	simm.s32 @!p0 $0x1BF5;
	p2 =	por !p2, p0  }
0x20: {  	[sflag:s8] =	ssyncset.s32 @!p0 $0xFFFFF086;
	s6 =	sadd.s32 @!p0 s3, s7;
	s7 =	simm.s32 @!p0 $0x108  }
0x21: {  	s3 =	sadd.s32 s3, s9;
	s6 =	sadd.s32 @!p0 $0x88, s6;
	s7 =	simm.s32 @p2 $0x1082  }
0x22: {  	[simem:s7], [sflag:s8] =	dma.local @!p0 [hbm:s6], $0xF7A  }
0x23: {  	s9 =	sor.u32 $0xD0000000, s2;
	s6 =	simm.s32 $0x108;
	_ =	swait.ge @!p0 [sflag:s8], $0x0  }
0x24: {  	s3 =	sadd.s32 $0x88, s3;
	s6 =	simm.s32 @!p1 $0x1082;
	[sflag:s4] =	ssyncset.s32 $0xFFFFF086  }
0x25: {  	[simem:s6], [sflag:s4] =	dma.local [hbm:s3], $0xF7A  }
0x26: {  	[smem:$0x3F9B] =	sst s1;
	(tag) =	ssettag s2;
	_ =	strace s9  }
0x27: {  	s1 =	sld [smem:$0x3FAB]  }
0x28: {  	s2 =	sld [smem:$0x3FAC]  }
0x29: {  	s4 =	sld [smem:$0x3FAE]  }
0x2a: {  	p0 =	seq.s32 s5, $0x0;
	s5 =	sld [smem:$0x3FAF]  }
0x2b: {  	s6 =	sld [smem:$0x3FB0]  }
0x2c: {  	s7 =	sld [smem:$0x3FB1]  }
0x2d: {  	s3 =	simm.s32 $0x108;
	s8 =	sld [smem:$0x3FB2]  }
0x2e: {  	s3 =	simm.s32 @!p0 $0x1082;
	s9 =	sld [smem:$0x3FB3]  }
0x2f: {  	lr =	sadd.s32 s0, s3;
	s0 =	sld [smem:$0x3FAA]  }
0x30: {  	s3 =	sld [smem:$0x3FAD]  }
0x31: {  	[smem:$0x3FB6] =	sst s10  }
0x32: {  	s10 =	sld [smem:$0x3FB4];
	_ =	sdelay $0x3  }
0x33: {  	p0 =	seq.s32 s10, $0x1;
	s10 =	sld [smem:$0x3FB6];
	_ =	sdelay $0x3  }
0x34: {  	[smem:$0x3FB6] =	sst s10  }
0x35: {  	s10 =	sld [smem:$0x3FB5];
	_ =	sdelay $0x3  }
0x36: {  	p1 =	seq.s32 s10, $0x1;
	s10 =	sld [smem:$0x3FB6];
	_ =	sdelay $0x3  }
0x37: {  	[smem:$0x3FB6] =	sst s10  }
0x38: {  	s10 =	sld [smem:$0x3FB7]  }
0x39: {  	_ = 	snop;
	(pc) =	sbr.ind lr, $3  }
0x3a: {  	_ = 	snop  }
0x3b: {  	_ = 	snop  }
0x3c: {  	p2 =	seq.s32 s10, $0x1;
	s10 =	sld [smem:$0x3FB6]  }
0x3d: {  	_ =	shalt  }
0x3e: {  	_ =	shalt  }
0x3f: {  	_ =	shalt  }
0x40: {  	_ =	shalt  }
0x41: {  	_ =	shalt  }
0x42: {  	_ =	shalt  }
0x43: {  	_ =	shalt  }
0x44: {  	_ =	shalt  }
0x45: {  	_ =	shalt  }
0x46: {  	_ =	shalt  }
0x47: {  	_ =	shalt  }
0x48: {  	_ =	shalt  }
0x49: {  	_ =	shalt  }
0x4a: {  	_ =	shalt  }
0x4b: {  	_ =	shalt  }
0x4c: {  	_ =	shalt  }
0x4d: {  	_ =	shalt  }
0x4e: {  	_ =	shalt  }
0x4f: {  	_ =	shalt  }
0x50: {  	_ =	shalt  }
0x51: {  	_ =	shalt  }
0x52: {  	_ =	shalt  }
0x53: {  	_ =	shalt  }
0x54: {  	_ =	shalt  }
0x55: {  	_ =	shalt  }
0x56: {  	_ =	shalt  }
0x57: {  	_ =	shalt  }
0x58: {  	_ =	shalt  }
0x59: {  	_ =	shalt  }
0x5a: {  	_ =	shalt  }
0x5b: {  	_ =	shalt  }
0x5c: {  	_ =	shalt  }
0x5d: {  	_ =	shalt  }
0x5e: {  	_ =	shalt  }
0x5f: {  	_ =	shalt  }
0x60: {  	_ =	shalt  }
0x61: {  	_ =	shalt  }
0x62: {  	_ =	shalt  }
0x63: {  	_ =	shalt  }
0x64: {  	_ =	shalt  }
0x65: {  	_ =	shalt  }
0x66: {  	_ =	shalt  }
0x67: {  	_ =	shalt  }
0x68: {  	_ =	shalt  }
0x69: {  	_ =	shalt  }
0x6a: {  	_ =	shalt  }
0x6b: {  	_ =	shalt  }
0x6c: {  	_ =	shalt  }
0x6d: {  	_ =	shalt  }
0x6e: {  	_ =	shalt  }
0x6f: {  	_ =	shalt  }
0x70: {  	_ =	shalt  }
0x71: {  	_ =	shalt  }
0x72: {  	_ =	shalt  }
0x73: {  	_ =	shalt  }
0x74: {  	_ =	shalt  }
0x75: {  	_ =	shalt  }
0x76: {  	_ =	shalt  }
0x77: {  	_ =	shalt  }
0x78: {  	_ =	shalt  }
0x79: {  	_ =	shalt  }
0x7a: {  	_ =	shalt  }
0x7b: {  	_ =	shalt  }
0x7c: {  	_ =	shalt  }
0x7d: {  	_ =	shalt  }
0x7e: {  	_ =	shalt  }
0x7f: {  	_ =	shalt  }
0x80: {  	_ =	shalt  }
0x81: {  	_ =	shalt  }
0x82: {  	_ =	shalt  }
0x83: {  	_ =	shalt  }
0x84: {  	_ =	shalt  }
0x85: {  	_ =	shalt  }
0x86: {  	_ =	shalt  }
0x87: {  	_ =	shalt  }
.Lfunc_end0:
.L_simem_size_0:
called_computation_lowered:
.L_overlay_start_0:
0x88: {  	s2 =	sld [smem:$0x3FD9]  }
0x89: {  	s3 =	sld [smem:$0x3FFE];
	_ =	sdelay $0x1  }
0x8a: {  	s1 =	srdreg.scid  }
0x8b: {  	s0 =	sand.u32 $0x1, s1  }
0x8c: {  	s17 =	sshll.u32 s0, $0xA;
	s2 =	sadd.s32 s3, s2  }
0x8d: {  	s2 =	sadd.s32 s2, s17  }
0x8e: {  	[smem:$0x3FC2] =	sst s2  }
0x8f: {  	_ = 	snop  }
0x90: {  	s2 =	sld [smem:$0x3FC9]  }
0x91: {  	s18 =	sld [smem:$0x3FC8]  }
0x92: {  	s4 =	sld [smem:$0x3FC7]  }
0x93: {  	s5 =	sld [smem:$0x3FD0];
	(tm) =	ssettm $0x1  }
0x94: {  	s6 =	sld [smem:$0x3FFB];
	_ =	sdelay $0x3  }
0x95: {  	_ =	strace s6  }
0x96: {  	s6 =	sld [smem:$0x3FFC];
	_ =	sdelay $0x3  }
0x97: {  	_ =	strace s6  }
0x98: {  	s6 =	sld [smem:$0x3FFD];
	_ =	sdelay $0x3  }
0x99: {  	_ =	strace s6  }
0x9a: {  	_ =	strace $0x8FFFFFFF  }
0x9b: {  	s19 =	sld [smem:$0x3FDB];
	_ =	sdelay $0x1  }
0x9c: {  	s7 =	simm.s32 $_scs_section_size  }
0x9d: {  	s8 =	simm.s32 $_size__tile_overlayer_lowered;
	s9 =	simm.s32 $_tile_overlayer_lowered  }
0x9e: {  	s22 =	simm.s32 $0x1BFF;
	s21 =	sshll.u32 s9, $0x1;
	s6 =	sadd.s32 s7, s19  }
0x9f: {  	s10 =	simm.s32 $0x0;
	s20 =	sshll.u32 s8, $0x1;
	s8 =	sadd.s32 s21, s6  }
0xa0: {  	[timem:s10], [sflag:s22] =	dma.local [hbm:s8], s20  }
0xa1: {  	_ =	swait.ge [sflag:s22], s20  }
0xa2: {  	s7 =	ssub.s32 $0x0, s20;
	[sflag:s22] =	ssyncset.done $0x0  }
0xa3: {  	[sflag:s22] =	ssyncadd.s32 s7;
	_ =	sdelay $0x1  }
0xa4: {  	s23 =	simm.s32 $0x1B8B  }
0xa5: {  	_ =	swait.ge [sflag:s23], $0x1  }
0xa6: {  	[sflag:s23] =	ssyncset.done $0x0  }
0xa7: {  	s25 =	simm.s32 $0x1B8E;
	s24 =	sld [smem:$0x3FFE];
	[sflag:s23] =	ssyncadd.s32 $0xFFFFFFFF  }
0xa8: {  	s26 =	simm.s32 $execute0_lowered;
	[smem:$0x3FD2] =	sst s25  }
0xa9: {  	s8 =	sshll.u32 s26, $0x1;
	_ =	strace $0x80000046;
	[dreg:$0x1] =	wrdreg $0xFFFFFFFF  }
0xaa: {  	s28 =	simm.s32 $_size_execute0_lowered;
	s6 =	sadd.s32 s6, s8;
	[dreg:$0x0] =	wrdreg $0x0  }
0xab: {  	s8 =	sshll.u32 s28, $0x1;
	[dreg:$0x2] =	wrdreg s6  }
0xac: {  	[dreg:$0x3] =	wrdreg s8  }
0xad: {  	[dreg:$0x4] =	wrdreg $0xC0  }
0xae: {  	_ =	task [dreg:s10], $0x5FFFF  }
0xaf: {  	[dreg:$0x1] =	wrdreg $0xFFFFFFFF  }
0xb0: {  	[dreg:$0x0] =	wrdreg $0x60  }
0xb1: {  	[dreg:$0x2] =	wrdreg s2  }
0xb2: {  	[dreg:$0x3] =	wrdreg s18  }
0xb3: {  	[dreg:$0x4] =	wrdreg s4  }
0xb4: {  	[dreg:$0x5] =	wrdreg s24  }
0xb5: {  	[dreg:$0x6] =	wrdreg s5  }
0xb6: {  	[dreg:$0x7] =	wrdreg $0x9  }
0xb7: {  	_ =	task.clear_ibuf [dreg:s10], $0x8FFFF;
	_ =	strace $0x90000046  }
0xb8: {  	s29 =	simm.s32 $0x9;
	_ =	strace $0x80000048  }
0xb9: {  	_ =	swait.ge [sflag:s29], $0x1  }
0xba: {  	[sflag:s29] =	ssyncadd.s32 $0xFFFFFFFF  }
0xbb: {  	_ =	strace $0x90000048  }
0xbc: {  	_ =	sfence  }
0xbd: {  	s30 =	sld [smem:$0x0];
	_ =	sdelay $0x2  }
0xbe: {  	s31 =	sshll.u32 s1, $0xD;
	s1 =	sshrl.u32 s1, $0x2  }
0xbf: {  	s3 =	sand.u32 $0x4000, s31;
	s1 =	sadd.s32 s1, s30  }
0xc0: {  	s0 =	sor.u32 s3, s0;
	s1 =	sshll.u32 s1, $0x11  }
0xc1: {  	s0 =	sor.u32 s1, s0  }
0xc2: {  	s0 =	sadd.s32 $0x8F2B, s0  }
0xc3: {  	[sflag:s0] =	ssyncadd.remote.s32 $0x1  }
0xc4: {  	_ =	sfence.sel $0xFFFF  }
0xc5: {  	[dreg:$0x0] =	wrdreg $0xFFFFFFFF;
	(pc) =	sbr.abs _section_cstart, $3  }
0xc6: {  	[dreg:$0x1] =	wrdreg $0xFFFFFFFF  }
0xc7: {  	_ =	task.clear_ibuf [dreg:s10], $0x2FFFF;
	_ =	strace $0x9FFFFFFF  }
0xc8: {  	(tm) =	ssettm $0x7FFFFFFF  }
0xc9: {  	_ =	shalt  }
tec
execute0_lowered:
.L_overlay_start_1:
0x0: {  	(tag) =	ssettag $0x1  }
0x1: {  	s0 =	rddreg [dreg:$0x0]  }
0x2: {  	s2 =	rddreg [dreg:$0x1]  }
0x3: {  	s5 =	rddreg [dreg:$0x2]  }
0x4: {  	s6 =	rddreg [dreg:$0x3]  }
0x5: {  	s1 =	rddreg [dreg:$0x4];
	s3 =	simm.s32 $0x0;
	s4 =	srdreg.scid  }
0x6: {  	s11 =	stileid.u32;
	[smem:$0x7FF] =	sst s3;
	s4 =	sand.u32 $0x1, s4  }
0x7: {  	s13 =	sshll.u32 s11, $0x1;
	s24 =	sadd.s32 $0x400, s6;
	s9 =	sshll.u32 s11, $0x8  }
0x8: {  	s18 =	sadd.s32 $0x480, s6;
	s20 =	sadd.s32 $0x580, s6;
	s25 =	sadd.s32 $0x680, s6  }
0x9: {  	_ =	strace $0x80000047;
	s7 =	ssub.s32 $0x2, s4;
	[dreg:$0xa] =	wrdreg s18  }
0xa: {  	s12 =	sor.u32 s4, s13;
	s15 =	sand.u32 $0xC00, s9;
	[dreg:$0xf] =	wrdreg s20  }
0xb: {  	s28 =	smov.u32 s25;
	[dreg:$0x6] =	wrdreg s13;
	s10 =	sshrl.u32 s7, $0x1  }
0xc: {  	s8 =	sshll.u32 s12, $0x8;
	s17 =	sadd.s32 s24, s15;
	s19 =	sshll.u32 s12, $0xB  }
0xd: {  	[dreg:$0x7] =	wrdreg s12;
	s22 =	sand.u32 $0x7, s12;
	s12 =	sor.u32 $0x380, s9  }
0xe: {  	s4 =	ssub.s32 s7, s10;
	[dreg:$0x9] =	wrdreg s17;
	s10 =	sadd.s32 $0x500, s6  }
0xf: {  	s14 =	sand.u32 $0x700, s8;
	s8 =	sadd.s32 s15, s25;
	[dreg:$0xc] =	wrdreg s10  }
0x10: {  	p0 =	sne.s32 s22, $0x0;
	s17 =	sadd.s32 $0x700, s6;
	[dreg:$0x13] =	wrdreg s8  }
0x11: {  	s7 =	sadd.s32 s0, s14;
	s10 =	sadd.s32 s15, s10;
	[dreg:$0x16] =	wrdreg s17  }
0x12: {  	s14 =	sadd.s32 $0x600, s6;
	s4 =	smax.u32 s4, $0x1;
	[dreg:$0x8] =	wrdreg s7  }
0x13: {  	s7 =	sadd.s32 s15, s18;
	[dreg:$0xd] =	wrdreg s10;
	s10 =	sadd.s32 s15, s20  }
0x14: {  	s26 =	smov.u32 s14;
	s18 =	sadd.s32 $0x780, s6;
	[smem:$0x7FC] =	sst s4  }
0x15: {  	s4 =	simm.s32 $0x2;
	[dreg:$0xb] =	wrdreg s7;
	s7 =	sand.u32 $0x3800, s19  }
0x16: {  	[dreg:$0xe] =	wrdreg s10;
	s10 =	sor.u32 $0x300, s9;
	s21 =	sshrl.u32 s7, $0x3  }
0x17: {  	[dreg:$0x17] =	wrdreg s18;
	s25 =	sadd.s32 s1, s7;
	s0 =	sadd.s32 s0, s21  }
0x18: {  	s16 =	sadd.s32 s2, s21;
	s23 =	sadd.s32 s5, s21;
	[dreg:$0x10] =	wrdreg s0  }
0x19: {  	s5 =	sadd.s32 s15, s14;
	s14 =	sshll.u32 s11, $0xC;
	[dreg:$0x11] =	wrdreg s23  }
0x1a: {  	[dreg:$0x12] =	wrdreg s5;
	s0 =	sadd.s32 s24, s10;
	s15 =	sand.u32 $0xC000, s14  }
0x1b: {  	s23 =	sshll.u32 s7, $0x3;
	[dreg:$0x14] =	wrdreg s0;
	s0 =	sadd.s32 s24, s12  }
0x1c: {  	s19 =	sor.u32 $0x60000, s15;
	s17 =	sor.u32 $0x400, s23;
	[dreg:$0x15] =	wrdreg s0  }
0x1d: {  	s18 =	sor.u32 $0x800, s23;
	s15 =	sor.u32 s7, s19;
	[dreg:$0x18] =	wrdreg s17  }
0x1e: {  	[dreg:$0x19] =	wrdreg s18;
	s5 =	sadd.s32 s19, s25;
	s6 =	sadd.s32 s15, s1  }
0x1f: {  	s29 =	smov.u32 s25;
	[dreg:$0x1a] =	wrdreg s5;
	s19 =	sadd.s32 $0x80, s6  }
0x20: {  	s30 =	sor.u32 $0xC00, s23;
	s25 =	sadd.s32 $0x100, s6;
	[dreg:$0x1b] =	wrdreg s19  }
0x21: {  	s31 =	sor.u32 $0x1000, s23;
	s9 =	sadd.s32 $0x180, s6;
	[dreg:$0x1c] =	wrdreg s25  }
0x22: {  	s2 =	sor.u32 $0x1800, s23;
	s11 =	sadd.s32 $0x200, s6;
	[dreg:$0x1d] =	wrdreg s9  }
0x23: {  	s8 =	sor.u32 $0x2000, s23;
	s15 =	sadd.s32 $0x280, s6;
	[dreg:$0x1e] =	wrdreg s11  }
0x24: {  	s10 =	sor.u32 $0x2400, s23;
	s17 =	sadd.s32 $0x300, s6;
	[dreg:$0x1f] =	wrdreg s15  }
0x25: {  	s12 =	sor.u32 $0x2800, s23;
	s18 =	sadd.s32 $0x380, s6;
	[smem:$0x7F2] =	sst s17  }
0x26: {  	s14 =	sor.u32 $0x2C00, s23;
	[smem:$0x7F3] =	sst s18;
	s19 =	sadd.s32 $0x400, s6  }
0x27: {  	s20 =	sor.u32 $0x3000, s23;
	s25 =	sadd.s32 $0x480, s6;
	[smem:$0x7F4] =	sst s19  }
0x28: {  	s21 =	sor.u32 $0x3400, s23;
	s9 =	sadd.s32 $0x500, s6;
	[smem:$0x7F5] =	sst s25  }
0x29: {  	s22 =	sor.u32 $0x3800, s23;
	s11 =	sadd.s32 $0x580, s6;
	[smem:$0x7F6] =	sst s9  }
0x2a: {  	s0 =	sor.u32 $0x1400, s23;
	s15 =	sadd.s32 $0x600, s6;
	[smem:$0x7F7] =	sst s11  }
0x2b: {  	s7 =	sor.u32 $0x1C00, s23;
	s17 =	sadd.s32 $0x680, s6;
	[smem:$0x7F8] =	sst s15  }
0x2c: {  	s23 =	sor.u32 $0x3C00, s23;
	s18 =	sadd.s32 $0x700, s6;
	[smem:$0x7F9] =	sst s17  }
0x2d: {  	[smem:$0x7FA] =	sst s18;
	s19 =	sadd.s32 $0x780, s6;
	s25 =	sor.u32 $0x40, s13  }
0x2e: {  	s6 =	simm.s32 $0x1000;
	s17 =	simm.s32 $0x3000;
	[smem:$0x7FB] =	sst s19  }
0x2f: {  	s18 =	simm.s32 $0x1;
	s11 =	simm.s32 $0x0;
	[smem:$0x7FD] =	sst s25  }
.LBB2_1:
0x30: {  	[smem:$0x7F1] =	sst s11  }
0x31: {  	s5 =	rddreg [dreg:$0x8]  }
0x32: {  	[tilespmem:s3], [sflag:$0x1] =	stream.linear.gather [hbm4b:s5+s3], $0x800, $0x38;
	[tilespmem:$0xD000] =	vst v63  }
0x33: {  	s19 =	rddreg [dreg:$0x9]  }
0x34: {  	[tilespmem:s6], [sflag:$0x1] =	stream.linear.gather [hbm4b:s19+s3], $0x400, $0x38;
	[tilespmem:$0xD000] =	vst v63  }
0x35: {  	s25 =	rddreg [dreg:$0xb];
	s9 =	simm.s32 $0x1400  }
0x36: {  	[tilespmem:s9], [sflag:$0x1] =	stream.linear.gather [hbm4b:s25+s3], $0x400, $0x38;
	[tilespmem:$0xD000] =	vst v63  }
0x37: {  	s11 =	simm.s32 $0x1800;
	s9 =	rddreg [dreg:$0xd]  }
0x38: {  	[tilespmem:s11], [sflag:$0x1] =	stream.linear.gather [hbm4b:s9+s3], $0x400, $0x38;
	[tilespmem:$0xD000] =	vst v63  }
0x39: {  	s13 =	rddreg [dreg:$0xe];
	s15 =	simm.s32 $0x1C00  }
0x3a: {  	[tilespmem:s15], [sflag:$0x1] =	stream.linear.gather [hbm4b:s13+s3], $0x400, $0x38;
	[tilespmem:$0xD000] =	vst v63  }
0x3b: {  	s19 =	rddreg [dreg:$0x12];
	s25 =	simm.s32 $0x2000  }
0x3c: {  	[tilespmem:s25], [sflag:$0x1] =	stream.linear.gather [hbm4b:s19+s3], $0x400, $0x38;
	[tilespmem:$0xD000] =	vst v63  }
0x3d: {  	s9 =	rddreg [dreg:$0x13];
	s11 =	simm.s32 $0x2400  }
0x3e: {  	[tilespmem:s11], [sflag:$0x1] =	stream.linear.gather [hbm4b:s9+s3], $0x400, $0x38;
	[tilespmem:$0xD000] =	vst v63  }
0x3f: {  	s13 =	rddreg [dreg:$0x14];
	s15 =	simm.s32 $0x2800  }
0x40: {  	[tilespmem:s15], [sflag:$0x1] =	stream.linear.gather [hbm4b:s13+s3], $0x400, $0x38;
	[tilespmem:$0xD000] =	vst v63  }
0x41: {  	s5 =	simm.s32 $0x0;
	s19 =	rddreg [dreg:$0x15];
	s25 =	simm.s32 $0x2C00  }
0x42: {  	[tilespmem:s25], [sflag:$0x1] =	stream.linear.gather [hbm4b:s19+s3], $0x400, $0x38;
	[tilespmem:$0xD000] =	vst v63  }
.LBB2_2:
0x43: {  	s11 =	sshll.u32 s5, $0x6;
	s9 =	rddreg [dreg:$0x6];
	p1 =	seq.s32 s5, $0x0  }
0x44: {  	s13 =	smov.u32 s16;
	s15 =	rddreg [dreg:$0x10];
	s9 =	sor.u32 s9, s11  }
0x45: {  	s25 =	simm.s32 $0x800;
	s13 =	smov.u32 @p1 s15;
	s9 =	sshrl.u32 s9, $0x3  }
0x46: {  	[tilespmem:s25], [sflag:$0x2] =	stream.linear.gather [hbm4b:s13+s3], $0x800, $0x38;
	[tilespmem:$0xD000] =	vst v63  }
0x47: {  	s9 =	sor.u32 $0x4, s9  }
0x48: {  	s13 =	sshll.u32 s9, $0xA  }
0x49: {  	s25 =	smov.u32 s24;
	s19 =	sadd.s32 s24, s13;
	s24 =	rddreg [dreg:$0xa]  }
0x4a: {  	[tilespmem:s17], [sflag:$0x2] =	stream.linear.gather [hbm4b:s19+s3], $0x400, $0x38;
	[tilespmem:$0xD000] =	vst v63  }
0x4b: {  	s15 =	sadd.s32 s13, s24;
	s19 =	simm.s32 $0x3400  }
0x4c: {  	[tilespmem:s19], [sflag:$0x2] =	stream.linear.gather [hbm4b:s15+s3], $0x400, $0x38;
	[tilespmem:$0xD000] =	vst v63  }
0x4d: {  	s19 =	rddreg [dreg:$0xc]  }
0x4e: {  	s24 =	simm.s32 $0x3800;
	s15 =	sadd.s32 s13, s19;
	s19 =	rddreg [dreg:$0xf]  }
0x4f: {  	[tilespmem:s24], [sflag:$0x2] =	stream.linear.gather [hbm4b:s15+s3], $0x400, $0x38;
	[tilespmem:$0xD000] =	vst v63  }
0x50: {  	s15 =	sadd.s32 s13, s19;
	s24 =	simm.s32 $0x3C00  }
0x51: {  	[tilespmem:s24], [sflag:$0x2] =	stream.linear.gather [hbm4b:s15+s3], $0x400, $0x38;
	[tilespmem:$0xD000] =	vst v63  }
0x52: {  	s19 =	sadd.s32 s13, s26;
	s24 =	simm.s32 $0x4000  }
0x53: {  	[tilespmem:s24], [sflag:$0x2] =	stream.linear.gather [hbm4b:s19+s3], $0x400, $0x38;
	[tilespmem:$0xD000] =	vst v63  }
0x54: {  	s19 =	sadd.s32 s13, s28;
	s24 =	simm.s32 $0x4400  }
0x55: {  	[tilespmem:s24], [sflag:$0x2] =	stream.linear.gather [hbm4b:s19+s3], $0x400, $0x38;
	[tilespmem:$0xD000] =	vst v63  }
0x56: {  	s19 =	rddreg [dreg:$0x16]  }
0x57: {  	s24 =	simm.s32 $0x4800;
	s15 =	sadd.s32 s13, s19  }
0x58: {  	[tilespmem:s24], [sflag:$0x2] =	stream.linear.gather [hbm4b:s15+s3], $0x400, $0x38;
	[tilespmem:$0xD000] =	vst v63  }
0x59: {  	s24 =	rddreg [dreg:$0x17]  }
0x5a: {  	s19 =	simm.s32 $0x4C00;
	s13 =	sadd.s32 s13, s24  }
0x5b: {  	[tilespmem:s19], [sflag:$0x2] =	stream.linear.gather [hbm4b:s13+s3], $0x400, $0x38;
	[tilespmem:$0xD000] =	vst v63  }
0x5c: {  	_ =	swait.ge [sflag:s18], $0x800  }
0x5d: {  	[sflag:s18] =	ssyncset.done $0x0  }
0x5e: {  	[sflag:s18] =	ssyncadd.s32 $0xFFFFF800  }
0x5f: {  	_ =	swait.ge [sflag:s18], $0x400  }
0x60: {  	[sflag:s18] =	ssyncset.done $0x0  }
0x61: {  	[sflag:s18] =	ssyncadd.s32 $0xFFFFFC00  }
0x62: {  	_ =	swait.ge [sflag:s18], $0x400  }
0x63: {  	[sflag:s18] =	ssyncset.done $0x0  }
0x64: {  	[sflag:s18] =	ssyncadd.s32 $0xFFFFFC00  }
0x65: {  	_ =	swait.ge [sflag:s18], $0x400  }
0x66: {  	[sflag:s18] =	ssyncset.done $0x0  }
0x67: {  	[sflag:s18] =	ssyncadd.s32 $0xFFFFFC00  }
0x68: {  	_ =	swait.ge [sflag:s18], $0x400  }
0x69: {  	[sflag:s18] =	ssyncset.done $0x0  }
0x6a: {  	[sflag:s18] =	ssyncadd.s32 $0xFFFFFC00  }
0x6b: {  	_ =	swait.ge [sflag:s18], $0x400  }
0x6c: {  	[sflag:s18] =	ssyncset.done $0x0  }
0x6d: {  	[sflag:s18] =	ssyncadd.s32 $0xFFFFFC00  }
0x6e: {  	_ =	swait.ge [sflag:s18], $0x400  }
0x6f: {  	[sflag:s18] =	ssyncset.done $0x0  }
0x70: {  	[sflag:s18] =	ssyncadd.s32 $0xFFFFFC00  }
0x71: {  	_ =	swait.ge [sflag:s18], $0x400  }
0x72: {  	[sflag:s18] =	ssyncset.done $0x0  }
0x73: {  	[sflag:s18] =	ssyncadd.s32 $0xFFFFFC00  }
0x74: {  	_ =	swait.ge [sflag:s18], $0x400  }
0x75: {  	[sflag:s18] =	ssyncset.done $0x0  }
0x76: {  	s13 =	simm.s32 @!p1 $0x3;
	[sflag:s18] =	ssyncadd.s32 $0xFFFFFC00  }
0x77: {  	_ =	swait.ge @!p1 [sflag:s13], $0x400  }
0x78: {  	[sflag:s13] =	ssyncset.done @!p1 $0x0  }
0x79: {  	[sflag:s13] =	ssyncadd.s32 @!p1 $0xFFFFFC00  }
0x7a: {  	_ =	swait.ge @!p1 [sflag:s13], $0x400  }
0x7b: {  	[sflag:s13] =	ssyncset.done @!p1 $0x0  }
0x7c: {  	[sflag:s13] =	ssyncadd.s32 @!p1 $0xFFFFFC00  }
0x7d: {  	_ =	swait.ge @!p1 [sflag:s13], $0x400  }
0x7e: {  	[sflag:s13] =	ssyncset.done @!p1 $0x0  }
0x7f: {  	[sflag:s13] =	ssyncadd.s32 @!p1 $0xFFFFFC00  }
0x80: {  	_ =	swait.ge @!p1 [sflag:s13], $0x400  }
0x81: {  	[sflag:s13] =	ssyncset.done @!p1 $0x0  }
0x82: {  	[sflag:s13] =	ssyncadd.s32 @!p1 $0xFFFFFC00  }
0x83: {  	_ =	swait.ge @!p1 [sflag:s13], $0x400  }
0x84: {  	[sflag:s13] =	ssyncset.done @!p1 $0x0  }
0x85: {  	[sflag:s13] =	ssyncadd.s32 @!p1 $0xFFFFFC00  }
0x86: {  	_ =	swait.ge @!p1 [sflag:s13], $0x400  }
0x87: {  	[sflag:s13] =	ssyncset.done @!p1 $0x0  }
0x88: {  	[sflag:s13] =	ssyncadd.s32 @!p1 $0xFFFFFC00  }
0x89: {  	_ =	swait.ge @!p1 [sflag:s13], $0x400  }
0x8a: {  	[sflag:s13] =	ssyncset.done @!p1 $0x0  }
0x8b: {  	[sflag:s13] =	ssyncadd.s32 @!p1 $0xFFFFFC00  }
0x8c: {  	_ =	swait.ge @!p1 [sflag:s13], $0x400  }
0x8d: {  	[sflag:s13] =	ssyncset.done @!p1 $0x0  }
0x8e: {  	[sflag:s13] =	ssyncadd.s32 @!p1 $0xFFFFFC00  }
0x8f: {  	_ =	swait.ge @!p1 [sflag:s13], $0x400  }
0x90: {  	[sflag:s13] =	ssyncset.done @!p1 $0x0  }
0x91: {  	[sflag:s13] =	ssyncadd.s32 @!p1 $0xFFFFFC00  }
0x92: {  	_ =	swait.ge @!p1 [sflag:s13], $0x400  }
0x93: {  	[sflag:s13] =	ssyncset.done @!p1 $0x0  }
0x94: {  	[sflag:s13] =	ssyncadd.s32 @!p1 $0xFFFFFC00  }
0x95: {  	_ =	swait.ge @!p1 [sflag:s13], $0x400  }
0x96: {  	[sflag:s13] =	ssyncset.done @!p1 $0x0  }
0x97: {  	[sflag:s13] =	ssyncadd.s32 @!p1 $0xFFFFFC00  }
0x98: {  	_ =	swait.ge @!p1 [sflag:s13], $0x400  }
0x99: {  	[sflag:s13] =	ssyncset.done @!p1 $0x0  }
0x9a: {  	[sflag:s13] =	ssyncadd.s32 @!p1 $0xFFFFFC00  }
0x9b: {  	_ =	swait.ge @!p1 [sflag:s13], $0x400  }
0x9c: {  	[sflag:s13] =	ssyncset.done @!p1 $0x0  }
0x9d: {  	[sflag:s13] =	ssyncadd.s32 @!p1 $0xFFFFFC00  }
0x9e: {  	_ =	swait.ge @!p1 [sflag:s13], $0x400  }
0x9f: {  	[sflag:s13] =	ssyncset.done @!p1 $0x0  }
0xa0: {  	[sflag:s13] =	ssyncadd.s32 @!p1 $0xFFFFFC00  }
0xa1: {  	_ =	swait.ge @!p1 [sflag:s13], $0x400  }
0xa2: {  	[sflag:s13] =	ssyncset.done @!p1 $0x0  }
0xa3: {  	[sflag:s13] =	ssyncadd.s32 @!p1 $0xFFFFFC00  }
0xa4: {  	_ =	swait.ge @!p1 [sflag:s13], $0x400  }
0xa5: {  	[sflag:s13] =	ssyncset.done @!p1 $0x0  }
0xa6: {  	s24 =	simm.s32 $0x40;
	[sflag:s13] =	ssyncadd.s32 @!p1 $0xFFFFFC00  }
0xa7: {  	v0 =	vld [tilespmem:s24+$0x30];
	_ =	sdelay $0x3  }
0xa8: {  	v1 =	vld [tilespmem:s24+$0xFFFFFFD0]  }
0xa9: {  	v2 =	vshll.u32 v0, $0x3  }
0xaa: {  	v3 =	vld [tilespmem:s24+$0xFFFFFFE0];
	v0 =	vand.u32 $0x7F, v0;
	v2 =	vand.u32 $0xFFFFFC00, v2  }
0xab: {  	v5 =	vld [tilespmem:s24+$0xFFFFFFC0];
	v4 =	vor.u32 v0, v2;
	_ =	sdelay $0x1  }
0xac: {  	v2 =	vld [tilespmem:s24+$0xFFFFFFF0];
	v0 =	vshll.u32 v1, $0x3  }
0xad: {  	v7 =	vld [tilespmem:s24+$0x10];
	v1 =	vand.u32 $0x7F, v1;
	v8 =	vand.u32 $0xFFFFFC00, v0  }
0xae: {  	v6 =	vld [tilespmem:s24+$0x0];
	v0 =	vshll.u32 v3, $0x3;
	v1 =	vor.u32 v1, v8  }
0xaf: {  	v11 =	vor.u32 $0x80, v4;
	v9 =	vand.u32 $0xFFFFFC00, v0;
	v0 =	vshll.u32 v5, $0x3;
	v10 =	vld.idx.msk [tilespmem:v4+s6+$0x0], $0xffff  }
0xb0: {  	v12 =	vld [tilespmem:s24+$0x20];
	v3 =	vand.u32 $0x7F, v3;
	v5 =	vand.u32 $0x7F, v5;
	v0 =	vand.u32 $0xFFFFFC00, v0  }
0xb1: {  	v0 =	vor.u32 v5, v0;
	v13 =	vshll.u32 v2, $0x3;
	v8 =	vand.u32 $0x7F, v2  }
0xb2: {  	v2 =	vor.u32 v3, v9;
	v9 =	vshll.u32 v7, $0x3;
	v5 =	vand.u32 $0xFFFFFC00, v13  }
0xb3: {  	s13 =	simm.s32 $0x5200;
	v13 =	vshll.u32 v6, $0x3;
	v3 =	vor.u32 v8, v5;
	v5 =	vand.u32 $0xFFFFFC00, v9;
	v9 =	vld.idx.msk [tilespmem:v1+s6+$0x0], $0xffff  }
0xb4: {  	v15 =	vor.u32 $0x80, v1;
	v6 =	vand.u32 $0x7F, v6;
	v13 =	vand.u32 $0xFFFFFC00, v13;
	[tilespmem:s13+$0xFFFFFE70] =	vst v10  }
0xb5: {  	v7 =	vand.u32 $0x7F, v7;
	v8 =	vshll.u32 v12, $0x3;
	v10 =	vor.u32 v6, v13;
	v6 =	vld.idx.msk [tilespmem:v11+s6+$0x0], $0xffff  }
0xb6: {  	v11 =	vor.u32 v7, v5;
	v5 =	vld.idx.msk [tilespmem:v0+s6+$0x0], $0xffff;
	v7 =	vand.u32 $0xFFFFFC00, v8;
	v8 =	vand.u32 $0x7F, v12  }
0xb7: {  	v13 =	vor.u32 $0x100, v4;
	v12 =	vor.u32 v8, v7;
	v7 =	vld.idx.msk [tilespmem:v2+s6+$0x0], $0xffff  }
0xb8: {  	v8 =	vor.u32 $0x80, v0;
	v14 =	vld.idx.msk [tilespmem:v3+s6+$0x0], $0xffff;
	[tilespmem:s13+$0xFFFFFE10] =	vst v9  }
0xb9: {  	v15 =	vld.idx.msk [tilespmem:v15+s6+$0x0], $0xffff  }
0xba: {  	v17 =	vor.u32 $0x80, v2;
	v16 =	vld.idx.msk [tilespmem:v10+s6+$0x0], $0xffff  }
0xbb: {  	v18 =	vld.idx.msk [tilespmem:v11+s6+$0x0], $0xffff;
	[tilespmem:s13+$0xFFFFFEF0] =	vst v6;
	v6 =	vor.u32 $0x80, v3  }
0xbc: {  	[tilespmem:s13+$0xFFFFFE00] =	vst v5;
	v5 =	vld.idx.msk [tilespmem:v13+s6+$0x0], $0xffff;
	v13 =	vor.u32 $0x80, v10  }
0xbd: {  	v19 =	vor.u32 $0x80, v11;
	v8 =	vld.idx.msk [tilespmem:v8+s6+$0x0], $0xffff;
	[tilespmem:s13+$0xFFFFFE20] =	vst v7  }
0xbe: {  	v9 =	vld.idx.msk [tilespmem:v12+s6+$0x0], $0xffff;
	v7 =	vor.u32 $0x180, v4;
	[tilespmem:s13+$0xFFFFFE30] =	vst v14  }
0xbf: {  	v14 =	vor.u32 $0x80, v12;
	v17 =	vld.idx.msk [tilespmem:v17+s6+$0x0], $0xffff;
	[tilespmem:s13+$0xFFFFFE40] =	vst v16  }
0xc0: {  	v16 =	vor.u32 $0x100, v0;
	v6 =	vld.idx.msk [tilespmem:v6+s6+$0x0], $0xffff;
	[tilespmem:s13+$0xFFFFFE50] =	vst v18  }
0xc1: {  	v18 =	vor.u32 $0x100, v1;
	v13 =	vld.idx.msk [tilespmem:v13+s6+$0x0], $0xffff;
	[tilespmem:s13+$0xFFFFFF70] =	vst v5  }
0xc2: {  	v5 =	vor.u32 $0x100, v2;
	[tilespmem:s13+$0xFFFFFE80] =	vst v8;
	v8 =	vld.idx.msk [tilespmem:v19+s6+$0x0], $0xffff  }
0xc3: {  	[tilespmem:s13+$0xFFFFFE60] =	vst v9;
	v9 =	vor.u32 $0x100, v3;
	v7 =	vld.idx.msk [tilespmem:v7+s6+$0x0], $0xffff  }
0xc4: {  	[tilespmem:s13+$0xFFFFFE90] =	vst v15;
	v19 =	vor.u32 $0x100, v10;
	v14 =	vld.idx.msk [tilespmem:v14+s6+$0x0], $0xffff  }
0xc5: {  	[tilespmem:s13+$0xFFFFFEA0] =	vst v17;
	v17 =	vor.u32 $0x100, v11;
	v16 =	vld.idx.msk [tilespmem:v16+s6+$0x0], $0xffff  }
0xc6: {  	v15 =	vor.u32 $0x200, v4;
	v18 =	vld.idx.msk [tilespmem:v18+s6+$0x0], $0xffff;
	[tilespmem:s13+$0xFFFFFEB0] =	vst v6  }
0xc7: {  	v6 =	vor.u32 $0x100, v12;
	v5 =	vld.idx.msk [tilespmem:v5+s6+$0x0], $0xffff;
	[tilespmem:s13+$0xFFFFFEC0] =	vst v13  }
0xc8: {  	v13 =	vor.u32 $0x180, v0;
	v9 =	vld.idx.msk [tilespmem:v9+s6+$0x0], $0xffff;
	[tilespmem:s13+$0xFFFFFED0] =	vst v8  }
0xc9: {  	[tilespmem:s13+$0xFFFFFFF0] =	vst v7;
	v7 =	vor.u32 $0x180, v1;
	v19 =	vld.idx.msk [tilespmem:v19+s6+$0x0], $0xffff  }
0xca: {  	[tilespmem:s13+$0xFFFFFEE0] =	vst v14;
	v14 =	vld.idx.msk [tilespmem:v17+s6+$0x0], $0xffff;
	v17 =	vor.u32 $0x180, v3  }
0xcb: {  	v8 =	vld.idx.msk [tilespmem:v15+s6+$0x0], $0xffff;
	v15 =	vor.u32 $0x180, v2;
	[tilespmem:s13+$0xFFFFFF00] =	vst v16  }
0xcc: {  	v16 =	vor.u32 $0x280, v4;
	[tilespmem:s13+$0xFFFFFF10] =	vst v18;
	v6 =	vld.idx.msk [tilespmem:v6+s6+$0x0], $0xffff  }
0xcd: {  	v18 =	vor.u32 $0x180, v10;
	v13 =	vld.idx.msk [tilespmem:v13+s6+$0x0], $0xffff;
	[tilespmem:s13+$0xFFFFFF20] =	vst v5  }
0xce: {  	v5 =	vor.u32 $0x180, v11;
	[tilespmem:s13+$0xFFFFFF30] =	vst v9;
	v7 =	vld.idx.msk [tilespmem:v7+s6+$0x0], $0xffff  }
0xcf: {  	v9 =	vor.u32 $0x180, v12;
	[tilespmem:s13+$0xFFFFFF40] =	vst v19;
	v17 =	vld.idx.msk [tilespmem:v17+s6+$0x0], $0xffff  }
0xd0: {  	v15 =	vld.idx.msk [tilespmem:v15+s6+$0x0], $0xffff;
	[tilespmem:s13+$0x70] =	vst v8;
	v8 =	vor.u32 $0x200, v0  }
0xd1: {  	v19 =	vor.u32 $0x200, v1;
	[tilespmem:s13+$0xFFFFFF50] =	vst v14;
	v16 =	vld.idx.msk [tilespmem:v16+s6+$0x0], $0xffff  }
0xd2: {  	v14 =	vld.idx.msk [tilespmem:v18+s6+$0x0], $0xffff;
	[tilespmem:s13+$0xFFFFFF60] =	vst v6;
	v6 =	vor.u32 $0x300, v4  }
0xd3: {  	v18 =	vor.u32 $0x200, v2;
	[tilespmem:s13+$0xFFFFFF80] =	vst v13;
	v5 =	vld.idx.msk [tilespmem:v5+s6+$0x0], $0xffff  }
0xd4: {  	v13 =	vor.u32 $0x200, v3;
	[tilespmem:s13+$0xFFFFFF90] =	vst v7;
	v7 =	vld.idx.msk [tilespmem:v9+s6+$0x0], $0xffff  }
0xd5: {  	v9 =	vor.u32 $0x200, v10;
	v8 =	vld.idx.msk [tilespmem:v8+s6+$0x0], $0xffff;
	[tilespmem:s13+$0xFFFFFFA0] =	vst v15  }
0xd6: {  	v15 =	vor.u32 $0x200, v11;
	v19 =	vld.idx.msk [tilespmem:v19+s6+$0x0], $0xffff;
	[tilespmem:s13+$0xF0] =	vst v16  }
0xd7: {  	[tilespmem:s13+$0xFFFFFFB0] =	vst v17;
	v16 =	vor.u32 $0x200, v12;
	v6 =	vld.idx.msk [tilespmem:v6+s6+$0x0], $0xffff  }
0xd8: {  	v17 =	vor.u32 $0x280, v0;
	v18 =	vld.idx.msk [tilespmem:v18+s6+$0x0], $0xffff;
	[tilespmem:s13+$0xFFFFFFC0] =	vst v14  }
0xd9: {  	v4 =	vor.u32 $0x380, v4;
	v13 =	vld.idx.msk [tilespmem:v13+s6+$0x0], $0xffff;
	[tilespmem:s13+$0xFFFFFFD0] =	vst v5  }
0xda: {  	v5 =	vor.u32 $0x280, v1;
	v9 =	vld.idx.msk [tilespmem:v9+s6+$0x0], $0xffff;
	[tilespmem:s13+$0xFFFFFFE0] =	vst v7  }
0xdb: {  	v7 =	vor.u32 $0x280, v2;
	[tilespmem:s13+$0x0] =	vst v8;
	v8 =	vld.idx.msk [tilespmem:v15+s6+$0x0], $0xffff  }
0xdc: {  	v14 =	vor.u32 $0x280, v3;
	[tilespmem:s13+$0x10] =	vst v19;
	v15 =	vld.idx.msk [tilespmem:v16+s6+$0x0], $0xffff  }
0xdd: {  	v16 =	vor.u32 $0x280, v10;
	v17 =	vld.idx.msk [tilespmem:v17+s6+$0x0], $0xffff;
	[tilespmem:s13+$0x170] =	vst v6  }
0xde: {  	v6 =	vor.u32 $0x280, v11;
	[tilespmem:s13+$0x20] =	vst v18;
	v4 =	vld.idx.msk [tilespmem:v4+s6+$0x0], $0xffff  }
0xdf: {  	v18 =	vor.u32 $0x280, v12;
	v5 =	vld.idx.msk [tilespmem:v5+s6+$0x0], $0xffff;
	[tilespmem:s13+$0x30] =	vst v13  }
0xe0: {  	v13 =	vor.u32 $0x300, v0;
	v7 =	vld.idx.msk [tilespmem:v7+s6+$0x0], $0xffff;
	[tilespmem:s13+$0x40] =	vst v9  }
0xe1: {  	v9 =	vor.u32 $0x300, v1;
	v19 =	vld.idx.msk [tilespmem:v14+s6+$0x0], $0xffff;
	[tilespmem:s13+$0x50] =	vst v8  }
0xe2: {  	v20 =	vor.u32 $0x300, v2;
	v21 =	vld.idx.msk [tilespmem:v16+s6+$0x0], $0xffff;
	[tilespmem:s13+$0x60] =	vst v15  }
0xe3: {  	v22 =	vor.u32 $0x300, v3;
	[tilespmem:s13+$0x80] =	vst v17;
	v17 =	vld.idx.msk [tilespmem:v6+s6+$0x0], $0xffff  }
0xe4: {  	v23 =	vor.u32 $0x300, v10;
	v15 =	vld.idx.msk [tilespmem:v18+s6+$0x0], $0xffff;
	[tilespmem:s13+$0x1F0] =	vst v4  }
0xe5: {  	v14 =	vld.idx.msk [tilespmem:v13+s6+$0x0], $0xffff;
	[tilespmem:s13+$0x90] =	vst v5  }
0xe6: {  	v13 =	vld.idx.msk [tilespmem:v9+s6+$0x0], $0xffff;
	[tilespmem:s13+$0xA0] =	vst v7  }
0xe7: {  	v8 =	vor.u32 $0x300, v11;
	v6 =	vor.u32 $0x380, v1;
	v1 =	vor.u32 $0x380, v11;
	[tilespmem:s13+$0xB0] =	vst v19;
	v16 =	vld.idx.msk [tilespmem:v20+s6+$0x0], $0xffff  }
0xe8: {  	v5 =	vor.u32 $0x380, v2;
	v4 =	vor.u32 $0x380, v3;
	v2 =	vor.u32 $0x380, v10;
	v3 =	vld.idx.msk [tilespmem:v22+s6+$0x0], $0xffff;
	[tilespmem:s13+$0xC0] =	vst v21  }
0xe9: {  	s15 =	simm.s32 $0x5200;
	s19 =	simm.s32 $0x0;
	s24 =	simm.s32 $0xC0;
	v7 =	vor.u32 $0x380, v0;
	v9 =	vor.u32 $0x300, v12;
	v0 =	vor.u32 $0x380, v12;
	v10 =	vld.idx.msk [tilespmem:v23+s6+$0x0], $0xffff;
	[tilespmem:s13+$0xD0] =	vst v17  }
.LBB2_3:
0xea: {  	v11 =	vld [tilespmem:s24+$0x30];
	s19 =	sadd.s32 $0x8, s19;
	[tilespmem:s13+$0xE0] =	vst v15  }
0xeb: {  	v12 =	vld [tilespmem:s24+$0xFFFFFFD0];
	p2 =	slt.u32 s19, $0x78;
	[tilespmem:s13+$0x100] =	vst v14  }
0xec: {  	v14 =	vld [tilespmem:s24+$0xFFFFFFE0];
	[tilespmem:s13+$0x110] =	vst v13  }
0xed: {  	v13 =	vld [tilespmem:s24+$0xFFFFFFF0];
	[tilespmem:s13+$0x120] =	vst v16  }
0xee: {  	v15 =	vld [tilespmem:s24+$0x0];
	[tilespmem:s13+$0x130] =	vst v3  }
0xef: {  	v16 =	vld [tilespmem:s24+$0x10];
	v3 =	vshll.u32 v11, $0x3;
	[tilespmem:s13+$0x140] =	vst v10  }
0xf0: {  	v11 =	vand.u32 $0x7F, v11;
	v10 =	vshll.u32 v12, $0x3;
	v17 =	vld [tilespmem:s24+$0x20];
	v3 =	vand.u32 $0xFFFFFC00, v3  }
0xf1: {  	v18 =	vld [tilespmem:s24+$0xFFFFFFC0];
	v10 =	vand.u32 $0xFFFFFC00, v10;
	v19 =	vshll.u32 v14, $0x3;
	v3 =	vor.u32 v11, v3  }
0xf2: {  	v11 =	vand.u32 $0x7F, v12;
	v12 =	vand.u32 $0xFFFFFC00, v19;
	v19 =	vshll.u32 v13, $0x3;
	v8 =	vld.idx.msk [tilespmem:v8+s6+$0x0], $0xffff  }
0xf3: {  	v14 =	vand.u32 $0x7F, v14;
	v19 =	vand.u32 $0xFFFFFC00, v19;
	v20 =	vshll.u32 v15, $0x3;
	v9 =	vld.idx.msk [tilespmem:v9+s6+$0x0], $0xffff  }
0xf4: {  	v13 =	vand.u32 $0x7F, v13;
	v20 =	vand.u32 $0xFFFFFC00, v20;
	v21 =	vshll.u32 v16, $0x3;
	v7 =	vld.idx.msk [tilespmem:v7+s6+$0x0], $0xffff  }
0xf5: {  	v15 =	vand.u32 $0x7F, v15;
	v21 =	vand.u32 $0xFFFFFC00, v21;
	v22 =	vshll.u32 v17, $0x3;
	v6 =	vld.idx.msk [tilespmem:v6+s6+$0x0], $0xffff  }
0xf6: {  	v23 =	vand.u32 $0x7F, v18;
	v18 =	vshll.u32 v18, $0x3;
	v22 =	vand.u32 $0xFFFFFC00, v22;
	v24 =	vld.idx.msk [tilespmem:v3+s6+$0x0], $0xffff  }
0xf7: {  	v16 =	vand.u32 $0x7F, v16;
	v17 =	vand.u32 $0x7F, v17;
	v18 =	vand.u32 $0xFFFFFC00, v18;
	v5 =	vld.idx.msk [tilespmem:v5+s6+$0x0], $0xffff  }
0xf8: {  	v25 =	vor.u32 v11, v10;
	v10 =	vor.u32 $0x80, v3;
	v23 =	vor.u32 v23, v18;
	v4 =	vld.idx.msk [tilespmem:v4+s6+$0x0], $0xffff;
	[tilespmem:s13+$0x150] =	vst v8  }
0xf9: {  	v26 =	vor.u32 v14, v12;
	v27 =	vor.u32 v13, v19;
	v28 =	vor.u32 v15, v20;
	[tilespmem:s13+$0x160] =	vst v9  }
0xfa: {  	v21 =	vor.u32 v16, v21;
	v22 =	vor.u32 v17, v22;
	v8 =	vor.u32 $0x80, v23;
	[tilespmem:s13+$0x180] =	vst v7;
	v2 =	vld.idx.msk [tilespmem:v2+s6+$0x0], $0xffff  }
0xfb: {  	v29 =	vor.u32 $0x80, v27;
	v9 =	vor.u32 $0x80, v26;
	v7 =	vor.u32 $0x80, v25;
	s13 =	sadd.s32 $0x400, s13;
	[tilespmem:s15+$0x190] =	vst v6;
	v1 =	vld.idx.msk [tilespmem:v1+s6+$0x0], $0xffff  }
0xfc: {  	v30 =	vor.u32 $0x80, v28;
	v31 =	vor.u32 $0x80, v21;
	v32 =	vor.u32 $0x80, v22;
	[tilespmem:s13+$0xFFFFFE70] =	vst v24;
	v0 =	vld.idx.msk [tilespmem:v0+s6+$0x0], $0xffff  }
0xfd: {  	v33 =	vor.u32 $0x100, v25;
	v34 =	vor.u32 $0x100, v26;
	v24 =	vor.u32 $0x100, v23;
	v6 =	vld.idx.msk [tilespmem:v10+s6+$0x0], $0xffff;
	[tilespmem:s15+$0x1A0] =	vst v5  }
0xfe: {  	v35 =	vor.u32 $0x100, v27;
	v36 =	vor.u32 $0x100, v28;
	v37 =	vor.u32 $0x100, v21;
	v5 =	vld.idx.msk [tilespmem:v23+s6+$0x0], $0xffff;
	[tilespmem:s15+$0x1B0] =	vst v4  }
0xff: {  	v39 =	vor.u32 $0x100, v22;
	v38 =	vor.u32 $0x180, v23;
	v10 =	vor.u32 $0x100, v3;
	v4 =	vld.idx.msk [tilespmem:v25+s6+$0x0], $0xffff  }
0x100: {  	v40 =	vor.u32 $0x180, v25;
	v41 =	vor.u32 $0x180, v26;
	v42 =	vor.u32 $0x180, v27;
	v11 =	vld.idx.msk [tilespmem:v26+s6+$0x0], $0xffff;
	[tilespmem:s15+$0x1C0] =	vst v2  }
0x101: {  	v43 =	vor.u32 $0x180, v28;
	v44 =	vor.u32 $0x180, v21;
	v45 =	vor.u32 $0x180, v22;
	v2 =	vld.idx.msk [tilespmem:v27+s6+$0x0], $0xffff;
	[tilespmem:s15+$0x1D0] =	vst v1  }
0x102: {  	v47 =	vor.u32 $0x200, v25;
	v48 =	vor.u32 $0x200, v26;
	v46 =	vor.u32 $0x200, v23;
	v1 =	vld.idx.msk [tilespmem:v28+s6+$0x0], $0xffff;
	[tilespmem:s15+$0x1E0] =	vst v0;
	s15 =	smov.u32 s13  }
0x103: {  	v49 =	vor.u32 $0x200, v27;
	v50 =	vor.u32 $0x200, v28;
	v51 =	vor.u32 $0x200, v21;
	v0 =	vld.idx.msk [tilespmem:v21+s6+$0x0], $0xffff;
	[tilespmem:s13+$0xFFFFFEF0] =	vst v6  }
0x104: {  	v18 =	vor.u32 $0x280, v25;
	v53 =	vor.u32 $0x200, v22;
	v52 =	vor.u32 $0x280, v23;
	[tilespmem:s13+$0xFFFFFE00] =	vst v5;
	v54 =	vld.idx.msk [tilespmem:v10+s6+$0x0], $0xffff  }
0x105: {  	v20 =	vor.u32 $0x280, v26;
	v19 =	vor.u32 $0x280, v27;
	v15 =	vor.u32 $0x280, v28;
	[tilespmem:s13+$0xFFFFFE10] =	vst v4;
	v55 =	vld.idx.msk [tilespmem:v22+s6+$0x0], $0xffff  }
0x106: {  	v57 =	vor.u32 $0x180, v3;
	v17 =	vor.u32 $0x280, v21;
	v16 =	vor.u32 $0x280, v22;
	v56 =	vld.idx.msk [tilespmem:v8+s6+$0x0], $0xffff;
	[tilespmem:s13+$0xFFFFFE20] =	vst v11  }
0x107: {  	v13 =	vor.u32 $0x300, v25;
	v14 =	vor.u32 $0x300, v23;
	v10 =	vor.u32 $0x300, v26;
	v58 =	vld.idx.msk [tilespmem:v7+s6+$0x0], $0xffff;
	[tilespmem:s13+$0xFFFFFE30] =	vst v2  }
0x108: {  	v12 =	vor.u32 $0x300, v27;
	v11 =	vor.u32 $0x300, v28;
	v8 =	vor.u32 $0x300, v21;
	v59 =	vld.idx.msk [tilespmem:v9+s6+$0x0], $0xffff;
	[tilespmem:s13+$0xFFFFFE40] =	vst v1  }
0x109: {  	v6 =	vor.u32 $0x380, v25;
	v7 =	vor.u32 $0x380, v23;
	v9 =	vor.u32 $0x300, v22;
	v23 =	vld.idx.msk [tilespmem:v29+s6+$0x0], $0xffff;
	[tilespmem:s13+$0xFFFFFE50] =	vst v0  }
0x10a: {  	v5 =	vor.u32 $0x380, v26;
	v4 =	vor.u32 $0x380, v27;
	v2 =	vor.u32 $0x380, v28;
	v25 =	vld.idx.msk [tilespmem:v30+s6+$0x0], $0xffff;
	[tilespmem:s13+$0xFFFFFF70] =	vst v54  }
0x10b: {  	v1 =	vor.u32 $0x380, v21;
	v0 =	vor.u32 $0x380, v22;
	[tilespmem:s13+$0xFFFFFE60] =	vst v55;
	v21 =	vld.idx.msk [tilespmem:v57+s6+$0x0], $0xffff  }
0x10c: {  	[tilespmem:s13+$0xFFFFFE80] =	vst v56;
	v22 =	vld.idx.msk [tilespmem:v31+s6+$0x0], $0xffff  }
0x10d: {  	v27 =	vor.u32 $0x200, v3;
	[tilespmem:s13+$0xFFFFFE90] =	vst v58;
	v26 =	vld.idx.msk [tilespmem:v32+s6+$0x0], $0xffff  }
0x10e: {  	v24 =	vld.idx.msk [tilespmem:v24+s6+$0x0], $0xffff;
	[tilespmem:s13+$0xFFFFFEA0] =	vst v59  }
0x10f: {  	v28 =	vld.idx.msk [tilespmem:v33+s6+$0x0], $0xffff;
	[tilespmem:s13+$0xFFFFFEB0] =	vst v23  }
0x110: {  	v23 =	vld.idx.msk [tilespmem:v34+s6+$0x0], $0xffff;
	[tilespmem:s13+$0xFFFFFEC0] =	vst v25  }
0x111: {  	v25 =	vld.idx.msk [tilespmem:v35+s6+$0x0], $0xffff;
	[tilespmem:s13+$0xFFFFFFF0] =	vst v21  }
0x112: {  	[tilespmem:s13+$0xFFFFFED0] =	vst v22;
	v21 =	vld.idx.msk [tilespmem:v27+s6+$0x0], $0xffff  }
0x113: {  	v22 =	vld.idx.msk [tilespmem:v36+s6+$0x0], $0xffff;
	[tilespmem:s13+$0xFFFFFEE0] =	vst v26  }
0x114: {  	v26 =	vor.u32 $0x280, v3;
	[tilespmem:s13+$0xFFFFFF00] =	vst v24;
	v24 =	vld.idx.msk [tilespmem:v37+s6+$0x0], $0xffff  }
0x115: {  	[tilespmem:s13+$0xFFFFFF10] =	vst v28;
	v27 =	vld.idx.msk [tilespmem:v39+s6+$0x0], $0xffff  }
0x116: {  	v28 =	vld.idx.msk [tilespmem:v38+s6+$0x0], $0xffff;
	[tilespmem:s13+$0xFFFFFF20] =	vst v23  }
0x117: {  	v23 =	vld.idx.msk [tilespmem:v40+s6+$0x0], $0xffff;
	[tilespmem:s13+$0xFFFFFF30] =	vst v25  }
0x118: {  	v25 =	vld.idx.msk [tilespmem:v41+s6+$0x0], $0xffff;
	[tilespmem:s13+$0x70] =	vst v21  }
0x119: {  	[tilespmem:s13+$0xFFFFFF40] =	vst v22;
	v21 =	vld.idx.msk [tilespmem:v26+s6+$0x0], $0xffff  }
0x11a: {  	v22 =	vld.idx.msk [tilespmem:v42+s6+$0x0], $0xffff;
	[tilespmem:s13+$0xFFFFFF50] =	vst v24  }
0x11b: {  	v26 =	vor.u32 $0x300, v3;
	v24 =	vld.idx.msk [tilespmem:v43+s6+$0x0], $0xffff;
	[tilespmem:s13+$0xFFFFFF60] =	vst v27  }
0x11c: {  	[tilespmem:s13+$0xFFFFFF80] =	vst v28;
	v27 =	vld.idx.msk [tilespmem:v44+s6+$0x0], $0xffff  }
0x11d: {  	[tilespmem:s13+$0xFFFFFF90] =	vst v23;
	v23 =	vld.idx.msk [tilespmem:v45+s6+$0x0], $0xffff  }
0x11e: {  	v28 =	vld.idx.msk [tilespmem:v46+s6+$0x0], $0xffff;
	[tilespmem:s13+$0xFFFFFFA0] =	vst v25  }
0x11f: {  	v25 =	vld.idx.msk [tilespmem:v47+s6+$0x0], $0xffff;
	[tilespmem:s13+$0xF0] =	vst v21  }
0x120: {  	[tilespmem:s13+$0xFFFFFFB0] =	vst v22;
	v21 =	vld.idx.msk [tilespmem:v26+s6+$0x0], $0xffff  }
0x121: {  	v22 =	vld.idx.msk [tilespmem:v48+s6+$0x0], $0xffff;
	[tilespmem:s13+$0xFFFFFFC0] =	vst v24  }
0x122: {  	v3 =	vor.u32 $0x380, v3;
	v24 =	vld.idx.msk [tilespmem:v49+s6+$0x0], $0xffff;
	[tilespmem:s13+$0xFFFFFFD0] =	vst v27  }
0x123: {  	v26 =	vld.idx.msk [tilespmem:v50+s6+$0x0], $0xffff;
	[tilespmem:s13+$0xFFFFFFE0] =	vst v23  }
0x124: {  	[tilespmem:s13+$0x0] =	vst v28;
	v23 =	vld.idx.msk [tilespmem:v51+s6+$0x0], $0xffff  }
0x125: {  	[tilespmem:s13+$0x10] =	vst v25;
	v25 =	vld.idx.msk [tilespmem:v53+s6+$0x0], $0xffff  }
0x126: {  	v27 =	vld.idx.msk [tilespmem:v52+s6+$0x0], $0xffff;
	[tilespmem:s13+$0x170] =	vst v21  }
0x127: {  	[tilespmem:s13+$0x20] =	vst v22;
	v3 =	vld.idx.msk [tilespmem:v3+s6+$0x0], $0xffff  }
0x128: {  	v18 =	vld.idx.msk [tilespmem:v18+s6+$0x0], $0xffff;
	[tilespmem:s13+$0x30] =	vst v24  }
0x129: {  	v20 =	vld.idx.msk [tilespmem:v20+s6+$0x0], $0xffff;
	[tilespmem:s13+$0x40] =	vst v26  }
0x12a: {  	v19 =	vld.idx.msk [tilespmem:v19+s6+$0x0], $0xffff;
	[tilespmem:s13+$0x50] =	vst v23  }
0x12b: {  	v21 =	vld.idx.msk [tilespmem:v15+s6+$0x0], $0xffff;
	[tilespmem:s13+$0x60] =	vst v25  }
0x12c: {  	[tilespmem:s13+$0x80] =	vst v27;
	v17 =	vld.idx.msk [tilespmem:v17+s6+$0x0], $0xffff  }
0x12d: {  	v15 =	vld.idx.msk [tilespmem:v16+s6+$0x0], $0xffff;
	[tilespmem:s13+$0x1F0] =	vst v3  }
.Ltmp0:
0x12e: {  	v14 =	vld.idx.msk [tilespmem:v14+s6+$0x0], $0xffff;
	[tilespmem:s13+$0x90] =	vst v18;
	(pc) =	sbr.rel @p2 .LBB2_3-.Ltmp0, $4  }
0x12f: {  	v13 =	vld.idx.msk [tilespmem:v13+s6+$0x0], $0xffff;
	[tilespmem:s13+$0xA0] =	vst v20  }
0x130: {  	v16 =	vld.idx.msk [tilespmem:v10+s6+$0x0], $0xffff;
	[tilespmem:s13+$0xB0] =	vst v19  }
0x131: {  	v3 =	vld.idx.msk [tilespmem:v12+s6+$0x0], $0xffff;
	[tilespmem:s13+$0xC0] =	vst v21  }
0x132: {  	s24 =	sadd.s32 $0x80, s24;
	v10 =	vld.idx.msk [tilespmem:v11+s6+$0x0], $0xffff;
	[tilespmem:s13+$0xD0] =	vst v17  }
0x133: {  	_ =	sdelay $0x2  }
0x134: {  	[tilespmem:s13+$0xE0] =	vst v15  }
0x135: {  	[tilespmem:s13+$0x100] =	vst v14;
	v8 =	vld.idx.msk [tilespmem:v8+s6+$0x0], $0xffff  }
0x136: {  	[tilespmem:s13+$0x110] =	vst v13  }
0x137: {  	[tilespmem:s13+$0x120] =	vst v16  }
0x138: {  	v9 =	vld.idx.msk [tilespmem:v9+s6+$0x0], $0xffff;
	[tilespmem:s13+$0x130] =	vst v3  }
0x139: {  	v7 =	vld.idx.msk [tilespmem:v7+s6+$0x0], $0xffff;
	[tilespmem:s13+$0x140] =	vst v10  }
0x13a: {  	v3 =	vld.idx.msk [tilespmem:v6+s6+$0x0], $0xffff;
	[tilespmem:s13+$0x150] =	vst v8  }
0x13b: {  	v5 =	vld.idx.msk [tilespmem:v5+s6+$0x0], $0xffff;
	s19 =	rddreg [dreg:$0x7]  }
0x13c: {  	v4 =	vld.idx.msk [tilespmem:v4+s6+$0x0], $0xffff;
	s19 =	sor.u32 s19, s11  }
0x13d: {  	v2 =	vld.idx.msk [tilespmem:v2+s6+$0x0], $0xffff;
	[tilespmem:s13+$0x160] =	vst v9;
	p2 =	seq.s32 s19, $0x0  }
0x13e: {  	[tilespmem:s13+$0x180] =	vst v7;
	v1 =	vld.idx.msk [tilespmem:v1+s6+$0x0], $0xffff;
	p2 =	por !p0, !p2  }
0x13f: {  	s13 =	simm.s32 $0x1;
	v0 =	vld.idx.msk [tilespmem:v0+s6+$0x0], $0xffff;
	[tilespmem:s15+$0x190] =	vst v3;
	p2 =	por !p2, !p2  }
0x140: {  	[tilespmem:s15+$0x1A0] =	vst v5;
	s19 =	sshrl.u32 s19, $0x3;
	s13 =	simm.s32 @!p2 $0x0  }
0x141: {  	[tilespmem:s15+$0x1B0] =	vst v4;
	s13 =	ssub.s32 s19, s13  }
0x142: {  	[tilespmem:s15+$0x1C0] =	vst v2;
	s13 =	sshll.u32 s13, $0x11  }
0x143: {  	[tilespmem:s15+$0x1D0] =	vst v1;
	s24 =	sshrl.u32 s13, $0x3  }
0x144: {  	[tilespmem:s15+$0x1E0] =	vst v0;
	s19 =	sadd.s32 s24, s29;
	s24 =	simm.s32 $0x5000  }
0x145: {  	[hbm4b:s19+s3] =	stream.linear.scatter [tilespmem:s24], [sflag:$0x3], $0x400, $0x38;
	[tilespmem:$0xD000] =	vst v63  }
0x146: {  	s19 =	rddreg [dreg:$0x18]  }
0x147: {  	s15 =	sor.u32 s19, s13  }
0x148: {  	s15 =	sshrl.u32 s15, $0x3  }
0x149: {  	s24 =	simm.s32 $0x5400;
	s19 =	rddreg [dreg:$0x19];
	s15 =	sadd.s32 s1, s15  }
0x14a: {  	[hbm4b:s15+s3] =	stream.linear.scatter [tilespmem:s24], [sflag:$0x3], $0x400, $0x38;
	[tilespmem:$0xD000] =	vst v63  }
0x14b: {  	s15 =	sor.u32 s19, s13  }
0x14c: {  	s15 =	sshrl.u32 s15, $0x3  }
0x14d: {  	s24 =	simm.s32 $0x5800;
	s19 =	sor.u32 s30, s13;
	s15 =	sadd.s32 s1, s15  }
0x14e: {  	[hbm4b:s15+s3] =	stream.linear.scatter [tilespmem:s24], [sflag:$0x3], $0x400, $0x38;
	[tilespmem:$0xD000] =	vst v63  }
0x14f: {  	s15 =	sshrl.u32 s19, $0x3  }
0x150: {  	s24 =	simm.s32 $0x5C00;
	s19 =	sor.u32 s31, s13;
	s15 =	sadd.s32 s1, s15  }
0x151: {  	[hbm4b:s15+s3] =	stream.linear.scatter [tilespmem:s24], [sflag:$0x3], $0x400, $0x38;
	[tilespmem:$0xD000] =	vst v63  }
0x152: {  	s15 =	sshrl.u32 s19, $0x3  }
0x153: {  	s24 =	simm.s32 $0x6000;
	s19 =	sor.u32 s0, s13;
	s15 =	sadd.s32 s1, s15  }
0x154: {  	[hbm4b:s15+s3] =	stream.linear.scatter [tilespmem:s24], [sflag:$0x3], $0x400, $0x38;
	[tilespmem:$0xD000] =	vst v63  }
0x155: {  	s15 =	sshrl.u32 s19, $0x3  }
0x156: {  	s24 =	simm.s32 $0x6400;
	s19 =	sor.u32 s2, s13;
	s15 =	sadd.s32 s1, s15  }
0x157: {  	[hbm4b:s15+s3] =	stream.linear.scatter [tilespmem:s24], [sflag:$0x3], $0x400, $0x38;
	[tilespmem:$0xD000] =	vst v63  }
0x158: {  	s15 =	sshrl.u32 s19, $0x3  }
0x159: {  	s24 =	simm.s32 $0x6800;
	s19 =	sor.u32 s7, s13;
	s15 =	sadd.s32 s1, s15  }
0x15a: {  	[hbm4b:s15+s3] =	stream.linear.scatter [tilespmem:s24], [sflag:$0x3], $0x400, $0x38;
	[tilespmem:$0xD000] =	vst v63  }
0x15b: {  	s15 =	sshrl.u32 s19, $0x3  }
0x15c: {  	s24 =	simm.s32 $0x6C00;
	s19 =	sor.u32 s8, s13;
	s15 =	sadd.s32 s1, s15  }
0x15d: {  	[hbm4b:s15+s3] =	stream.linear.scatter [tilespmem:s24], [sflag:$0x3], $0x400, $0x38;
	[tilespmem:$0xD000] =	vst v63  }
0x15e: {  	s15 =	sshrl.u32 s19, $0x3  }
0x15f: {  	s24 =	simm.s32 $0x7000;
	s19 =	sor.u32 s10, s13;
	s15 =	sadd.s32 s1, s15  }
0x160: {  	[hbm4b:s15+s3] =	stream.linear.scatter [tilespmem:s24], [sflag:$0x3], $0x400, $0x38;
	[tilespmem:$0xD000] =	vst v63  }
0x161: {  	s15 =	sshrl.u32 s19, $0x3  }
0x162: {  	s24 =	simm.s32 $0x7400;
	s19 =	sor.u32 s12, s13;
	s15 =	sadd.s32 s1, s15  }
0x163: {  	[hbm4b:s15+s3] =	stream.linear.scatter [tilespmem:s24], [sflag:$0x3], $0x400, $0x38;
	[tilespmem:$0xD000] =	vst v63  }
0x164: {  	s15 =	sshrl.u32 s19, $0x3  }
0x165: {  	s24 =	simm.s32 $0x7800;
	s19 =	sor.u32 s14, s13;
	s15 =	sadd.s32 s1, s15  }
0x166: {  	[hbm4b:s15+s3] =	stream.linear.scatter [tilespmem:s24], [sflag:$0x3], $0x400, $0x38;
	[tilespmem:$0xD000] =	vst v63  }
0x167: {  	s15 =	sshrl.u32 s19, $0x3  }
0x168: {  	s24 =	simm.s32 $0x7C00;
	s19 =	sor.u32 s20, s13;
	s15 =	sadd.s32 s1, s15  }
0x169: {  	[hbm4b:s15+s3] =	stream.linear.scatter [tilespmem:s24], [sflag:$0x3], $0x400, $0x38;
	[tilespmem:$0xD000] =	vst v63  }
0x16a: {  	s15 =	sshrl.u32 s19, $0x3  }
0x16b: {  	s24 =	simm.s32 $0x8000;
	s19 =	sor.u32 s21, s13;
	s15 =	sadd.s32 s1, s15  }
0x16c: {  	[hbm4b:s15+s3] =	stream.linear.scatter [tilespmem:s24], [sflag:$0x3], $0x400, $0x38;
	[tilespmem:$0xD000] =	vst v63  }
0x16d: {  	s15 =	sshrl.u32 s19, $0x3;
	s24 =	simm.s32 $0x8400  }
0x16e: {  	s19 =	sor.u32 s22, s13;
	s13 =	sor.u32 s23, s13;
	s15 =	sadd.s32 s1, s15  }
0x16f: {  	[hbm4b:s15+s3] =	stream.linear.scatter [tilespmem:s24], [sflag:$0x3], $0x400, $0x38;
	[tilespmem:$0xD000] =	vst v63  }
0x170: {  	s13 =	sshrl.u32 s13, $0x3;
	s15 =	sshrl.u32 s19, $0x3  }
0x171: {  	s24 =	simm.s32 $0x8800;
	s19 =	sld [smem:$0x7FD];
	s15 =	sadd.s32 s1, s15  }
0x172: {  	[hbm4b:s15+s3] =	stream.linear.scatter [tilespmem:s24], [sflag:$0x3], $0x400, $0x38;
	[tilespmem:$0xD000] =	vst v63  }
0x173: {  	p2 =	seq.s32 s5, $0x2;
	s13 =	sadd.s32 s1, s13;
	s24 =	simm.s32 $0x8C00  }
0x174: {  	[hbm4b:s13+s3] =	stream.linear.scatter [tilespmem:s24], [sflag:$0x3], $0x400, $0x38;
	[tilespmem:$0xD000] =	vst v63  }
0x175: {  	s15 =	rddreg [dreg:$0x11];
	s13 =	smov.u32 s16;
	s24 =	sadd.s32 s19, s11  }
0x176: {  	s13 =	smov.u32 @p2 s15;
	s11 =	sshll.u32 s24, $0x7  }
0x177: {  	[tilespmem:s3], [sflag:$0x1] =	stream.linear.gather [hbm4b:s13+s3], $0x800, $0x38;
	[tilespmem:$0xD000] =	vst v63  }
0x178: {  	s11 =	sand.u32 $0xEC00, s11  }
0x179: {  	s19 =	rddreg [dreg:$0xa];
	s24 =	smov.u32 s25;
	s15 =	sadd.s32 s25, s11  }
0x17a: {  	[tilespmem:s6], [sflag:$0x1] =	stream.linear.gather [hbm4b:s15+s3], $0x400, $0x38;
	[tilespmem:$0xD000] =	vst v63  }
0x17b: {  	s13 =	sadd.s32 s11, s19;
	s25 =	simm.s32 $0x1400;
	s19 =	rddreg [dreg:$0xc]  }
0x17c: {  	[tilespmem:s25], [sflag:$0x1] =	stream.linear.gather [hbm4b:s13+s3], $0x400, $0x38;
	[tilespmem:$0xD000] =	vst v63  }
0x17d: {  	s13 =	sadd.s32 s11, s19;
	s25 =	simm.s32 $0x1800;
	s19 =	rddreg [dreg:$0xf]  }
0x17e: {  	[tilespmem:s25], [sflag:$0x1] =	stream.linear.gather [hbm4b:s13+s3], $0x400, $0x38;
	[tilespmem:$0xD000] =	vst v63  }
0x17f: {  	s13 =	sadd.s32 s11, s19;
	s25 =	simm.s32 $0x1C00  }
0x180: {  	[tilespmem:s25], [sflag:$0x1] =	stream.linear.gather [hbm4b:s13+s3], $0x400, $0x38;
	[tilespmem:$0xD000] =	vst v63  }
0x181: {  	s19 =	sadd.s32 s11, s26;
	s25 =	simm.s32 $0x2000  }
0x182: {  	[tilespmem:s25], [sflag:$0x1] =	stream.linear.gather [hbm4b:s19+s3], $0x400, $0x38;
	[tilespmem:$0xD000] =	vst v63  }
0x183: {  	s19 =	sadd.s32 s11, s28;
	s25 =	simm.s32 $0x2400  }
0x184: {  	[tilespmem:s25], [sflag:$0x1] =	stream.linear.gather [hbm4b:s19+s3], $0x400, $0x38;
	[tilespmem:$0xD000] =	vst v63  }
0x185: {  	s19 =	rddreg [dreg:$0x16]  }
0x186: {  	s15 =	rddreg [dreg:$0x17];
	s25 =	simm.s32 $0x2800;
	s13 =	sadd.s32 s11, s19  }
0x187: {  	[tilespmem:s25], [sflag:$0x1] =	stream.linear.gather [hbm4b:s13+s3], $0x400, $0x38;
	[tilespmem:$0xD000] =	vst v63  }
0x188: {  	s11 =	sadd.s32 s11, s15;
	s19 =	simm.s32 $0x2C00  }
0x189: {  	[tilespmem:s19], [sflag:$0x1] =	stream.linear.gather [hbm4b:s11+s3], $0x400, $0x38;
	[tilespmem:$0xD000] =	vst v63  }
0x18a: {  	_ =	swait.ge [sflag:s4], $0x800  }
0x18b: {  	[sflag:s4] =	ssyncset.done $0x0  }
0x18c: {  	[sflag:s4] =	ssyncadd.s32 $0xFFFFF800  }
0x18d: {  	_ =	swait.ge [sflag:s4], $0x400  }
0x18e: {  	[sflag:s4] =	ssyncset.done $0x0  }
0x18f: {  	[sflag:s4] =	ssyncadd.s32 $0xFFFFFC00  }
0x190: {  	_ =	swait.ge [sflag:s4], $0x400  }
0x191: {  	[sflag:s4] =	ssyncset.done $0x0  }
0x192: {  	[sflag:s4] =	ssyncadd.s32 $0xFFFFFC00  }
0x193: {  	_ =	swait.ge [sflag:s4], $0x400  }
0x194: {  	[sflag:s4] =	ssyncset.done $0x0  }
0x195: {  	[sflag:s4] =	ssyncadd.s32 $0xFFFFFC00  }
0x196: {  	_ =	swait.ge [sflag:s4], $0x400  }
0x197: {  	[sflag:s4] =	ssyncset.done $0x0  }
0x198: {  	[sflag:s4] =	ssyncadd.s32 $0xFFFFFC00  }
0x199: {  	_ =	swait.ge [sflag:s4], $0x400  }
0x19a: {  	[sflag:s4] =	ssyncset.done $0x0  }
0x19b: {  	[sflag:s4] =	ssyncadd.s32 $0xFFFFFC00  }
0x19c: {  	_ =	swait.ge [sflag:s4], $0x400  }
0x19d: {  	[sflag:s4] =	ssyncset.done $0x0  }
0x19e: {  	[sflag:s4] =	ssyncadd.s32 $0xFFFFFC00  }
0x19f: {  	_ =	swait.ge [sflag:s4], $0x400  }
0x1a0: {  	[sflag:s4] =	ssyncset.done $0x0  }
0x1a1: {  	[sflag:s4] =	ssyncadd.s32 $0xFFFFFC00  }
0x1a2: {  	_ =	swait.ge [sflag:s4], $0x400  }
0x1a3: {  	[sflag:s4] =	ssyncset.done $0x0  }
0x1a4: {  	s11 =	simm.s32 @!p1 $0x4;
	[sflag:s4] =	ssyncadd.s32 $0xFFFFFC00  }
0x1a5: {  	_ =	swait.ge @!p1 [sflag:s11], $0x400  }
0x1a6: {  	[sflag:s11] =	ssyncset.done @!p1 $0x0  }
0x1a7: {  	[sflag:s11] =	ssyncadd.s32 @!p1 $0xFFFFFC00  }
0x1a8: {  	_ =	swait.ge @!p1 [sflag:s11], $0x400  }
0x1a9: {  	[sflag:s11] =	ssyncset.done @!p1 $0x0  }
0x1aa: {  	[sflag:s11] =	ssyncadd.s32 @!p1 $0xFFFFFC00  }
0x1ab: {  	_ =	swait.ge @!p1 [sflag:s11], $0x400  }
0x1ac: {  	[sflag:s11] =	ssyncset.done @!p1 $0x0  }
0x1ad: {  	[sflag:s11] =	ssyncadd.s32 @!p1 $0xFFFFFC00  }
0x1ae: {  	_ =	swait.ge @!p1 [sflag:s11], $0x400  }
0x1af: {  	[sflag:s11] =	ssyncset.done @!p1 $0x0  }
0x1b0: {  	[sflag:s11] =	ssyncadd.s32 @!p1 $0xFFFFFC00  }
0x1b1: {  	_ =	swait.ge @!p1 [sflag:s11], $0x400  }
0x1b2: {  	[sflag:s11] =	ssyncset.done @!p1 $0x0  }
0x1b3: {  	[sflag:s11] =	ssyncadd.s32 @!p1 $0xFFFFFC00  }
0x1b4: {  	_ =	swait.ge @!p1 [sflag:s11], $0x400  }
0x1b5: {  	[sflag:s11] =	ssyncset.done @!p1 $0x0  }
0x1b6: {  	[sflag:s11] =	ssyncadd.s32 @!p1 $0xFFFFFC00  }
0x1b7: {  	_ =	swait.ge @!p1 [sflag:s11], $0x400  }
0x1b8: {  	[sflag:s11] =	ssyncset.done @!p1 $0x0  }
0x1b9: {  	[sflag:s11] =	ssyncadd.s32 @!p1 $0xFFFFFC00  }
0x1ba: {  	_ =	swait.ge @!p1 [sflag:s11], $0x400  }
0x1bb: {  	[sflag:s11] =	ssyncset.done @!p1 $0x0  }
0x1bc: {  	[sflag:s11] =	ssyncadd.s32 @!p1 $0xFFFFFC00  }
0x1bd: {  	_ =	swait.ge @!p1 [sflag:s11], $0x400  }
0x1be: {  	[sflag:s11] =	ssyncset.done @!p1 $0x0  }
0x1bf: {  	[sflag:s11] =	ssyncadd.s32 @!p1 $0xFFFFFC00  }
0x1c0: {  	_ =	swait.ge @!p1 [sflag:s11], $0x400  }
0x1c1: {  	[sflag:s11] =	ssyncset.done @!p1 $0x0  }
0x1c2: {  	[sflag:s11] =	ssyncadd.s32 @!p1 $0xFFFFFC00  }
0x1c3: {  	_ =	swait.ge @!p1 [sflag:s11], $0x400  }
0x1c4: {  	[sflag:s11] =	ssyncset.done @!p1 $0x0  }
0x1c5: {  	[sflag:s11] =	ssyncadd.s32 @!p1 $0xFFFFFC00  }
0x1c6: {  	_ =	swait.ge @!p1 [sflag:s11], $0x400  }
0x1c7: {  	[sflag:s11] =	ssyncset.done @!p1 $0x0  }
0x1c8: {  	[sflag:s11] =	ssyncadd.s32 @!p1 $0xFFFFFC00  }
0x1c9: {  	_ =	swait.ge @!p1 [sflag:s11], $0x400  }
0x1ca: {  	[sflag:s11] =	ssyncset.done @!p1 $0x0  }
0x1cb: {  	[sflag:s11] =	ssyncadd.s32 @!p1 $0xFFFFFC00  }
0x1cc: {  	_ =	swait.ge @!p1 [sflag:s11], $0x400  }
0x1cd: {  	[sflag:s11] =	ssyncset.done @!p1 $0x0  }
0x1ce: {  	[sflag:s11] =	ssyncadd.s32 @!p1 $0xFFFFFC00  }
0x1cf: {  	_ =	swait.ge @!p1 [sflag:s11], $0x400  }
0x1d0: {  	[sflag:s11] =	ssyncset.done @!p1 $0x0  }
0x1d1: {  	[sflag:s11] =	ssyncadd.s32 @!p1 $0xFFFFFC00  }
0x1d2: {  	_ =	swait.ge @!p1 [sflag:s11], $0x400  }
0x1d3: {  	[sflag:s11] =	ssyncset.done @!p1 $0x0  }
0x1d4: {  	s25 =	simm.s32 $0x840;
	[sflag:s11] =	ssyncadd.s32 @!p1 $0xFFFFFC00  }
0x1d5: {  	v0 =	vld [tilespmem:s25+$0x30];
	_ =	sdelay $0x3  }
0x1d6: {  	v1 =	vld [tilespmem:s25+$0xFFFFFFD0]  }
0x1d7: {  	v2 =	vshll.u32 v0, $0x3  }
0x1d8: {  	v3 =	vld [tilespmem:s25+$0xFFFFFFE0];
	v0 =	vand.u32 $0x7F, v0;
	v2 =	vand.u32 $0xFFFFFC00, v2  }
0x1d9: {  	v5 =	vld [tilespmem:s25+$0xFFFFFFC0];
	v4 =	vor.u32 v0, v2;
	_ =	sdelay $0x1  }
0x1da: {  	v2 =	vld [tilespmem:s25+$0xFFFFFFF0];
	v0 =	vshll.u32 v1, $0x3  }
0x1db: {  	v7 =	vld [tilespmem:s25+$0x10];
	v1 =	vand.u32 $0x7F, v1;
	v8 =	vand.u32 $0xFFFFFC00, v0  }
0x1dc: {  	v6 =	vld [tilespmem:s25+$0x0];
	v0 =	vshll.u32 v3, $0x3;
	v1 =	vor.u32 v1, v8  }
0x1dd: {  	v11 =	vor.u32 $0x80, v4;
	v9 =	vand.u32 $0xFFFFFC00, v0;
	v0 =	vshll.u32 v5, $0x3;
	v10 =	vld.idx.msk [tilespmem:v4+s17+$0x0], $0xffff  }
0x1de: {  	v12 =	vld [tilespmem:s25+$0x20];
	v3 =	vand.u32 $0x7F, v3;
	v5 =	vand.u32 $0x7F, v5;
	v0 =	vand.u32 $0xFFFFFC00, v0  }
0x1df: {  	v0 =	vor.u32 v5, v0;
	v13 =	vshll.u32 v2, $0x3;
	v8 =	vand.u32 $0x7F, v2  }
0x1e0: {  	v2 =	vor.u32 v3, v9;
	v9 =	vshll.u32 v7, $0x3;
	v5 =	vand.u32 $0xFFFFFC00, v13  }
0x1e1: {  	s11 =	simm.s32 $0x9200;
	v13 =	vshll.u32 v6, $0x3;
	v3 =	vor.u32 v8, v5;
	v5 =	vand.u32 $0xFFFFFC00, v9;
	v9 =	vld.idx.msk [tilespmem:v1+s17+$0x0], $0xffff  }
0x1e2: {  	v15 =	vor.u32 $0x80, v1;
	v6 =	vand.u32 $0x7F, v6;
	v13 =	vand.u32 $0xFFFFFC00, v13;
	[tilespmem:s11+$0xFFFFFE70] =	vst v10  }
0x1e3: {  	v7 =	vand.u32 $0x7F, v7;
	v8 =	vshll.u32 v12, $0x3;
	v10 =	vor.u32 v6, v13;
	v6 =	vld.idx.msk [tilespmem:v11+s17+$0x0], $0xffff  }
0x1e4: {  	v11 =	vor.u32 v7, v5;
	v5 =	vld.idx.msk [tilespmem:v0+s17+$0x0], $0xffff;
	v7 =	vand.u32 $0xFFFFFC00, v8;
	v8 =	vand.u32 $0x7F, v12  }
0x1e5: {  	v13 =	vor.u32 $0x100, v4;
	v12 =	vor.u32 v8, v7;
	v7 =	vld.idx.msk [tilespmem:v2+s17+$0x0], $0xffff  }
0x1e6: {  	v8 =	vor.u32 $0x80, v0;
	v14 =	vld.idx.msk [tilespmem:v3+s17+$0x0], $0xffff;
	[tilespmem:s11+$0xFFFFFE10] =	vst v9  }
0x1e7: {  	v15 =	vld.idx.msk [tilespmem:v15+s17+$0x0], $0xffff  }
0x1e8: {  	v17 =	vor.u32 $0x80, v2;
	v16 =	vld.idx.msk [tilespmem:v10+s17+$0x0], $0xffff  }
0x1e9: {  	v18 =	vld.idx.msk [tilespmem:v11+s17+$0x0], $0xffff;
	[tilespmem:s11+$0xFFFFFEF0] =	vst v6;
	v6 =	vor.u32 $0x80, v3  }
0x1ea: {  	[tilespmem:s11+$0xFFFFFE00] =	vst v5;
	v5 =	vld.idx.msk [tilespmem:v13+s17+$0x0], $0xffff;
	v13 =	vor.u32 $0x80, v10  }
0x1eb: {  	v19 =	vor.u32 $0x80, v11;
	v8 =	vld.idx.msk [tilespmem:v8+s17+$0x0], $0xffff;
	[tilespmem:s11+$0xFFFFFE20] =	vst v7  }
0x1ec: {  	v9 =	vld.idx.msk [tilespmem:v12+s17+$0x0], $0xffff;
	v7 =	vor.u32 $0x180, v4;
	[tilespmem:s11+$0xFFFFFE30] =	vst v14  }
0x1ed: {  	v14 =	vor.u32 $0x80, v12;
	v17 =	vld.idx.msk [tilespmem:v17+s17+$0x0], $0xffff;
	[tilespmem:s11+$0xFFFFFE40] =	vst v16  }
0x1ee: {  	v16 =	vor.u32 $0x100, v0;
	v6 =	vld.idx.msk [tilespmem:v6+s17+$0x0], $0xffff;
	[tilespmem:s11+$0xFFFFFE50] =	vst v18  }
0x1ef: {  	v18 =	vor.u32 $0x100, v1;
	v13 =	vld.idx.msk [tilespmem:v13+s17+$0x0], $0xffff;
	[tilespmem:s11+$0xFFFFFF70] =	vst v5  }
0x1f0: {  	v5 =	vor.u32 $0x100, v2;
	[tilespmem:s11+$0xFFFFFE80] =	vst v8;
	v8 =	vld.idx.msk [tilespmem:v19+s17+$0x0], $0xffff  }
0x1f1: {  	[tilespmem:s11+$0xFFFFFE60] =	vst v9;
	v9 =	vor.u32 $0x100, v3;
	v7 =	vld.idx.msk [tilespmem:v7+s17+$0x0], $0xffff  }
0x1f2: {  	[tilespmem:s11+$0xFFFFFE90] =	vst v15;
	v19 =	vor.u32 $0x100, v10;
	v14 =	vld.idx.msk [tilespmem:v14+s17+$0x0], $0xffff  }
0x1f3: {  	[tilespmem:s11+$0xFFFFFEA0] =	vst v17;
	v17 =	vor.u32 $0x100, v11;
	v16 =	vld.idx.msk [tilespmem:v16+s17+$0x0], $0xffff  }
0x1f4: {  	v15 =	vor.u32 $0x200, v4;
	v18 =	vld.idx.msk [tilespmem:v18+s17+$0x0], $0xffff;
	[tilespmem:s11+$0xFFFFFEB0] =	vst v6  }
0x1f5: {  	v6 =	vor.u32 $0x100, v12;
	v5 =	vld.idx.msk [tilespmem:v5+s17+$0x0], $0xffff;
	[tilespmem:s11+$0xFFFFFEC0] =	vst v13  }
0x1f6: {  	v13 =	vor.u32 $0x180, v0;
	v9 =	vld.idx.msk [tilespmem:v9+s17+$0x0], $0xffff;
	[tilespmem:s11+$0xFFFFFED0] =	vst v8  }
0x1f7: {  	[tilespmem:s11+$0xFFFFFFF0] =	vst v7;
	v7 =	vor.u32 $0x180, v1;
	v19 =	vld.idx.msk [tilespmem:v19+s17+$0x0], $0xffff  }
0x1f8: {  	[tilespmem:s11+$0xFFFFFEE0] =	vst v14;
	v14 =	vld.idx.msk [tilespmem:v17+s17+$0x0], $0xffff;
	v17 =	vor.u32 $0x180, v3  }
0x1f9: {  	v8 =	vld.idx.msk [tilespmem:v15+s17+$0x0], $0xffff;
	v15 =	vor.u32 $0x180, v2;
	[tilespmem:s11+$0xFFFFFF00] =	vst v16  }
0x1fa: {  	v16 =	vor.u32 $0x280, v4;
	[tilespmem:s11+$0xFFFFFF10] =	vst v18;
	v6 =	vld.idx.msk [tilespmem:v6+s17+$0x0], $0xffff  }
0x1fb: {  	v18 =	vor.u32 $0x180, v10;
	v13 =	vld.idx.msk [tilespmem:v13+s17+$0x0], $0xffff;
	[tilespmem:s11+$0xFFFFFF20] =	vst v5  }
0x1fc: {  	v5 =	vor.u32 $0x180, v11;
	[tilespmem:s11+$0xFFFFFF30] =	vst v9;
	v7 =	vld.idx.msk [tilespmem:v7+s17+$0x0], $0xffff  }
0x1fd: {  	v9 =	vor.u32 $0x180, v12;
	[tilespmem:s11+$0xFFFFFF40] =	vst v19;
	v17 =	vld.idx.msk [tilespmem:v17+s17+$0x0], $0xffff  }
0x1fe: {  	v15 =	vld.idx.msk [tilespmem:v15+s17+$0x0], $0xffff;
	[tilespmem:s11+$0x70] =	vst v8;
	v8 =	vor.u32 $0x200, v0  }
0x1ff: {  	v19 =	vor.u32 $0x200, v1;
	[tilespmem:s11+$0xFFFFFF50] =	vst v14;
	v16 =	vld.idx.msk [tilespmem:v16+s17+$0x0], $0xffff  }
0x200: {  	v14 =	vld.idx.msk [tilespmem:v18+s17+$0x0], $0xffff;
	[tilespmem:s11+$0xFFFFFF60] =	vst v6;
	v6 =	vor.u32 $0x300, v4  }
0x201: {  	v18 =	vor.u32 $0x200, v2;
	[tilespmem:s11+$0xFFFFFF80] =	vst v13;
	v5 =	vld.idx.msk [tilespmem:v5+s17+$0x0], $0xffff  }
0x202: {  	v13 =	vor.u32 $0x200, v3;
	[tilespmem:s11+$0xFFFFFF90] =	vst v7;
	v7 =	vld.idx.msk [tilespmem:v9+s17+$0x0], $0xffff  }
0x203: {  	v9 =	vor.u32 $0x200, v10;
	v8 =	vld.idx.msk [tilespmem:v8+s17+$0x0], $0xffff;
	[tilespmem:s11+$0xFFFFFFA0] =	vst v15  }
0x204: {  	v15 =	vor.u32 $0x200, v11;
	v19 =	vld.idx.msk [tilespmem:v19+s17+$0x0], $0xffff;
	[tilespmem:s11+$0xF0] =	vst v16  }
0x205: {  	[tilespmem:s11+$0xFFFFFFB0] =	vst v17;
	v16 =	vor.u32 $0x200, v12;
	v6 =	vld.idx.msk [tilespmem:v6+s17+$0x0], $0xffff  }
0x206: {  	v17 =	vor.u32 $0x280, v0;
	v18 =	vld.idx.msk [tilespmem:v18+s17+$0x0], $0xffff;
	[tilespmem:s11+$0xFFFFFFC0] =	vst v14  }
0x207: {  	v4 =	vor.u32 $0x380, v4;
	v13 =	vld.idx.msk [tilespmem:v13+s17+$0x0], $0xffff;
	[tilespmem:s11+$0xFFFFFFD0] =	vst v5  }
0x208: {  	v5 =	vor.u32 $0x280, v1;
	v9 =	vld.idx.msk [tilespmem:v9+s17+$0x0], $0xffff;
	[tilespmem:s11+$0xFFFFFFE0] =	vst v7  }
0x209: {  	v7 =	vor.u32 $0x280, v2;
	[tilespmem:s11+$0x0] =	vst v8;
	v8 =	vld.idx.msk [tilespmem:v15+s17+$0x0], $0xffff  }
0x20a: {  	v14 =	vor.u32 $0x280, v3;
	[tilespmem:s11+$0x10] =	vst v19;
	v15 =	vld.idx.msk [tilespmem:v16+s17+$0x0], $0xffff  }
0x20b: {  	v16 =	vor.u32 $0x280, v10;
	v17 =	vld.idx.msk [tilespmem:v17+s17+$0x0], $0xffff;
	[tilespmem:s11+$0x170] =	vst v6  }
0x20c: {  	v6 =	vor.u32 $0x280, v11;
	[tilespmem:s11+$0x20] =	vst v18;
	v4 =	vld.idx.msk [tilespmem:v4+s17+$0x0], $0xffff  }
0x20d: {  	v18 =	vor.u32 $0x280, v12;
	v5 =	vld.idx.msk [tilespmem:v5+s17+$0x0], $0xffff;
	[tilespmem:s11+$0x30] =	vst v13  }
0x20e: {  	v13 =	vor.u32 $0x300, v0;
	v7 =	vld.idx.msk [tilespmem:v7+s17+$0x0], $0xffff;
	[tilespmem:s11+$0x40] =	vst v9  }
0x20f: {  	v9 =	vor.u32 $0x300, v1;
	v19 =	vld.idx.msk [tilespmem:v14+s17+$0x0], $0xffff;
	[tilespmem:s11+$0x50] =	vst v8  }
0x210: {  	v20 =	vor.u32 $0x300, v2;
	v21 =	vld.idx.msk [tilespmem:v16+s17+$0x0], $0xffff;
	[tilespmem:s11+$0x60] =	vst v15  }
0x211: {  	v22 =	vor.u32 $0x300, v3;
	[tilespmem:s11+$0x80] =	vst v17;
	v17 =	vld.idx.msk [tilespmem:v6+s17+$0x0], $0xffff  }
0x212: {  	v23 =	vor.u32 $0x300, v10;
	v15 =	vld.idx.msk [tilespmem:v18+s17+$0x0], $0xffff;
	[tilespmem:s11+$0x1F0] =	vst v4  }
0x213: {  	v14 =	vld.idx.msk [tilespmem:v13+s17+$0x0], $0xffff;
	[tilespmem:s11+$0x90] =	vst v5  }
0x214: {  	v13 =	vld.idx.msk [tilespmem:v9+s17+$0x0], $0xffff;
	[tilespmem:s11+$0xA0] =	vst v7  }
0x215: {  	v8 =	vor.u32 $0x300, v11;
	v6 =	vor.u32 $0x380, v1;
	v1 =	vor.u32 $0x380, v11;
	[tilespmem:s11+$0xB0] =	vst v19;
	v16 =	vld.idx.msk [tilespmem:v20+s17+$0x0], $0xffff  }
0x216: {  	v5 =	vor.u32 $0x380, v2;
	v4 =	vor.u32 $0x380, v3;
	v2 =	vor.u32 $0x380, v10;
	v3 =	vld.idx.msk [tilespmem:v22+s17+$0x0], $0xffff;
	[tilespmem:s11+$0xC0] =	vst v21  }
0x217: {  	s15 =	simm.s32 $0x0;
	s13 =	simm.s32 $0x9200;
	s19 =	simm.s32 $0x8C0;
	v7 =	vor.u32 $0x380, v0;
	v9 =	vor.u32 $0x300, v12;
	v0 =	vor.u32 $0x380, v12;
	v10 =	vld.idx.msk [tilespmem:v23+s17+$0x0], $0xffff;
	[tilespmem:s11+$0xD0] =	vst v17  }
.LBB2_5:
0x218: {  	v11 =	vld [tilespmem:s19+$0x30];
	s15 =	sadd.s32 $0x8, s15;
	[tilespmem:s11+$0xE0] =	vst v15  }
0x219: {  	v12 =	vld [tilespmem:s19+$0xFFFFFFD0];
	p1 =	slt.u32 s15, $0x78;
	[tilespmem:s11+$0x100] =	vst v14  }
0x21a: {  	v14 =	vld [tilespmem:s19+$0xFFFFFFE0];
	[tilespmem:s11+$0x110] =	vst v13  }
0x21b: {  	v13 =	vld [tilespmem:s19+$0xFFFFFFF0];
	[tilespmem:s11+$0x120] =	vst v16  }
0x21c: {  	v15 =	vld [tilespmem:s19+$0x0];
	[tilespmem:s11+$0x130] =	vst v3  }
0x21d: {  	v16 =	vld [tilespmem:s19+$0x10];
	v3 =	vshll.u32 v11, $0x3;
	[tilespmem:s11+$0x140] =	vst v10  }
0x21e: {  	v11 =	vand.u32 $0x7F, v11;
	v10 =	vshll.u32 v12, $0x3;
	v17 =	vld [tilespmem:s19+$0x20];
	v3 =	vand.u32 $0xFFFFFC00, v3  }
0x21f: {  	v18 =	vld [tilespmem:s19+$0xFFFFFFC0];
	v10 =	vand.u32 $0xFFFFFC00, v10;
	v19 =	vshll.u32 v14, $0x3;
	v3 =	vor.u32 v11, v3  }
0x220: {  	v11 =	vand.u32 $0x7F, v12;
	v12 =	vand.u32 $0xFFFFFC00, v19;
	v19 =	vshll.u32 v13, $0x3;
	v8 =	vld.idx.msk [tilespmem:v8+s17+$0x0], $0xffff  }
0x221: {  	v14 =	vand.u32 $0x7F, v14;
	v19 =	vand.u32 $0xFFFFFC00, v19;
	v20 =	vshll.u32 v15, $0x3;
	v9 =	vld.idx.msk [tilespmem:v9+s17+$0x0], $0xffff  }
0x222: {  	v13 =	vand.u32 $0x7F, v13;
	v20 =	vand.u32 $0xFFFFFC00, v20;
	v21 =	vshll.u32 v16, $0x3;
	v7 =	vld.idx.msk [tilespmem:v7+s17+$0x0], $0xffff  }
0x223: {  	v15 =	vand.u32 $0x7F, v15;
	v21 =	vand.u32 $0xFFFFFC00, v21;
	v22 =	vshll.u32 v17, $0x3;
	v6 =	vld.idx.msk [tilespmem:v6+s17+$0x0], $0xffff  }
0x224: {  	v23 =	vand.u32 $0x7F, v18;
	v18 =	vshll.u32 v18, $0x3;
	v22 =	vand.u32 $0xFFFFFC00, v22;
	v24 =	vld.idx.msk [tilespmem:v3+s17+$0x0], $0xffff  }
0x225: {  	v16 =	vand.u32 $0x7F, v16;
	v17 =	vand.u32 $0x7F, v17;
	v18 =	vand.u32 $0xFFFFFC00, v18;
	v5 =	vld.idx.msk [tilespmem:v5+s17+$0x0], $0xffff  }
0x226: {  	v25 =	vor.u32 v11, v10;
	v10 =	vor.u32 $0x80, v3;
	v23 =	vor.u32 v23, v18;
	v4 =	vld.idx.msk [tilespmem:v4+s17+$0x0], $0xffff;
	[tilespmem:s11+$0x150] =	vst v8  }
0x227: {  	v26 =	vor.u32 v14, v12;
	v27 =	vor.u32 v13, v19;
	v28 =	vor.u32 v15, v20;
	[tilespmem:s11+$0x160] =	vst v9  }
0x228: {  	v21 =	vor.u32 v16, v21;
	v22 =	vor.u32 v17, v22;
	v8 =	vor.u32 $0x80, v23;
	[tilespmem:s11+$0x180] =	vst v7;
	v2 =	vld.idx.msk [tilespmem:v2+s17+$0x0], $0xffff  }
0x229: {  	v29 =	vor.u32 $0x80, v27;
	v9 =	vor.u32 $0x80, v26;
	v7 =	vor.u32 $0x80, v25;
	s11 =	sadd.s32 $0x400, s11;
	[tilespmem:s13+$0x190] =	vst v6;
	v1 =	vld.idx.msk [tilespmem:v1+s17+$0x0], $0xffff  }
0x22a: {  	v30 =	vor.u32 $0x80, v28;
	v31 =	vor.u32 $0x80, v21;
	v32 =	vor.u32 $0x80, v22;
	[tilespmem:s11+$0xFFFFFE70] =	vst v24;
	v0 =	vld.idx.msk [tilespmem:v0+s17+$0x0], $0xffff  }
0x22b: {  	v33 =	vor.u32 $0x100, v25;
	v34 =	vor.u32 $0x100, v26;
	v24 =	vor.u32 $0x100, v23;
	v6 =	vld.idx.msk [tilespmem:v10+s17+$0x0], $0xffff;
	[tilespmem:s13+$0x1A0] =	vst v5  }
0x22c: {  	v35 =	vor.u32 $0x100, v27;
	v36 =	vor.u32 $0x100, v28;
	v37 =	vor.u32 $0x100, v21;
	v5 =	vld.idx.msk [tilespmem:v23+s17+$0x0], $0xffff;
	[tilespmem:s13+$0x1B0] =	vst v4  }
0x22d: {  	v39 =	vor.u32 $0x100, v22;
	v38 =	vor.u32 $0x180, v23;
	v10 =	vor.u32 $0x100, v3;
	v4 =	vld.idx.msk [tilespmem:v25+s17+$0x0], $0xffff  }
0x22e: {  	v40 =	vor.u32 $0x180, v25;
	v41 =	vor.u32 $0x180, v26;
	v42 =	vor.u32 $0x180, v27;
	v11 =	vld.idx.msk [tilespmem:v26+s17+$0x0], $0xffff;
	[tilespmem:s13+$0x1C0] =	vst v2  }
0x22f: {  	v43 =	vor.u32 $0x180, v28;
	v44 =	vor.u32 $0x180, v21;
	v45 =	vor.u32 $0x180, v22;
	v2 =	vld.idx.msk [tilespmem:v27+s17+$0x0], $0xffff;
	[tilespmem:s13+$0x1D0] =	vst v1  }
0x230: {  	v47 =	vor.u32 $0x200, v25;
	v48 =	vor.u32 $0x200, v26;
	v46 =	vor.u32 $0x200, v23;
	v1 =	vld.idx.msk [tilespmem:v28+s17+$0x0], $0xffff;
	[tilespmem:s13+$0x1E0] =	vst v0;
	s13 =	smov.u32 s11  }
0x231: {  	v49 =	vor.u32 $0x200, v27;
	v50 =	vor.u32 $0x200, v28;
	v51 =	vor.u32 $0x200, v21;
	v0 =	vld.idx.msk [tilespmem:v21+s17+$0x0], $0xffff;
	[tilespmem:s11+$0xFFFFFEF0] =	vst v6  }
0x232: {  	v18 =	vor.u32 $0x280, v25;
	v53 =	vor.u32 $0x200, v22;
	v52 =	vor.u32 $0x280, v23;
	[tilespmem:s11+$0xFFFFFE00] =	vst v5;
	v54 =	vld.idx.msk [tilespmem:v10+s17+$0x0], $0xffff  }
0x233: {  	v20 =	vor.u32 $0x280, v26;
	v19 =	vor.u32 $0x280, v27;
	v15 =	vor.u32 $0x280, v28;
	[tilespmem:s11+$0xFFFFFE10] =	vst v4;
	v55 =	vld.idx.msk [tilespmem:v22+s17+$0x0], $0xffff  }
0x234: {  	v57 =	vor.u32 $0x180, v3;
	v17 =	vor.u32 $0x280, v21;
	v16 =	vor.u32 $0x280, v22;
	v56 =	vld.idx.msk [tilespmem:v8+s17+$0x0], $0xffff;
	[tilespmem:s11+$0xFFFFFE20] =	vst v11  }
0x235: {  	v13 =	vor.u32 $0x300, v25;
	v14 =	vor.u32 $0x300, v23;
	v10 =	vor.u32 $0x300, v26;
	v58 =	vld.idx.msk [tilespmem:v7+s17+$0x0], $0xffff;
	[tilespmem:s11+$0xFFFFFE30] =	vst v2  }
0x236: {  	v12 =	vor.u32 $0x300, v27;
	v11 =	vor.u32 $0x300, v28;
	v8 =	vor.u32 $0x300, v21;
	v59 =	vld.idx.msk [tilespmem:v9+s17+$0x0], $0xffff;
	[tilespmem:s11+$0xFFFFFE40] =	vst v1  }
0x237: {  	v6 =	vor.u32 $0x380, v25;
	v7 =	vor.u32 $0x380, v23;
	v9 =	vor.u32 $0x300, v22;
	v23 =	vld.idx.msk [tilespmem:v29+s17+$0x0], $0xffff;
	[tilespmem:s11+$0xFFFFFE50] =	vst v0  }
0x238: {  	v5 =	vor.u32 $0x380, v26;
	v4 =	vor.u32 $0x380, v27;
	v2 =	vor.u32 $0x380, v28;
	v25 =	vld.idx.msk [tilespmem:v30+s17+$0x0], $0xffff;
	[tilespmem:s11+$0xFFFFFF70] =	vst v54  }
0x239: {  	v1 =	vor.u32 $0x380, v21;
	v0 =	vor.u32 $0x380, v22;
	[tilespmem:s11+$0xFFFFFE60] =	vst v55;
	v21 =	vld.idx.msk [tilespmem:v57+s17+$0x0], $0xffff  }
0x23a: {  	[tilespmem:s11+$0xFFFFFE80] =	vst v56;
	v22 =	vld.idx.msk [tilespmem:v31+s17+$0x0], $0xffff  }
0x23b: {  	v27 =	vor.u32 $0x200, v3;
	[tilespmem:s11+$0xFFFFFE90] =	vst v58;
	v26 =	vld.idx.msk [tilespmem:v32+s17+$0x0], $0xffff  }
0x23c: {  	v24 =	vld.idx.msk [tilespmem:v24+s17+$0x0], $0xffff;
	[tilespmem:s11+$0xFFFFFEA0] =	vst v59  }
0x23d: {  	v28 =	vld.idx.msk [tilespmem:v33+s17+$0x0], $0xffff;
	[tilespmem:s11+$0xFFFFFEB0] =	vst v23  }
0x23e: {  	v23 =	vld.idx.msk [tilespmem:v34+s17+$0x0], $0xffff;
	[tilespmem:s11+$0xFFFFFEC0] =	vst v25  }
0x23f: {  	v25 =	vld.idx.msk [tilespmem:v35+s17+$0x0], $0xffff;
	[tilespmem:s11+$0xFFFFFFF0] =	vst v21  }
0x240: {  	[tilespmem:s11+$0xFFFFFED0] =	vst v22;
	v21 =	vld.idx.msk [tilespmem:v27+s17+$0x0], $0xffff  }
0x241: {  	v22 =	vld.idx.msk [tilespmem:v36+s17+$0x0], $0xffff;
	[tilespmem:s11+$0xFFFFFEE0] =	vst v26  }
0x242: {  	v26 =	vor.u32 $0x280, v3;
	[tilespmem:s11+$0xFFFFFF00] =	vst v24;
	v24 =	vld.idx.msk [tilespmem:v37+s17+$0x0], $0xffff  }
0x243: {  	[tilespmem:s11+$0xFFFFFF10] =	vst v28;
	v27 =	vld.idx.msk [tilespmem:v39+s17+$0x0], $0xffff  }
0x244: {  	v28 =	vld.idx.msk [tilespmem:v38+s17+$0x0], $0xffff;
	[tilespmem:s11+$0xFFFFFF20] =	vst v23  }
0x245: {  	v23 =	vld.idx.msk [tilespmem:v40+s17+$0x0], $0xffff;
	[tilespmem:s11+$0xFFFFFF30] =	vst v25  }
0x246: {  	v25 =	vld.idx.msk [tilespmem:v41+s17+$0x0], $0xffff;
	[tilespmem:s11+$0x70] =	vst v21  }
0x247: {  	[tilespmem:s11+$0xFFFFFF40] =	vst v22;
	v21 =	vld.idx.msk [tilespmem:v26+s17+$0x0], $0xffff  }
0x248: {  	v22 =	vld.idx.msk [tilespmem:v42+s17+$0x0], $0xffff;
	[tilespmem:s11+$0xFFFFFF50] =	vst v24  }
0x249: {  	v26 =	vor.u32 $0x300, v3;
	v24 =	vld.idx.msk [tilespmem:v43+s17+$0x0], $0xffff;
	[tilespmem:s11+$0xFFFFFF60] =	vst v27  }
0x24a: {  	[tilespmem:s11+$0xFFFFFF80] =	vst v28;
	v27 =	vld.idx.msk [tilespmem:v44+s17+$0x0], $0xffff  }
0x24b: {  	[tilespmem:s11+$0xFFFFFF90] =	vst v23;
	v23 =	vld.idx.msk [tilespmem:v45+s17+$0x0], $0xffff  }
0x24c: {  	v28 =	vld.idx.msk [tilespmem:v46+s17+$0x0], $0xffff;
	[tilespmem:s11+$0xFFFFFFA0] =	vst v25  }
0x24d: {  	v25 =	vld.idx.msk [tilespmem:v47+s17+$0x0], $0xffff;
	[tilespmem:s11+$0xF0] =	vst v21  }
0x24e: {  	[tilespmem:s11+$0xFFFFFFB0] =	vst v22;
	v21 =	vld.idx.msk [tilespmem:v26+s17+$0x0], $0xffff  }
0x24f: {  	v22 =	vld.idx.msk [tilespmem:v48+s17+$0x0], $0xffff;
	[tilespmem:s11+$0xFFFFFFC0] =	vst v24  }
0x250: {  	v3 =	vor.u32 $0x380, v3;
	v24 =	vld.idx.msk [tilespmem:v49+s17+$0x0], $0xffff;
	[tilespmem:s11+$0xFFFFFFD0] =	vst v27  }
0x251: {  	v26 =	vld.idx.msk [tilespmem:v50+s17+$0x0], $0xffff;
	[tilespmem:s11+$0xFFFFFFE0] =	vst v23  }
0x252: {  	[tilespmem:s11+$0x0] =	vst v28;
	v23 =	vld.idx.msk [tilespmem:v51+s17+$0x0], $0xffff  }
0x253: {  	[tilespmem:s11+$0x10] =	vst v25;
	v25 =	vld.idx.msk [tilespmem:v53+s17+$0x0], $0xffff  }
0x254: {  	v27 =	vld.idx.msk [tilespmem:v52+s17+$0x0], $0xffff;
	[tilespmem:s11+$0x170] =	vst v21  }
0x255: {  	[tilespmem:s11+$0x20] =	vst v22;
	v3 =	vld.idx.msk [tilespmem:v3+s17+$0x0], $0xffff  }
0x256: {  	v18 =	vld.idx.msk [tilespmem:v18+s17+$0x0], $0xffff;
	[tilespmem:s11+$0x30] =	vst v24  }
0x257: {  	v20 =	vld.idx.msk [tilespmem:v20+s17+$0x0], $0xffff;
	[tilespmem:s11+$0x40] =	vst v26  }
0x258: {  	v19 =	vld.idx.msk [tilespmem:v19+s17+$0x0], $0xffff;
	[tilespmem:s11+$0x50] =	vst v23  }
0x259: {  	v21 =	vld.idx.msk [tilespmem:v15+s17+$0x0], $0xffff;
	[tilespmem:s11+$0x60] =	vst v25  }
0x25a: {  	[tilespmem:s11+$0x80] =	vst v27;
	v17 =	vld.idx.msk [tilespmem:v17+s17+$0x0], $0xffff  }
0x25b: {  	v15 =	vld.idx.msk [tilespmem:v16+s17+$0x0], $0xffff;
	[tilespmem:s11+$0x1F0] =	vst v3  }
.Ltmp1:
0x25c: {  	v14 =	vld.idx.msk [tilespmem:v14+s17+$0x0], $0xffff;
	[tilespmem:s11+$0x90] =	vst v18;
	(pc) =	sbr.rel @p1 .LBB2_5-.Ltmp1, $4  }
0x25d: {  	v13 =	vld.idx.msk [tilespmem:v13+s17+$0x0], $0xffff;
	[tilespmem:s11+$0xA0] =	vst v20  }
0x25e: {  	v16 =	vld.idx.msk [tilespmem:v10+s17+$0x0], $0xffff;
	[tilespmem:s11+$0xB0] =	vst v19  }
0x25f: {  	v3 =	vld.idx.msk [tilespmem:v12+s17+$0x0], $0xffff;
	[tilespmem:s11+$0xC0] =	vst v21  }
0x260: {  	s19 =	sadd.s32 $0x80, s19;
	v10 =	vld.idx.msk [tilespmem:v11+s17+$0x0], $0xffff;
	[tilespmem:s11+$0xD0] =	vst v17  }
0x261: {  	_ =	sdelay $0x2  }
0x262: {  	[tilespmem:s11+$0xE0] =	vst v15  }
0x263: {  	[tilespmem:s11+$0x100] =	vst v14;
	v8 =	vld.idx.msk [tilespmem:v8+s17+$0x0], $0xffff  }
0x264: {  	[tilespmem:s11+$0x110] =	vst v13;
	v9 =	vld.idx.msk [tilespmem:v9+s17+$0x0], $0xffff  }
0x265: {  	v7 =	vld.idx.msk [tilespmem:v7+s17+$0x0], $0xffff;
	[tilespmem:s11+$0x120] =	vst v16  }
0x266: {  	v63 =	vld.idx.msk [tilespmem:v6+s17+$0x0], $0xffff;
	[tilespmem:s11+$0x130] =	vst v3  }
0x267: {  	v5 =	vld.idx.msk [tilespmem:v5+s17+$0x0], $0xffff;
	[tilespmem:s11+$0x140] =	vst v10  }
0x268: {  	v4 =	vld.idx.msk [tilespmem:v4+s17+$0x0], $0xffff;
	[tilespmem:s11+$0x150] =	vst v8  }
0x269: {  	v2 =	vld.idx.msk [tilespmem:v2+s17+$0x0], $0xffff;
	[tilespmem:s11+$0x160] =	vst v9  }
0x26a: {  	[tilespmem:s11+$0x180] =	vst v7;
	v1 =	vld.idx.msk [tilespmem:v1+s17+$0x0], $0xffff  }
0x26b: {  	[tilespmem:s13+$0x190] =	vst v63;
	v0 =	vld.idx.msk [tilespmem:v0+s17+$0x0], $0xffff  }
0x26c: {  	[tilespmem:s13+$0x1A0] =	vst v5  }
0x26d: {  	[tilespmem:s13+$0x1B0] =	vst v4  }
0x26e: {  	[tilespmem:s13+$0x1C0] =	vst v2  }
0x26f: {  	s25 =	sshll.u32 s9, $0xE;
	[tilespmem:s13+$0x1D0] =	vst v1  }
0x270: {  	s15 =	simm.s32 $0x9000;
	s11 =	sadd.s32 s25, s29;
	[tilespmem:s13+$0x1E0] =	vst v0  }
0x271: {  	[hbm4b:s11+s3] =	stream.linear.scatter [tilespmem:s15], [sflag:$0x4], $0x400, $0x38;
	[tilespmem:$0xD000] =	vst v63  }
0x272: {  	s9 =	sshll.u32 s9, $0x11;
	s19 =	rddreg [dreg:$0x18]  }
0x273: {  	s11 =	sor.u32 s19, s9  }
0x274: {  	s11 =	sshrl.u32 s11, $0x3  }
0x275: {  	s25 =	simm.s32 $0x9400;
	s13 =	rddreg [dreg:$0x19];
	s11 =	sadd.s32 s1, s11  }
0x276: {  	[hbm4b:s11+s3] =	stream.linear.scatter [tilespmem:s25], [sflag:$0x4], $0x400, $0x38;
	[tilespmem:$0xD000] =	vst v63  }
0x277: {  	s11 =	sor.u32 s13, s9  }
0x278: {  	s11 =	sshrl.u32 s11, $0x3  }
0x279: {  	s15 =	simm.s32 $0x9800;
	s19 =	sor.u32 s30, s9;
	s11 =	sadd.s32 s1, s11  }
0x27a: {  	[hbm4b:s11+s3] =	stream.linear.scatter [tilespmem:s15], [sflag:$0x4], $0x400, $0x38;
	[tilespmem:$0xD000] =	vst v63  }
0x27b: {  	s11 =	sshrl.u32 s19, $0x3  }
0x27c: {  	s25 =	simm.s32 $0x9C00;
	s13 =	sor.u32 s31, s9;
	s11 =	sadd.s32 s1, s11  }
0x27d: {  	[hbm4b:s11+s3] =	stream.linear.scatter [tilespmem:s25], [sflag:$0x4], $0x400, $0x38;
	[tilespmem:$0xD000] =	vst v63  }
0x27e: {  	s11 =	sshrl.u32 s13, $0x3  }
0x27f: {  	s15 =	simm.s32 $0xA000;
	s19 =	sor.u32 s0, s9;
	s11 =	sadd.s32 s1, s11  }
0x280: {  	[hbm4b:s11+s3] =	stream.linear.scatter [tilespmem:s15], [sflag:$0x4], $0x400, $0x38;
	[tilespmem:$0xD000] =	vst v63  }
0x281: {  	s11 =	sshrl.u32 s19, $0x3  }
0x282: {  	s25 =	simm.s32 $0xA400;
	s13 =	sor.u32 s2, s9;
	s11 =	sadd.s32 s1, s11  }
0x283: {  	[hbm4b:s11+s3] =	stream.linear.scatter [tilespmem:s25], [sflag:$0x4], $0x400, $0x38;
	[tilespmem:$0xD000] =	vst v63  }
0x284: {  	s11 =	sshrl.u32 s13, $0x3  }
0x285: {  	s15 =	simm.s32 $0xA800;
	s19 =	sor.u32 s7, s9;
	s11 =	sadd.s32 s1, s11  }
0x286: {  	[hbm4b:s11+s3] =	stream.linear.scatter [tilespmem:s15], [sflag:$0x4], $0x400, $0x38;
	[tilespmem:$0xD000] =	vst v63  }
0x287: {  	s11 =	sshrl.u32 s19, $0x3  }
0x288: {  	s25 =	simm.s32 $0xAC00;
	s13 =	sor.u32 s8, s9;
	s11 =	sadd.s32 s1, s11  }
0x289: {  	[hbm4b:s11+s3] =	stream.linear.scatter [tilespmem:s25], [sflag:$0x4], $0x400, $0x38;
	[tilespmem:$0xD000] =	vst v63  }
0x28a: {  	s11 =	sshrl.u32 s13, $0x3  }
0x28b: {  	s15 =	simm.s32 $0xB000;
	s19 =	sor.u32 s10, s9;
	s11 =	sadd.s32 s1, s11  }
0x28c: {  	[hbm4b:s11+s3] =	stream.linear.scatter [tilespmem:s15], [sflag:$0x4], $0x400, $0x38;
	[tilespmem:$0xD000] =	vst v63  }
0x28d: {  	s11 =	sshrl.u32 s19, $0x3  }
0x28e: {  	s25 =	simm.s32 $0xB400;
	s13 =	sor.u32 s12, s9;
	s11 =	sadd.s32 s1, s11  }
0x28f: {  	[hbm4b:s11+s3] =	stream.linear.scatter [tilespmem:s25], [sflag:$0x4], $0x400, $0x38;
	[tilespmem:$0xD000] =	vst v63  }
0x290: {  	s11 =	sshrl.u32 s13, $0x3  }
0x291: {  	s15 =	simm.s32 $0xB800;
	s19 =	sor.u32 s14, s9;
	s11 =	sadd.s32 s1, s11  }
0x292: {  	[hbm4b:s11+s3] =	stream.linear.scatter [tilespmem:s15], [sflag:$0x4], $0x400, $0x38;
	[tilespmem:$0xD000] =	vst v63  }
0x293: {  	s11 =	sshrl.u32 s19, $0x3  }
0x294: {  	s25 =	simm.s32 $0xBC00;
	s13 =	sor.u32 s20, s9;
	s11 =	sadd.s32 s1, s11  }
0x295: {  	[hbm4b:s11+s3] =	stream.linear.scatter [tilespmem:s25], [sflag:$0x4], $0x400, $0x38;
	[tilespmem:$0xD000] =	vst v63  }
0x296: {  	s5 =	sadd.s32 $0x1, s5;
	s11 =	sshrl.u32 s13, $0x3  }
0x297: {  	s15 =	simm.s32 $0xC000;
	s19 =	sor.u32 s21, s9;
	s11 =	sadd.s32 s1, s11  }
0x298: {  	[hbm4b:s11+s3] =	stream.linear.scatter [tilespmem:s15], [sflag:$0x4], $0x400, $0x38;
	[tilespmem:$0xD000] =	vst v63  }
0x299: {  	p1 =	sne.s32 s5, $0x3;
	s11 =	sshrl.u32 s19, $0x3  }
0x29a: {  	s25 =	simm.s32 $0xC400;
	s15 =	sor.u32 s22, s9;
	s11 =	sadd.s32 s1, s11  }
0x29b: {  	[hbm4b:s11+s3] =	stream.linear.scatter [tilespmem:s25], [sflag:$0x4], $0x400, $0x38;
	[tilespmem:$0xD000] =	vst v63  }
.Ltmp2:
0x29c: {  	s9 =	sor.u32 s23, s9;
	s11 =	sshrl.u32 s15, $0x3;
	(pc) =	sbr.rel @p1 .LBB2_2-.Ltmp2, $4  }
0x29d: {  	s19 =	simm.s32 $0xC800;
	s9 =	sshrl.u32 s9, $0x3;
	s11 =	sadd.s32 s1, s11  }
0x29e: {  	[hbm4b:s11+s3] =	stream.linear.scatter [tilespmem:s19], [sflag:$0x4], $0x400, $0x38;
	[tilespmem:$0xD000] =	vst v63  }
0x29f: {  	s9 =	sadd.s32 s1, s9;
	s25 =	simm.s32 $0xCC00  }
0x2a0: {  	[hbm4b:s9+s3] =	stream.linear.scatter [tilespmem:s25], [sflag:$0x4], $0x400, $0x38;
	[tilespmem:$0xD000] =	vst v63  }
0x2a1: {  	_ =	swait.ge [sflag:s18], $0x800  }
0x2a2: {  	[sflag:s18] =	ssyncset.done $0x0  }
0x2a3: {  	[sflag:s18] =	ssyncadd.s32 $0xFFFFF800  }
0x2a4: {  	_ =	swait.ge [sflag:s18], $0x400  }
0x2a5: {  	[sflag:s18] =	ssyncset.done $0x0  }
0x2a6: {  	[sflag:s18] =	ssyncadd.s32 $0xFFFFFC00  }
0x2a7: {  	_ =	swait.ge [sflag:s18], $0x400  }
0x2a8: {  	[sflag:s18] =	ssyncset.done $0x0  }
0x2a9: {  	[sflag:s18] =	ssyncadd.s32 $0xFFFFFC00  }
0x2aa: {  	_ =	swait.ge [sflag:s18], $0x400  }
0x2ab: {  	[sflag:s18] =	ssyncset.done $0x0  }
0x2ac: {  	[sflag:s18] =	ssyncadd.s32 $0xFFFFFC00  }
0x2ad: {  	_ =	swait.ge [sflag:s18], $0x400  }
0x2ae: {  	[sflag:s18] =	ssyncset.done $0x0  }
0x2af: {  	[sflag:s18] =	ssyncadd.s32 $0xFFFFFC00  }
0x2b0: {  	_ =	swait.ge [sflag:s18], $0x400  }
0x2b1: {  	[sflag:s18] =	ssyncset.done $0x0  }
0x2b2: {  	[sflag:s18] =	ssyncadd.s32 $0xFFFFFC00  }
0x2b3: {  	_ =	swait.ge [sflag:s18], $0x400  }
0x2b4: {  	[sflag:s18] =	ssyncset.done $0x0  }
0x2b5: {  	[sflag:s18] =	ssyncadd.s32 $0xFFFFFC00  }
0x2b6: {  	_ =	swait.ge [sflag:s18], $0x400  }
0x2b7: {  	[sflag:s18] =	ssyncset.done $0x0  }
0x2b8: {  	[sflag:s18] =	ssyncadd.s32 $0xFFFFFC00  }
0x2b9: {  	_ =	swait.ge [sflag:s18], $0x400  }
0x2ba: {  	[sflag:s18] =	ssyncset.done $0x0  }
0x2bb: {  	s15 =	simm.s32 $0x3;
	[sflag:s18] =	ssyncadd.s32 $0xFFFFFC00  }
0x2bc: {  	_ =	swait.ge [sflag:s15], $0x400  }
0x2bd: {  	[sflag:s15] =	ssyncset.done $0x0  }
0x2be: {  	[sflag:s15] =	ssyncadd.s32 $0xFFFFFC00  }
0x2bf: {  	_ =	swait.ge [sflag:s15], $0x400  }
0x2c0: {  	[sflag:s15] =	ssyncset.done $0x0  }
0x2c1: {  	[sflag:s15] =	ssyncadd.s32 $0xFFFFFC00  }
0x2c2: {  	_ =	swait.ge [sflag:s15], $0x400  }
0x2c3: {  	[sflag:s15] =	ssyncset.done $0x0  }
0x2c4: {  	[sflag:s15] =	ssyncadd.s32 $0xFFFFFC00  }
0x2c5: {  	_ =	swait.ge [sflag:s15], $0x400  }
0x2c6: {  	[sflag:s15] =	ssyncset.done $0x0  }
0x2c7: {  	[sflag:s15] =	ssyncadd.s32 $0xFFFFFC00  }
0x2c8: {  	_ =	swait.ge [sflag:s15], $0x400  }
0x2c9: {  	[sflag:s15] =	ssyncset.done $0x0  }
0x2ca: {  	[sflag:s15] =	ssyncadd.s32 $0xFFFFFC00  }
0x2cb: {  	_ =	swait.ge [sflag:s15], $0x400  }
0x2cc: {  	[sflag:s15] =	ssyncset.done $0x0  }
0x2cd: {  	[sflag:s15] =	ssyncadd.s32 $0xFFFFFC00  }
0x2ce: {  	_ =	swait.ge [sflag:s15], $0x400  }
0x2cf: {  	[sflag:s15] =	ssyncset.done $0x0  }
0x2d0: {  	[sflag:s15] =	ssyncadd.s32 $0xFFFFFC00  }
0x2d1: {  	_ =	swait.ge [sflag:s15], $0x400  }
0x2d2: {  	[sflag:s15] =	ssyncset.done $0x0  }
0x2d3: {  	[sflag:s15] =	ssyncadd.s32 $0xFFFFFC00  }
0x2d4: {  	_ =	swait.ge [sflag:s15], $0x400  }
0x2d5: {  	[sflag:s15] =	ssyncset.done $0x0  }
0x2d6: {  	[sflag:s15] =	ssyncadd.s32 $0xFFFFFC00  }
0x2d7: {  	_ =	swait.ge [sflag:s15], $0x400  }
0x2d8: {  	[sflag:s15] =	ssyncset.done $0x0  }
0x2d9: {  	[sflag:s15] =	ssyncadd.s32 $0xFFFFFC00  }
0x2da: {  	_ =	swait.ge [sflag:s15], $0x400  }
0x2db: {  	[sflag:s15] =	ssyncset.done $0x0  }
0x2dc: {  	[sflag:s15] =	ssyncadd.s32 $0xFFFFFC00  }
0x2dd: {  	_ =	swait.ge [sflag:s15], $0x400  }
0x2de: {  	[sflag:s15] =	ssyncset.done $0x0  }
0x2df: {  	[sflag:s15] =	ssyncadd.s32 $0xFFFFFC00  }
0x2e0: {  	_ =	swait.ge [sflag:s15], $0x400  }
0x2e1: {  	[sflag:s15] =	ssyncset.done $0x0  }
0x2e2: {  	[sflag:s15] =	ssyncadd.s32 $0xFFFFFC00  }
0x2e3: {  	_ =	swait.ge [sflag:s15], $0x400  }
0x2e4: {  	[sflag:s15] =	ssyncset.done $0x0  }
0x2e5: {  	[sflag:s15] =	ssyncadd.s32 $0xFFFFFC00  }
0x2e6: {  	_ =	swait.ge [sflag:s15], $0x400  }
0x2e7: {  	[sflag:s15] =	ssyncset.done $0x0  }
0x2e8: {  	[sflag:s15] =	ssyncadd.s32 $0xFFFFFC00  }
0x2e9: {  	_ =	swait.ge [sflag:s15], $0x400  }
0x2ea: {  	[sflag:s15] =	ssyncset.done $0x0  }
0x2eb: {  	s5 =	simm.s32 $0x40;
	[sflag:s15] =	ssyncadd.s32 $0xFFFFFC00  }
0x2ec: {  	v0 =	vld [tilespmem:s5+$0x30];
	_ =	sdelay $0x3  }
0x2ed: {  	v1 =	vld [tilespmem:s5+$0xFFFFFFD0]  }
0x2ee: {  	v2 =	vshll.u32 v0, $0x3  }
0x2ef: {  	v3 =	vld [tilespmem:s5+$0xFFFFFFE0];
	v0 =	vand.u32 $0x7F, v0;
	v2 =	vand.u32 $0xFFFFFC00, v2  }
0x2f0: {  	v5 =	vld [tilespmem:s5+$0xFFFFFFC0];
	v4 =	vor.u32 v0, v2;
	_ =	sdelay $0x1  }
0x2f1: {  	v2 =	vld [tilespmem:s5+$0xFFFFFFF0];
	v0 =	vshll.u32 v1, $0x3  }
0x2f2: {  	v7 =	vld [tilespmem:s5+$0x10];
	v1 =	vand.u32 $0x7F, v1;
	v8 =	vand.u32 $0xFFFFFC00, v0  }
0x2f3: {  	v6 =	vld [tilespmem:s5+$0x0];
	v0 =	vshll.u32 v3, $0x3;
	v1 =	vor.u32 v1, v8  }
0x2f4: {  	v11 =	vor.u32 $0x80, v4;
	v9 =	vand.u32 $0xFFFFFC00, v0;
	v0 =	vshll.u32 v5, $0x3;
	v10 =	vld.idx.msk [tilespmem:v4+s6+$0x0], $0xffff  }
0x2f5: {  	v12 =	vld [tilespmem:s5+$0x20];
	v3 =	vand.u32 $0x7F, v3;
	v5 =	vand.u32 $0x7F, v5;
	v0 =	vand.u32 $0xFFFFFC00, v0  }
0x2f6: {  	v0 =	vor.u32 v5, v0;
	v13 =	vshll.u32 v2, $0x3;
	v8 =	vand.u32 $0x7F, v2  }
0x2f7: {  	v2 =	vor.u32 v3, v9;
	v9 =	vshll.u32 v7, $0x3;
	v5 =	vand.u32 $0xFFFFFC00, v13  }
0x2f8: {  	s5 =	simm.s32 $0x5200;
	v13 =	vshll.u32 v6, $0x3;
	v3 =	vor.u32 v8, v5;
	v5 =	vand.u32 $0xFFFFFC00, v9;
	v9 =	vld.idx.msk [tilespmem:v1+s6+$0x0], $0xffff  }
0x2f9: {  	v15 =	vor.u32 $0x80, v1;
	v6 =	vand.u32 $0x7F, v6;
	v13 =	vand.u32 $0xFFFFFC00, v13;
	[tilespmem:s5+$0xFFFFFE70] =	vst v10  }
0x2fa: {  	v7 =	vand.u32 $0x7F, v7;
	v8 =	vshll.u32 v12, $0x3;
	v10 =	vor.u32 v6, v13;
	v6 =	vld.idx.msk [tilespmem:v11+s6+$0x0], $0xffff  }
0x2fb: {  	v11 =	vor.u32 v7, v5;
	v5 =	vld.idx.msk [tilespmem:v0+s6+$0x0], $0xffff;
	v7 =	vand.u32 $0xFFFFFC00, v8;
	v8 =	vand.u32 $0x7F, v12  }
0x2fc: {  	v13 =	vor.u32 $0x100, v4;
	v12 =	vor.u32 v8, v7;
	v7 =	vld.idx.msk [tilespmem:v2+s6+$0x0], $0xffff  }
0x2fd: {  	v8 =	vor.u32 $0x80, v0;
	v14 =	vld.idx.msk [tilespmem:v3+s6+$0x0], $0xffff;
	[tilespmem:s5+$0xFFFFFE10] =	vst v9  }
0x2fe: {  	v15 =	vld.idx.msk [tilespmem:v15+s6+$0x0], $0xffff  }
0x2ff: {  	v17 =	vor.u32 $0x80, v2;
	v16 =	vld.idx.msk [tilespmem:v10+s6+$0x0], $0xffff  }
0x300: {  	v18 =	vld.idx.msk [tilespmem:v11+s6+$0x0], $0xffff;
	[tilespmem:s5+$0xFFFFFEF0] =	vst v6;
	v6 =	vor.u32 $0x80, v3  }
0x301: {  	[tilespmem:s5+$0xFFFFFE00] =	vst v5;
	v5 =	vld.idx.msk [tilespmem:v13+s6+$0x0], $0xffff;
	v13 =	vor.u32 $0x80, v10  }
0x302: {  	v19 =	vor.u32 $0x80, v11;
	v8 =	vld.idx.msk [tilespmem:v8+s6+$0x0], $0xffff;
	[tilespmem:s5+$0xFFFFFE20] =	vst v7  }
0x303: {  	v9 =	vld.idx.msk [tilespmem:v12+s6+$0x0], $0xffff;
	v7 =	vor.u32 $0x180, v4;
	[tilespmem:s5+$0xFFFFFE30] =	vst v14  }
0x304: {  	v14 =	vor.u32 $0x80, v12;
	v17 =	vld.idx.msk [tilespmem:v17+s6+$0x0], $0xffff;
	[tilespmem:s5+$0xFFFFFE40] =	vst v16  }
0x305: {  	v16 =	vor.u32 $0x100, v0;
	v6 =	vld.idx.msk [tilespmem:v6+s6+$0x0], $0xffff;
	[tilespmem:s5+$0xFFFFFE50] =	vst v18  }
0x306: {  	v18 =	vor.u32 $0x100, v1;
	v13 =	vld.idx.msk [tilespmem:v13+s6+$0x0], $0xffff;
	[tilespmem:s5+$0xFFFFFF70] =	vst v5  }
0x307: {  	v5 =	vor.u32 $0x100, v2;
	[tilespmem:s5+$0xFFFFFE80] =	vst v8;
	v8 =	vld.idx.msk [tilespmem:v19+s6+$0x0], $0xffff  }
0x308: {  	[tilespmem:s5+$0xFFFFFE60] =	vst v9;
	v9 =	vor.u32 $0x100, v3;
	v7 =	vld.idx.msk [tilespmem:v7+s6+$0x0], $0xffff  }
0x309: {  	[tilespmem:s5+$0xFFFFFE90] =	vst v15;
	v19 =	vor.u32 $0x100, v10;
	v14 =	vld.idx.msk [tilespmem:v14+s6+$0x0], $0xffff  }
0x30a: {  	[tilespmem:s5+$0xFFFFFEA0] =	vst v17;
	v17 =	vor.u32 $0x100, v11;
	v16 =	vld.idx.msk [tilespmem:v16+s6+$0x0], $0xffff  }
0x30b: {  	v15 =	vor.u32 $0x200, v4;
	v18 =	vld.idx.msk [tilespmem:v18+s6+$0x0], $0xffff;
	[tilespmem:s5+$0xFFFFFEB0] =	vst v6  }
0x30c: {  	v6 =	vor.u32 $0x100, v12;
	v5 =	vld.idx.msk [tilespmem:v5+s6+$0x0], $0xffff;
	[tilespmem:s5+$0xFFFFFEC0] =	vst v13  }
0x30d: {  	v13 =	vor.u32 $0x180, v0;
	v9 =	vld.idx.msk [tilespmem:v9+s6+$0x0], $0xffff;
	[tilespmem:s5+$0xFFFFFED0] =	vst v8  }
0x30e: {  	[tilespmem:s5+$0xFFFFFFF0] =	vst v7;
	v7 =	vor.u32 $0x180, v1;
	v19 =	vld.idx.msk [tilespmem:v19+s6+$0x0], $0xffff  }
0x30f: {  	[tilespmem:s5+$0xFFFFFEE0] =	vst v14;
	v14 =	vld.idx.msk [tilespmem:v17+s6+$0x0], $0xffff;
	v17 =	vor.u32 $0x180, v3  }
0x310: {  	v8 =	vld.idx.msk [tilespmem:v15+s6+$0x0], $0xffff;
	v15 =	vor.u32 $0x180, v2;
	[tilespmem:s5+$0xFFFFFF00] =	vst v16  }
0x311: {  	v16 =	vor.u32 $0x280, v4;
	[tilespmem:s5+$0xFFFFFF10] =	vst v18;
	v6 =	vld.idx.msk [tilespmem:v6+s6+$0x0], $0xffff  }
0x312: {  	v18 =	vor.u32 $0x180, v10;
	v13 =	vld.idx.msk [tilespmem:v13+s6+$0x0], $0xffff;
	[tilespmem:s5+$0xFFFFFF20] =	vst v5  }
0x313: {  	v5 =	vor.u32 $0x180, v11;
	[tilespmem:s5+$0xFFFFFF30] =	vst v9;
	v7 =	vld.idx.msk [tilespmem:v7+s6+$0x0], $0xffff  }
0x314: {  	v9 =	vor.u32 $0x180, v12;
	[tilespmem:s5+$0xFFFFFF40] =	vst v19;
	v17 =	vld.idx.msk [tilespmem:v17+s6+$0x0], $0xffff  }
0x315: {  	v15 =	vld.idx.msk [tilespmem:v15+s6+$0x0], $0xffff;
	[tilespmem:s5+$0x70] =	vst v8;
	v8 =	vor.u32 $0x200, v0  }
0x316: {  	v19 =	vor.u32 $0x200, v1;
	[tilespmem:s5+$0xFFFFFF50] =	vst v14;
	v16 =	vld.idx.msk [tilespmem:v16+s6+$0x0], $0xffff  }
0x317: {  	v14 =	vld.idx.msk [tilespmem:v18+s6+$0x0], $0xffff;
	[tilespmem:s5+$0xFFFFFF60] =	vst v6;
	v6 =	vor.u32 $0x300, v4  }
0x318: {  	v18 =	vor.u32 $0x200, v2;
	[tilespmem:s5+$0xFFFFFF80] =	vst v13;
	v5 =	vld.idx.msk [tilespmem:v5+s6+$0x0], $0xffff  }
0x319: {  	v13 =	vor.u32 $0x200, v3;
	[tilespmem:s5+$0xFFFFFF90] =	vst v7;
	v7 =	vld.idx.msk [tilespmem:v9+s6+$0x0], $0xffff  }
0x31a: {  	v9 =	vor.u32 $0x200, v10;
	v8 =	vld.idx.msk [tilespmem:v8+s6+$0x0], $0xffff;
	[tilespmem:s5+$0xFFFFFFA0] =	vst v15  }
0x31b: {  	v15 =	vor.u32 $0x200, v11;
	v19 =	vld.idx.msk [tilespmem:v19+s6+$0x0], $0xffff;
	[tilespmem:s5+$0xF0] =	vst v16  }
0x31c: {  	[tilespmem:s5+$0xFFFFFFB0] =	vst v17;
	v16 =	vor.u32 $0x200, v12;
	v6 =	vld.idx.msk [tilespmem:v6+s6+$0x0], $0xffff  }
0x31d: {  	v17 =	vor.u32 $0x280, v0;
	v18 =	vld.idx.msk [tilespmem:v18+s6+$0x0], $0xffff;
	[tilespmem:s5+$0xFFFFFFC0] =	vst v14  }
0x31e: {  	v4 =	vor.u32 $0x380, v4;
	v13 =	vld.idx.msk [tilespmem:v13+s6+$0x0], $0xffff;
	[tilespmem:s5+$0xFFFFFFD0] =	vst v5  }
0x31f: {  	v5 =	vor.u32 $0x280, v1;
	v9 =	vld.idx.msk [tilespmem:v9+s6+$0x0], $0xffff;
	[tilespmem:s5+$0xFFFFFFE0] =	vst v7  }
0x320: {  	v7 =	vor.u32 $0x280, v2;
	[tilespmem:s5+$0x0] =	vst v8;
	v8 =	vld.idx.msk [tilespmem:v15+s6+$0x0], $0xffff  }
0x321: {  	v14 =	vor.u32 $0x280, v3;
	[tilespmem:s5+$0x10] =	vst v19;
	v15 =	vld.idx.msk [tilespmem:v16+s6+$0x0], $0xffff  }
0x322: {  	v16 =	vor.u32 $0x280, v10;
	v17 =	vld.idx.msk [tilespmem:v17+s6+$0x0], $0xffff;
	[tilespmem:s5+$0x170] =	vst v6  }
0x323: {  	v6 =	vor.u32 $0x280, v11;
	[tilespmem:s5+$0x20] =	vst v18;
	v4 =	vld.idx.msk [tilespmem:v4+s6+$0x0], $0xffff  }
0x324: {  	v18 =	vor.u32 $0x280, v12;
	v5 =	vld.idx.msk [tilespmem:v5+s6+$0x0], $0xffff;
	[tilespmem:s5+$0x30] =	vst v13  }
0x325: {  	v13 =	vor.u32 $0x300, v0;
	v7 =	vld.idx.msk [tilespmem:v7+s6+$0x0], $0xffff;
	[tilespmem:s5+$0x40] =	vst v9  }
0x326: {  	v9 =	vor.u32 $0x300, v1;
	v19 =	vld.idx.msk [tilespmem:v14+s6+$0x0], $0xffff;
	[tilespmem:s5+$0x50] =	vst v8  }
0x327: {  	v20 =	vor.u32 $0x300, v2;
	v21 =	vld.idx.msk [tilespmem:v16+s6+$0x0], $0xffff;
	[tilespmem:s5+$0x60] =	vst v15  }
0x328: {  	v22 =	vor.u32 $0x300, v3;
	[tilespmem:s5+$0x80] =	vst v17;
	v17 =	vld.idx.msk [tilespmem:v6+s6+$0x0], $0xffff  }
0x329: {  	v23 =	vor.u32 $0x300, v10;
	v15 =	vld.idx.msk [tilespmem:v18+s6+$0x0], $0xffff;
	[tilespmem:s5+$0x1F0] =	vst v4  }
0x32a: {  	v14 =	vld.idx.msk [tilespmem:v13+s6+$0x0], $0xffff;
	[tilespmem:s5+$0x90] =	vst v5  }
0x32b: {  	v13 =	vld.idx.msk [tilespmem:v9+s6+$0x0], $0xffff;
	[tilespmem:s5+$0xA0] =	vst v7  }
0x32c: {  	v8 =	vor.u32 $0x300, v11;
	v6 =	vor.u32 $0x380, v1;
	v1 =	vor.u32 $0x380, v11;
	[tilespmem:s5+$0xB0] =	vst v19;
	v16 =	vld.idx.msk [tilespmem:v20+s6+$0x0], $0xffff  }
0x32d: {  	v5 =	vor.u32 $0x380, v2;
	v4 =	vor.u32 $0x380, v3;
	v2 =	vor.u32 $0x380, v10;
	v3 =	vld.idx.msk [tilespmem:v22+s6+$0x0], $0xffff;
	[tilespmem:s5+$0xC0] =	vst v21  }
0x32e: {  	s11 =	simm.s32 $0x0;
	s13 =	simm.s32 $0xC0;
	s9 =	simm.s32 $0x5200;
	v7 =	vor.u32 $0x380, v0;
	v9 =	vor.u32 $0x300, v12;
	v0 =	vor.u32 $0x380, v12;
	v10 =	vld.idx.msk [tilespmem:v23+s6+$0x0], $0xffff;
	[tilespmem:s5+$0xD0] =	vst v17  }
.LBB2_8:
0x32f: {  	v11 =	vld [tilespmem:s13+$0x30];
	s11 =	sadd.s32 $0x8, s11;
	[tilespmem:s5+$0xE0] =	vst v15  }
0x330: {  	v12 =	vld [tilespmem:s13+$0xFFFFFFD0];
	p1 =	slt.u32 s11, $0x78;
	[tilespmem:s5+$0x100] =	vst v14  }
0x331: {  	v14 =	vld [tilespmem:s13+$0xFFFFFFE0];
	[tilespmem:s5+$0x110] =	vst v13  }
0x332: {  	v13 =	vld [tilespmem:s13+$0xFFFFFFF0];
	[tilespmem:s5+$0x120] =	vst v16  }
0x333: {  	v15 =	vld [tilespmem:s13+$0x0];
	[tilespmem:s5+$0x130] =	vst v3  }
0x334: {  	v16 =	vld [tilespmem:s13+$0x10];
	v3 =	vshll.u32 v11, $0x3;
	[tilespmem:s5+$0x140] =	vst v10  }
0x335: {  	v11 =	vand.u32 $0x7F, v11;
	v10 =	vshll.u32 v12, $0x3;
	v17 =	vld [tilespmem:s13+$0x20];
	v3 =	vand.u32 $0xFFFFFC00, v3  }
0x336: {  	v18 =	vld [tilespmem:s13+$0xFFFFFFC0];
	v10 =	vand.u32 $0xFFFFFC00, v10;
	v19 =	vshll.u32 v14, $0x3;
	v3 =	vor.u32 v11, v3  }
0x337: {  	v11 =	vand.u32 $0x7F, v12;
	v12 =	vand.u32 $0xFFFFFC00, v19;
	v19 =	vshll.u32 v13, $0x3;
	v8 =	vld.idx.msk [tilespmem:v8+s6+$0x0], $0xffff  }
0x338: {  	v14 =	vand.u32 $0x7F, v14;
	v19 =	vand.u32 $0xFFFFFC00, v19;
	v20 =	vshll.u32 v15, $0x3;
	v9 =	vld.idx.msk [tilespmem:v9+s6+$0x0], $0xffff  }
0x339: {  	v13 =	vand.u32 $0x7F, v13;
	v20 =	vand.u32 $0xFFFFFC00, v20;
	v21 =	vshll.u32 v16, $0x3;
	v7 =	vld.idx.msk [tilespmem:v7+s6+$0x0], $0xffff  }
0x33a: {  	v15 =	vand.u32 $0x7F, v15;
	v21 =	vand.u32 $0xFFFFFC00, v21;
	v22 =	vshll.u32 v17, $0x3;
	v6 =	vld.idx.msk [tilespmem:v6+s6+$0x0], $0xffff  }
0x33b: {  	v23 =	vand.u32 $0x7F, v18;
	v18 =	vshll.u32 v18, $0x3;
	v22 =	vand.u32 $0xFFFFFC00, v22;
	v24 =	vld.idx.msk [tilespmem:v3+s6+$0x0], $0xffff  }
0x33c: {  	v16 =	vand.u32 $0x7F, v16;
	v17 =	vand.u32 $0x7F, v17;
	v18 =	vand.u32 $0xFFFFFC00, v18;
	v5 =	vld.idx.msk [tilespmem:v5+s6+$0x0], $0xffff  }
0x33d: {  	v25 =	vor.u32 v11, v10;
	v10 =	vor.u32 $0x80, v3;
	v23 =	vor.u32 v23, v18;
	v4 =	vld.idx.msk [tilespmem:v4+s6+$0x0], $0xffff;
	[tilespmem:s5+$0x150] =	vst v8  }
0x33e: {  	v26 =	vor.u32 v14, v12;
	v27 =	vor.u32 v13, v19;
	v28 =	vor.u32 v15, v20;
	[tilespmem:s5+$0x160] =	vst v9  }
0x33f: {  	v21 =	vor.u32 v16, v21;
	v22 =	vor.u32 v17, v22;
	v8 =	vor.u32 $0x80, v23;
	[tilespmem:s5+$0x180] =	vst v7;
	v2 =	vld.idx.msk [tilespmem:v2+s6+$0x0], $0xffff  }
0x340: {  	v29 =	vor.u32 $0x80, v27;
	v9 =	vor.u32 $0x80, v26;
	v7 =	vor.u32 $0x80, v25;
	s5 =	sadd.s32 $0x400, s5;
	[tilespmem:s9+$0x190] =	vst v6;
	v1 =	vld.idx.msk [tilespmem:v1+s6+$0x0], $0xffff  }
0x341: {  	v30 =	vor.u32 $0x80, v28;
	v31 =	vor.u32 $0x80, v21;
	v32 =	vor.u32 $0x80, v22;
	[tilespmem:s5+$0xFFFFFE70] =	vst v24;
	v0 =	vld.idx.msk [tilespmem:v0+s6+$0x0], $0xffff  }
0x342: {  	v33 =	vor.u32 $0x100, v25;
	v34 =	vor.u32 $0x100, v26;
	v24 =	vor.u32 $0x100, v23;
	v6 =	vld.idx.msk [tilespmem:v10+s6+$0x0], $0xffff;
	[tilespmem:s9+$0x1A0] =	vst v5  }
0x343: {  	v35 =	vor.u32 $0x100, v27;
	v36 =	vor.u32 $0x100, v28;
	v37 =	vor.u32 $0x100, v21;
	v5 =	vld.idx.msk [tilespmem:v23+s6+$0x0], $0xffff;
	[tilespmem:s9+$0x1B0] =	vst v4  }
0x344: {  	v39 =	vor.u32 $0x100, v22;
	v38 =	vor.u32 $0x180, v23;
	v10 =	vor.u32 $0x100, v3;
	v4 =	vld.idx.msk [tilespmem:v25+s6+$0x0], $0xffff  }
0x345: {  	v40 =	vor.u32 $0x180, v25;
	v41 =	vor.u32 $0x180, v26;
	v42 =	vor.u32 $0x180, v27;
	v11 =	vld.idx.msk [tilespmem:v26+s6+$0x0], $0xffff;
	[tilespmem:s9+$0x1C0] =	vst v2  }
0x346: {  	v43 =	vor.u32 $0x180, v28;
	v44 =	vor.u32 $0x180, v21;
	v45 =	vor.u32 $0x180, v22;
	v2 =	vld.idx.msk [tilespmem:v27+s6+$0x0], $0xffff;
	[tilespmem:s9+$0x1D0] =	vst v1  }
0x347: {  	v47 =	vor.u32 $0x200, v25;
	v48 =	vor.u32 $0x200, v26;
	v46 =	vor.u32 $0x200, v23;
	v1 =	vld.idx.msk [tilespmem:v28+s6+$0x0], $0xffff;
	[tilespmem:s9+$0x1E0] =	vst v0;
	s9 =	smov.u32 s5  }
0x348: {  	v49 =	vor.u32 $0x200, v27;
	v50 =	vor.u32 $0x200, v28;
	v51 =	vor.u32 $0x200, v21;
	v0 =	vld.idx.msk [tilespmem:v21+s6+$0x0], $0xffff;
	[tilespmem:s5+$0xFFFFFEF0] =	vst v6  }
0x349: {  	v18 =	vor.u32 $0x280, v25;
	v53 =	vor.u32 $0x200, v22;
	v52 =	vor.u32 $0x280, v23;
	[tilespmem:s5+$0xFFFFFE00] =	vst v5;
	v54 =	vld.idx.msk [tilespmem:v10+s6+$0x0], $0xffff  }
0x34a: {  	v20 =	vor.u32 $0x280, v26;
	v19 =	vor.u32 $0x280, v27;
	v15 =	vor.u32 $0x280, v28;
	[tilespmem:s5+$0xFFFFFE10] =	vst v4;
	v55 =	vld.idx.msk [tilespmem:v22+s6+$0x0], $0xffff  }
0x34b: {  	v57 =	vor.u32 $0x180, v3;
	v17 =	vor.u32 $0x280, v21;
	v16 =	vor.u32 $0x280, v22;
	v56 =	vld.idx.msk [tilespmem:v8+s6+$0x0], $0xffff;
	[tilespmem:s5+$0xFFFFFE20] =	vst v11  }
0x34c: {  	v13 =	vor.u32 $0x300, v25;
	v14 =	vor.u32 $0x300, v23;
	v10 =	vor.u32 $0x300, v26;
	v58 =	vld.idx.msk [tilespmem:v7+s6+$0x0], $0xffff;
	[tilespmem:s5+$0xFFFFFE30] =	vst v2  }
0x34d: {  	v12 =	vor.u32 $0x300, v27;
	v11 =	vor.u32 $0x300, v28;
	v8 =	vor.u32 $0x300, v21;
	v59 =	vld.idx.msk [tilespmem:v9+s6+$0x0], $0xffff;
	[tilespmem:s5+$0xFFFFFE40] =	vst v1  }
0x34e: {  	v6 =	vor.u32 $0x380, v25;
	v7 =	vor.u32 $0x380, v23;
	v9 =	vor.u32 $0x300, v22;
	v23 =	vld.idx.msk [tilespmem:v29+s6+$0x0], $0xffff;
	[tilespmem:s5+$0xFFFFFE50] =	vst v0  }
0x34f: {  	v5 =	vor.u32 $0x380, v26;
	v4 =	vor.u32 $0x380, v27;
	v2 =	vor.u32 $0x380, v28;
	v25 =	vld.idx.msk [tilespmem:v30+s6+$0x0], $0xffff;
	[tilespmem:s5+$0xFFFFFF70] =	vst v54  }
0x350: {  	v1 =	vor.u32 $0x380, v21;
	v0 =	vor.u32 $0x380, v22;
	[tilespmem:s5+$0xFFFFFE60] =	vst v55;
	v21 =	vld.idx.msk [tilespmem:v57+s6+$0x0], $0xffff  }
0x351: {  	[tilespmem:s5+$0xFFFFFE80] =	vst v56;
	v22 =	vld.idx.msk [tilespmem:v31+s6+$0x0], $0xffff  }
0x352: {  	v27 =	vor.u32 $0x200, v3;
	[tilespmem:s5+$0xFFFFFE90] =	vst v58;
	v26 =	vld.idx.msk [tilespmem:v32+s6+$0x0], $0xffff  }
0x353: {  	v24 =	vld.idx.msk [tilespmem:v24+s6+$0x0], $0xffff;
	[tilespmem:s5+$0xFFFFFEA0] =	vst v59  }
0x354: {  	v28 =	vld.idx.msk [tilespmem:v33+s6+$0x0], $0xffff;
	[tilespmem:s5+$0xFFFFFEB0] =	vst v23  }
0x355: {  	v23 =	vld.idx.msk [tilespmem:v34+s6+$0x0], $0xffff;
	[tilespmem:s5+$0xFFFFFEC0] =	vst v25  }
0x356: {  	v25 =	vld.idx.msk [tilespmem:v35+s6+$0x0], $0xffff;
	[tilespmem:s5+$0xFFFFFFF0] =	vst v21  }
0x357: {  	[tilespmem:s5+$0xFFFFFED0] =	vst v22;
	v21 =	vld.idx.msk [tilespmem:v27+s6+$0x0], $0xffff  }
0x358: {  	v22 =	vld.idx.msk [tilespmem:v36+s6+$0x0], $0xffff;
	[tilespmem:s5+$0xFFFFFEE0] =	vst v26  }
0x359: {  	v26 =	vor.u32 $0x280, v3;
	[tilespmem:s5+$0xFFFFFF00] =	vst v24;
	v24 =	vld.idx.msk [tilespmem:v37+s6+$0x0], $0xffff  }
0x35a: {  	[tilespmem:s5+$0xFFFFFF10] =	vst v28;
	v27 =	vld.idx.msk [tilespmem:v39+s6+$0x0], $0xffff  }
0x35b: {  	v28 =	vld.idx.msk [tilespmem:v38+s6+$0x0], $0xffff;
	[tilespmem:s5+$0xFFFFFF20] =	vst v23  }
0x35c: {  	v23 =	vld.idx.msk [tilespmem:v40+s6+$0x0], $0xffff;
	[tilespmem:s5+$0xFFFFFF30] =	vst v25  }
0x35d: {  	v25 =	vld.idx.msk [tilespmem:v41+s6+$0x0], $0xffff;
	[tilespmem:s5+$0x70] =	vst v21  }
0x35e: {  	[tilespmem:s5+$0xFFFFFF40] =	vst v22;
	v21 =	vld.idx.msk [tilespmem:v26+s6+$0x0], $0xffff  }
0x35f: {  	v22 =	vld.idx.msk [tilespmem:v42+s6+$0x0], $0xffff;
	[tilespmem:s5+$0xFFFFFF50] =	vst v24  }
0x360: {  	v26 =	vor.u32 $0x300, v3;
	v24 =	vld.idx.msk [tilespmem:v43+s6+$0x0], $0xffff;
	[tilespmem:s5+$0xFFFFFF60] =	vst v27  }
0x361: {  	[tilespmem:s5+$0xFFFFFF80] =	vst v28;
	v27 =	vld.idx.msk [tilespmem:v44+s6+$0x0], $0xffff  }
0x362: {  	[tilespmem:s5+$0xFFFFFF90] =	vst v23;
	v23 =	vld.idx.msk [tilespmem:v45+s6+$0x0], $0xffff  }
0x363: {  	v28 =	vld.idx.msk [tilespmem:v46+s6+$0x0], $0xffff;
	[tilespmem:s5+$0xFFFFFFA0] =	vst v25  }
0x364: {  	v25 =	vld.idx.msk [tilespmem:v47+s6+$0x0], $0xffff;
	[tilespmem:s5+$0xF0] =	vst v21  }
0x365: {  	[tilespmem:s5+$0xFFFFFFB0] =	vst v22;
	v21 =	vld.idx.msk [tilespmem:v26+s6+$0x0], $0xffff  }
0x366: {  	v22 =	vld.idx.msk [tilespmem:v48+s6+$0x0], $0xffff;
	[tilespmem:s5+$0xFFFFFFC0] =	vst v24  }
0x367: {  	v3 =	vor.u32 $0x380, v3;
	v24 =	vld.idx.msk [tilespmem:v49+s6+$0x0], $0xffff;
	[tilespmem:s5+$0xFFFFFFD0] =	vst v27  }
0x368: {  	v26 =	vld.idx.msk [tilespmem:v50+s6+$0x0], $0xffff;
	[tilespmem:s5+$0xFFFFFFE0] =	vst v23  }
0x369: {  	[tilespmem:s5+$0x0] =	vst v28;
	v23 =	vld.idx.msk [tilespmem:v51+s6+$0x0], $0xffff  }
0x36a: {  	[tilespmem:s5+$0x10] =	vst v25;
	v25 =	vld.idx.msk [tilespmem:v53+s6+$0x0], $0xffff  }
0x36b: {  	v27 =	vld.idx.msk [tilespmem:v52+s6+$0x0], $0xffff;
	[tilespmem:s5+$0x170] =	vst v21  }
0x36c: {  	[tilespmem:s5+$0x20] =	vst v22;
	v3 =	vld.idx.msk [tilespmem:v3+s6+$0x0], $0xffff  }
0x36d: {  	v18 =	vld.idx.msk [tilespmem:v18+s6+$0x0], $0xffff;
	[tilespmem:s5+$0x30] =	vst v24  }
0x36e: {  	v20 =	vld.idx.msk [tilespmem:v20+s6+$0x0], $0xffff;
	[tilespmem:s5+$0x40] =	vst v26  }
0x36f: {  	v19 =	vld.idx.msk [tilespmem:v19+s6+$0x0], $0xffff;
	[tilespmem:s5+$0x50] =	vst v23  }
0x370: {  	v21 =	vld.idx.msk [tilespmem:v15+s6+$0x0], $0xffff;
	[tilespmem:s5+$0x60] =	vst v25  }
0x371: {  	[tilespmem:s5+$0x80] =	vst v27;
	v17 =	vld.idx.msk [tilespmem:v17+s6+$0x0], $0xffff  }
0x372: {  	v15 =	vld.idx.msk [tilespmem:v16+s6+$0x0], $0xffff;
	[tilespmem:s5+$0x1F0] =	vst v3  }
.Ltmp3:
0x373: {  	v14 =	vld.idx.msk [tilespmem:v14+s6+$0x0], $0xffff;
	[tilespmem:s5+$0x90] =	vst v18;
	(pc) =	sbr.rel @p1 .LBB2_8-.Ltmp3, $4  }
0x374: {  	v13 =	vld.idx.msk [tilespmem:v13+s6+$0x0], $0xffff;
	[tilespmem:s5+$0xA0] =	vst v20  }
0x375: {  	v16 =	vld.idx.msk [tilespmem:v10+s6+$0x0], $0xffff;
	[tilespmem:s5+$0xB0] =	vst v19  }
0x376: {  	v3 =	vld.idx.msk [tilespmem:v12+s6+$0x0], $0xffff;
	[tilespmem:s5+$0xC0] =	vst v21  }
0x377: {  	s13 =	sadd.s32 $0x80, s13;
	v10 =	vld.idx.msk [tilespmem:v11+s6+$0x0], $0xffff;
	[tilespmem:s5+$0xD0] =	vst v17  }
0x378: {  	_ =	sdelay $0x2  }
0x379: {  	[tilespmem:s5+$0xE0] =	vst v15  }
0x37a: {  	[tilespmem:s5+$0x100] =	vst v14;
	v8 =	vld.idx.msk [tilespmem:v8+s6+$0x0], $0xffff  }
0x37b: {  	[tilespmem:s5+$0x110] =	vst v13;
	v9 =	vld.idx.msk [tilespmem:v9+s6+$0x0], $0xffff  }
0x37c: {  	v7 =	vld.idx.msk [tilespmem:v7+s6+$0x0], $0xffff;
	[tilespmem:s5+$0x120] =	vst v16  }
0x37d: {  	v63 =	vld.idx.msk [tilespmem:v6+s6+$0x0], $0xffff;
	[tilespmem:s5+$0x130] =	vst v3  }
0x37e: {  	v5 =	vld.idx.msk [tilespmem:v5+s6+$0x0], $0xffff;
	[tilespmem:s5+$0x140] =	vst v10  }
0x37f: {  	v4 =	vld.idx.msk [tilespmem:v4+s6+$0x0], $0xffff;
	[tilespmem:s5+$0x150] =	vst v8  }
0x380: {  	v2 =	vld.idx.msk [tilespmem:v2+s6+$0x0], $0xffff;
	[tilespmem:s5+$0x160] =	vst v9  }
0x381: {  	[tilespmem:s5+$0x180] =	vst v7;
	v1 =	vld.idx.msk [tilespmem:v1+s6+$0x0], $0xffff  }
0x382: {  	[tilespmem:s9+$0x190] =	vst v63;
	v0 =	vld.idx.msk [tilespmem:v0+s6+$0x0], $0xffff  }
0x383: {  	[tilespmem:s9+$0x1A0] =	vst v5  }
0x384: {  	[tilespmem:s9+$0x1B0] =	vst v4  }
0x385: {  	[tilespmem:s9+$0x1C0] =	vst v2  }
0x386: {  	[tilespmem:s9+$0x1D0] =	vst v1  }
0x387: {  	[tilespmem:s9+$0x1E0] =	vst v0  }
0x388: {  	s5 =	rddreg [dreg:$0x1a]  }
0x389: {  	s25 =	simm.s32 $0x5000;
	s11 =	rddreg [dreg:$0x1b]  }
0x38a: {  	[hbm4b:s5+s3] =	stream.linear.scatter [tilespmem:s25], [sflag:$0x3], $0x400, $0x38;
	[tilespmem:$0xD000] =	vst v63  }
0x38b: {  	s13 =	simm.s32 $0x5400;
	s19 =	rddreg [dreg:$0x1c]  }
0x38c: {  	[hbm4b:s11+s3] =	stream.linear.scatter [tilespmem:s13], [sflag:$0x3], $0x400, $0x38;
	[tilespmem:$0xD000] =	vst v63  }
0x38d: {  	s25 =	simm.s32 $0x5800;
	s11 =	rddreg [dreg:$0x1d]  }
0x38e: {  	[hbm4b:s19+s3] =	stream.linear.scatter [tilespmem:s25], [sflag:$0x3], $0x400, $0x38;
	[tilespmem:$0xD000] =	vst v63  }
0x38f: {  	s13 =	simm.s32 $0x5C00;
	s19 =	rddreg [dreg:$0x1e]  }
0x390: {  	[hbm4b:s11+s3] =	stream.linear.scatter [tilespmem:s13], [sflag:$0x3], $0x400, $0x38;
	[tilespmem:$0xD000] =	vst v63  }
0x391: {  	s25 =	simm.s32 $0x6000;
	s11 =	rddreg [dreg:$0x1f]  }
0x392: {  	[hbm4b:s19+s3] =	stream.linear.scatter [tilespmem:s25], [sflag:$0x3], $0x400, $0x38;
	[tilespmem:$0xD000] =	vst v63  }
0x393: {  	s13 =	simm.s32 $0x6400;
	s19 =	sld [smem:$0x7F2]  }
0x394: {  	[hbm4b:s11+s3] =	stream.linear.scatter [tilespmem:s13], [sflag:$0x3], $0x400, $0x38;
	[tilespmem:$0xD000] =	vst v63  }
0x395: {  	s25 =	simm.s32 $0x6800;
	s11 =	sld [smem:$0x7F3]  }
0x396: {  	[hbm4b:s19+s3] =	stream.linear.scatter [tilespmem:s25], [sflag:$0x3], $0x400, $0x38;
	[tilespmem:$0xD000] =	vst v63  }
0x397: {  	s13 =	simm.s32 $0x6C00;
	s19 =	sld [smem:$0x7F4]  }
0x398: {  	[hbm4b:s11+s3] =	stream.linear.scatter [tilespmem:s13], [sflag:$0x3], $0x400, $0x38;
	[tilespmem:$0xD000] =	vst v63  }
0x399: {  	s25 =	simm.s32 $0x7000;
	s11 =	sld [smem:$0x7F5]  }
0x39a: {  	[hbm4b:s19+s3] =	stream.linear.scatter [tilespmem:s25], [sflag:$0x3], $0x400, $0x38;
	[tilespmem:$0xD000] =	vst v63  }
0x39b: {  	s13 =	simm.s32 $0x7400;
	s19 =	sld [smem:$0x7F6]  }
0x39c: {  	[hbm4b:s11+s3] =	stream.linear.scatter [tilespmem:s13], [sflag:$0x3], $0x400, $0x38;
	[tilespmem:$0xD000] =	vst v63  }
0x39d: {  	s25 =	simm.s32 $0x7800;
	s11 =	sld [smem:$0x7F7]  }
0x39e: {  	[hbm4b:s19+s3] =	stream.linear.scatter [tilespmem:s25], [sflag:$0x3], $0x400, $0x38;
	[tilespmem:$0xD000] =	vst v63  }
0x39f: {  	s13 =	simm.s32 $0x7C00;
	s19 =	sld [smem:$0x7F8]  }
0x3a0: {  	[hbm4b:s11+s3] =	stream.linear.scatter [tilespmem:s13], [sflag:$0x3], $0x400, $0x38;
	[tilespmem:$0xD000] =	vst v63  }
0x3a1: {  	s25 =	simm.s32 $0x8000;
	s11 =	sld [smem:$0x7F9]  }
0x3a2: {  	[hbm4b:s19+s3] =	stream.linear.scatter [tilespmem:s25], [sflag:$0x3], $0x400, $0x38;
	[tilespmem:$0xD000] =	vst v63  }
0x3a3: {  	s13 =	simm.s32 $0x8400;
	s19 =	sld [smem:$0x7FA]  }
0x3a4: {  	[hbm4b:s11+s3] =	stream.linear.scatter [tilespmem:s13], [sflag:$0x3], $0x400, $0x38;
	[tilespmem:$0xD000] =	vst v63  }
0x3a5: {  	s25 =	simm.s32 $0x8800;
	s11 =	sld [smem:$0x7FB]  }
0x3a6: {  	[hbm4b:s19+s3] =	stream.linear.scatter [tilespmem:s25], [sflag:$0x3], $0x400, $0x38;
	[tilespmem:$0xD000] =	vst v63  }
0x3a7: {  	s13 =	simm.s32 $0x8C00  }
0x3a8: {  	[hbm4b:s11+s3] =	stream.linear.scatter [tilespmem:s13], [sflag:$0x3], $0x400, $0x38;
	[tilespmem:$0xD000] =	vst v63  }
0x3a9: {  	_ =	swait.ge [sflag:s15], $0x400  }
0x3aa: {  	[sflag:s15] =	ssyncset.done $0x0  }
0x3ab: {  	[sflag:s15] =	ssyncadd.s32 $0xFFFFFC00  }
0x3ac: {  	_ =	swait.ge [sflag:s15], $0x400  }
0x3ad: {  	[sflag:s15] =	ssyncset.done $0x0  }
0x3ae: {  	[sflag:s15] =	ssyncadd.s32 $0xFFFFFC00  }
0x3af: {  	_ =	swait.ge [sflag:s15], $0x400  }
0x3b0: {  	[sflag:s15] =	ssyncset.done $0x0  }
0x3b1: {  	[sflag:s15] =	ssyncadd.s32 $0xFFFFFC00  }
0x3b2: {  	_ =	swait.ge [sflag:s15], $0x400  }
0x3b3: {  	[sflag:s15] =	ssyncset.done $0x0  }
0x3b4: {  	[sflag:s15] =	ssyncadd.s32 $0xFFFFFC00  }
0x3b5: {  	_ =	swait.ge [sflag:s15], $0x400  }
0x3b6: {  	[sflag:s15] =	ssyncset.done $0x0  }
0x3b7: {  	[sflag:s15] =	ssyncadd.s32 $0xFFFFFC00  }
0x3b8: {  	_ =	swait.ge [sflag:s15], $0x400  }
0x3b9: {  	[sflag:s15] =	ssyncset.done $0x0  }
0x3ba: {  	[sflag:s15] =	ssyncadd.s32 $0xFFFFFC00  }
0x3bb: {  	_ =	swait.ge [sflag:s15], $0x400  }
0x3bc: {  	[sflag:s15] =	ssyncset.done $0x0  }
0x3bd: {  	[sflag:s15] =	ssyncadd.s32 $0xFFFFFC00  }
0x3be: {  	_ =	swait.ge [sflag:s15], $0x400  }
0x3bf: {  	[sflag:s15] =	ssyncset.done $0x0  }
0x3c0: {  	[sflag:s15] =	ssyncadd.s32 $0xFFFFFC00  }
0x3c1: {  	_ =	swait.ge [sflag:s15], $0x400  }
0x3c2: {  	[sflag:s15] =	ssyncset.done $0x0  }
0x3c3: {  	[sflag:s15] =	ssyncadd.s32 $0xFFFFFC00  }
0x3c4: {  	_ =	swait.ge [sflag:s15], $0x400  }
0x3c5: {  	[sflag:s15] =	ssyncset.done $0x0  }
0x3c6: {  	[sflag:s15] =	ssyncadd.s32 $0xFFFFFC00  }
0x3c7: {  	_ =	swait.ge [sflag:s15], $0x400  }
0x3c8: {  	[sflag:s15] =	ssyncset.done $0x0  }
0x3c9: {  	[sflag:s15] =	ssyncadd.s32 $0xFFFFFC00  }
0x3ca: {  	_ =	swait.ge [sflag:s15], $0x400  }
0x3cb: {  	[sflag:s15] =	ssyncset.done $0x0  }
0x3cc: {  	[sflag:s15] =	ssyncadd.s32 $0xFFFFFC00  }
0x3cd: {  	_ =	swait.ge [sflag:s15], $0x400  }
0x3ce: {  	[sflag:s15] =	ssyncset.done $0x0  }
0x3cf: {  	[sflag:s15] =	ssyncadd.s32 $0xFFFFFC00  }
0x3d0: {  	_ =	swait.ge [sflag:s15], $0x400  }
0x3d1: {  	[sflag:s15] =	ssyncset.done $0x0  }
0x3d2: {  	[sflag:s15] =	ssyncadd.s32 $0xFFFFFC00  }
0x3d3: {  	_ =	swait.ge [sflag:s15], $0x400  }
0x3d4: {  	[sflag:s15] =	ssyncset.done $0x0  }
0x3d5: {  	[sflag:s15] =	ssyncadd.s32 $0xFFFFFC00  }
0x3d6: {  	_ =	swait.ge [sflag:s15], $0x400  }
0x3d7: {  	[sflag:s15] =	ssyncset.done $0x0  }
0x3d8: {  	s19 =	simm.s32 $0x4;
	[sflag:s15] =	ssyncadd.s32 $0xFFFFFC00  }
0x3d9: {  	_ =	swait.ge [sflag:s19], $0x400  }
0x3da: {  	[sflag:s19] =	ssyncset.done $0x0  }
0x3db: {  	[sflag:s19] =	ssyncadd.s32 $0xFFFFFC00  }
0x3dc: {  	_ =	swait.ge [sflag:s19], $0x400  }
0x3dd: {  	[sflag:s19] =	ssyncset.done $0x0  }
0x3de: {  	[sflag:s19] =	ssyncadd.s32 $0xFFFFFC00  }
0x3df: {  	_ =	swait.ge [sflag:s19], $0x400  }
0x3e0: {  	[sflag:s19] =	ssyncset.done $0x0  }
0x3e1: {  	[sflag:s19] =	ssyncadd.s32 $0xFFFFFC00  }
0x3e2: {  	_ =	swait.ge [sflag:s19], $0x400  }
0x3e3: {  	[sflag:s19] =	ssyncset.done $0x0  }
0x3e4: {  	[sflag:s19] =	ssyncadd.s32 $0xFFFFFC00  }
0x3e5: {  	_ =	swait.ge [sflag:s19], $0x400  }
0x3e6: {  	[sflag:s19] =	ssyncset.done $0x0  }
0x3e7: {  	[sflag:s19] =	ssyncadd.s32 $0xFFFFFC00  }
0x3e8: {  	_ =	swait.ge [sflag:s19], $0x400  }
0x3e9: {  	[sflag:s19] =	ssyncset.done $0x0  }
0x3ea: {  	[sflag:s19] =	ssyncadd.s32 $0xFFFFFC00  }
0x3eb: {  	_ =	swait.ge [sflag:s19], $0x400  }
0x3ec: {  	[sflag:s19] =	ssyncset.done $0x0  }
0x3ed: {  	[sflag:s19] =	ssyncadd.s32 $0xFFFFFC00  }
0x3ee: {  	_ =	swait.ge [sflag:s19], $0x400  }
0x3ef: {  	[sflag:s19] =	ssyncset.done $0x0  }
0x3f0: {  	[sflag:s19] =	ssyncadd.s32 $0xFFFFFC00  }
0x3f1: {  	_ =	swait.ge [sflag:s19], $0x400  }
0x3f2: {  	[sflag:s19] =	ssyncset.done $0x0  }
0x3f3: {  	[sflag:s19] =	ssyncadd.s32 $0xFFFFFC00  }
0x3f4: {  	_ =	swait.ge [sflag:s19], $0x400  }
0x3f5: {  	[sflag:s19] =	ssyncset.done $0x0  }
0x3f6: {  	[sflag:s19] =	ssyncadd.s32 $0xFFFFFC00  }
0x3f7: {  	_ =	swait.ge [sflag:s19], $0x400  }
0x3f8: {  	[sflag:s19] =	ssyncset.done $0x0  }
0x3f9: {  	[sflag:s19] =	ssyncadd.s32 $0xFFFFFC00  }
0x3fa: {  	_ =	swait.ge [sflag:s19], $0x400  }
0x3fb: {  	[sflag:s19] =	ssyncset.done $0x0  }
0x3fc: {  	[sflag:s19] =	ssyncadd.s32 $0xFFFFFC00  }
0x3fd: {  	_ =	swait.ge [sflag:s19], $0x400  }
0x3fe: {  	[sflag:s19] =	ssyncset.done $0x0  }
0x3ff: {  	[sflag:s19] =	ssyncadd.s32 $0xFFFFFC00  }
0x400: {  	_ =	swait.ge [sflag:s19], $0x400  }
0x401: {  	[sflag:s19] =	ssyncset.done $0x0  }
0x402: {  	[sflag:s19] =	ssyncadd.s32 $0xFFFFFC00  }
0x403: {  	_ =	swait.ge [sflag:s19], $0x400  }
0x404: {  	[sflag:s19] =	ssyncset.done $0x0  }
0x405: {  	[sflag:s19] =	ssyncadd.s32 $0xFFFFFC00  }
0x406: {  	_ =	swait.ge [sflag:s19], $0x400  }
0x407: {  	s11 =	sld [smem:$0x7F1]  }
0x408: {  	s25 =	sld [smem:$0x7FC];
	_ =	sdelay $0x1  }
0x409: {  	s11 =	sadd.s32 $0x1, s11  }
0x40a: {  	p1 =	sne.s32 s11, s25  }
.Ltmp4:
0x40b: {  	_ = 	snop;
	(pc) =	sbr.rel @p1 .LBB2_1-.Ltmp4, $3  }
0x40c: {  	_ =	sdelay $0x1  }
0x40d: {  	[sflag:s19] =	ssyncset.done $0x0  }
0x40e: {  	[sflag:s19] =	ssyncadd.s32 $0xFFFFFC00  }
0x40f: {  	_ =	sfence.sel $0x180000  }
0x410: {  	[bflag:$0x0] =	sbarrier.arrive $0xFFFF  }
0x411: {  	_ =	strace $0x90000047  }
0x412: {  	s0 =	stileid.u32;
	[bflag:$0x2] =	sbarrier.arrive $0xFFFF  }
0x413: {  	p0 =	sne.s32 s0, $0x0;
	s0 =	rddreg [dreg:$0x5]  }
0x414: {  	s0 =	sadd.s32 @!p0 $0x100000, s0  }
0x415: {  	[sflag:s0] =	ssyncadd.tile.s32 @!p0 $0x1;
	_ =	shalt  }
.Lfunc_end2:
_tile_overlayer_lowered:
.L_overlay_start_2:
0x416: {  	(tag) =	ssettag $0x2  }
0x417: {  	s0 =	rddreg [dreg:$0x0];
	s2 =	stileid.u32  }
0x418: {  	s1 =	rddreg [dreg:$0x1];
	p0 =	sne.s32 s2, $0x0  }
0x419: {  	s3 =	rddreg [dreg:$0x2];
	[bflag:$0x3] =	sbarrier.arrive $0xFFFF;
	s2 =	simm.s32 @!p0 $0x1C05  }
0x41a: {  	[timem:s3], [sflag:s2] =	dma.local @!p0 [hbm:s0], s1  }
0x41b: {  	s0 =	simm.s32 @!p0 $0x5  }
0x41c: {  	_ =	swait.ge @!p0 [sflag:s0], s1  }
0x41d: {  	s1 =	ssub.s32 @!p0 $0x0, s1;
	[sflag:s0] =	ssyncset.done @!p0 $0x0  }
0x41e: {  	[sflag:s0] =	ssyncadd.s32 @!p0 s1  }
0x41f: {  	[bflag:$0x3] =	sbarrier.arrive $0xFFFF  }
0x420: {  	_ =	shalt  }

</sc_bundles>
